<compile_context>
chip_gen: v7x
topology: tpu7x:2x2x1
jax: 0.10.2.dev20260603
libtpu: 0.0.44.dev20260713+nightly
codegen_flags: <defaults>
</compile_context>

<pallas_src>
import functools
import jax
import jax.numpy as jnp
from jax import lax
from jax.experimental import pallas as pl
from jax.experimental.pallas import tpu as pltpu
from jax.experimental.pallas import tpu_sc as plsc

_N = 4096
_E = 16384
_B = 128
_D = 64
_L = 3
_NMAX = 48
_P = _NMAX * _NMAX
_NW = 32
_EPW = _E // _NW
_NPW = _N // _NW
_AZ = 9 * 64



def _encode_body(atom_ref, bond_ref, aidx_ref, bidx_ref, h_ref, e_ref,
                 aidx, nrows, hbuf, bidx, erows, ebuf, gsem):
    c = lax.axis_index("c")
    s = lax.axis_index("s")
    wid = c * 16 + s

    ebase = wid * _EPW
    for t in range(4):
        tb = ebase + t * 128
        pltpu.sync_copy(bidx_ref.at[pl.ds(tb * 3, 384)], bidx)
        pltpu.async_copy(bond_ref.at[bidx], erows, gsem).wait()

        def edge_one(e, _):
            for k in range(4):
                cs = pl.ds(16 * k, 16)
                v = (erows[3 * e, cs] + erows[3 * e + 1, cs]
                     + erows[3 * e + 2, cs])
                ebuf[e, cs] = jnp.maximum(v, 0.0)
            return 0

        lax.fori_loop(0, 128, edge_one, 0)
        pltpu.sync_copy(ebuf, e_ref.at[pl.ds(tb, 128), :])

    nbase = wid * _NPW
    for t in range(4):
        tb = nbase + t * 32
        pltpu.sync_copy(aidx_ref.at[pl.ds(tb * 9, 288)], aidx)
        pltpu.async_copy(atom_ref.at[aidx], nrows, gsem).wait()

        def node_one(slot, _):
            for k in range(4):
                cs = pl.ds(16 * k, 16)
                v = nrows[slot * 9, cs]
                for f in range(1, 9):
                    v = v + nrows[slot * 9 + f, cs]
                hbuf[slot, cs] = jnp.maximum(v, 0.0)
            return 0

        lax.fori_loop(0, 32, node_one, 0)
        pltpu.sync_copy(hbuf, h_ref.at[pl.ds(tb, 32), :])


def _encode_call(atom2d, bond2d, aidx_all, bidx_all):
    mesh = plsc.VectorSubcoreMesh(core_axis_name="c", subcore_axis_name="s")
    f = functools.partial(
        pl.kernel,
        mesh=mesh,
        compiler_params=pltpu.CompilerParams(needs_layout_passes=False),
        out_type=(jax.ShapeDtypeStruct((_N, _D), jnp.float32),
                  jax.ShapeDtypeStruct((_E, _D), jnp.float32)),
        scratch_types=[
            pltpu.VMEM((32 * 9,), jnp.int32),
            pltpu.VMEM((32 * 9, 2 * _D), jnp.float32),
            pltpu.VMEM((32, _D), jnp.float32),
            pltpu.VMEM((128 * 3,), jnp.int32),
            pltpu.VMEM((128 * 3, 2 * _D), jnp.float32),
            pltpu.VMEM((128, _D), jnp.float32),
            pltpu.SemaphoreType.DMA,
        ],
    )(_encode_body)
    return f(atom2d, bond2d, aidx_all, bidx_all)



def _dense_kernel(estart_ref, noff_ref, nend_ref, ride_ref, ridn_ref,
                  e_ref, h_ref, nmp_ref, w1_ref, w2_ref, w3_ref, wout_ref,
                  out_ref, zs):
    g = pl.program_id(0)

    zs[...] = jnp.zeros((_P, 128), jnp.float32)

    def eloop(lo, hi, lane0):
        def body(i, _):
            r = ride_ref[i]
            zs[pl.ds(r, 1), pl.ds(lane0, _D)] = (
                zs[pl.ds(r, 1), pl.ds(lane0, _D)] + e_ref[pl.ds(i, 1), :])
            return 0
        lax.fori_loop(lo, hi, body, 0)

    def nloop(b, lane0):
        def body(i, _):
            r = ridn_ref[i]
            zs[pl.ds(r, 1), pl.ds(lane0, _D)] = (
                zs[pl.ds(r, 1), pl.ds(lane0, _D)] + h_ref[pl.ds(i, 1), :])
            return 0
        lax.fori_loop(noff_ref[b], nend_ref[b], body, 0)

    eloop(estart_ref[2 * g], estart_ref[2 * g + 1], 0)
    eloop(estart_ref[2 * g + 1], estart_ref[2 * g + 2], _D)
    nloop(2 * g, 0)
    nloop(2 * g + 1, _D)

    nm = nmp_ref[0]
    pmA = jnp.broadcast_to(nm[:, None, :], (_NMAX, _NMAX, 128)).reshape(_P, 128)
    pmB = jnp.broadcast_to(nm[None, :, :], (_NMAX, _NMAX, 128)).reshape(_P, 128)
    pm2 = pmA * pmB
    psum = jnp.sum(pm2, axis=0, keepdims=True)
    cnt = psum + 1e-6
    rcnt = 1.0 / cnt

    Z = zs[...]

    for l in range(_L):
        h1 = jnp.maximum(jnp.dot(Z, w1_ref[l], preferred_element_type=jnp.float32), 0.0)
        h2 = jnp.maximum(jnp.dot(Z, w2_ref[l], preferred_element_type=jnp.float32), 0.0)
        z3 = jnp.dot(Z, w3_ref[l], preferred_element_type=jnp.float32)
        h1r = h1.reshape(_NMAX, _NMAX, 128)
        h2r = h2.reshape(_NMAX, _NMAX, 128)
        M = jnp.einsum('uwd,wvd->uvd', h1r, h2r,
                       preferred_element_type=jnp.float32).reshape(_P, 128)
        Zn = z3 + M
        s1 = jnp.sum(Zn, axis=0, keepdims=True)
        mu = s1 * rcnt
        d = (Zn - mu) * pm2
        var = jnp.sum(d * d, axis=0, keepdims=True) * rcnt
        Z = jnp.maximum(d * jax.lax.rsqrt(var + 1e-5), 0.0)

    gv = jnp.sum(Z, axis=0, keepdims=True) * rcnt
    o = jnp.dot(gv, wout_ref[...], preferred_element_type=jnp.float32)
    out_ref[pl.ds(pl.program_id(0), 1), :] = o


def _dense_call(scalars, e64, h64, nmp, W1bd, W2bd, W3bd, Woutbd):
    grid_spec = pltpu.PrefetchScalarGridSpec(
        num_scalar_prefetch=5,
        grid=(_B // 2,),
        in_specs=[
            pl.BlockSpec((_E, _D), lambda g, *_: (0, 0)),
            pl.BlockSpec((_N, _D), lambda g, *_: (0, 0)),
            pl.BlockSpec((1, _NMAX, 128), lambda g, *_: (g, 0, 0)),
            pl.BlockSpec((_L, 128, 128), lambda g, *_: (0, 0, 0)),
            pl.BlockSpec((_L, 128, 128), lambda g, *_: (0, 0, 0)),
            pl.BlockSpec((_L, 128, 128), lambda g, *_: (0, 0, 0)),
            pl.BlockSpec((128, 2), lambda g, *_: (0, 0)),
        ],
        out_specs=pl.BlockSpec((_B // 2, 2), lambda g, *_: (0, 0)),
        scratch_shapes=[pltpu.VMEM((_P, 128), jnp.float32)],
    )
    return pl.pallas_call(
        _dense_kernel,
        grid_spec=grid_spec,
        out_shape=jax.ShapeDtypeStruct((_B // 2, 2), jnp.float32),
    )(*scalars, e64, h64, nmp, W1bd, W2bd, W3bd, Woutbd)



def kernel(x, edge_index, edge_attr, batch0, atom_tables, bond_tables,
           W1, W2, W3, Wout, bout):
    i32 = jnp.int32
    batch0 = batch0.astype(i32)
    counts = jnp.bincount(batch0, length=_B)
    offsets = (jnp.cumsum(counts) - counts).astype(i32)
    local = jnp.arange(_N, dtype=i32) - offsets[batch0]
    nvalid = local < _NMAX
    lc = jnp.minimum(local, _NMAX - 1)
    cmin = jnp.minimum(counts, _NMAX).astype(i32)

    aidx_all = (x.astype(i32) + jnp.arange(9, dtype=i32)[None, :] * 64).reshape(-1)
    rid_n = lc * (_NMAX + 1)
    noff = offsets
    nend = offsets + cmin

    src, dst = edge_index[0].astype(i32), edge_index[1].astype(i32)
    gs = batch0[src]
    gd = batch0[dst]
    ls = lc[src]
    ld = lc[dst]
    ev = (gs == gd) & nvalid[src] & nvalid[dst]
    bin2 = jnp.where(ev, (gs >> 1) * 2 + (gs & 1), _B)
    order_e = jnp.argsort(bin2, stable=True)
    estart = jnp.searchsorted(bin2[order_e],
                              jnp.arange(_B + 1, dtype=i32)).astype(i32)
    rid_e = (ls * _NMAX + ld)[order_e]
    bidx_all = (edge_attr[order_e].astype(i32)
                + jnp.arange(3, dtype=i32)[None, :] * 4).reshape(-1)

    atom2d = jnp.zeros((_AZ + 1, 2 * _D), jnp.float32).at[:_AZ, :_D].set(
        atom_tables.reshape(_AZ, _D).astype(jnp.float32))
    bond2d = jnp.zeros((13, 2 * _D), jnp.float32).at[:12, :_D].set(
        bond_tables.reshape(12, _D).astype(jnp.float32))

    h64, e64 = _encode_call(atom2d, bond2d, aidx_all, bidx_all)

    cm = cmin.astype(jnp.float32)
    nm = (jnp.arange(_NMAX, dtype=jnp.float32)[None, :]
          < cm[:, None]).astype(jnp.float32)
    nmp = jnp.broadcast_to(
        nm.reshape(_B // 2, 2, _NMAX).transpose(0, 2, 1)[:, :, :, None],
        (_B // 2, _NMAX, 2, _D)).reshape(_B // 2, _NMAX, 2 * _D)

    eye2 = jnp.eye(2, dtype=jnp.float32)
    W1bd = jnp.einsum('ab,lij->laibj', eye2, W1).reshape(_L, 2 * _D, 2 * _D)
    W2bd = jnp.einsum('ab,lij->laibj', eye2, W2).reshape(_L, 2 * _D, 2 * _D)
    W3bd = jnp.einsum('ab,lij->laibj', eye2, W3).reshape(_L, 2 * _D, 2 * _D)
    Woutbd = jnp.zeros((2 * _D, 2), dtype=jnp.float32)
    Woutbd = Woutbd.at[:_D, 0].set(Wout[:, 0]).at[_D:, 1].set(Wout[:, 0])

    scalars = (estart, noff, nend, rid_e, rid_n)
    o = _dense_call(scalars, e64, h64, nmp, W1bd, W2bd, W3bd, Woutbd)
    return o.reshape(_B, 1) + bout

# --- scband reference (transcript-rebuilt; emitter-appended) ---
"""Pipeline reference for scband-lfwlwrapper-16956530884982 (READ-ONLY COPY).

The authoritative reference and input builder live on the scoring server;
editing this copy changes nothing except your own understanding.
"""

import jax, jax.numpy as jnp
import numpy as np

N = 4096
E = 16384
B = 128
D = 64
L = 3
NMAX = 48
AV = 64
BV = 4


def setup_inputs(seed: int = 0) -> dict:
    key = jax.random.key(seed)
    ks = jax.random.split(key, 12)
    x = jax.random.randint(ks[0], (N, 9), 0, AV)
    edge_index = jax.random.randint(ks[1], (2, E), 0, N)
    edge_attr = jax.random.randint(ks[2], (E, 3), 0, BV)
    batch0 = jnp.sort(jax.random.randint(ks[3], (N,), 0, B))
    atom_tables = jax.random.normal(ks[4], (9, AV, D), dtype=jnp.float32) * 0.02
    bond_tables = jax.random.normal(ks[5], (3, BV, D), dtype=jnp.float32) * 0.02
    W1 = jax.random.normal(ks[6], (L, D, D), dtype=jnp.float32) * 0.05
    W2 = jax.random.normal(ks[7], (L, D, D), dtype=jnp.float32) * 0.05
    W3 = jax.random.normal(ks[8], (L, D, D), dtype=jnp.float32) * 0.05
    Wout = jax.random.normal(ks[9], (D, 1), dtype=jnp.float32) * 0.05
    bout = jnp.zeros((1,), dtype=jnp.float32)
    return {"x": x, "edge_index": edge_index, "edge_attr": edge_attr, "batch0": batch0,
            "atom_tables": atom_tables, "bond_tables": bond_tables,
            "W1": W1, "W2": W2, "W3": W3, "Wout": Wout, "bout": bout}


def _inorm(Z, pm):
    # masked instance norm over the (u, v) pair dims, per-graph per-channel
    pmx = pm[..., None]
    cnt = pm.sum(axis=(1, 2))[:, None, None, None] + 1e-6
    mu = (Z * pmx).sum(axis=(1, 2), keepdims=True) / cnt
    var = (((Z - mu) ** 2) * pmx).sum(axis=(1, 2), keepdims=True) / cnt
    return (Z - mu) / jnp.sqrt(var + 1e-5) * pmx


def _forward(atom_tables, bond_tables, W1, W2, W3, Wout, bout,
             x, edge_index, edge_attr, batch0):
    # AtomEncoder: per-feature embedding lookup, summed, then relu
    h = jax.nn.relu(atom_tables[jnp.arange(9)[None, :], x].sum(axis=1))  # [N, D]
    # BondEncoder
    e = jax.nn.relu(bond_tables[jnp.arange(3)[None, :], edge_attr].sum(axis=1))  # [E, D]

    # to_dense: local node index within each graph (batch0 is sorted)
    counts = jnp.bincount(batch0, length=B)
    offsets = jnp.cumsum(counts) - counts
    local = jnp.arange(N) - offsets[batch0]
    nvalid = local < NMAX
    lc = jnp.minimum(local, NMAX - 1)

    # dense node features [B, NMAX, D] (scatter-add)
    Xd = jnp.zeros((B, NMAX, D), dtype=jnp.float32).at[batch0, lc].add(
        h * nvalid[:, None].astype(jnp.float32))

    # node mask [B, NMAX]
    nm = jnp.minimum(
        jnp.zeros((B, NMAX), dtype=jnp.float32).at[batch0, lc].add(
            nvalid.astype(jnp.float32)), 1.0)
    pm = nm[:, :, None] * nm[:, None, :]  # [B, NMAX, NMAX]

    # dense edge tensor [B, NMAX, NMAX, D] (scatter-add of bond features)
    src, dst = edge_index[0], edge_index[1]
    gs = batch0[src]
    gd = batch0[dst]
    ls = lc[src]
    ld = lc[dst]
    ev = ((gs == gd) & nvalid[src] & nvalid[dst]).astype(jnp.float32)
    A = jnp.zeros((B, NMAX, NMAX, D), dtype=jnp.float32).at[gs, ls, ld].add(
        e * ev[:, None])

    # initial 2-tuple representation: edges + node features on the diagonal
    idx = jnp.arange(NMAX)
    Z = A.at[:, idx, idx, :].add(Xd)
    Z = Z * pm[..., None]

    # LocalFWL2 layers (PPGN/LFWL-style update with instance norm)
    for l in range(L):
        h1 = jax.nn.relu(Z @ W1[l])
        h2 = jax.nn.relu(Z @ W2[l])
        M = jnp.einsum('buwd,bwvd->buvd', h1, h2)
        Z = jax.nn.relu(_inorm(Z @ W3[l] + M, pm))

    # Pooling: masked mean over pairs, then linear readout
    cnt = pm.sum(axis=(1, 2))[:, None] + 1e-6
    g = (Z * pm[..., None]).sum(axis=(1, 2)) / cnt  # [B, D]
    out = g @ Wout + bout  # [B, num_tasks]
    return out


def reference(x, edge_index, edge_attr, batch0, atom_tables, bond_tables,
              W1, W2, W3, Wout, bout):
    return _forward(atom_tables, bond_tables, W1, W2, W3, Wout, bout,
                    x, edge_index, edge_attr, batch0)

if __name__ == "__main__":
    import jax
    _d = setup_inputs()
    print(jax.jit(kernel)(*tuple(_d.values())))

</pallas_src>

<mosaic_0001>
#map = affine_map<(d0, d1) -> (0, 0)>
#map1 = affine_map<(d0, d1) -> (0)>
module attributes {stable_mosaic.version = 14 : i64} {
  func.func @_encode_body(%arg0: i32, %arg1: i32, %arg2: memref<577x128xf32, #tpu.memory_space<hbm>>, %arg3: memref<13x128xf32, #tpu.memory_space<hbm>>, %arg4: memref<36864xi32, #tpu.memory_space<hbm>>, %arg5: memref<49152xi32, #tpu.memory_space<hbm>>, %arg6: memref<4096x64xf32, #tpu.memory_space<hbm>>, %arg7: memref<16384x64xf32, #tpu.memory_space<hbm>>, %arg8: memref<288xi32, #tpu.memory_space<vmem>>, %arg9: memref<288x128xf32, #tpu.memory_space<vmem>>, %arg10: memref<32x64xf32, #tpu.memory_space<vmem>>, %arg11: memref<384xi32, #tpu.memory_space<vmem>>, %arg12: memref<384x128xf32, #tpu.memory_space<vmem>>, %arg13: memref<128x64xf32, #tpu.memory_space<vmem>>, %arg14: memref<!tpu.dma_semaphore, #tpu.memory_space<semaphore_mem>>) attributes {dimension_semantics = [#tpu.dimension_semantics<core_parallel>, #tpu.dimension_semantics<subcore_parallel>], iteration_bounds = array<i64: 2, 16>, scalar_prefetch = 0 : i64, scratch_operands = 7 : i64, tpu.core_type = #tpu.core_type<sc_vector_subcore>, window_params = [{transform_indices = #map}, {transform_indices = #map}, {transform_indices = #map1}, {transform_indices = #map1}, {transform_indices = #map}, {transform_indices = #map}]} {
    %mul3A = arith.constant 16 : i32
    %mul3A_0 = arith.muli %arg0, %mul3A : i32
    %add3A = arith.addi %mul3A_0, %arg1 : i32
    %mul3A_1 = arith.constant 512 : i32
    %mul3A_2 = arith.muli %add3A, %mul3A_1 : i32
    %add3A_3 = arith.constant 0 : i32
    %add3A_4 = arith.addi %mul3A_2, %add3A_3 : i32
    %mul3A_5 = arith.constant 3 : i32
    %mul3A_6 = arith.muli %add3A_4, %mul3A_5 : i32
    "tpu.region"() ({
      %run_scoped3A = tpu.sem_alloc : memref<!tpu.dma_semaphore, #tpu.memory_space<semaphore_mem>>
      %dma_start3A_138 = tpu.memref_slice %arg5[%mul3A_6] : memref<49152xi32, #tpu.memory_space<hbm>> -> memref<384xi32, #tpu.memory_space<hbm>>
      %dma_start3A_139 = tpu.memref_slice %arg5[%mul3A_6] : memref<49152xi32, #tpu.memory_space<hbm>> -> memref<384xi32, #tpu.memory_space<hbm>>
      tpu.enqueue_dma source(%dma_start3A_139 : memref<384xi32, #tpu.memory_space<hbm>>) target(%arg11 : memref<384xi32, #tpu.memory_space<vmem>>) target_semaphore(%run_scoped3A : memref<!tpu.dma_semaphore, #tpu.memory_space<semaphore_mem>>)
      %dma_wait3A_140 = tpu.memref_slice %arg5[%mul3A_6] : memref<49152xi32, #tpu.memory_space<hbm>> -> memref<384xi32, #tpu.memory_space<hbm>>
      %dma_wait3A_141 = tpu.memref_slice %arg5[%mul3A_6] : memref<49152xi32, #tpu.memory_space<hbm>> -> memref<384xi32, #tpu.memory_space<hbm>>
      tpu.wait_dma2 semaphore(%run_scoped3A : memref<!tpu.dma_semaphore, #tpu.memory_space<semaphore_mem>>) src(%dma_wait3A_141 : memref<384xi32, #tpu.memory_space<hbm>>) dst(%arg11 : memref<384xi32, #tpu.memory_space<vmem>>)
      tpu.yield
    }) : () -> ()
    %dma_start3A = arith.constant 0 : i32
    %dma_start3A_7 = arith.constant 0 : i32
    %dma_start3A_8 = tpu.memref_slice %arg3[%dma_start3A, %dma_start3A_7] : memref<13x128xf32, #tpu.memory_space<hbm>> -> memref<13x128xf32, #tpu.memory_space<hbm>>
    tpu.enqueue_indirect_dma source(%dma_start3A_8 : memref<13x128xf32, #tpu.memory_space<hbm>>) target(%arg12 : memref<384x128xf32, #tpu.memory_space<vmem>>) offsets(%arg11 : memref<384xi32, #tpu.memory_space<vmem>>) semaphore(%arg14 : memref<!tpu.dma_semaphore, #tpu.memory_space<semaphore_mem>>)
    %dma_wait3A = arith.constant 0 : i32
    %dma_wait3A_9 = arith.constant 0 : i32
    %dma_wait3A_10 = tpu.memref_slice %arg3[%dma_wait3A, %dma_wait3A_9] : memref<13x128xf32, #tpu.memory_space<hbm>> -> memref<13x128xf32, #tpu.memory_space<hbm>>
    tpu.wait_indirect_dma semaphore(%arg14 : memref<!tpu.dma_semaphore, #tpu.memory_space<semaphore_mem>>) src(%dma_wait3A_10 : memref<13x128xf32, #tpu.memory_space<hbm>>) dst(%arg12 : memref<384x128xf32, #tpu.memory_space<vmem>>)
    %scan3A = arith.constant 0 : i32
    %scan3A_11 = arith.constant 0 : i32
    %scan3A_12 = arith.constant 128 : i32
    %scan3A_13 = arith.addi %scan3A_11, %scan3A_12 : i32
    %scan3A_14 = arith.constant 1 : i32
    %scan3A_15 = scf.for %scan3A_138 = %scan3A_11 to %scan3A_13 step %scan3A_14 iter_args(%scan3A_139 = %scan3A) -> (i32)  : i32 {
      %mul3A_140 = arith.constant 3 : i32
      %mul3A_141 = arith.muli %mul3A_140, %scan3A_138 : i32
      %get3A = arith.index_cast %mul3A_141 : i32 to index
      %get3A_142 = arith.constant 0 : index
      %get3A_143 = tpu.vector_load %arg12[%get3A, %get3A_142] {strides = array<i32>} : memref<384x128xf32, #tpu.memory_space<vmem>>, vector<16xf32>,
      %mul3A_144 = arith.constant 3 : i32
      %mul3A_145 = arith.muli %mul3A_144, %scan3A_138 : i32
      %add3A_146 = arith.constant 1 : i32
      %add3A_147 = arith.addi %mul3A_145, %add3A_146 : i32
      %get3A_148 = arith.index_cast %add3A_147 : i32 to index
      %get3A_149 = arith.constant 0 : index
      %get3A_150 = tpu.vector_load %arg12[%get3A_148, %get3A_149] {strides = array<i32>} : memref<384x128xf32, #tpu.memory_space<vmem>>, vector<16xf32>,
      %add3A_151 = arith.addf %get3A_143, %get3A_150 : vector<16xf32>
      %mul3A_152 = arith.constant 3 : i32
      %mul3A_153 = arith.muli %mul3A_152, %scan3A_138 : i32
      %add3A_154 = arith.constant 2 : i32
      %add3A_155 = arith.addi %mul3A_153, %add3A_154 : i32
      %get3A_156 = arith.index_cast %add3A_155 : i32 to index
      %get3A_157 = arith.constant 0 : index
      %get3A_158 = tpu.vector_load %arg12[%get3A_156, %get3A_157] {strides = array<i32>} : memref<384x128xf32, #tpu.memory_space<vmem>>, vector<16xf32>,
      %add3A_159 = arith.addf %add3A_151, %get3A_158 : vector<16xf32>
      %max3A = arith.constant 0.000000e+00 : f32
      %max3A_160 = vector.broadcast %max3A : f32 to vector<16xf32>
      %max3A_161 = arith.maximumf %add3A_159, %max3A_160 : vector<16xf32>
      %swap3A = arith.index_cast %scan3A_138 : i32 to index
      %swap3A_162 = arith.constant 0 : index
      %swap3A_163 = tpu.vector_load %arg13[%swap3A, %swap3A_162] {strides = array<i32>} : memref<128x64xf32, #tpu.memory_space<vmem>>, vector<16xf32>,
      tpu.vector_store %arg13[%swap3A, %swap3A_162], %max3A_161 {strides = array<i32>} : memref<128x64xf32, #tpu.memory_space<vmem>>, vector<16xf32>,
      %mul3A_164 = arith.constant 3 : i32
      %mul3A_165 = arith.muli %mul3A_164, %scan3A_138 : i32
      %get3A_166 = arith.index_cast %mul3A_165 : i32 to index
      %get3A_167 = arith.constant 16 : index
      %get3A_168 = tpu.vector_load %arg12[%get3A_166, %get3A_167] {strides = array<i32>} : memref<384x128xf32, #tpu.memory_space<vmem>>, vector<16xf32>,
      %mul3A_169 = arith.constant 3 : i32
      %mul3A_170 = arith.muli %mul3A_169, %scan3A_138 : i32
      %add3A_171 = arith.constant 1 : i32
      %add3A_172 = arith.addi %mul3A_170, %add3A_171 : i32
      %get3A_173 = arith.index_cast %add3A_172 : i32 to index
      %get3A_174 = arith.constant 16 : index
      %get3A_175 = tpu.vector_load %arg12[%get3A_173, %get3A_174] {strides = array<i32>} : memref<384x128xf32, #tpu.memory_space<vmem>>, vector<16xf32>,
      %add3A_176 = arith.addf %get3A_168, %get3A_175 : vector<16xf32>
      %mul3A_177 = arith.constant 3 : i32
      %mul3A_178 = arith.muli %mul3A_177, %scan3A_138 : i32
      %add3A_179 = arith.constant 2 : i32
      %add3A_180 = arith.addi %mul3A_178, %add3A_179 : i32
      %get3A_181 = arith.index_cast %add3A_180 : i32 to index
      %get3A_182 = arith.constant 16 : index
      %get3A_183 = tpu.vector_load %arg12[%get3A_181, %get3A_182] {strides = array<i32>} : memref<384x128xf32, #tpu.memory_space<vmem>>, vector<16xf32>,
      %add3A_184 = arith.addf %add3A_176, %get3A_183 : vector<16xf32>
      %max3A_185 = arith.constant 0.000000e+00 : f32
      %max3A_186 = vector.broadcast %max3A_185 : f32 to vector<16xf32>
      %max3A_187 = arith.maximumf %add3A_184, %max3A_186 : vector<16xf32>
      %swap3A_188 = arith.index_cast %scan3A_138 : i32 to index
      %swap3A_189 = arith.constant 16 : index
      %swap3A_190 = tpu.vector_load %arg13[%swap3A_188, %swap3A_189] {strides = array<i32>} : memref<128x64xf32, #tpu.memory_space<vmem>>, vector<16xf32>,
      tpu.vector_store %arg13[%swap3A_188, %swap3A_189], %max3A_187 {strides = array<i32>} : memref<128x64xf32, #tpu.memory_space<vmem>>, vector<16xf32>,
      %mul3A_191 = arith.constant 3 : i32
      %mul3A_192 = arith.muli %mul3A_191, %scan3A_138 : i32
      %get3A_193 = arith.index_cast %mul3A_192 : i32 to index
      %get3A_194 = arith.constant 32 : index
      %get3A_195 = tpu.vector_load %arg12[%get3A_193, %get3A_194] {strides = array<i32>} : memref<384x128xf32, #tpu.memory_space<vmem>>, vector<16xf32>,
      %mul3A_196 = arith.constant 3 : i32
      %mul3A_197 = arith.muli %mul3A_196, %scan3A_138 : i32
      %add3A_198 = arith.constant 1 : i32
      %add3A_199 = arith.addi %mul3A_197, %add3A_198 : i32
      %get3A_200 = arith.index_cast %add3A_199 : i32 to index
      %get3A_201 = arith.constant 32 : index
      %get3A_202 = tpu.vector_load %arg12[%get3A_200, %get3A_201] {strides = array<i32>} : memref<384x128xf32, #tpu.memory_space<vmem>>, vector<16xf32>,
      %add3A_203 = arith.addf %get3A_195, %get3A_202 : vector<16xf32>
      %mul3A_204 = arith.constant 3 : i32
      %mul3A_205 = arith.muli %mul3A_204, %scan3A_138 : i32
      %add3A_206 = arith.constant 2 : i32
      %add3A_207 = arith.addi %mul3A_205, %add3A_206 : i32
      %get3A_208 = arith.index_cast %add3A_207 : i32 to index
      %get3A_209 = arith.constant 32 : index
      %get3A_210 = tpu.vector_load %arg12[%get3A_208, %get3A_209] {strides = array<i32>} : memref<384x128xf32, #tpu.memory_space<vmem>>, vector<16xf32>,
      %add3A_211 = arith.addf %add3A_203, %get3A_210 : vector<16xf32>
      %max3A_212 = arith.constant 0.000000e+00 : f32
      %max3A_213 = vector.broadcast %max3A_212 : f32 to vector<16xf32>
      %max3A_214 = arith.maximumf %add3A_211, %max3A_213 : vector<16xf32>
      %swap3A_215 = arith.index_cast %scan3A_138 : i32 to index
      %swap3A_216 = arith.constant 32 : index
      %swap3A_217 = tpu.vector_load %arg13[%swap3A_215, %swap3A_216] {strides = array<i32>} : memref<128x64xf32, #tpu.memory_space<vmem>>, vector<16xf32>,
      tpu.vector_store %arg13[%swap3A_215, %swap3A_216], %max3A_214 {strides = array<i32>} : memref<128x64xf32, #tpu.memory_space<vmem>>, vector<16xf32>,
      %mul3A_218 = arith.constant 3 : i32
      %mul3A_219 = arith.muli %mul3A_218, %scan3A_138 : i32
      %get3A_220 = arith.index_cast %mul3A_219 : i32 to index
      %get3A_221 = arith.constant 48 : index
      %get3A_222 = tpu.vector_load %arg12[%get3A_220, %get3A_221] {strides = array<i32>} : memref<384x128xf32, #tpu.memory_space<vmem>>, vector<16xf32>,
      %mul3A_223 = arith.constant 3 : i32
      %mul3A_224 = arith.muli %mul3A_223, %scan3A_138 : i32
      %add3A_225 = arith.constant 1 : i32
      %add3A_226 = arith.addi %mul3A_224, %add3A_225 : i32
      %get3A_227 = arith.index_cast %add3A_226 : i32 to index
      %get3A_228 = arith.constant 48 : index
      %get3A_229 = tpu.vector_load %arg12[%get3A_227, %get3A_228] {strides = array<i32>} : memref<384x128xf32, #tpu.memory_space<vmem>>, vector<16xf32>,
      %add3A_230 = arith.addf %get3A_222, %get3A_229 : vector<16xf32>
      %mul3A_231 = arith.constant 3 : i32
      %mul3A_232 = arith.muli %mul3A_231, %scan3A_138 : i32
      %add3A_233 = arith.constant 2 : i32
      %add3A_234 = arith.addi %mul3A_232, %add3A_233 : i32
      %get3A_235 = arith.index_cast %add3A_234 : i32 to index
      %get3A_236 = arith.constant 48 : index
      %get3A_237 = tpu.vector_load %arg12[%get3A_235, %get3A_236] {strides = array<i32>} : memref<384x128xf32, #tpu.memory_space<vmem>>, vector<16xf32>,
      %add3A_238 = arith.addf %add3A_230, %get3A_237 : vector<16xf32>
      %max3A_239 = arith.constant 0.000000e+00 : f32
      %max3A_240 = vector.broadcast %max3A_239 : f32 to vector<16xf32>
      %max3A_241 = arith.maximumf %add3A_238, %max3A_240 : vector<16xf32>
      %swap3A_242 = arith.index_cast %scan3A_138 : i32 to index
      %swap3A_243 = arith.constant 48 : index
      %swap3A_244 = tpu.vector_load %arg13[%swap3A_242, %swap3A_243] {strides = array<i32>} : memref<128x64xf32, #tpu.memory_space<vmem>>, vector<16xf32>,
      tpu.vector_store %arg13[%swap3A_242, %swap3A_243], %max3A_241 {strides = array<i32>} : memref<128x64xf32, #tpu.memory_space<vmem>>, vector<16xf32>,
      %scan3A_245 = arith.constant 0 : i32
      scf.yield %scan3A_245 : i32
    }
    %scan3A_16 = arith.constant 128 : i32
    "tpu.region"() ({
      %run_scoped3A = tpu.sem_alloc : memref<!tpu.dma_semaphore, #tpu.memory_space<semaphore_mem>>
      %dma_start3A_138 = arith.constant 0 : i32
      %dma_start3A_139 = tpu.memref_slice %arg7[%add3A_4, %dma_start3A_138] : memref<16384x64xf32, #tpu.memory_space<hbm>> -> memref<128x64xf32, #tpu.memory_space<hbm>>
      %dma_start3A_140 = arith.constant 0 : i32
      %dma_start3A_141 = tpu.memref_slice %arg7[%add3A_4, %dma_start3A_140] : memref<16384x64xf32, #tpu.memory_space<hbm>> -> memref<128x64xf32, #tpu.memory_space<hbm>>
      tpu.enqueue_dma source(%arg13 : memref<128x64xf32, #tpu.memory_space<vmem>>) target(%dma_start3A_141 : memref<128x64xf32, #tpu.memory_space<hbm>>) target_semaphore(%run_scoped3A : memref<!tpu.dma_semaphore, #tpu.memory_space<semaphore_mem>>)
      %dma_wait3A_142 = arith.constant 0 : i32
      %dma_wait3A_143 = tpu.memref_slice %arg7[%add3A_4, %dma_wait3A_142] : memref<16384x64xf32, #tpu.memory_space<hbm>> -> memref<128x64xf32, #tpu.memory_space<hbm>>
      %dma_wait3A_144 = arith.constant 0 : i32
      %dma_wait3A_145 = tpu.memref_slice %arg7[%add3A_4, %dma_wait3A_144] : memref<16384x64xf32, #tpu.memory_space<hbm>> -> memref<128x64xf32, #tpu.memory_space<hbm>>
      tpu.wait_dma2 semaphore(%run_scoped3A : memref<!tpu.dma_semaphore, #tpu.memory_space<semaphore_mem>>) src(%arg13 : memref<128x64xf32, #tpu.memory_space<vmem>>) dst(%dma_wait3A_145 : memref<128x64xf32, #tpu.memory_space<hbm>>)
      tpu.yield
    }) : () -> ()
    %add3A_17 = arith.constant 128 : i32
    %add3A_18 = arith.addi %mul3A_2, %add3A_17 : i32
    %mul3A_19 = arith.constant 3 : i32
    %mul3A_20 = arith.muli %add3A_18, %mul3A_19 : i32
    "tpu.region"() ({
      %run_scoped3A = tpu.sem_alloc : memref<!tpu.dma_semaphore, #tpu.memory_space<semaphore_mem>>
      %dma_start3A_138 = tpu.memref_slice %arg5[%mul3A_20] : memref<49152xi32, #tpu.memory_space<hbm>> -> memref<384xi32, #tpu.memory_space<hbm>>
      %dma_start3A_139 = tpu.memref_slice %arg5[%mul3A_20] : memref<49152xi32, #tpu.memory_space<hbm>> -> memref<384xi32, #tpu.memory_space<hbm>>
      tpu.enqueue_dma source(%dma_start3A_139 : memref<384xi32, #tpu.memory_space<hbm>>) target(%arg11 : memref<384xi32, #tpu.memory_space<vmem>>) target_semaphore(%run_scoped3A : memref<!tpu.dma_semaphore, #tpu.memory_space<semaphore_mem>>)
      %dma_wait3A_140 = tpu.memref_slice %arg5[%mul3A_20] : memref<49152xi32, #tpu.memory_space<hbm>> -> memref<384xi32, #tpu.memory_space<hbm>>
      %dma_wait3A_141 = tpu.memref_slice %arg5[%mul3A_20] : memref<49152xi32, #tpu.memory_space<hbm>> -> memref<384xi32, #tpu.memory_space<hbm>>
      tpu.wait_dma2 semaphore(%run_scoped3A : memref<!tpu.dma_semaphore, #tpu.memory_space<semaphore_mem>>) src(%dma_wait3A_141 : memref<384xi32, #tpu.memory_space<hbm>>) dst(%arg11 : memref<384xi32, #tpu.memory_space<vmem>>)
      tpu.yield
    }) : () -> ()
    %dma_start3A_21 = arith.constant 0 : i32
    %dma_start3A_22 = arith.constant 0 : i32
    %dma_start3A_23 = tpu.memref_slice %arg3[%dma_start3A_21, %dma_start3A_22] : memref<13x128xf32, #tpu.memory_space<hbm>> -> memref<13x128xf32, #tpu.memory_space<hbm>>
    tpu.enqueue_indirect_dma source(%dma_start3A_23 : memref<13x128xf32, #tpu.memory_space<hbm>>) target(%arg12 : memref<384x128xf32, #tpu.memory_space<vmem>>) offsets(%arg11 : memref<384xi32, #tpu.memory_space<vmem>>) semaphore(%arg14 : memref<!tpu.dma_semaphore, #tpu.memory_space<semaphore_mem>>)
    %dma_wait3A_24 = arith.constant 0 : i32
    %dma_wait3A_25 = arith.constant 0 : i32
    %dma_wait3A_26 = tpu.memref_slice %arg3[%dma_wait3A_24, %dma_wait3A_25] : memref<13x128xf32, #tpu.memory_space<hbm>> -> memref<13x128xf32, #tpu.memory_space<hbm>>
    tpu.wait_indirect_dma semaphore(%arg14 : memref<!tpu.dma_semaphore, #tpu.memory_space<semaphore_mem>>) src(%dma_wait3A_26 : memref<13x128xf32, #tpu.memory_space<hbm>>) dst(%arg12 : memref<384x128xf32, #tpu.memory_space<vmem>>)
    %scan3A_27 = arith.constant 0 : i32
    %scan3A_28 = arith.constant 0 : i32
    %scan3A_29 = arith.constant 128 : i32
    %scan3A_30 = arith.addi %scan3A_28, %scan3A_29 : i32
    %scan3A_31 = arith.constant 1 : i32
    %scan3A_32 = scf.for %scan3A_138 = %scan3A_28 to %scan3A_30 step %scan3A_31 iter_args(%scan3A_139 = %scan3A_27) -> (i32)  : i32 {
      %mul3A_140 = arith.constant 3 : i32
      %mul3A_141 = arith.muli %mul3A_140, %scan3A_138 : i32
      %get3A = arith.index_cast %mul3A_141 : i32 to index
      %get3A_142 = arith.constant 0 : index
      %get3A_143 = tpu.vector_load %arg12[%get3A, %get3A_142] {strides = array<i32>} : memref<384x128xf32, #tpu.memory_space<vmem>>, vector<16xf32>,
      %mul3A_144 = arith.constant 3 : i32
      %mul3A_145 = arith.muli %mul3A_144, %scan3A_138 : i32
      %add3A_146 = arith.constant 1 : i32
      %add3A_147 = arith.addi %mul3A_145, %add3A_146 : i32
      %get3A_148 = arith.index_cast %add3A_147 : i32 to index
      %get3A_149 = arith.constant 0 : index
      %get3A_150 = tpu.vector_load %arg12[%get3A_148, %get3A_149] {strides = array<i32>} : memref<384x128xf32, #tpu.memory_space<vmem>>, vector<16xf32>,
      %add3A_151 = arith.addf %get3A_143, %get3A_150 : vector<16xf32>
      %mul3A_152 = arith.constant 3 : i32
      %mul3A_153 = arith.muli %mul3A_152, %scan3A_138 : i32
      %add3A_154 = arith.constant 2 : i32
      %add3A_155 = arith.addi %mul3A_153, %add3A_154 : i32
      %get3A_156 = arith.index_cast %add3A_155 : i32 to index
      %get3A_157 = arith.constant 0 : index
      %get3A_158 = tpu.vector_load %arg12[%get3A_156, %get3A_157] {strides = array<i32>} : memref<384x128xf32, #tpu.memory_space<vmem>>, vector<16xf32>,
      %add3A_159 = arith.addf %add3A_151, %get3A_158 : vector<16xf32>
      %max3A = arith.constant 0.000000e+00 : f32
      %max3A_160 = vector.broadcast %max3A : f32 to vector<16xf32>
      %max3A_161 = arith.maximumf %add3A_159, %max3A_160 : vector<16xf32>
      %swap3A = arith.index_cast %scan3A_138 : i32 to index
      %swap3A_162 = arith.constant 0 : index
      %swap3A_163 = tpu.vector_load %arg13[%swap3A, %swap3A_162] {strides = array<i32>} : memref<128x64xf32, #tpu.memory_space<vmem>>, vector<16xf32>,
      tpu.vector_store %arg13[%swap3A, %swap3A_162], %max3A_161 {strides = array<i32>} : memref<128x64xf32, #tpu.memory_space<vmem>>, vector<16xf32>,
      %mul3A_164 = arith.constant 3 : i32
      %mul3A_165 = arith.muli %mul3A_164, %scan3A_138 : i32
      %get3A_166 = arith.index_cast %mul3A_165 : i32 to index
      %get3A_167 = arith.constant 16 : index
      %get3A_168 = tpu.vector_load %arg12[%get3A_166, %get3A_167] {strides = array<i32>} : memref<384x128xf32, #tpu.memory_space<vmem>>, vector<16xf32>,
      %mul3A_169 = arith.constant 3 : i32
      %mul3A_170 = arith.muli %mul3A_169, %scan3A_138 : i32
      %add3A_171 = arith.constant 1 : i32
      %add3A_172 = arith.addi %mul3A_170, %add3A_171 : i32
      %get3A_173 = arith.index_cast %add3A_172 : i32 to index
      %get3A_174 = arith.constant 16 : index
      %get3A_175 = tpu.vector_load %arg12[%get3A_173, %get3A_174] {strides = array<i32>} : memref<384x128xf32, #tpu.memory_space<vmem>>, vector<16xf32>,
      %add3A_176 = arith.addf %get3A_168, %get3A_175 : vector<16xf32>
      %mul3A_177 = arith.constant 3 : i32
      %mul3A_178 = arith.muli %mul3A_177, %scan3A_138 : i32
      %add3A_179 = arith.constant 2 : i32
      %add3A_180 = arith.addi %mul3A_178, %add3A_179 : i32
      %get3A_181 = arith.index_cast %add3A_180 : i32 to index
      %get3A_182 = arith.constant 16 : index
      %get3A_183 = tpu.vector_load %arg12[%get3A_181, %get3A_182] {strides = array<i32>} : memref<384x128xf32, #tpu.memory_space<vmem>>, vector<16xf32>,
      %add3A_184 = arith.addf %add3A_176, %get3A_183 : vector<16xf32>
      %max3A_185 = arith.constant 0.000000e+00 : f32
      %max3A_186 = vector.broadcast %max3A_185 : f32 to vector<16xf32>
      %max3A_187 = arith.maximumf %add3A_184, %max3A_186 : vector<16xf32>
      %swap3A_188 = arith.index_cast %scan3A_138 : i32 to index
      %swap3A_189 = arith.constant 16 : index
      %swap3A_190 = tpu.vector_load %arg13[%swap3A_188, %swap3A_189] {strides = array<i32>} : memref<128x64xf32, #tpu.memory_space<vmem>>, vector<16xf32>,
      tpu.vector_store %arg13[%swap3A_188, %swap3A_189], %max3A_187 {strides = array<i32>} : memref<128x64xf32, #tpu.memory_space<vmem>>, vector<16xf32>,
      %mul3A_191 = arith.constant 3 : i32
      %mul3A_192 = arith.muli %mul3A_191, %scan3A_138 : i32
      %get3A_193 = arith.index_cast %mul3A_192 : i32 to index
      %get3A_194 = arith.constant 32 : index
      %get3A_195 = tpu.vector_load %arg12[%get3A_193, %get3A_194] {strides = array<i32>} : memref<384x128xf32, #tpu.memory_space<vmem>>, vector<16xf32>,
      %mul3A_196 = arith.constant 3 : i32
      %mul3A_197 = arith.muli %mul3A_196, %scan3A_138 : i32
      %add3A_198 = arith.constant 1 : i32
      %add3A_199 = arith.addi %mul3A_197, %add3A_198 : i32
      %get3A_200 = arith.index_cast %add3A_199 : i32 to index
      %get3A_201 = arith.constant 32 : index
      %get3A_202 = tpu.vector_load %arg12[%get3A_200, %get3A_201] {strides = array<i32>} : memref<384x128xf32, #tpu.memory_space<vmem>>, vector<16xf32>,
      %add3A_203 = arith.addf %get3A_195, %get3A_202 : vector<16xf32>
      %mul3A_204 = arith.constant 3 : i32
      %mul3A_205 = arith.muli %mul3A_204, %scan3A_138 : i32
      %add3A_206 = arith.constant 2 : i32
      %add3A_207 = arith.addi %mul3A_205, %add3A_206 : i32
      %get3A_208 = arith.index_cast %add3A_207 : i32 to index
      %get3A_209 = arith.constant 32 : index
      %get3A_210 = tpu.vector_load %arg12[%get3A_208, %get3A_209] {strides = array<i32>} : memref<384x128xf32, #tpu.memory_space<vmem>>, vector<16xf32>,
      %add3A_211 = arith.addf %add3A_203, %get3A_210 : vector<16xf32>
      %max3A_212 = arith.constant 0.000000e+00 : f32
      %max3A_213 = vector.broadcast %max3A_212 : f32 to vector<16xf32>
      %max3A_214 = arith.maximumf %add3A_211, %max3A_213 : vector<16xf32>
      %swap3A_215 = arith.index_cast %scan3A_138 : i32 to index
      %swap3A_216 = arith.constant 32 : index
      %swap3A_217 = tpu.vector_load %arg13[%swap3A_215, %swap3A_216] {strides = array<i32>} : memref<128x64xf32, #tpu.memory_space<vmem>>, vector<16xf32>,
      tpu.vector_store %arg13[%swap3A_215, %swap3A_216], %max3A_214 {strides = array<i32>} : memref<128x64xf32, #tpu.memory_space<vmem>>, vector<16xf32>,
      %mul3A_218 = arith.constant 3 : i32
      %mul3A_219 = arith.muli %mul3A_218, %scan3A_138 : i32
      %get3A_220 = arith.index_cast %mul3A_219 : i32 to index
      %get3A_221 = arith.constant 48 : index
      %get3A_222 = tpu.vector_load %arg12[%get3A_220, %get3A_221] {strides = array<i32>} : memref<384x128xf32, #tpu.memory_space<vmem>>, vector<16xf32>,
      %mul3A_223 = arith.constant 3 : i32
      %mul3A_224 = arith.muli %mul3A_223, %scan3A_138 : i32
      %add3A_225 = arith.constant 1 : i32
      %add3A_226 = arith.addi %mul3A_224, %add3A_225 : i32
      %get3A_227 = arith.index_cast %add3A_226 : i32 to index
      %get3A_228 = arith.constant 48 : index
      %get3A_229 = tpu.vector_load %arg12[%get3A_227, %get3A_228] {strides = array<i32>} : memref<384x128xf32, #tpu.memory_space<vmem>>, vector<16xf32>,
      %add3A_230 = arith.addf %get3A_222, %get3A_229 : vector<16xf32>
      %mul3A_231 = arith.constant 3 : i32
      %mul3A_232 = arith.muli %mul3A_231, %scan3A_138 : i32
      %add3A_233 = arith.constant 2 : i32
      %add3A_234 = arith.addi %mul3A_232, %add3A_233 : i32
      %get3A_235 = arith.index_cast %add3A_234 : i32 to index
      %get3A_236 = arith.constant 48 : index
      %get3A_237 = tpu.vector_load %arg12[%get3A_235, %get3A_236] {strides = array<i32>} : memref<384x128xf32, #tpu.memory_space<vmem>>, vector<16xf32>,
      %add3A_238 = arith.addf %add3A_230, %get3A_237 : vector<16xf32>
      %max3A_239 = arith.constant 0.000000e+00 : f32
      %max3A_240 = vector.broadcast %max3A_239 : f32 to vector<16xf32>
      %max3A_241 = arith.maximumf %add3A_238, %max3A_240 : vector<16xf32>
      %swap3A_242 = arith.index_cast %scan3A_138 : i32 to index
      %swap3A_243 = arith.constant 48 : index
      %swap3A_244 = tpu.vector_load %arg13[%swap3A_242, %swap3A_243] {strides = array<i32>} : memref<128x64xf32, #tpu.memory_space<vmem>>, vector<16xf32>,
      tpu.vector_store %arg13[%swap3A_242, %swap3A_243], %max3A_241 {strides = array<i32>} : memref<128x64xf32, #tpu.memory_space<vmem>>, vector<16xf32>,
      %scan3A_245 = arith.constant 0 : i32
      scf.yield %scan3A_245 : i32
    }
    %scan3A_33 = arith.constant 128 : i32
    "tpu.region"() ({
      %run_scoped3A = tpu.sem_alloc : memref<!tpu.dma_semaphore, #tpu.memory_space<semaphore_mem>>
      %dma_start3A_138 = arith.constant 0 : i32
      %dma_start3A_139 = tpu.memref_slice %arg7[%add3A_18, %dma_start3A_138] : memref<16384x64xf32, #tpu.memory_space<hbm>> -> memref<128x64xf32, #tpu.memory_space<hbm>>
      %dma_start3A_140 = arith.constant 0 : i32
      %dma_start3A_141 = tpu.memref_slice %arg7[%add3A_18, %dma_start3A_140] : memref<16384x64xf32, #tpu.memory_space<hbm>> -> memref<128x64xf32, #tpu.memory_space<hbm>>
      tpu.enqueue_dma source(%arg13 : memref<128x64xf32, #tpu.memory_space<vmem>>) target(%dma_start3A_141 : memref<128x64xf32, #tpu.memory_space<hbm>>) target_semaphore(%run_scoped3A : memref<!tpu.dma_semaphore, #tpu.memory_space<semaphore_mem>>)
      %dma_wait3A_142 = arith.constant 0 : i32
      %dma_wait3A_143 = tpu.memref_slice %arg7[%add3A_18, %dma_wait3A_142] : memref<16384x64xf32, #tpu.memory_space<hbm>> -> memref<128x64xf32, #tpu.memory_space<hbm>>
      %dma_wait3A_144 = arith.constant 0 : i32
      %dma_wait3A_145 = tpu.memref_slice %arg7[%add3A_18, %dma_wait3A_144] : memref<16384x64xf32, #tpu.memory_space<hbm>> -> memref<128x64xf32, #tpu.memory_space<hbm>>
      tpu.wait_dma2 semaphore(%run_scoped3A : memref<!tpu.dma_semaphore, #tpu.memory_space<semaphore_mem>>) src(%arg13 : memref<128x64xf32, #tpu.memory_space<vmem>>) dst(%dma_wait3A_145 : memref<128x64xf32, #tpu.memory_space<hbm>>)
      tpu.yield
    }) : () -> ()
    %add3A_34 = arith.constant 256 : i32
    %add3A_35 = arith.addi %mul3A_2, %add3A_34 : i32
    %mul3A_36 = arith.constant 3 : i32
    %mul3A_37 = arith.muli %add3A_35, %mul3A_36 : i32
    "tpu.region"() ({
      %run_scoped3A = tpu.sem_alloc : memref<!tpu.dma_semaphore, #tpu.memory_space<semaphore_mem>>
      %dma_start3A_138 = tpu.memref_slice %arg5[%mul3A_37] : memref<49152xi32, #tpu.memory_space<hbm>> -> memref<384xi32, #tpu.memory_space<hbm>>
      %dma_start3A_139 = tpu.memref_slice %arg5[%mul3A_37] : memref<49152xi32, #tpu.memory_space<hbm>> -> memref<384xi32, #tpu.memory_space<hbm>>
      tpu.enqueue_dma source(%dma_start3A_139 : memref<384xi32, #tpu.memory_space<hbm>>) target(%arg11 : memref<384xi32, #tpu.memory_space<vmem>>) target_semaphore(%run_scoped3A : memref<!tpu.dma_semaphore, #tpu.memory_space<semaphore_mem>>)
      %dma_wait3A_140 = tpu.memref_slice %arg5[%mul3A_37] : memref<49152xi32, #tpu.memory_space<hbm>> -> memref<384xi32, #tpu.memory_space<hbm>>
      %dma_wait3A_141 = tpu.memref_slice %arg5[%mul3A_37] : memref<49152xi32, #tpu.memory_space<hbm>> -> memref<384xi32, #tpu.memory_space<hbm>>
      tpu.wait_dma2 semaphore(%run_scoped3A : memref<!tpu.dma_semaphore, #tpu.memory_space<semaphore_mem>>) src(%dma_wait3A_141 : memref<384xi32, #tpu.memory_space<hbm>>) dst(%arg11 : memref<384xi32, #tpu.memory_space<vmem>>)
      tpu.yield
    }) : () -> ()
    %dma_start3A_38 = arith.constant 0 : i32
    %dma_start3A_39 = arith.constant 0 : i32
    %dma_start3A_40 = tpu.memref_slice %arg3[%dma_start3A_38, %dma_start3A_39] : memref<13x128xf32, #tpu.memory_space<hbm>> -> memref<13x128xf32, #tpu.memory_space<hbm>>
    tpu.enqueue_indirect_dma source(%dma_start3A_40 : memref<13x128xf32, #tpu.memory_space<hbm>>) target(%arg12 : memref<384x128xf32, #tpu.memory_space<vmem>>) offsets(%arg11 : memref<384xi32, #tpu.memory_space<vmem>>) semaphore(%arg14 : memref<!tpu.dma_semaphore, #tpu.memory_space<semaphore_mem>>)
    %dma_wait3A_41 = arith.constant 0 : i32
    %dma_wait3A_42 = arith.constant 0 : i32
    %dma_wait3A_43 = tpu.memref_slice %arg3[%dma_wait3A_41, %dma_wait3A_42] : memref<13x128xf32, #tpu.memory_space<hbm>> -> memref<13x128xf32, #tpu.memory_space<hbm>>
    tpu.wait_indirect_dma semaphore(%arg14 : memref<!tpu.dma_semaphore, #tpu.memory_space<semaphore_mem>>) src(%dma_wait3A_43 : memref<13x128xf32, #tpu.memory_space<hbm>>) dst(%arg12 : memref<384x128xf32, #tpu.memory_space<vmem>>)
    %scan3A_44 = arith.constant 0 : i32
    %scan3A_45 = arith.constant 0 : i32
    %scan3A_46 = arith.constant 128 : i32
    %scan3A_47 = arith.addi %scan3A_45, %scan3A_46 : i32
    %scan3A_48 = arith.constant 1 : i32
    %scan3A_49 = scf.for %scan3A_138 = %scan3A_45 to %scan3A_47 step %scan3A_48 iter_args(%scan3A_139 = %scan3A_44) -> (i32)  : i32 {
      %mul3A_140 = arith.constant 3 : i32
      %mul3A_141 = arith.muli %mul3A_140, %scan3A_138 : i32
      %get3A = arith.index_cast %mul3A_141 : i32 to index
      %get3A_142 = arith.constant 0 : index
      %get3A_143 = tpu.vector_load %arg12[%get3A, %get3A_142] {strides = array<i32>} : memref<384x128xf32, #tpu.memory_space<vmem>>, vector<16xf32>,
      %mul3A_144 = arith.constant 3 : i32
      %mul3A_145 = arith.muli %mul3A_144, %scan3A_138 : i32
      %add3A_146 = arith.constant 1 : i32
      %add3A_147 = arith.addi %mul3A_145, %add3A_146 : i32
      %get3A_148 = arith.index_cast %add3A_147 : i32 to index
      %get3A_149 = arith.constant 0 : index
      %get3A_150 = tpu.vector_load %arg12[%get3A_148, %get3A_149] {strides = array<i32>} : memref<384x128xf32, #tpu.memory_space<vmem>>, vector<16xf32>,
      %add3A_151 = arith.addf %get3A_143, %get3A_150 : vector<16xf32>
      %mul3A_152 = arith.constant 3 : i32
      %mul3A_153 = arith.muli %mul3A_152, %scan3A_138 : i32
      %add3A_154 = arith.constant 2 : i32
      %add3A_155 = arith.addi %mul3A_153, %add3A_154 : i32
      %get3A_156 = arith.index_cast %add3A_155 : i32 to index
      %get3A_157 = arith.constant 0 : index
      %get3A_158 = tpu.vector_load %arg12[%get3A_156, %get3A_157] {strides = array<i32>} : memref<384x128xf32, #tpu.memory_space<vmem>>, vector<16xf32>,
      %add3A_159 = arith.addf %add3A_151, %get3A_158 : vector<16xf32>
      %max3A = arith.constant 0.000000e+00 : f32
      %max3A_160 = vector.broadcast %max3A : f32 to vector<16xf32>
      %max3A_161 = arith.maximumf %add3A_159, %max3A_160 : vector<16xf32>
      %swap3A = arith.index_cast %scan3A_138 : i32 to index
      %swap3A_162 = arith.constant 0 : index
      %swap3A_163 = tpu.vector_load %arg13[%swap3A, %swap3A_162] {strides = array<i32>} : memref<128x64xf32, #tpu.memory_space<vmem>>, vector<16xf32>,
      tpu.vector_store %arg13[%swap3A, %swap3A_162], %max3A_161 {strides = array<i32>} : memref<128x64xf32, #tpu.memory_space<vmem>>, vector<16xf32>,
      %mul3A_164 = arith.constant 3 : i32
      %mul3A_165 = arith.muli %mul3A_164, %scan3A_138 : i32
      %get3A_166 = arith.index_cast %mul3A_165 : i32 to index
      %get3A_167 = arith.constant 16 : index
      %get3A_168 = tpu.vector_load %arg12[%get3A_166, %get3A_167] {strides = array<i32>} : memref<384x128xf32, #tpu.memory_space<vmem>>, vector<16xf32>,
      %mul3A_169 = arith.constant 3 : i32
      %mul3A_170 = arith.muli %mul3A_169, %scan3A_138 : i32
      %add3A_171 = arith.constant 1 : i32
      %add3A_172 = arith.addi %mul3A_170, %add3A_171 : i32
      %get3A_173 = arith.index_cast %add3A_172 : i32 to index
      %get3A_174 = arith.constant 16 : index
      %get3A_175 = tpu.vector_load %arg12[%get3A_173, %get3A_174] {strides = array<i32>} : memref<384x128xf32, #tpu.memory_space<vmem>>, vector<16xf32>,
      %add3A_176 = arith.addf %get3A_168, %get3A_175 : vector<16xf32>
      %mul3A_177 = arith.constant 3 : i32
      %mul3A_178 = arith.muli %mul3A_177, %scan3A_138 : i32
      %add3A_179 = arith.constant 2 : i32
      %add3A_180 = arith.addi %mul3A_178, %add3A_179 : i32
      %get3A_181 = arith.index_cast %add3A_180 : i32 to index
      %get3A_182 = arith.constant 16 : index
      %get3A_183 = tpu.vector_load %arg12[%get3A_181, %get3A_182] {strides = array<i32>} : memref<384x128xf32, #tpu.memory_space<vmem>>, vector<16xf32>,
      %add3A_184 = arith.addf %add3A_176, %get3A_183 : vector<16xf32>
      %max3A_185 = arith.constant 0.000000e+00 : f32
      %max3A_186 = vector.broadcast %max3A_185 : f32 to vector<16xf32>
      %max3A_187 = arith.maximumf %add3A_184, %max3A_186 : vector<16xf32>
      %swap3A_188 = arith.index_cast %scan3A_138 : i32 to index
      %swap3A_189 = arith.constant 16 : index
      %swap3A_190 = tpu.vector_load %arg13[%swap3A_188, %swap3A_189] {strides = array<i32>} : memref<128x64xf32, #tpu.memory_space<vmem>>, vector<16xf32>,
      tpu.vector_store %arg13[%swap3A_188, %swap3A_189], %max3A_187 {strides = array<i32>} : memref<128x64xf32, #tpu.memory_space<vmem>>, vector<16xf32>,
      %mul3A_191 = arith.constant 3 : i32
      %mul3A_192 = arith.muli %mul3A_191, %scan3A_138 : i32
      %get3A_193 = arith.index_cast %mul3A_192 : i32 to index
      %get3A_194 = arith.constant 32 : index
      %get3A_195 = tpu.vector_load %arg12[%get3A_193, %get3A_194] {strides = array<i32>} : memref<384x128xf32, #tpu.memory_space<vmem>>, vector<16xf32>,
      %mul3A_196 = arith.constant 3 : i32
      %mul3A_197 = arith.muli %mul3A_196, %scan3A_138 : i32
      %add3A_198 = arith.constant 1 : i32
      %add3A_199 = arith.addi %mul3A_197, %add3A_198 : i32
      %get3A_200 = arith.index_cast %add3A_199 : i32 to index
      %get3A_201 = arith.constant 32 : index
      %get3A_202 = tpu.vector_load %arg12[%get3A_200, %get3A_201] {strides = array<i32>} : memref<384x128xf32, #tpu.memory_space<vmem>>, vector<16xf32>,
      %add3A_203 = arith.addf %get3A_195, %get3A_202 : vector<16xf32>
      %mul3A_204 = arith.constant 3 : i32
      %mul3A_205 = arith.muli %mul3A_204, %scan3A_138 : i32
      %add3A_206 = arith.constant 2 : i32
      %add3A_207 = arith.addi %mul3A_205, %add3A_206 : i32
      %get3A_208 = arith.index_cast %add3A_207 : i32 to index
      %get3A_209 = arith.constant 32 : index
      %get3A_210 = tpu.vector_load %arg12[%get3A_208, %get3A_209] {strides = array<i32>} : memref<384x128xf32, #tpu.memory_space<vmem>>, vector<16xf32>,
      %add3A_211 = arith.addf %add3A_203, %get3A_210 : vector<16xf32>
      %max3A_212 = arith.constant 0.000000e+00 : f32
      %max3A_213 = vector.broadcast %max3A_212 : f32 to vector<16xf32>
      %max3A_214 = arith.maximumf %add3A_211, %max3A_213 : vector<16xf32>
      %swap3A_215 = arith.index_cast %scan3A_138 : i32 to index
      %swap3A_216 = arith.constant 32 : index
      %swap3A_217 = tpu.vector_load %arg13[%swap3A_215, %swap3A_216] {strides = array<i32>} : memref<128x64xf32, #tpu.memory_space<vmem>>, vector<16xf32>,
      tpu.vector_store %arg13[%swap3A_215, %swap3A_216], %max3A_214 {strides = array<i32>} : memref<128x64xf32, #tpu.memory_space<vmem>>, vector<16xf32>,
      %mul3A_218 = arith.constant 3 : i32
      %mul3A_219 = arith.muli %mul3A_218, %scan3A_138 : i32
      %get3A_220 = arith.index_cast %mul3A_219 : i32 to index
      %get3A_221 = arith.constant 48 : index
      %get3A_222 = tpu.vector_load %arg12[%get3A_220, %get3A_221] {strides = array<i32>} : memref<384x128xf32, #tpu.memory_space<vmem>>, vector<16xf32>,
      %mul3A_223 = arith.constant 3 : i32
      %mul3A_224 = arith.muli %mul3A_223, %scan3A_138 : i32
      %add3A_225 = arith.constant 1 : i32
      %add3A_226 = arith.addi %mul3A_224, %add3A_225 : i32
      %get3A_227 = arith.index_cast %add3A_226 : i32 to index
      %get3A_228 = arith.constant 48 : index
      %get3A_229 = tpu.vector_load %arg12[%get3A_227, %get3A_228] {strides = array<i32>} : memref<384x128xf32, #tpu.memory_space<vmem>>, vector<16xf32>,
      %add3A_230 = arith.addf %get3A_222, %get3A_229 : vector<16xf32>
      %mul3A_231 = arith.constant 3 : i32
      %mul3A_232 = arith.muli %mul3A_231, %scan3A_138 : i32
      %add3A_233 = arith.constant 2 : i32
      %add3A_234 = arith.addi %mul3A_232, %add3A_233 : i32
      %get3A_235 = arith.index_cast %add3A_234 : i32 to index
      %get3A_236 = arith.constant 48 : index
      %get3A_237 = tpu.vector_load %arg12[%get3A_235, %get3A_236] {strides = array<i32>} : memref<384x128xf32, #tpu.memory_space<vmem>>, vector<16xf32>,
      %add3A_238 = arith.addf %add3A_230, %get3A_237 : vector<16xf32>
      %max3A_239 = arith.constant 0.000000e+00 : f32
      %max3A_240 = vector.broadcast %max3A_239 : f32 to vector<16xf32>
      %max3A_241 = arith.maximumf %add3A_238, %max3A_240 : vector<16xf32>
      %swap3A_242 = arith.index_cast %scan3A_138 : i32 to index
      %swap3A_243 = arith.constant 48 : index
      %swap3A_244 = tpu.vector_load %arg13[%swap3A_242, %swap3A_243] {strides = array<i32>} : memref<128x64xf32, #tpu.memory_space<vmem>>, vector<16xf32>,
      tpu.vector_store %arg13[%swap3A_242, %swap3A_243], %max3A_241 {strides = array<i32>} : memref<128x64xf32, #tpu.memory_space<vmem>>, vector<16xf32>,
      %scan3A_245 = arith.constant 0 : i32
      scf.yield %scan3A_245 : i32
    }
    %scan3A_50 = arith.constant 128 : i32
    "tpu.region"() ({
      %run_scoped3A = tpu.sem_alloc : memref<!tpu.dma_semaphore, #tpu.memory_space<semaphore_mem>>
      %dma_start3A_138 = arith.constant 0 : i32
      %dma_start3A_139 = tpu.memref_slice %arg7[%add3A_35, %dma_start3A_138] : memref<16384x64xf32, #tpu.memory_space<hbm>> -> memref<128x64xf32, #tpu.memory_space<hbm>>
      %dma_start3A_140 = arith.constant 0 : i32
      %dma_start3A_141 = tpu.memref_slice %arg7[%add3A_35, %dma_start3A_140] : memref<16384x64xf32, #tpu.memory_space<hbm>> -> memref<128x64xf32, #tpu.memory_space<hbm>>
      tpu.enqueue_dma source(%arg13 : memref<128x64xf32, #tpu.memory_space<vmem>>) target(%dma_start3A_141 : memref<128x64xf32, #tpu.memory_space<hbm>>) target_semaphore(%run_scoped3A : memref<!tpu.dma_semaphore, #tpu.memory_space<semaphore_mem>>)
      %dma_wait3A_142 = arith.constant 0 : i32
      %dma_wait3A_143 = tpu.memref_slice %arg7[%add3A_35, %dma_wait3A_142] : memref<16384x64xf32, #tpu.memory_space<hbm>> -> memref<128x64xf32, #tpu.memory_space<hbm>>
      %dma_wait3A_144 = arith.constant 0 : i32
      %dma_wait3A_145 = tpu.memref_slice %arg7[%add3A_35, %dma_wait3A_144] : memref<16384x64xf32, #tpu.memory_space<hbm>> -> memref<128x64xf32, #tpu.memory_space<hbm>>
      tpu.wait_dma2 semaphore(%run_scoped3A : memref<!tpu.dma_semaphore, #tpu.memory_space<semaphore_mem>>) src(%arg13 : memref<128x64xf32, #tpu.memory_space<vmem>>) dst(%dma_wait3A_145 : memref<128x64xf32, #tpu.memory_space<hbm>>)
      tpu.yield
    }) : () -> ()
    %add3A_51 = arith.constant 384 : i32
    %add3A_52 = arith.addi %mul3A_2, %add3A_51 : i32
    %mul3A_53 = arith.constant 3 : i32
    %mul3A_54 = arith.muli %add3A_52, %mul3A_53 : i32
    "tpu.region"() ({
      %run_scoped3A = tpu.sem_alloc : memref<!tpu.dma_semaphore, #tpu.memory_space<semaphore_mem>>
      %dma_start3A_138 = tpu.memref_slice %arg5[%mul3A_54] : memref<49152xi32, #tpu.memory_space<hbm>> -> memref<384xi32, #tpu.memory_space<hbm>>
      %dma_start3A_139 = tpu.memref_slice %arg5[%mul3A_54] : memref<49152xi32, #tpu.memory_space<hbm>> -> memref<384xi32, #tpu.memory_space<hbm>>
      tpu.enqueue_dma source(%dma_start3A_139 : memref<384xi32, #tpu.memory_space<hbm>>) target(%arg11 : memref<384xi32, #tpu.memory_space<vmem>>) target_semaphore(%run_scoped3A : memref<!tpu.dma_semaphore, #tpu.memory_space<semaphore_mem>>)
      %dma_wait3A_140 = tpu.memref_slice %arg5[%mul3A_54] : memref<49152xi32, #tpu.memory_space<hbm>> -> memref<384xi32, #tpu.memory_space<hbm>>
      %dma_wait3A_141 = tpu.memref_slice %arg5[%mul3A_54] : memref<49152xi32, #tpu.memory_space<hbm>> -> memref<384xi32, #tpu.memory_space<hbm>>
      tpu.wait_dma2 semaphore(%run_scoped3A : memref<!tpu.dma_semaphore, #tpu.memory_space<semaphore_mem>>) src(%dma_wait3A_141 : memref<384xi32, #tpu.memory_space<hbm>>) dst(%arg11 : memref<384xi32, #tpu.memory_space<vmem>>)
      tpu.yield
    }) : () -> ()
    %dma_start3A_55 = arith.constant 0 : i32
    %dma_start3A_56 = arith.constant 0 : i32
    %dma_start3A_57 = tpu.memref_slice %arg3[%dma_start3A_55, %dma_start3A_56] : memref<13x128xf32, #tpu.memory_space<hbm>> -> memref<13x128xf32, #tpu.memory_space<hbm>>
    tpu.enqueue_indirect_dma source(%dma_start3A_57 : memref<13x128xf32, #tpu.memory_space<hbm>>) target(%arg12 : memref<384x128xf32, #tpu.memory_space<vmem>>) offsets(%arg11 : memref<384xi32, #tpu.memory_space<vmem>>) semaphore(%arg14 : memref<!tpu.dma_semaphore, #tpu.memory_space<semaphore_mem>>)
    %dma_wait3A_58 = arith.constant 0 : i32
    %dma_wait3A_59 = arith.constant 0 : i32
    %dma_wait3A_60 = tpu.memref_slice %arg3[%dma_wait3A_58, %dma_wait3A_59] : memref<13x128xf32, #tpu.memory_space<hbm>> -> memref<13x128xf32, #tpu.memory_space<hbm>>
    tpu.wait_indirect_dma semaphore(%arg14 : memref<!tpu.dma_semaphore, #tpu.memory_space<semaphore_mem>>) src(%dma_wait3A_60 : memref<13x128xf32, #tpu.memory_space<hbm>>) dst(%arg12 : memref<384x128xf32, #tpu.memory_space<vmem>>)
    %scan3A_61 = arith.constant 0 : i32
    %scan3A_62 = arith.constant 0 : i32
    %scan3A_63 = arith.constant 128 : i32
    %scan3A_64 = arith.addi %scan3A_62, %scan3A_63 : i32
    %scan3A_65 = arith.constant 1 : i32
    %scan3A_66 = scf.for %scan3A_138 = %scan3A_62 to %scan3A_64 step %scan3A_65 iter_args(%scan3A_139 = %scan3A_61) -> (i32)  : i32 {
      %mul3A_140 = arith.constant 3 : i32
      %mul3A_141 = arith.muli %mul3A_140, %scan3A_138 : i32
      %get3A = arith.index_cast %mul3A_141 : i32 to index
      %get3A_142 = arith.constant 0 : index
      %get3A_143 = tpu.vector_load %arg12[%get3A, %get3A_142] {strides = array<i32>} : memref<384x128xf32, #tpu.memory_space<vmem>>, vector<16xf32>,
      %mul3A_144 = arith.constant 3 : i32
      %mul3A_145 = arith.muli %mul3A_144, %scan3A_138 : i32
      %add3A_146 = arith.constant 1 : i32
      %add3A_147 = arith.addi %mul3A_145, %add3A_146 : i32
      %get3A_148 = arith.index_cast %add3A_147 : i32 to index
      %get3A_149 = arith.constant 0 : index
      %get3A_150 = tpu.vector_load %arg12[%get3A_148, %get3A_149] {strides = array<i32>} : memref<384x128xf32, #tpu.memory_space<vmem>>, vector<16xf32>,
      %add3A_151 = arith.addf %get3A_143, %get3A_150 : vector<16xf32>
      %mul3A_152 = arith.constant 3 : i32
      %mul3A_153 = arith.muli %mul3A_152, %scan3A_138 : i32
      %add3A_154 = arith.constant 2 : i32
      %add3A_155 = arith.addi %mul3A_153, %add3A_154 : i32
      %get3A_156 = arith.index_cast %add3A_155 : i32 to index
      %get3A_157 = arith.constant 0 : index
      %get3A_158 = tpu.vector_load %arg12[%get3A_156, %get3A_157] {strides = array<i32>} : memref<384x128xf32, #tpu.memory_space<vmem>>, vector<16xf32>,
      %add3A_159 = arith.addf %add3A_151, %get3A_158 : vector<16xf32>
      %max3A = arith.constant 0.000000e+00 : f32
      %max3A_160 = vector.broadcast %max3A : f32 to vector<16xf32>
      %max3A_161 = arith.maximumf %add3A_159, %max3A_160 : vector<16xf32>
      %swap3A = arith.index_cast %scan3A_138 : i32 to index
      %swap3A_162 = arith.constant 0 : index
      %swap3A_163 = tpu.vector_load %arg13[%swap3A, %swap3A_162] {strides = array<i32>} : memref<128x64xf32, #tpu.memory_space<vmem>>, vector<16xf32>,
      tpu.vector_store %arg13[%swap3A, %swap3A_162], %max3A_161 {strides = array<i32>} : memref<128x64xf32, #tpu.memory_space<vmem>>, vector<16xf32>,
      %mul3A_164 = arith.constant 3 : i32
      %mul3A_165 = arith.muli %mul3A_164, %scan3A_138 : i32
      %get3A_166 = arith.index_cast %mul3A_165 : i32 to index
      %get3A_167 = arith.constant 16 : index
      %get3A_168 = tpu.vector_load %arg12[%get3A_166, %get3A_167] {strides = array<i32>} : memref<384x128xf32, #tpu.memory_space<vmem>>, vector<16xf32>,
      %mul3A_169 = arith.constant 3 : i32
      %mul3A_170 = arith.muli %mul3A_169, %scan3A_138 : i32
      %add3A_171 = arith.constant 1 : i32
      %add3A_172 = arith.addi %mul3A_170, %add3A_171 : i32
      %get3A_173 = arith.index_cast %add3A_172 : i32 to index
      %get3A_174 = arith.constant 16 : index
      %get3A_175 = tpu.vector_load %arg12[%get3A_173, %get3A_174] {strides = array<i32>} : memref<384x128xf32, #tpu.memory_space<vmem>>, vector<16xf32>,
      %add3A_176 = arith.addf %get3A_168, %get3A_175 : vector<16xf32>
      %mul3A_177 = arith.constant 3 : i32
      %mul3A_178 = arith.muli %mul3A_177, %scan3A_138 : i32
      %add3A_179 = arith.constant 2 : i32
      %add3A_180 = arith.addi %mul3A_178, %add3A_179 : i32
      %get3A_181 = arith.index_cast %add3A_180 : i32 to index
      %get3A_182 = arith.constant 16 : index
      %get3A_183 = tpu.vector_load %arg12[%get3A_181, %get3A_182] {strides = array<i32>} : memref<384x128xf32, #tpu.memory_space<vmem>>, vector<16xf32>,
      %add3A_184 = arith.addf %add3A_176, %get3A_183 : vector<16xf32>
      %max3A_185 = arith.constant 0.000000e+00 : f32
      %max3A_186 = vector.broadcast %max3A_185 : f32 to vector<16xf32>
      %max3A_187 = arith.maximumf %add3A_184, %max3A_186 : vector<16xf32>
      %swap3A_188 = arith.index_cast %scan3A_138 : i32 to index
      %swap3A_189 = arith.constant 16 : index
      %swap3A_190 = tpu.vector_load %arg13[%swap3A_188, %swap3A_189] {strides = array<i32>} : memref<128x64xf32, #tpu.memory_space<vmem>>, vector<16xf32>,
      tpu.vector_store %arg13[%swap3A_188, %swap3A_189], %max3A_187 {strides = array<i32>} : memref<128x64xf32, #tpu.memory_space<vmem>>, vector<16xf32>,
      %mul3A_191 = arith.constant 3 : i32
      %mul3A_192 = arith.muli %mul3A_191, %scan3A_138 : i32
      %get3A_193 = arith.index_cast %mul3A_192 : i32 to index
      %get3A_194 = arith.constant 32 : index
      %get3A_195 = tpu.vector_load %arg12[%get3A_193, %get3A_194] {strides = array<i32>} : memref<384x128xf32, #tpu.memory_space<vmem>>, vector<16xf32>,
      %mul3A_196 = arith.constant 3 : i32
      %mul3A_197 = arith.muli %mul3A_196, %scan3A_138 : i32
      %add3A_198 = arith.constant 1 : i32
      %add3A_199 = arith.addi %mul3A_197, %add3A_198 : i32
      %get3A_200 = arith.index_cast %add3A_199 : i32 to index
      %get3A_201 = arith.constant 32 : index
      %get3A_202 = tpu.vector_load %arg12[%get3A_200, %get3A_201] {strides = array<i32>} : memref<384x128xf32, #tpu.memory_space<vmem>>, vector<16xf32>,
      %add3A_203 = arith.addf %get3A_195, %get3A_202 : vector<16xf32>
      %mul3A_204 = arith.constant 3 : i32
      %mul3A_205 = arith.muli %mul3A_204, %scan3A_138 : i32
      %add3A_206 = arith.constant 2 : i32
      %add3A_207 = arith.addi %mul3A_205, %add3A_206 : i32
      %get3A_208 = arith.index_cast %add3A_207 : i32 to index
      %get3A_209 = arith.constant 32 : index
      %get3A_210 = tpu.vector_load %arg12[%get3A_208, %get3A_209] {strides = array<i32>} : memref<384x128xf32, #tpu.memory_space<vmem>>, vector<16xf32>,
      %add3A_211 = arith.addf %add3A_203, %get3A_210 : vector<16xf32>
      %max3A_212 = arith.constant 0.000000e+00 : f32
      %max3A_213 = vector.broadcast %max3A_212 : f32 to vector<16xf32>
      %max3A_214 = arith.maximumf %add3A_211, %max3A_213 : vector<16xf32>
      %swap3A_215 = arith.index_cast %scan3A_138 : i32 to index
      %swap3A_216 = arith.constant 32 : index
      %swap3A_217 = tpu.vector_load %arg13[%swap3A_215, %swap3A_216] {strides = array<i32>} : memref<128x64xf32, #tpu.memory_space<vmem>>, vector<16xf32>,
      tpu.vector_store %arg13[%swap3A_215, %swap3A_216], %max3A_214 {strides = array<i32>} : memref<128x64xf32, #tpu.memory_space<vmem>>, vector<16xf32>,
      %mul3A_218 = arith.constant 3 : i32
      %mul3A_219 = arith.muli %mul3A_218, %scan3A_138 : i32
      %get3A_220 = arith.index_cast %mul3A_219 : i32 to index
      %get3A_221 = arith.constant 48 : index
      %get3A_222 = tpu.vector_load %arg12[%get3A_220, %get3A_221] {strides = array<i32>} : memref<384x128xf32, #tpu.memory_space<vmem>>, vector<16xf32>,
      %mul3A_223 = arith.constant 3 : i32
      %mul3A_224 = arith.muli %mul3A_223, %scan3A_138 : i32
      %add3A_225 = arith.constant 1 : i32
      %add3A_226 = arith.addi %mul3A_224, %add3A_225 : i32
      %get3A_227 = arith.index_cast %add3A_226 : i32 to index
      %get3A_228 = arith.constant 48 : index
      %get3A_229 = tpu.vector_load %arg12[%get3A_227, %get3A_228] {strides = array<i32>} : memref<384x128xf32, #tpu.memory_space<vmem>>, vector<16xf32>,
      %add3A_230 = arith.addf %get3A_222, %get3A_229 : vector<16xf32>
      %mul3A_231 = arith.constant 3 : i32
      %mul3A_232 = arith.muli %mul3A_231, %scan3A_138 : i32
      %add3A_233 = arith.constant 2 : i32
      %add3A_234 = arith.addi %mul3A_232, %add3A_233 : i32
      %get3A_235 = arith.index_cast %add3A_234 : i32 to index
      %get3A_236 = arith.constant 48 : index
      %get3A_237 = tpu.vector_load %arg12[%get3A_235, %get3A_236] {strides = array<i32>} : memref<384x128xf32, #tpu.memory_space<vmem>>, vector<16xf32>,
      %add3A_238 = arith.addf %add3A_230, %get3A_237 : vector<16xf32>
      %max3A_239 = arith.constant 0.000000e+00 : f32
      %max3A_240 = vector.broadcast %max3A_239 : f32 to vector<16xf32>
      %max3A_241 = arith.maximumf %add3A_238, %max3A_240 : vector<16xf32>
      %swap3A_242 = arith.index_cast %scan3A_138 : i32 to index
      %swap3A_243 = arith.constant 48 : index
      %swap3A_244 = tpu.vector_load %arg13[%swap3A_242, %swap3A_243] {strides = array<i32>} : memref<128x64xf32, #tpu.memory_space<vmem>>, vector<16xf32>,
      tpu.vector_store %arg13[%swap3A_242, %swap3A_243], %max3A_241 {strides = array<i32>} : memref<128x64xf32, #tpu.memory_space<vmem>>, vector<16xf32>,
      %scan3A_245 = arith.constant 0 : i32
      scf.yield %scan3A_245 : i32
    }
    %scan3A_67 = arith.constant 128 : i32
    "tpu.region"() ({
      %run_scoped3A = tpu.sem_alloc : memref<!tpu.dma_semaphore, #tpu.memory_space<semaphore_mem>>
      %dma_start3A_138 = arith.constant 0 : i32
      %dma_start3A_139 = tpu.memref_slice %arg7[%add3A_52, %dma_start3A_138] : memref<16384x64xf32, #tpu.memory_space<hbm>> -> memref<128x64xf32, #tpu.memory_space<hbm>>
      %dma_start3A_140 = arith.constant 0 : i32
      %dma_start3A_141 = tpu.memref_slice %arg7[%add3A_52, %dma_start3A_140] : memref<16384x64xf32, #tpu.memory_space<hbm>> -> memref<128x64xf32, #tpu.memory_space<hbm>>
      tpu.enqueue_dma source(%arg13 : memref<128x64xf32, #tpu.memory_space<vmem>>) target(%dma_start3A_141 : memref<128x64xf32, #tpu.memory_space<hbm>>) target_semaphore(%run_scoped3A : memref<!tpu.dma_semaphore, #tpu.memory_space<semaphore_mem>>)
      %dma_wait3A_142 = arith.constant 0 : i32
      %dma_wait3A_143 = tpu.memref_slice %arg7[%add3A_52, %dma_wait3A_142] : memref<16384x64xf32, #tpu.memory_space<hbm>> -> memref<128x64xf32, #tpu.memory_space<hbm>>
      %dma_wait3A_144 = arith.constant 0 : i32
      %dma_wait3A_145 = tpu.memref_slice %arg7[%add3A_52, %dma_wait3A_144] : memref<16384x64xf32, #tpu.memory_space<hbm>> -> memref<128x64xf32, #tpu.memory_space<hbm>>
      tpu.wait_dma2 semaphore(%run_scoped3A : memref<!tpu.dma_semaphore, #tpu.memory_space<semaphore_mem>>) src(%arg13 : memref<128x64xf32, #tpu.memory_space<vmem>>) dst(%dma_wait3A_145 : memref<128x64xf32, #tpu.memory_space<hbm>>)
      tpu.yield
    }) : () -> ()
    %mul3A_68 = arith.constant 128 : i32
    %mul3A_69 = arith.muli %add3A, %mul3A_68 : i32
    %add3A_70 = arith.constant 0 : i32
    %add3A_71 = arith.addi %mul3A_69, %add3A_70 : i32
    %mul3A_72 = arith.constant 9 : i32
    %mul3A_73 = arith.muli %add3A_71, %mul3A_72 : i32
    "tpu.region"() ({
      %run_scoped3A = tpu.sem_alloc : memref<!tpu.dma_semaphore, #tpu.memory_space<semaphore_mem>>
      %dma_start3A_138 = tpu.memref_slice %arg4[%mul3A_73] : memref<36864xi32, #tpu.memory_space<hbm>> -> memref<288xi32, #tpu.memory_space<hbm>>
      %dma_start3A_139 = tpu.memref_slice %arg4[%mul3A_73] : memref<36864xi32, #tpu.memory_space<hbm>> -> memref<288xi32, #tpu.memory_space<hbm>>
      tpu.enqueue_dma source(%dma_start3A_139 : memref<288xi32, #tpu.memory_space<hbm>>) target(%arg8 : memref<288xi32, #tpu.memory_space<vmem>>) target_semaphore(%run_scoped3A : memref<!tpu.dma_semaphore, #tpu.memory_space<semaphore_mem>>)
      %dma_wait3A_140 = tpu.memref_slice %arg4[%mul3A_73] : memref<36864xi32, #tpu.memory_space<hbm>> -> memref<288xi32, #tpu.memory_space<hbm>>
      %dma_wait3A_141 = tpu.memref_slice %arg4[%mul3A_73] : memref<36864xi32, #tpu.memory_space<hbm>> -> memref<288xi32, #tpu.memory_space<hbm>>
      tpu.wait_dma2 semaphore(%run_scoped3A : memref<!tpu.dma_semaphore, #tpu.memory_space<semaphore_mem>>) src(%dma_wait3A_141 : memref<288xi32, #tpu.memory_space<hbm>>) dst(%arg8 : memref<288xi32, #tpu.memory_space<vmem>>)
      tpu.yield
    }) : () -> ()
    %dma_start3A_74 = arith.constant 0 : i32
    %dma_start3A_75 = arith.constant 0 : i32
    %dma_start3A_76 = tpu.memref_slice %arg2[%dma_start3A_74, %dma_start3A_75] : memref<577x128xf32, #tpu.memory_space<hbm>> -> memref<577x128xf32, #tpu.memory_space<hbm>>
    tpu.enqueue_indirect_dma source(%dma_start3A_76 : memref<577x128xf32, #tpu.memory_space<hbm>>) target(%arg9 : memref<288x128xf32, #tpu.memory_space<vmem>>) offsets(%arg8 : memref<288xi32, #tpu.memory_space<vmem>>) semaphore(%arg14 : memref<!tpu.dma_semaphore, #tpu.memory_space<semaphore_mem>>)
    %dma_wait3A_77 = arith.constant 0 : i32
    %dma_wait3A_78 = arith.constant 0 : i32
    %dma_wait3A_79 = tpu.memref_slice %arg2[%dma_wait3A_77, %dma_wait3A_78] : memref<577x128xf32, #tpu.memory_space<hbm>> -> memref<577x128xf32, #tpu.memory_space<hbm>>
    tpu.wait_indirect_dma semaphore(%arg14 : memref<!tpu.dma_semaphore, #tpu.memory_space<semaphore_mem>>) src(%dma_wait3A_79 : memref<577x128xf32, #tpu.memory_space<hbm>>) dst(%arg9 : memref<288x128xf32, #tpu.memory_space<vmem>>)
    %scan3A_80 = arith.constant 0 : i32
    %scan3A_81 = arith.constant 0 : i32
    %scan3A_82 = arith.constant 32 : i32
    %scan3A_83 = arith.addi %scan3A_81, %scan3A_82 : i32
    %scan3A_84 = arith.constant 1 : i32
    %scan3A_85 = scf.for %scan3A_138 = %scan3A_81 to %scan3A_83 step %scan3A_84 iter_args(%scan3A_139 = %scan3A_80) -> (i32)  : i32 {
      %mul3A_140 = arith.constant 9 : i32
      %mul3A_141 = arith.muli %scan3A_138, %mul3A_140 : i32
      %get3A = arith.index_cast %mul3A_141 : i32 to index
      %get3A_142 = arith.constant 0 : index
      %get3A_143 = tpu.vector_load %arg9[%get3A, %get3A_142] {strides = array<i32>} : memref<288x128xf32, #tpu.memory_space<vmem>>, vector<16xf32>,
      %mul3A_144 = arith.constant 9 : i32
      %mul3A_145 = arith.muli %scan3A_138, %mul3A_144 : i32
      %add3A_146 = arith.constant 1 : i32
      %add3A_147 = arith.addi %mul3A_145, %add3A_146 : i32
      %get3A_148 = arith.index_cast %add3A_147 : i32 to index
      %get3A_149 = arith.constant 0 : index
      %get3A_150 = tpu.vector_load %arg9[%get3A_148, %get3A_149] {strides = array<i32>} : memref<288x128xf32, #tpu.memory_space<vmem>>, vector<16xf32>,
      %add3A_151 = arith.addf %get3A_143, %get3A_150 : vector<16xf32>
      %mul3A_152 = arith.constant 9 : i32
      %mul3A_153 = arith.muli %scan3A_138, %mul3A_152 : i32
      %add3A_154 = arith.constant 2 : i32
      %add3A_155 = arith.addi %mul3A_153, %add3A_154 : i32
      %get3A_156 = arith.index_cast %add3A_155 : i32 to index
      %get3A_157 = arith.constant 0 : index
      %get3A_158 = tpu.vector_load %arg9[%get3A_156, %get3A_157] {strides = array<i32>} : memref<288x128xf32, #tpu.memory_space<vmem>>, vector<16xf32>,
      %add3A_159 = arith.addf %add3A_151, %get3A_158 : vector<16xf32>
      %mul3A_160 = arith.constant 9 : i32
      %mul3A_161 = arith.muli %scan3A_138, %mul3A_160 : i32
      %add3A_162 = arith.constant 3 : i32
      %add3A_163 = arith.addi %mul3A_161, %add3A_162 : i32
      %get3A_164 = arith.index_cast %add3A_163 : i32 to index
      %get3A_165 = arith.constant 0 : index
      %get3A_166 = tpu.vector_load %arg9[%get3A_164, %get3A_165] {strides = array<i32>} : memref<288x128xf32, #tpu.memory_space<vmem>>, vector<16xf32>,
      %add3A_167 = arith.addf %add3A_159, %get3A_166 : vector<16xf32>
      %mul3A_168 = arith.constant 9 : i32
      %mul3A_169 = arith.muli %scan3A_138, %mul3A_168 : i32
      %add3A_170 = arith.constant 4 : i32
      %add3A_171 = arith.addi %mul3A_169, %add3A_170 : i32
      %get3A_172 = arith.index_cast %add3A_171 : i32 to index
      %get3A_173 = arith.constant 0 : index
      %get3A_174 = tpu.vector_load %arg9[%get3A_172, %get3A_173] {strides = array<i32>} : memref<288x128xf32, #tpu.memory_space<vmem>>, vector<16xf32>,
      %add3A_175 = arith.addf %add3A_167, %get3A_174 : vector<16xf32>
      %mul3A_176 = arith.constant 9 : i32
      %mul3A_177 = arith.muli %scan3A_138, %mul3A_176 : i32
      %add3A_178 = arith.constant 5 : i32
      %add3A_179 = arith.addi %mul3A_177, %add3A_178 : i32
      %get3A_180 = arith.index_cast %add3A_179 : i32 to index
      %get3A_181 = arith.constant 0 : index
      %get3A_182 = tpu.vector_load %arg9[%get3A_180, %get3A_181] {strides = array<i32>} : memref<288x128xf32, #tpu.memory_space<vmem>>, vector<16xf32>,
      %add3A_183 = arith.addf %add3A_175, %get3A_182 : vector<16xf32>
      %mul3A_184 = arith.constant 9 : i32
      %mul3A_185 = arith.muli %scan3A_138, %mul3A_184 : i32
      %add3A_186 = arith.constant 6 : i32
      %add3A_187 = arith.addi %mul3A_185, %add3A_186 : i32
      %get3A_188 = arith.index_cast %add3A_187 : i32 to index
      %get3A_189 = arith.constant 0 : index
      %get3A_190 = tpu.vector_load %arg9[%get3A_188, %get3A_189] {strides = array<i32>} : memref<288x128xf32, #tpu.memory_space<vmem>>, vector<16xf32>,
      %add3A_191 = arith.addf %add3A_183, %get3A_190 : vector<16xf32>
      %mul3A_192 = arith.constant 9 : i32
      %mul3A_193 = arith.muli %scan3A_138, %mul3A_192 : i32
      %add3A_194 = arith.constant 7 : i32
      %add3A_195 = arith.addi %mul3A_193, %add3A_194 : i32
      %get3A_196 = arith.index_cast %add3A_195 : i32 to index
      %get3A_197 = arith.constant 0 : index
      %get3A_198 = tpu.vector_load %arg9[%get3A_196, %get3A_197] {strides = array<i32>} : memref<288x128xf32, #tpu.memory_space<vmem>>, vector<16xf32>,
      %add3A_199 = arith.addf %add3A_191, %get3A_198 : vector<16xf32>
      %mul3A_200 = arith.constant 9 : i32
      %mul3A_201 = arith.muli %scan3A_138, %mul3A_200 : i32
      %add3A_202 = arith.constant 8 : i32
      %add3A_203 = arith.addi %mul3A_201, %add3A_202 : i32
      %get3A_204 = arith.index_cast %add3A_203 : i32 to index
      %get3A_205 = arith.constant 0 : index
      %get3A_206 = tpu.vector_load %arg9[%get3A_204, %get3A_205] {strides = array<i32>} : memref<288x128xf32, #tpu.memory_space<vmem>>, vector<16xf32>,
      %add3A_207 = arith.addf %add3A_199, %get3A_206 : vector<16xf32>
      %max3A = arith.constant 0.000000e+00 : f32
      %max3A_208 = vector.broadcast %max3A : f32 to vector<16xf32>
      %max3A_209 = arith.maximumf %add3A_207, %max3A_208 : vector<16xf32>
      %swap3A = arith.index_cast %scan3A_138 : i32 to index
      %swap3A_210 = arith.constant 0 : index
      %swap3A_211 = tpu.vector_load %arg10[%swap3A, %swap3A_210] {strides = array<i32>} : memref<32x64xf32, #tpu.memory_space<vmem>>, vector<16xf32>,
      tpu.vector_store %arg10[%swap3A, %swap3A_210], %max3A_209 {strides = array<i32>} : memref<32x64xf32, #tpu.memory_space<vmem>>, vector<16xf32>,
      %mul3A_212 = arith.constant 9 : i32
      %mul3A_213 = arith.muli %scan3A_138, %mul3A_212 : i32
      %get3A_214 = arith.index_cast %mul3A_213 : i32 to index
      %get3A_215 = arith.constant 16 : index
      %get3A_216 = tpu.vector_load %arg9[%get3A_214, %get3A_215] {strides = array<i32>} : memref<288x128xf32, #tpu.memory_space<vmem>>, vector<16xf32>,
      %mul3A_217 = arith.constant 9 : i32
      %mul3A_218 = arith.muli %scan3A_138, %mul3A_217 : i32
      %add3A_219 = arith.constant 1 : i32
      %add3A_220 = arith.addi %mul3A_218, %add3A_219 : i32
      %get3A_221 = arith.index_cast %add3A_220 : i32 to index
      %get3A_222 = arith.constant 16 : index
      %get3A_223 = tpu.vector_load %arg9[%get3A_221, %get3A_222] {strides = array<i32>} : memref<288x128xf32, #tpu.memory_space<vmem>>, vector<16xf32>,
      %add3A_224 = arith.addf %get3A_216, %get3A_223 : vector<16xf32>
      %mul3A_225 = arith.constant 9 : i32
      %mul3A_226 = arith.muli %scan3A_138, %mul3A_225 : i32
      %add3A_227 = arith.constant 2 : i32
      %add3A_228 = arith.addi %mul3A_226, %add3A_227 : i32
      %get3A_229 = arith.index_cast %add3A_228 : i32 to index
      %get3A_230 = arith.constant 16 : index
      %get3A_231 = tpu.vector_load %arg9[%get3A_229, %get3A_230] {strides = array<i32>} : memref<288x128xf32, #tpu.memory_space<vmem>>, vector<16xf32>,
      %add3A_232 = arith.addf %add3A_224, %get3A_231 : vector<16xf32>
      %mul3A_233 = arith.constant 9 : i32
      %mul3A_234 = arith.muli %scan3A_138, %mul3A_233 : i32
      %add3A_235 = arith.constant 3 : i32
      %add3A_236 = arith.addi %mul3A_234, %add3A_235 : i32
      %get3A_237 = arith.index_cast %add3A_236 : i32 to index
      %get3A_238 = arith.constant 16 : index
      %get3A_239 = tpu.vector_load %arg9[%get3A_237, %get3A_238] {strides = array<i32>} : memref<288x128xf32, #tpu.memory_space<vmem>>, vector<16xf32>,
      %add3A_240 = arith.addf %add3A_232, %get3A_239 : vector<16xf32>
      %mul3A_241 = arith.constant 9 : i32
      %mul3A_242 = arith.muli %scan3A_138, %mul3A_241 : i32
      %add3A_243 = arith.constant 4 : i32
      %add3A_244 = arith.addi %mul3A_242, %add3A_243 : i32
      %get3A_245 = arith.index_cast %add3A_244 : i32 to index
      %get3A_246 = arith.constant 16 : index
      %get3A_247 = tpu.vector_load %arg9[%get3A_245, %get3A_246] {strides = array<i32>} : memref<288x128xf32, #tpu.memory_space<vmem>>, vector<16xf32>,
      %add3A_248 = arith.addf %add3A_240, %get3A_247 : vector<16xf32>
      %mul3A_249 = arith.constant 9 : i32
      %mul3A_250 = arith.muli %scan3A_138, %mul3A_249 : i32
      %add3A_251 = arith.constant 5 : i32
      %add3A_252 = arith.addi %mul3A_250, %add3A_251 : i32
      %get3A_253 = arith.index_cast %add3A_252 : i32 to index
      %get3A_254 = arith.constant 16 : index
      %get3A_255 = tpu.vector_load %arg9[%get3A_253, %get3A_254] {strides = array<i32>} : memref<288x128xf32, #tpu.memory_space<vmem>>, vector<16xf32>,
      %add3A_256 = arith.addf %add3A_248, %get3A_255 : vector<16xf32>
      %mul3A_257 = arith.constant 9 : i32
      %mul3A_258 = arith.muli %scan3A_138, %mul3A_257 : i32
      %add3A_259 = arith.constant 6 : i32
      %add3A_260 = arith.addi %mul3A_258, %add3A_259 : i32
      %get3A_261 = arith.index_cast %add3A_260 : i32 to index
      %get3A_262 = arith.constant 16 : index
      %get3A_263 = tpu.vector_load %arg9[%get3A_261, %get3A_262] {strides = array<i32>} : memref<288x128xf32, #tpu.memory_space<vmem>>, vector<16xf32>,
      %add3A_264 = arith.addf %add3A_256, %get3A_263 : vector<16xf32>
      %mul3A_265 = arith.constant 9 : i32
      %mul3A_266 = arith.muli %scan3A_138, %mul3A_265 : i32
      %add3A_267 = arith.constant 7 : i32
      %add3A_268 = arith.addi %mul3A_266, %add3A_267 : i32
      %get3A_269 = arith.index_cast %add3A_268 : i32 to index
      %get3A_270 = arith.constant 16 : index
      %get3A_271 = tpu.vector_load %arg9[%get3A_269, %get3A_270] {strides = array<i32>} : memref<288x128xf32, #tpu.memory_space<vmem>>, vector<16xf32>,
      %add3A_272 = arith.addf %add3A_264, %get3A_271 : vector<16xf32>
      %mul3A_273 = arith.constant 9 : i32
      %mul3A_274 = arith.muli %scan3A_138, %mul3A_273 : i32
      %add3A_275 = arith.constant 8 : i32
      %add3A_276 = arith.addi %mul3A_274, %add3A_275 : i32
      %get3A_277 = arith.index_cast %add3A_276 : i32 to index
      %get3A_278 = arith.constant 16 : index
      %get3A_279 = tpu.vector_load %arg9[%get3A_277, %get3A_278] {strides = array<i32>} : memref<288x128xf32, #tpu.memory_space<vmem>>, vector<16xf32>,
      %add3A_280 = arith.addf %add3A_272, %get3A_279 : vector<16xf32>
      %max3A_281 = arith.constant 0.000000e+00 : f32
      %max3A_282 = vector.broadcast %max3A_281 : f32 to vector<16xf32>
      %max3A_283 = arith.maximumf %add3A_280, %max3A_282 : vector<16xf32>
      %swap3A_284 = arith.index_cast %scan3A_138 : i32 to index
      %swap3A_285 = arith.constant 16 : index
      %swap3A_286 = tpu.vector_load %arg10[%swap3A_284, %swap3A_285] {strides = array<i32>} : memref<32x64xf32, #tpu.memory_space<vmem>>, vector<16xf32>,
      tpu.vector_store %arg10[%swap3A_284, %swap3A_285], %max3A_283 {strides = array<i32>} : memref<32x64xf32, #tpu.memory_space<vmem>>, vector<16xf32>,
      %mul3A_287 = arith.constant 9 : i32
      %mul3A_288 = arith.muli %scan3A_138, %mul3A_287 : i32
      %get3A_289 = arith.index_cast %mul3A_288 : i32 to index
      %get3A_290 = arith.constant 32 : index
      %get3A_291 = tpu.vector_load %arg9[%get3A_289, %get3A_290] {strides = array<i32>} : memref<288x128xf32, #tpu.memory_space<vmem>>, vector<16xf32>,
      %mul3A_292 = arith.constant 9 : i32
      %mul3A_293 = arith.muli %scan3A_138, %mul3A_292 : i32
      %add3A_294 = arith.constant 1 : i32
      %add3A_295 = arith.addi %mul3A_293, %add3A_294 : i32
      %get3A_296 = arith.index_cast %add3A_295 : i32 to index
      %get3A_297 = arith.constant 32 : index
      %get3A_298 = tpu.vector_load %arg9[%get3A_296, %get3A_297] {strides = array<i32>} : memref<288x128xf32, #tpu.memory_space<vmem>>, vector<16xf32>,
      %add3A_299 = arith.addf %get3A_291, %get3A_298 : vector<16xf32>
      %mul3A_300 = arith.constant 9 : i32
      %mul3A_301 = arith.muli %scan3A_138, %mul3A_300 : i32
      %add3A_302 = arith.constant 2 : i32
      %add3A_303 = arith.addi %mul3A_301, %add3A_302 : i32
      %get3A_304 = arith.index_cast %add3A_303 : i32 to index
      %get3A_305 = arith.constant 32 : index
      %get3A_306 = tpu.vector_load %arg9[%get3A_304, %get3A_305] {strides = array<i32>} : memref<288x128xf32, #tpu.memory_space<vmem>>, vector<16xf32>,
      %add3A_307 = arith.addf %add3A_299, %get3A_306 : vector<16xf32>
      %mul3A_308 = arith.constant 9 : i32
      %mul3A_309 = arith.muli %scan3A_138, %mul3A_308 : i32
      %add3A_310 = arith.constant 3 : i32
      %add3A_311 = arith.addi %mul3A_309, %add3A_310 : i32
      %get3A_312 = arith.index_cast %add3A_311 : i32 to index
      %get3A_313 = arith.constant 32 : index
      %get3A_314 = tpu.vector_load %arg9[%get3A_312, %get3A_313] {strides = array<i32>} : memref<288x128xf32, #tpu.memory_space<vmem>>, vector<16xf32>,
      %add3A_315 = arith.addf %add3A_307, %get3A_314 : vector<16xf32>
      %mul3A_316 = arith.constant 9 : i32
      %mul3A_317 = arith.muli %scan3A_138, %mul3A_316 : i32
      %add3A_318 = arith.constant 4 : i32
      %add3A_319 = arith.addi %mul3A_317, %add3A_318 : i32
      %get3A_320 = arith.index_cast %add3A_319 : i32 to index
      %get3A_321 = arith.constant 32 : index
      %get3A_322 = tpu.vector_load %arg9[%get3A_320, %get3A_321] {strides = array<i32>} : memref<288x128xf32, #tpu.memory_space<vmem>>, vector<16xf32>,
      %add3A_323 = arith.addf %add3A_315, %get3A_322 : vector<16xf32>
      %mul3A_324 = arith.constant 9 : i32
      %mul3A_325 = arith.muli %scan3A_138, %mul3A_324 : i32
      %add3A_326 = arith.constant 5 : i32
      %add3A_327 = arith.addi %mul3A_325, %add3A_326 : i32
      %get3A_328 = arith.index_cast %add3A_327 : i32 to index
      %get3A_329 = arith.constant 32 : index
      %get3A_330 = tpu.vector_load %arg9[%get3A_328, %get3A_329] {strides = array<i32>} : memref<288x128xf32, #tpu.memory_space<vmem>>, vector<16xf32>,
      %add3A_331 = arith.addf %add3A_323, %get3A_330 : vector<16xf32>
      %mul3A_332 = arith.constant 9 : i32
      %mul3A_333 = arith.muli %scan3A_138, %mul3A_332 : i32
      %add3A_334 = arith.constant 6 : i32
      %add3A_335 = arith.addi %mul3A_333, %add3A_334 : i32
      %get3A_336 = arith.index_cast %add3A_335 : i32 to index
      %get3A_337 = arith.constant 32 : index
      %get3A_338 = tpu.vector_load %arg9[%get3A_336, %get3A_337] {strides = array<i32>} : memref<288x128xf32, #tpu.memory_space<vmem>>, vector<16xf32>,
      %add3A_339 = arith.addf %add3A_331, %get3A_338 : vector<16xf32>
      %mul3A_340 = arith.constant 9 : i32
      %mul3A_341 = arith.muli %scan3A_138, %mul3A_340 : i32
      %add3A_342 = arith.constant 7 : i32
      %add3A_343 = arith.addi %mul3A_341, %add3A_342 : i32
      %get3A_344 = arith.index_cast %add3A_343 : i32 to index
      %get3A_345 = arith.constant 32 : index
      %get3A_346 = tpu.vector_load %arg9[%get3A_344, %get3A_345] {strides = array<i32>} : memref<288x128xf32, #tpu.memory_space<vmem>>, vector<16xf32>,
      %add3A_347 = arith.addf %add3A_339, %get3A_346 : vector<16xf32>
      %mul3A_348 = arith.constant 9 : i32
      %mul3A_349 = arith.muli %scan3A_138, %mul3A_348 : i32
      %add3A_350 = arith.constant 8 : i32
      %add3A_351 = arith.addi %mul3A_349, %add3A_350 : i32
      %get3A_352 = arith.index_cast %add3A_351 : i32 to index
      %get3A_353 = arith.constant 32 : index
      %get3A_354 = tpu.vector_load %arg9[%get3A_352, %get3A_353] {strides = array<i32>} : memref<288x128xf32, #tpu.memory_space<vmem>>, vector<16xf32>,
      %add3A_355 = arith.addf %add3A_347, %get3A_354 : vector<16xf32>
      %max3A_356 = arith.constant 0.000000e+00 : f32
      %max3A_357 = vector.broadcast %max3A_356 : f32 to vector<16xf32>
      %max3A_358 = arith.maximumf %add3A_355, %max3A_357 : vector<16xf32>
      %swap3A_359 = arith.index_cast %scan3A_138 : i32 to index
      %swap3A_360 = arith.constant 32 : index
      %swap3A_361 = tpu.vector_load %arg10[%swap3A_359, %swap3A_360] {strides = array<i32>} : memref<32x64xf32, #tpu.memory_space<vmem>>, vector<16xf32>,
      tpu.vector_store %arg10[%swap3A_359, %swap3A_360], %max3A_358 {strides = array<i32>} : memref<32x64xf32, #tpu.memory_space<vmem>>, vector<16xf32>,
      %mul3A_362 = arith.constant 9 : i32
      %mul3A_363 = arith.muli %scan3A_138, %mul3A_362 : i32
      %get3A_364 = arith.index_cast %mul3A_363 : i32 to index
      %get3A_365 = arith.constant 48 : index
      %get3A_366 = tpu.vector_load %arg9[%get3A_364, %get3A_365] {strides = array<i32>} : memref<288x128xf32, #tpu.memory_space<vmem>>, vector<16xf32>,
      %mul3A_367 = arith.constant 9 : i32
      %mul3A_368 = arith.muli %scan3A_138, %mul3A_367 : i32
      %add3A_369 = arith.constant 1 : i32
      %add3A_370 = arith.addi %mul3A_368, %add3A_369 : i32
      %get3A_371 = arith.index_cast %add3A_370 : i32 to index
      %get3A_372 = arith.constant 48 : index
      %get3A_373 = tpu.vector_load %arg9[%get3A_371, %get3A_372] {strides = array<i32>} : memref<288x128xf32, #tpu.memory_space<vmem>>, vector<16xf32>,
      %add3A_374 = arith.addf %get3A_366, %get3A_373 : vector<16xf32>
      %mul3A_375 = arith.constant 9 : i32
      %mul3A_376 = arith.muli %scan3A_138, %mul3A_375 : i32
      %add3A_377 = arith.constant 2 : i32
      %add3A_378 = arith.addi %mul3A_376, %add3A_377 : i32
      %get3A_379 = arith.index_cast %add3A_378 : i32 to index
      %get3A_380 = arith.constant 48 : index
      %get3A_381 = tpu.vector_load %arg9[%get3A_379, %get3A_380] {strides = array<i32>} : memref<288x128xf32, #tpu.memory_space<vmem>>, vector<16xf32>,
      %add3A_382 = arith.addf %add3A_374, %get3A_381 : vector<16xf32>
      %mul3A_383 = arith.constant 9 : i32
      %mul3A_384 = arith.muli %scan3A_138, %mul3A_383 : i32
      %add3A_385 = arith.constant 3 : i32
      %add3A_386 = arith.addi %mul3A_384, %add3A_385 : i32
      %get3A_387 = arith.index_cast %add3A_386 : i32 to index
      %get3A_388 = arith.constant 48 : index
      %get3A_389 = tpu.vector_load %arg9[%get3A_387, %get3A_388] {strides = array<i32>} : memref<288x128xf32, #tpu.memory_space<vmem>>, vector<16xf32>,
      %add3A_390 = arith.addf %add3A_382, %get3A_389 : vector<16xf32>
      %mul3A_391 = arith.constant 9 : i32
      %mul3A_392 = arith.muli %scan3A_138, %mul3A_391 : i32
      %add3A_393 = arith.constant 4 : i32
      %add3A_394 = arith.addi %mul3A_392, %add3A_393 : i32
      %get3A_395 = arith.index_cast %add3A_394 : i32 to index
      %get3A_396 = arith.constant 48 : index
      %get3A_397 = tpu.vector_load %arg9[%get3A_395, %get3A_396] {strides = array<i32>} : memref<288x128xf32, #tpu.memory_space<vmem>>, vector<16xf32>,
      %add3A_398 = arith.addf %add3A_390, %get3A_397 : vector<16xf32>
      %mul3A_399 = arith.constant 9 : i32
      %mul3A_400 = arith.muli %scan3A_138, %mul3A_399 : i32
      %add3A_401 = arith.constant 5 : i32
      %add3A_402 = arith.addi %mul3A_400, %add3A_401 : i32
      %get3A_403 = arith.index_cast %add3A_402 : i32 to index
      %get3A_404 = arith.constant 48 : index
      %get3A_405 = tpu.vector_load %arg9[%get3A_403, %get3A_404] {strides = array<i32>} : memref<288x128xf32, #tpu.memory_space<vmem>>, vector<16xf32>,
      %add3A_406 = arith.addf %add3A_398, %get3A_405 : vector<16xf32>
      %mul3A_407 = arith.constant 9 : i32
      %mul3A_408 = arith.muli %scan3A_138, %mul3A_407 : i32
      %add3A_409 = arith.constant 6 : i32
      %add3A_410 = arith.addi %mul3A_408, %add3A_409 : i32
      %get3A_411 = arith.index_cast %add3A_410 : i32 to index
      %get3A_412 = arith.constant 48 : index
      %get3A_413 = tpu.vector_load %arg9[%get3A_411, %get3A_412] {strides = array<i32>} : memref<288x128xf32, #tpu.memory_space<vmem>>, vector<16xf32>,
      %add3A_414 = arith.addf %add3A_406, %get3A_413 : vector<16xf32>
      %mul3A_415 = arith.constant 9 : i32
      %mul3A_416 = arith.muli %scan3A_138, %mul3A_415 : i32
      %add3A_417 = arith.constant 7 : i32
      %add3A_418 = arith.addi %mul3A_416, %add3A_417 : i32
      %get3A_419 = arith.index_cast %add3A_418 : i32 to index
      %get3A_420 = arith.constant 48 : index
      %get3A_421 = tpu.vector_load %arg9[%get3A_419, %get3A_420] {strides = array<i32>} : memref<288x128xf32, #tpu.memory_space<vmem>>, vector<16xf32>,
      %add3A_422 = arith.addf %add3A_414, %get3A_421 : vector<16xf32>
      %mul3A_423 = arith.constant 9 : i32
      %mul3A_424 = arith.muli %scan3A_138, %mul3A_423 : i32
      %add3A_425 = arith.constant 8 : i32
      %add3A_426 = arith.addi %mul3A_424, %add3A_425 : i32
      %get3A_427 = arith.index_cast %add3A_426 : i32 to index
      %get3A_428 = arith.constant 48 : index
      %get3A_429 = tpu.vector_load %arg9[%get3A_427, %get3A_428] {strides = array<i32>} : memref<288x128xf32, #tpu.memory_space<vmem>>, vector<16xf32>,
      %add3A_430 = arith.addf %add3A_422, %get3A_429 : vector<16xf32>
      %max3A_431 = arith.constant 0.000000e+00 : f32
      %max3A_432 = vector.broadcast %max3A_431 : f32 to vector<16xf32>
      %max3A_433 = arith.maximumf %add3A_430, %max3A_432 : vector<16xf32>
      %swap3A_434 = arith.index_cast %scan3A_138 : i32 to index
      %swap3A_435 = arith.constant 48 : index
      %swap3A_436 = tpu.vector_load %arg10[%swap3A_434, %swap3A_435] {strides = array<i32>} : memref<32x64xf32, #tpu.memory_space<vmem>>, vector<16xf32>,
      tpu.vector_store %arg10[%swap3A_434, %swap3A_435], %max3A_433 {strides = array<i32>} : memref<32x64xf32, #tpu.memory_space<vmem>>, vector<16xf32>,
      %scan3A_437 = arith.constant 0 : i32
      scf.yield %scan3A_437 : i32
    }
    %scan3A_86 = arith.constant 32 : i32
    "tpu.region"() ({
      %run_scoped3A = tpu.sem_alloc : memref<!tpu.dma_semaphore, #tpu.memory_space<semaphore_mem>>
      %dma_start3A_138 = arith.constant 0 : i32
      %dma_start3A_139 = tpu.memref_slice %arg6[%add3A_71, %dma_start3A_138] : memref<4096x64xf32, #tpu.memory_space<hbm>> -> memref<32x64xf32, #tpu.memory_space<hbm>>
      %dma_start3A_140 = arith.constant 0 : i32
      %dma_start3A_141 = tpu.memref_slice %arg6[%add3A_71, %dma_start3A_140] : memref<4096x64xf32, #tpu.memory_space<hbm>> -> memref<32x64xf32, #tpu.memory_space<hbm>>
      tpu.enqueue_dma source(%arg10 : memref<32x64xf32, #tpu.memory_space<vmem>>) target(%dma_start3A_141 : memref<32x64xf32, #tpu.memory_space<hbm>>) target_semaphore(%run_scoped3A : memref<!tpu.dma_semaphore, #tpu.memory_space<semaphore_mem>>)
      %dma_wait3A_142 = arith.constant 0 : i32
      %dma_wait3A_143 = tpu.memref_slice %arg6[%add3A_71, %dma_wait3A_142] : memref<4096x64xf32, #tpu.memory_space<hbm>> -> memref<32x64xf32, #tpu.memory_space<hbm>>
      %dma_wait3A_144 = arith.constant 0 : i32
      %dma_wait3A_145 = tpu.memref_slice %arg6[%add3A_71, %dma_wait3A_144] : memref<4096x64xf32, #tpu.memory_space<hbm>> -> memref<32x64xf32, #tpu.memory_space<hbm>>
      tpu.wait_dma2 semaphore(%run_scoped3A : memref<!tpu.dma_semaphore, #tpu.memory_space<semaphore_mem>>) src(%arg10 : memref<32x64xf32, #tpu.memory_space<vmem>>) dst(%dma_wait3A_145 : memref<32x64xf32, #tpu.memory_space<hbm>>)
      tpu.yield
    }) : () -> ()
    %add3A_87 = arith.constant 32 : i32
    %add3A_88 = arith.addi %mul3A_69, %add3A_87 : i32
    %mul3A_89 = arith.constant 9 : i32
    %mul3A_90 = arith.muli %add3A_88, %mul3A_89 : i32
    "tpu.region"() ({
      %run_scoped3A = tpu.sem_alloc : memref<!tpu.dma_semaphore, #tpu.memory_space<semaphore_mem>>
      %dma_start3A_138 = tpu.memref_slice %arg4[%mul3A_90] : memref<36864xi32, #tpu.memory_space<hbm>> -> memref<288xi32, #tpu.memory_space<hbm>>
      %dma_start3A_139 = tpu.memref_slice %arg4[%mul3A_90] : memref<36864xi32, #tpu.memory_space<hbm>> -> memref<288xi32, #tpu.memory_space<hbm>>
      tpu.enqueue_dma source(%dma_start3A_139 : memref<288xi32, #tpu.memory_space<hbm>>) target(%arg8 : memref<288xi32, #tpu.memory_space<vmem>>) target_semaphore(%run_scoped3A : memref<!tpu.dma_semaphore, #tpu.memory_space<semaphore_mem>>)
      %dma_wait3A_140 = tpu.memref_slice %arg4[%mul3A_90] : memref<36864xi32, #tpu.memory_space<hbm>> -> memref<288xi32, #tpu.memory_space<hbm>>
      %dma_wait3A_141 = tpu.memref_slice %arg4[%mul3A_90] : memref<36864xi32, #tpu.memory_space<hbm>> -> memref<288xi32, #tpu.memory_space<hbm>>
      tpu.wait_dma2 semaphore(%run_scoped3A : memref<!tpu.dma_semaphore, #tpu.memory_space<semaphore_mem>>) src(%dma_wait3A_141 : memref<288xi32, #tpu.memory_space<hbm>>) dst(%arg8 : memref<288xi32, #tpu.memory_space<vmem>>)
      tpu.yield
    }) : () -> ()
    %dma_start3A_91 = arith.constant 0 : i32
    %dma_start3A_92 = arith.constant 0 : i32
    %dma_start3A_93 = tpu.memref_slice %arg2[%dma_start3A_91, %dma_start3A_92] : memref<577x128xf32, #tpu.memory_space<hbm>> -> memref<577x128xf32, #tpu.memory_space<hbm>>
    tpu.enqueue_indirect_dma source(%dma_start3A_93 : memref<577x128xf32, #tpu.memory_space<hbm>>) target(%arg9 : memref<288x128xf32, #tpu.memory_space<vmem>>) offsets(%arg8 : memref<288xi32, #tpu.memory_space<vmem>>) semaphore(%arg14 : memref<!tpu.dma_semaphore, #tpu.memory_space<semaphore_mem>>)
    %dma_wait3A_94 = arith.constant 0 : i32
    %dma_wait3A_95 = arith.constant 0 : i32
    %dma_wait3A_96 = tpu.memref_slice %arg2[%dma_wait3A_94, %dma_wait3A_95] : memref<577x128xf32, #tpu.memory_space<hbm>> -> memref<577x128xf32, #tpu.memory_space<hbm>>
    tpu.wait_indirect_dma semaphore(%arg14 : memref<!tpu.dma_semaphore, #tpu.memory_space<semaphore_mem>>) src(%dma_wait3A_96 : memref<577x128xf32, #tpu.memory_space<hbm>>) dst(%arg9 : memref<288x128xf32, #tpu.memory_space<vmem>>)
    %scan3A_97 = arith.constant 0 : i32
    %scan3A_98 = arith.constant 0 : i32
    %scan3A_99 = arith.constant 32 : i32
    %scan3A_100 = arith.addi %scan3A_98, %scan3A_99 : i32
    %scan3A_101 = arith.constant 1 : i32
    %scan3A_102 = scf.for %scan3A_138 = %scan3A_98 to %scan3A_100 step %scan3A_101 iter_args(%scan3A_139 = %scan3A_97) -> (i32)  : i32 {
      %mul3A_140 = arith.constant 9 : i32
      %mul3A_141 = arith.muli %scan3A_138, %mul3A_140 : i32
      %get3A = arith.index_cast %mul3A_141 : i32 to index
      %get3A_142 = arith.constant 0 : index
      %get3A_143 = tpu.vector_load %arg9[%get3A, %get3A_142] {strides = array<i32>} : memref<288x128xf32, #tpu.memory_space<vmem>>, vector<16xf32>,
      %mul3A_144 = arith.constant 9 : i32
      %mul3A_145 = arith.muli %scan3A_138, %mul3A_144 : i32
      %add3A_146 = arith.constant 1 : i32
      %add3A_147 = arith.addi %mul3A_145, %add3A_146 : i32
      %get3A_148 = arith.index_cast %add3A_147 : i32 to index
      %get3A_149 = arith.constant 0 : index
      %get3A_150 = tpu.vector_load %arg9[%get3A_148, %get3A_149] {strides = array<i32>} : memref<288x128xf32, #tpu.memory_space<vmem>>, vector<16xf32>,
      %add3A_151 = arith.addf %get3A_143, %get3A_150 : vector<16xf32>
      %mul3A_152 = arith.constant 9 : i32
      %mul3A_153 = arith.muli %scan3A_138, %mul3A_152 : i32
      %add3A_154 = arith.constant 2 : i32
      %add3A_155 = arith.addi %mul3A_153, %add3A_154 : i32
      %get3A_156 = arith.index_cast %add3A_155 : i32 to index
      %get3A_157 = arith.constant 0 : index
      %get3A_158 = tpu.vector_load %arg9[%get3A_156, %get3A_157] {strides = array<i32>} : memref<288x128xf32, #tpu.memory_space<vmem>>, vector<16xf32>,
      %add3A_159 = arith.addf %add3A_151, %get3A_158 : vector<16xf32>
      %mul3A_160 = arith.constant 9 : i32
      %mul3A_161 = arith.muli %scan3A_138, %mul3A_160 : i32
      %add3A_162 = arith.constant 3 : i32
      %add3A_163 = arith.addi %mul3A_161, %add3A_162 : i32
      %get3A_164 = arith.index_cast %add3A_163 : i32 to index
      %get3A_165 = arith.constant 0 : index
      %get3A_166 = tpu.vector_load %arg9[%get3A_164, %get3A_165] {strides = array<i32>} : memref<288x128xf32, #tpu.memory_space<vmem>>, vector<16xf32>,
      %add3A_167 = arith.addf %add3A_159, %get3A_166 : vector<16xf32>
      %mul3A_168 = arith.constant 9 : i32
      %mul3A_169 = arith.muli %scan3A_138, %mul3A_168 : i32
      %add3A_170 = arith.constant 4 : i32
      %add3A_171 = arith.addi %mul3A_169, %add3A_170 : i32
      %get3A_172 = arith.index_cast %add3A_171 : i32 to index
      %get3A_173 = arith.constant 0 : index
      %get3A_174 = tpu.vector_load %arg9[%get3A_172, %get3A_173] {strides = array<i32>} : memref<288x128xf32, #tpu.memory_space<vmem>>, vector<16xf32>,
      %add3A_175 = arith.addf %add3A_167, %get3A_174 : vector<16xf32>
      %mul3A_176 = arith.constant 9 : i32
      %mul3A_177 = arith.muli %scan3A_138, %mul3A_176 : i32
      %add3A_178 = arith.constant 5 : i32
      %add3A_179 = arith.addi %mul3A_177, %add3A_178 : i32
      %get3A_180 = arith.index_cast %add3A_179 : i32 to index
      %get3A_181 = arith.constant 0 : index
      %get3A_182 = tpu.vector_load %arg9[%get3A_180, %get3A_181] {strides = array<i32>} : memref<288x128xf32, #tpu.memory_space<vmem>>, vector<16xf32>,
      %add3A_183 = arith.addf %add3A_175, %get3A_182 : vector<16xf32>
      %mul3A_184 = arith.constant 9 : i32
      %mul3A_185 = arith.muli %scan3A_138, %mul3A_184 : i32
      %add3A_186 = arith.constant 6 : i32
      %add3A_187 = arith.addi %mul3A_185, %add3A_186 : i32
      %get3A_188 = arith.index_cast %add3A_187 : i32 to index
      %get3A_189 = arith.constant 0 : index
      %get3A_190 = tpu.vector_load %arg9[%get3A_188, %get3A_189] {strides = array<i32>} : memref<288x128xf32, #tpu.memory_space<vmem>>, vector<16xf32>,
      %add3A_191 = arith.addf %add3A_183, %get3A_190 : vector<16xf32>
      %mul3A_192 = arith.constant 9 : i32
      %mul3A_193 = arith.muli %scan3A_138, %mul3A_192 : i32
      %add3A_194 = arith.constant 7 : i32
      %add3A_195 = arith.addi %mul3A_193, %add3A_194 : i32
      %get3A_196 = arith.index_cast %add3A_195 : i32 to index
      %get3A_197 = arith.constant 0 : index
      %get3A_198 = tpu.vector_load %arg9[%get3A_196, %get3A_197] {strides = array<i32>} : memref<288x128xf32, #tpu.memory_space<vmem>>, vector<16xf32>,
      %add3A_199 = arith.addf %add3A_191, %get3A_198 : vector<16xf32>
      %mul3A_200 = arith.constant 9 : i32
      %mul3A_201 = arith.muli %scan3A_138, %mul3A_200 : i32
      %add3A_202 = arith.constant 8 : i32
      %add3A_203 = arith.addi %mul3A_201, %add3A_202 : i32
      %get3A_204 = arith.index_cast %add3A_203 : i32 to index
      %get3A_205 = arith.constant 0 : index
      %get3A_206 = tpu.vector_load %arg9[%get3A_204, %get3A_205] {strides = array<i32>} : memref<288x128xf32, #tpu.memory_space<vmem>>, vector<16xf32>,
      %add3A_207 = arith.addf %add3A_199, %get3A_206 : vector<16xf32>
      %max3A = arith.constant 0.000000e+00 : f32
      %max3A_208 = vector.broadcast %max3A : f32 to vector<16xf32>
      %max3A_209 = arith.maximumf %add3A_207, %max3A_208 : vector<16xf32>
      %swap3A = arith.index_cast %scan3A_138 : i32 to index
      %swap3A_210 = arith.constant 0 : index
      %swap3A_211 = tpu.vector_load %arg10[%swap3A, %swap3A_210] {strides = array<i32>} : memref<32x64xf32, #tpu.memory_space<vmem>>, vector<16xf32>,
      tpu.vector_store %arg10[%swap3A, %swap3A_210], %max3A_209 {strides = array<i32>} : memref<32x64xf32, #tpu.memory_space<vmem>>, vector<16xf32>,
      %mul3A_212 = arith.constant 9 : i32
      %mul3A_213 = arith.muli %scan3A_138, %mul3A_212 : i32
      %get3A_214 = arith.index_cast %mul3A_213 : i32 to index
      %get3A_215 = arith.constant 16 : index
      %get3A_216 = tpu.vector_load %arg9[%get3A_214, %get3A_215] {strides = array<i32>} : memref<288x128xf32, #tpu.memory_space<vmem>>, vector<16xf32>,
      %mul3A_217 = arith.constant 9 : i32
      %mul3A_218 = arith.muli %scan3A_138, %mul3A_217 : i32
      %add3A_219 = arith.constant 1 : i32
      %add3A_220 = arith.addi %mul3A_218, %add3A_219 : i32
      %get3A_221 = arith.index_cast %add3A_220 : i32 to index
      %get3A_222 = arith.constant 16 : index
      %get3A_223 = tpu.vector_load %arg9[%get3A_221, %get3A_222] {strides = array<i32>} : memref<288x128xf32, #tpu.memory_space<vmem>>, vector<16xf32>,
      %add3A_224 = arith.addf %get3A_216, %get3A_223 : vector<16xf32>
      %mul3A_225 = arith.constant 9 : i32
      %mul3A_226 = arith.muli %scan3A_138, %mul3A_225 : i32
      %add3A_227 = arith.constant 2 : i32
      %add3A_228 = arith.addi %mul3A_226, %add3A_227 : i32
      %get3A_229 = arith.index_cast %add3A_228 : i32 to index
      %get3A_230 = arith.constant 16 : index
      %get3A_231 = tpu.vector_load %arg9[%get3A_229, %get3A_230] {strides = array<i32>} : memref<288x128xf32, #tpu.memory_space<vmem>>, vector<16xf32>,
      %add3A_232 = arith.addf %add3A_224, %get3A_231 : vector<16xf32>
      %mul3A_233 = arith.constant 9 : i32
      %mul3A_234 = arith.muli %scan3A_138, %mul3A_233 : i32
      %add3A_235 = arith.constant 3 : i32
      %add3A_236 = arith.addi %mul3A_234, %add3A_235 : i32
      %get3A_237 = arith.index_cast %add3A_236 : i32 to index
      %get3A_238 = arith.constant 16 : index
      %get3A_239 = tpu.vector_load %arg9[%get3A_237, %get3A_238] {strides = array<i32>} : memref<288x128xf32, #tpu.memory_space<vmem>>, vector<16xf32>,
      %add3A_240 = arith.addf %add3A_232, %get3A_239 : vector<16xf32>
      %mul3A_241 = arith.constant 9 : i32
      %mul3A_242 = arith.muli %scan3A_138, %mul3A_241 : i32
      %add3A_243 = arith.constant 4 : i32
      %add3A_244 = arith.addi %mul3A_242, %add3A_243 : i32
      %get3A_245 = arith.index_cast %add3A_244 : i32 to index
      %get3A_246 = arith.constant 16 : index
      %get3A_247 = tpu.vector_load %arg9[%get3A_245, %get3A_246] {strides = array<i32>} : memref<288x128xf32, #tpu.memory_space<vmem>>, vector<16xf32>,
      %add3A_248 = arith.addf %add3A_240, %get3A_247 : vector<16xf32>
      %mul3A_249 = arith.constant 9 : i32
      %mul3A_250 = arith.muli %scan3A_138, %mul3A_249 : i32
      %add3A_251 = arith.constant 5 : i32
      %add3A_252 = arith.addi %mul3A_250, %add3A_251 : i32
      %get3A_253 = arith.index_cast %add3A_252 : i32 to index
      %get3A_254 = arith.constant 16 : index
      %get3A_255 = tpu.vector_load %arg9[%get3A_253, %get3A_254] {strides = array<i32>} : memref<288x128xf32, #tpu.memory_space<vmem>>, vector<16xf32>,
      %add3A_256 = arith.addf %add3A_248, %get3A_255 : vector<16xf32>
      %mul3A_257 = arith.constant 9 : i32
      %mul3A_258 = arith.muli %scan3A_138, %mul3A_257 : i32
      %add3A_259 = arith.constant 6 : i32
      %add3A_260 = arith.addi %mul3A_258, %add3A_259 : i32
      %get3A_261 = arith.index_cast %add3A_260 : i32 to index
      %get3A_262 = arith.constant 16 : index
      %get3A_263 = tpu.vector_load %arg9[%get3A_261, %get3A_262] {strides = array<i32>} : memref<288x128xf32, #tpu.memory_space<vmem>>, vector<16xf32>,
      %add3A_264 = arith.addf %add3A_256, %get3A_263 : vector<16xf32>
      %mul3A_265 = arith.constant 9 : i32
      %mul3A_266 = arith.muli %scan3A_138, %mul3A_265 : i32
      %add3A_267 = arith.constant 7 : i32
      %add3A_268 = arith.addi %mul3A_266, %add3A_267 : i32
      %get3A_269 = arith.index_cast %add3A_268 : i32 to index
      %get3A_270 = arith.constant 16 : index
      %get3A_271 = tpu.vector_load %arg9[%get3A_269, %get3A_270] {strides = array<i32>} : memref<288x128xf32, #tpu.memory_space<vmem>>, vector<16xf32>,
      %add3A_272 = arith.addf %add3A_264, %get3A_271 : vector<16xf32>
      %mul3A_273 = arith.constant 9 : i32
      %mul3A_274 = arith.muli %scan3A_138, %mul3A_273 : i32
      %add3A_275 = arith.constant 8 : i32
      %add3A_276 = arith.addi %mul3A_274, %add3A_275 : i32
      %get3A_277 = arith.index_cast %add3A_276 : i32 to index
      %get3A_278 = arith.constant 16 : index
      %get3A_279 = tpu.vector_load %arg9[%get3A_277, %get3A_278] {strides = array<i32>} : memref<288x128xf32, #tpu.memory_space<vmem>>, vector<16xf32>,
      %add3A_280 = arith.addf %add3A_272, %get3A_279 : vector<16xf32>
      %max3A_281 = arith.constant 0.000000e+00 : f32
      %max3A_282 = vector.broadcast %max3A_281 : f32 to vector<16xf32>
      %max3A_283 = arith.maximumf %add3A_280, %max3A_282 : vector<16xf32>
      %swap3A_284 = arith.index_cast %scan3A_138 : i32 to index
      %swap3A_285 = arith.constant 16 : index
      %swap3A_286 = tpu.vector_load %arg10[%swap3A_284, %swap3A_285] {strides = array<i32>} : memref<32x64xf32, #tpu.memory_space<vmem>>, vector<16xf32>,
      tpu.vector_store %arg10[%swap3A_284, %swap3A_285], %max3A_283 {strides = array<i32>} : memref<32x64xf32, #tpu.memory_space<vmem>>, vector<16xf32>,
      %mul3A_287 = arith.constant 9 : i32
      %mul3A_288 = arith.muli %scan3A_138, %mul3A_287 : i32
      %get3A_289 = arith.index_cast %mul3A_288 : i32 to index
      %get3A_290 = arith.constant 32 : index
      %get3A_291 = tpu.vector_load %arg9[%get3A_289, %get3A_290] {strides = array<i32>} : memref<288x128xf32, #tpu.memory_space<vmem>>, vector<16xf32>,
      %mul3A_292 = arith.constant 9 : i32
      %mul3A_293 = arith.muli %scan3A_138, %mul3A_292 : i32
      %add3A_294 = arith.constant 1 : i32
      %add3A_295 = arith.addi %mul3A_293, %add3A_294 : i32
      %get3A_296 = arith.index_cast %add3A_295 : i32 to index
      %get3A_297 = arith.constant 32 : index
      %get3A_298 = tpu.vector_load %arg9[%get3A_296, %get3A_297] {strides = array<i32>} : memref<288x128xf32, #tpu.memory_space<vmem>>, vector<16xf32>,
      %add3A_299 = arith.addf %get3A_291, %get3A_298 : vector<16xf32>
      %mul3A_300 = arith.constant 9 : i32
      %mul3A_301 = arith.muli %scan3A_138, %mul3A_300 : i32
      %add3A_302 = arith.constant 2 : i32
      %add3A_303 = arith.addi %mul3A_301, %add3A_302 : i32
      %get3A_304 = arith.index_cast %add3A_303 : i32 to index
      %get3A_305 = arith.constant 32 : index
      %get3A_306 = tpu.vector_load %arg9[%get3A_304, %get3A_305] {strides = array<i32>} : memref<288x128xf32, #tpu.memory_space<vmem>>, vector<16xf32>,
      %add3A_307 = arith.addf %add3A_299, %get3A_306 : vector<16xf32>
      %mul3A_308 = arith.constant 9 : i32
      %mul3A_309 = arith.muli %scan3A_138, %mul3A_308 : i32
      %add3A_310 = arith.constant 3 : i32
      %add3A_311 = arith.addi %mul3A_309, %add3A_310 : i32
      %get3A_312 = arith.index_cast %add3A_311 : i32 to index
      %get3A_313 = arith.constant 32 : index
      %get3A_314 = tpu.vector_load %arg9[%get3A_312, %get3A_313] {strides = array<i32>} : memref<288x128xf32, #tpu.memory_space<vmem>>, vector<16xf32>,
      %add3A_315 = arith.addf %add3A_307, %get3A_314 : vector<16xf32>
      %mul3A_316 = arith.constant 9 : i32
      %mul3A_317 = arith.muli %scan3A_138, %mul3A_316 : i32
      %add3A_318 = arith.constant 4 : i32
      %add3A_319 = arith.addi %mul3A_317, %add3A_318 : i32
      %get3A_320 = arith.index_cast %add3A_319 : i32 to index
      %get3A_321 = arith.constant 32 : index
      %get3A_322 = tpu.vector_load %arg9[%get3A_320, %get3A_321] {strides = array<i32>} : memref<288x128xf32, #tpu.memory_space<vmem>>, vector<16xf32>,
      %add3A_323 = arith.addf %add3A_315, %get3A_322 : vector<16xf32>
      %mul3A_324 = arith.constant 9 : i32
      %mul3A_325 = arith.muli %scan3A_138, %mul3A_324 : i32
      %add3A_326 = arith.constant 5 : i32
      %add3A_327 = arith.addi %mul3A_325, %add3A_326 : i32
      %get3A_328 = arith.index_cast %add3A_327 : i32 to index
      %get3A_329 = arith.constant 32 : index
      %get3A_330 = tpu.vector_load %arg9[%get3A_328, %get3A_329] {strides = array<i32>} : memref<288x128xf32, #tpu.memory_space<vmem>>, vector<16xf32>,
      %add3A_331 = arith.addf %add3A_323, %get3A_330 : vector<16xf32>
      %mul3A_332 = arith.constant 9 : i32
      %mul3A_333 = arith.muli %scan3A_138, %mul3A_332 : i32
      %add3A_334 = arith.constant 6 : i32
      %add3A_335 = arith.addi %mul3A_333, %add3A_334 : i32
      %get3A_336 = arith.index_cast %add3A_335 : i32 to index
      %get3A_337 = arith.constant 32 : index
      %get3A_338 = tpu.vector_load %arg9[%get3A_336, %get3A_337] {strides = array<i32>} : memref<288x128xf32, #tpu.memory_space<vmem>>, vector<16xf32>,
      %add3A_339 = arith.addf %add3A_331, %get3A_338 : vector<16xf32>
      %mul3A_340 = arith.constant 9 : i32
      %mul3A_341 = arith.muli %scan3A_138, %mul3A_340 : i32
      %add3A_342 = arith.constant 7 : i32
      %add3A_343 = arith.addi %mul3A_341, %add3A_342 : i32
      %get3A_344 = arith.index_cast %add3A_343 : i32 to index
      %get3A_345 = arith.constant 32 : index
      %get3A_346 = tpu.vector_load %arg9[%get3A_344, %get3A_345] {strides = array<i32>} : memref<288x128xf32, #tpu.memory_space<vmem>>, vector<16xf32>,
      %add3A_347 = arith.addf %add3A_339, %get3A_346 : vector<16xf32>
      %mul3A_348 = arith.constant 9 : i32
      %mul3A_349 = arith.muli %scan3A_138, %mul3A_348 : i32
      %add3A_350 = arith.constant 8 : i32
      %add3A_351 = arith.addi %mul3A_349, %add3A_350 : i32
      %get3A_352 = arith.index_cast %add3A_351 : i32 to index
      %get3A_353 = arith.constant 32 : index
      %get3A_354 = tpu.vector_load %arg9[%get3A_352, %get3A_353] {strides = array<i32>} : memref<288x128xf32, #tpu.memory_space<vmem>>, vector<16xf32>,
      %add3A_355 = arith.addf %add3A_347, %get3A_354 : vector<16xf32>
      %max3A_356 = arith.constant 0.000000e+00 : f32
      %max3A_357 = vector.broadcast %max3A_356 : f32 to vector<16xf32>
      %max3A_358 = arith.maximumf %add3A_355, %max3A_357 : vector<16xf32>
      %swap3A_359 = arith.index_cast %scan3A_138 : i32 to index
      %swap3A_360 = arith.constant 32 : index
      %swap3A_361 = tpu.vector_load %arg10[%swap3A_359, %swap3A_360] {strides = array<i32>} : memref<32x64xf32, #tpu.memory_space<vmem>>, vector<16xf32>,
      tpu.vector_store %arg10[%swap3A_359, %swap3A_360], %max3A_358 {strides = array<i32>} : memref<32x64xf32, #tpu.memory_space<vmem>>, vector<16xf32>,
      %mul3A_362 = arith.constant 9 : i32
      %mul3A_363 = arith.muli %scan3A_138, %mul3A_362 : i32
      %get3A_364 = arith.index_cast %mul3A_363 : i32 to index
      %get3A_365 = arith.constant 48 : index
      %get3A_366 = tpu.vector_load %arg9[%get3A_364, %get3A_365] {strides = array<i32>} : memref<288x128xf32, #tpu.memory_space<vmem>>, vector<16xf32>,
      %mul3A_367 = arith.constant 9 : i32
      %mul3A_368 = arith.muli %scan3A_138, %mul3A_367 : i32
      %add3A_369 = arith.constant 1 : i32
      %add3A_370 = arith.addi %mul3A_368, %add3A_369 : i32
      %get3A_371 = arith.index_cast %add3A_370 : i32 to index
      %get3A_372 = arith.constant 48 : index
      %get3A_373 = tpu.vector_load %arg9[%get3A_371, %get3A_372] {strides = array<i32>} : memref<288x128xf32, #tpu.memory_space<vmem>>, vector<16xf32>,
      %add3A_374 = arith.addf %get3A_366, %get3A_373 : vector<16xf32>
      %mul3A_375 = arith.constant 9 : i32
      %mul3A_376 = arith.muli %scan3A_138, %mul3A_375 : i32
      %add3A_377 = arith.constant 2 : i32
      %add3A_378 = arith.addi %mul3A_376, %add3A_377 : i32
      %get3A_379 = arith.index_cast %add3A_378 : i32 to index
      %get3A_380 = arith.constant 48 : index
      %get3A_381 = tpu.vector_load %arg9[%get3A_379, %get3A_380] {strides = array<i32>} : memref<288x128xf32, #tpu.memory_space<vmem>>, vector<16xf32>,
      %add3A_382 = arith.addf %add3A_374, %get3A_381 : vector<16xf32>
      %mul3A_383 = arith.constant 9 : i32
      %mul3A_384 = arith.muli %scan3A_138, %mul3A_383 : i32
      %add3A_385 = arith.constant 3 : i32
      %add3A_386 = arith.addi %mul3A_384, %add3A_385 : i32
      %get3A_387 = arith.index_cast %add3A_386 : i32 to index
      %get3A_388 = arith.constant 48 : index
      %get3A_389 = tpu.vector_load %arg9[%get3A_387, %get3A_388] {strides = array<i32>} : memref<288x128xf32, #tpu.memory_space<vmem>>, vector<16xf32>,
      %add3A_390 = arith.addf %add3A_382, %get3A_389 : vector<16xf32>
      %mul3A_391 = arith.constant 9 : i32
      %mul3A_392 = arith.muli %scan3A_138, %mul3A_391 : i32
      %add3A_393 = arith.constant 4 : i32
      %add3A_394 = arith.addi %mul3A_392, %add3A_393 : i32
      %get3A_395 = arith.index_cast %add3A_394 : i32 to index
      %get3A_396 = arith.constant 48 : index
      %get3A_397 = tpu.vector_load %arg9[%get3A_395, %get3A_396] {strides = array<i32>} : memref<288x128xf32, #tpu.memory_space<vmem>>, vector<16xf32>,
      %add3A_398 = arith.addf %add3A_390, %get3A_397 : vector<16xf32>
      %mul3A_399 = arith.constant 9 : i32
      %mul3A_400 = arith.muli %scan3A_138, %mul3A_399 : i32
      %add3A_401 = arith.constant 5 : i32
      %add3A_402 = arith.addi %mul3A_400, %add3A_401 : i32
      %get3A_403 = arith.index_cast %add3A_402 : i32 to index
      %get3A_404 = arith.constant 48 : index
      %get3A_405 = tpu.vector_load %arg9[%get3A_403, %get3A_404] {strides = array<i32>} : memref<288x128xf32, #tpu.memory_space<vmem>>, vector<16xf32>,
      %add3A_406 = arith.addf %add3A_398, %get3A_405 : vector<16xf32>
      %mul3A_407 = arith.constant 9 : i32
      %mul3A_408 = arith.muli %scan3A_138, %mul3A_407 : i32
      %add3A_409 = arith.constant 6 : i32
      %add3A_410 = arith.addi %mul3A_408, %add3A_409 : i32
      %get3A_411 = arith.index_cast %add3A_410 : i32 to index
      %get3A_412 = arith.constant 48 : index
      %get3A_413 = tpu.vector_load %arg9[%get3A_411, %get3A_412] {strides = array<i32>} : memref<288x128xf32, #tpu.memory_space<vmem>>, vector<16xf32>,
      %add3A_414 = arith.addf %add3A_406, %get3A_413 : vector<16xf32>
      %mul3A_415 = arith.constant 9 : i32
      %mul3A_416 = arith.muli %scan3A_138, %mul3A_415 : i32
      %add3A_417 = arith.constant 7 : i32
      %add3A_418 = arith.addi %mul3A_416, %add3A_417 : i32
      %get3A_419 = arith.index_cast %add3A_418 : i32 to index
      %get3A_420 = arith.constant 48 : index
      %get3A_421 = tpu.vector_load %arg9[%get3A_419, %get3A_420] {strides = array<i32>} : memref<288x128xf32, #tpu.memory_space<vmem>>, vector<16xf32>,
      %add3A_422 = arith.addf %add3A_414, %get3A_421 : vector<16xf32>
      %mul3A_423 = arith.constant 9 : i32
      %mul3A_424 = arith.muli %scan3A_138, %mul3A_423 : i32
      %add3A_425 = arith.constant 8 : i32
      %add3A_426 = arith.addi %mul3A_424, %add3A_425 : i32
      %get3A_427 = arith.index_cast %add3A_426 : i32 to index
      %get3A_428 = arith.constant 48 : index
      %get3A_429 = tpu.vector_load %arg9[%get3A_427, %get3A_428] {strides = array<i32>} : memref<288x128xf32, #tpu.memory_space<vmem>>, vector<16xf32>,
      %add3A_430 = arith.addf %add3A_422, %get3A_429 : vector<16xf32>
      %max3A_431 = arith.constant 0.000000e+00 : f32
      %max3A_432 = vector.broadcast %max3A_431 : f32 to vector<16xf32>
      %max3A_433 = arith.maximumf %add3A_430, %max3A_432 : vector<16xf32>
      %swap3A_434 = arith.index_cast %scan3A_138 : i32 to index
      %swap3A_435 = arith.constant 48 : index
      %swap3A_436 = tpu.vector_load %arg10[%swap3A_434, %swap3A_435] {strides = array<i32>} : memref<32x64xf32, #tpu.memory_space<vmem>>, vector<16xf32>,
      tpu.vector_store %arg10[%swap3A_434, %swap3A_435], %max3A_433 {strides = array<i32>} : memref<32x64xf32, #tpu.memory_space<vmem>>, vector<16xf32>,
      %scan3A_437 = arith.constant 0 : i32
      scf.yield %scan3A_437 : i32
    }
    %scan3A_103 = arith.constant 32 : i32
    "tpu.region"() ({
      %run_scoped3A = tpu.sem_alloc : memref<!tpu.dma_semaphore, #tpu.memory_space<semaphore_mem>>
      %dma_start3A_138 = arith.constant 0 : i32
      %dma_start3A_139 = tpu.memref_slice %arg6[%add3A_88, %dma_start3A_138] : memref<4096x64xf32, #tpu.memory_space<hbm>> -> memref<32x64xf32, #tpu.memory_space<hbm>>
      %dma_start3A_140 = arith.constant 0 : i32
      %dma_start3A_141 = tpu.memref_slice %arg6[%add3A_88, %dma_start3A_140] : memref<4096x64xf32, #tpu.memory_space<hbm>> -> memref<32x64xf32, #tpu.memory_space<hbm>>
      tpu.enqueue_dma source(%arg10 : memref<32x64xf32, #tpu.memory_space<vmem>>) target(%dma_start3A_141 : memref<32x64xf32, #tpu.memory_space<hbm>>) target_semaphore(%run_scoped3A : memref<!tpu.dma_semaphore, #tpu.memory_space<semaphore_mem>>)
      %dma_wait3A_142 = arith.constant 0 : i32
      %dma_wait3A_143 = tpu.memref_slice %arg6[%add3A_88, %dma_wait3A_142] : memref<4096x64xf32, #tpu.memory_space<hbm>> -> memref<32x64xf32, #tpu.memory_space<hbm>>
      %dma_wait3A_144 = arith.constant 0 : i32
      %dma_wait3A_145 = tpu.memref_slice %arg6[%add3A_88, %dma_wait3A_144] : memref<4096x64xf32, #tpu.memory_space<hbm>> -> memref<32x64xf32, #tpu.memory_space<hbm>>
      tpu.wait_dma2 semaphore(%run_scoped3A : memref<!tpu.dma_semaphore, #tpu.memory_space<semaphore_mem>>) src(%arg10 : memref<32x64xf32, #tpu.memory_space<vmem>>) dst(%dma_wait3A_145 : memref<32x64xf32, #tpu.memory_space<hbm>>)
      tpu.yield
    }) : () -> ()
    %add3A_104 = arith.constant 64 : i32
    %add3A_105 = arith.addi %mul3A_69, %add3A_104 : i32
    %mul3A_106 = arith.constant 9 : i32
    %mul3A_107 = arith.muli %add3A_105, %mul3A_106 : i32
    "tpu.region"() ({
      %run_scoped3A = tpu.sem_alloc : memref<!tpu.dma_semaphore, #tpu.memory_space<semaphore_mem>>
      %dma_start3A_138 = tpu.memref_slice %arg4[%mul3A_107] : memref<36864xi32, #tpu.memory_space<hbm>> -> memref<288xi32, #tpu.memory_space<hbm>>
      %dma_start3A_139 = tpu.memref_slice %arg4[%mul3A_107] : memref<36864xi32, #tpu.memory_space<hbm>> -> memref<288xi32, #tpu.memory_space<hbm>>
      tpu.enqueue_dma source(%dma_start3A_139 : memref<288xi32, #tpu.memory_space<hbm>>) target(%arg8 : memref<288xi32, #tpu.memory_space<vmem>>) target_semaphore(%run_scoped3A : memref<!tpu.dma_semaphore, #tpu.memory_space<semaphore_mem>>)
      %dma_wait3A_140 = tpu.memref_slice %arg4[%mul3A_107] : memref<36864xi32, #tpu.memory_space<hbm>> -> memref<288xi32, #tpu.memory_space<hbm>>
      %dma_wait3A_141 = tpu.memref_slice %arg4[%mul3A_107] : memref<36864xi32, #tpu.memory_space<hbm>> -> memref<288xi32, #tpu.memory_space<hbm>>
      tpu.wait_dma2 semaphore(%run_scoped3A : memref<!tpu.dma_semaphore, #tpu.memory_space<semaphore_mem>>) src(%dma_wait3A_141 : memref<288xi32, #tpu.memory_space<hbm>>) dst(%arg8 : memref<288xi32, #tpu.memory_space<vmem>>)
      tpu.yield
    }) : () -> ()
    %dma_start3A_108 = arith.constant 0 : i32
    %dma_start3A_109 = arith.constant 0 : i32
    %dma_start3A_110 = tpu.memref_slice %arg2[%dma_start3A_108, %dma_start3A_109] : memref<577x128xf32, #tpu.memory_space<hbm>> -> memref<577x128xf32, #tpu.memory_space<hbm>>
    tpu.enqueue_indirect_dma source(%dma_start3A_110 : memref<577x128xf32, #tpu.memory_space<hbm>>) target(%arg9 : memref<288x128xf32, #tpu.memory_space<vmem>>) offsets(%arg8 : memref<288xi32, #tpu.memory_space<vmem>>) semaphore(%arg14 : memref<!tpu.dma_semaphore, #tpu.memory_space<semaphore_mem>>)
    %dma_wait3A_111 = arith.constant 0 : i32
    %dma_wait3A_112 = arith.constant 0 : i32
    %dma_wait3A_113 = tpu.memref_slice %arg2[%dma_wait3A_111, %dma_wait3A_112] : memref<577x128xf32, #tpu.memory_space<hbm>> -> memref<577x128xf32, #tpu.memory_space<hbm>>
    tpu.wait_indirect_dma semaphore(%arg14 : memref<!tpu.dma_semaphore, #tpu.memory_space<semaphore_mem>>) src(%dma_wait3A_113 : memref<577x128xf32, #tpu.memory_space<hbm>>) dst(%arg9 : memref<288x128xf32, #tpu.memory_space<vmem>>)
    %scan3A_114 = arith.constant 0 : i32
    %scan3A_115 = arith.constant 0 : i32
    %scan3A_116 = arith.constant 32 : i32
    %scan3A_117 = arith.addi %scan3A_115, %scan3A_116 : i32
    %scan3A_118 = arith.constant 1 : i32
    %scan3A_119 = scf.for %scan3A_138 = %scan3A_115 to %scan3A_117 step %scan3A_118 iter_args(%scan3A_139 = %scan3A_114) -> (i32)  : i32 {
      %mul3A_140 = arith.constant 9 : i32
      %mul3A_141 = arith.muli %scan3A_138, %mul3A_140 : i32
      %get3A = arith.index_cast %mul3A_141 : i32 to index
      %get3A_142 = arith.constant 0 : index
      %get3A_143 = tpu.vector_load %arg9[%get3A, %get3A_142] {strides = array<i32>} : memref<288x128xf32, #tpu.memory_space<vmem>>, vector<16xf32>,
      %mul3A_144 = arith.constant 9 : i32
      %mul3A_145 = arith.muli %scan3A_138, %mul3A_144 : i32
      %add3A_146 = arith.constant 1 : i32
      %add3A_147 = arith.addi %mul3A_145, %add3A_146 : i32
      %get3A_148 = arith.index_cast %add3A_147 : i32 to index
      %get3A_149 = arith.constant 0 : index
      %get3A_150 = tpu.vector_load %arg9[%get3A_148, %get3A_149] {strides = array<i32>} : memref<288x128xf32, #tpu.memory_space<vmem>>, vector<16xf32>,
      %add3A_151 = arith.addf %get3A_143, %get3A_150 : vector<16xf32>
      %mul3A_152 = arith.constant 9 : i32
      %mul3A_153 = arith.muli %scan3A_138, %mul3A_152 : i32
      %add3A_154 = arith.constant 2 : i32
      %add3A_155 = arith.addi %mul3A_153, %add3A_154 : i32
      %get3A_156 = arith.index_cast %add3A_155 : i32 to index
      %get3A_157 = arith.constant 0 : index
      %get3A_158 = tpu.vector_load %arg9[%get3A_156, %get3A_157] {strides = array<i32>} : memref<288x128xf32, #tpu.memory_space<vmem>>, vector<16xf32>,
      %add3A_159 = arith.addf %add3A_151, %get3A_158 : vector<16xf32>
      %mul3A_160 = arith.constant 9 : i32
      %mul3A_161 = arith.muli %scan3A_138, %mul3A_160 : i32
      %add3A_162 = arith.constant 3 : i32
      %add3A_163 = arith.addi %mul3A_161, %add3A_162 : i32
      %get3A_164 = arith.index_cast %add3A_163 : i32 to index
      %get3A_165 = arith.constant 0 : index
      %get3A_166 = tpu.vector_load %arg9[%get3A_164, %get3A_165] {strides = array<i32>} : memref<288x128xf32, #tpu.memory_space<vmem>>, vector<16xf32>,
      %add3A_167 = arith.addf %add3A_159, %get3A_166 : vector<16xf32>
      %mul3A_168 = arith.constant 9 : i32
      %mul3A_169 = arith.muli %scan3A_138, %mul3A_168 : i32
      %add3A_170 = arith.constant 4 : i32
      %add3A_171 = arith.addi %mul3A_169, %add3A_170 : i32
      %get3A_172 = arith.index_cast %add3A_171 : i32 to index
      %get3A_173 = arith.constant 0 : index
      %get3A_174 = tpu.vector_load %arg9[%get3A_172, %get3A_173] {strides = array<i32>} : memref<288x128xf32, #tpu.memory_space<vmem>>, vector<16xf32>,
      %add3A_175 = arith.addf %add3A_167, %get3A_174 : vector<16xf32>
      %mul3A_176 = arith.constant 9 : i32
      %mul3A_177 = arith.muli %scan3A_138, %mul3A_176 : i32
      %add3A_178 = arith.constant 5 : i32
      %add3A_179 = arith.addi %mul3A_177, %add3A_178 : i32
      %get3A_180 = arith.index_cast %add3A_179 : i32 to index
      %get3A_181 = arith.constant 0 : index
      %get3A_182 = tpu.vector_load %arg9[%get3A_180, %get3A_181] {strides = array<i32>} : memref<288x128xf32, #tpu.memory_space<vmem>>, vector<16xf32>,
      %add3A_183 = arith.addf %add3A_175, %get3A_182 : vector<16xf32>
      %mul3A_184 = arith.constant 9 : i32
      %mul3A_185 = arith.muli %scan3A_138, %mul3A_184 : i32
      %add3A_186 = arith.constant 6 : i32
      %add3A_187 = arith.addi %mul3A_185, %add3A_186 : i32
      %get3A_188 = arith.index_cast %add3A_187 : i32 to index
      %get3A_189 = arith.constant 0 : index
      %get3A_190 = tpu.vector_load %arg9[%get3A_188, %get3A_189] {strides = array<i32>} : memref<288x128xf32, #tpu.memory_space<vmem>>, vector<16xf32>,
      %add3A_191 = arith.addf %add3A_183, %get3A_190 : vector<16xf32>
      %mul3A_192 = arith.constant 9 : i32
      %mul3A_193 = arith.muli %scan3A_138, %mul3A_192 : i32
      %add3A_194 = arith.constant 7 : i32
      %add3A_195 = arith.addi %mul3A_193, %add3A_194 : i32
      %get3A_196 = arith.index_cast %add3A_195 : i32 to index
      %get3A_197 = arith.constant 0 : index
      %get3A_198 = tpu.vector_load %arg9[%get3A_196, %get3A_197] {strides = array<i32>} : memref<288x128xf32, #tpu.memory_space<vmem>>, vector<16xf32>,
      %add3A_199 = arith.addf %add3A_191, %get3A_198 : vector<16xf32>
      %mul3A_200 = arith.constant 9 : i32
      %mul3A_201 = arith.muli %scan3A_138, %mul3A_200 : i32
      %add3A_202 = arith.constant 8 : i32
      %add3A_203 = arith.addi %mul3A_201, %add3A_202 : i32
      %get3A_204 = arith.index_cast %add3A_203 : i32 to index
      %get3A_205 = arith.constant 0 : index
      %get3A_206 = tpu.vector_load %arg9[%get3A_204, %get3A_205] {strides = array<i32>} : memref<288x128xf32, #tpu.memory_space<vmem>>, vector<16xf32>,
      %add3A_207 = arith.addf %add3A_199, %get3A_206 : vector<16xf32>
      %max3A = arith.constant 0.000000e+00 : f32
      %max3A_208 = vector.broadcast %max3A : f32 to vector<16xf32>
      %max3A_209 = arith.maximumf %add3A_207, %max3A_208 : vector<16xf32>
      %swap3A = arith.index_cast %scan3A_138 : i32 to index
      %swap3A_210 = arith.constant 0 : index
      %swap3A_211 = tpu.vector_load %arg10[%swap3A, %swap3A_210] {strides = array<i32>} : memref<32x64xf32, #tpu.memory_space<vmem>>, vector<16xf32>,
      tpu.vector_store %arg10[%swap3A, %swap3A_210], %max3A_209 {strides = array<i32>} : memref<32x64xf32, #tpu.memory_space<vmem>>, vector<16xf32>,
      %mul3A_212 = arith.constant 9 : i32
      %mul3A_213 = arith.muli %scan3A_138, %mul3A_212 : i32
      %get3A_214 = arith.index_cast %mul3A_213 : i32 to index
      %get3A_215 = arith.constant 16 : index
      %get3A_216 = tpu.vector_load %arg9[%get3A_214, %get3A_215] {strides = array<i32>} : memref<288x128xf32, #tpu.memory_space<vmem>>, vector<16xf32>,
      %mul3A_217 = arith.constant 9 : i32
      %mul3A_218 = arith.muli %scan3A_138, %mul3A_217 : i32
      %add3A_219 = arith.constant 1 : i32
      %add3A_220 = arith.addi %mul3A_218, %add3A_219 : i32
      %get3A_221 = arith.index_cast %add3A_220 : i32 to index
      %get3A_222 = arith.constant 16 : index
      %get3A_223 = tpu.vector_load %arg9[%get3A_221, %get3A_222] {strides = array<i32>} : memref<288x128xf32, #tpu.memory_space<vmem>>, vector<16xf32>,
      %add3A_224 = arith.addf %get3A_216, %get3A_223 : vector<16xf32>
      %mul3A_225 = arith.constant 9 : i32
      %mul3A_226 = arith.muli %scan3A_138, %mul3A_225 : i32
      %add3A_227 = arith.constant 2 : i32
      %add3A_228 = arith.addi %mul3A_226, %add3A_227 : i32
      %get3A_229 = arith.index_cast %add3A_228 : i32 to index
      %get3A_230 = arith.constant 16 : index
      %get3A_231 = tpu.vector_load %arg9[%get3A_229, %get3A_230] {strides = array<i32>} : memref<288x128xf32, #tpu.memory_space<vmem>>, vector<16xf32>,
      %add3A_232 = arith.addf %add3A_224, %get3A_231 : vector<16xf32>
      %mul3A_233 = arith.constant 9 : i32
      %mul3A_234 = arith.muli %scan3A_138, %mul3A_233 : i32
      %add3A_235 = arith.constant 3 : i32
      %add3A_236 = arith.addi %mul3A_234, %add3A_235 : i32
      %get3A_237 = arith.index_cast %add3A_236 : i32 to index
      %get3A_238 = arith.constant 16 : index
      %get3A_239 = tpu.vector_load %arg9[%get3A_237, %get3A_238] {strides = array<i32>} : memref<288x128xf32, #tpu.memory_space<vmem>>, vector<16xf32>,
      %add3A_240 = arith.addf %add3A_232, %get3A_239 : vector<16xf32>
      %mul3A_241 = arith.constant 9 : i32
      %mul3A_242 = arith.muli %scan3A_138, %mul3A_241 : i32
      %add3A_243 = arith.constant 4 : i32
      %add3A_244 = arith.addi %mul3A_242, %add3A_243 : i32
      %get3A_245 = arith.index_cast %add3A_244 : i32 to index
      %get3A_246 = arith.constant 16 : index
      %get3A_247 = tpu.vector_load %arg9[%get3A_245, %get3A_246] {strides = array<i32>} : memref<288x128xf32, #tpu.memory_space<vmem>>, vector<16xf32>,
      %add3A_248 = arith.addf %add3A_240, %get3A_247 : vector<16xf32>
      %mul3A_249 = arith.constant 9 : i32
      %mul3A_250 = arith.muli %scan3A_138, %mul3A_249 : i32
      %add3A_251 = arith.constant 5 : i32
      %add3A_252 = arith.addi %mul3A_250, %add3A_251 : i32
      %get3A_253 = arith.index_cast %add3A_252 : i32 to index
      %get3A_254 = arith.constant 16 : index
      %get3A_255 = tpu.vector_load %arg9[%get3A_253, %get3A_254] {strides = array<i32>} : memref<288x128xf32, #tpu.memory_space<vmem>>, vector<16xf32>,
      %add3A_256 = arith.addf %add3A_248, %get3A_255 : vector<16xf32>
      %mul3A_257 = arith.constant 9 : i32
      %mul3A_258 = arith.muli %scan3A_138, %mul3A_257 : i32
      %add3A_259 = arith.constant 6 : i32
      %add3A_260 = arith.addi %mul3A_258, %add3A_259 : i32
      %get3A_261 = arith.index_cast %add3A_260 : i32 to index
      %get3A_262 = arith.constant 16 : index
      %get3A_263 = tpu.vector_load %arg9[%get3A_261, %get3A_262] {strides = array<i32>} : memref<288x128xf32, #tpu.memory_space<vmem>>, vector<16xf32>,
      %add3A_264 = arith.addf %add3A_256, %get3A_263 : vector<16xf32>
      %mul3A_265 = arith.constant 9 : i32
      %mul3A_266 = arith.muli %scan3A_138, %mul3A_265 : i32
      %add3A_267 = arith.constant 7 : i32
      %add3A_268 = arith.addi %mul3A_266, %add3A_267 : i32
      %get3A_269 = arith.index_cast %add3A_268 : i32 to index
      %get3A_270 = arith.constant 16 : index
      %get3A_271 = tpu.vector_load %arg9[%get3A_269, %get3A_270] {strides = array<i32>} : memref<288x128xf32, #tpu.memory_space<vmem>>, vector<16xf32>,
      %add3A_272 = arith.addf %add3A_264, %get3A_271 : vector<16xf32>
      %mul3A_273 = arith.constant 9 : i32
      %mul3A_274 = arith.muli %scan3A_138, %mul3A_273 : i32
      %add3A_275 = arith.constant 8 : i32
      %add3A_276 = arith.addi %mul3A_274, %add3A_275 : i32
      %get3A_277 = arith.index_cast %add3A_276 : i32 to index
      %get3A_278 = arith.constant 16 : index
      %get3A_279 = tpu.vector_load %arg9[%get3A_277, %get3A_278] {strides = array<i32>} : memref<288x128xf32, #tpu.memory_space<vmem>>, vector<16xf32>,
      %add3A_280 = arith.addf %add3A_272, %get3A_279 : vector<16xf32>
      %max3A_281 = arith.constant 0.000000e+00 : f32
      %max3A_282 = vector.broadcast %max3A_281 : f32 to vector<16xf32>
      %max3A_283 = arith.maximumf %add3A_280, %max3A_282 : vector<16xf32>
      %swap3A_284 = arith.index_cast %scan3A_138 : i32 to index
      %swap3A_285 = arith.constant 16 : index
      %swap3A_286 = tpu.vector_load %arg10[%swap3A_284, %swap3A_285] {strides = array<i32>} : memref<32x64xf32, #tpu.memory_space<vmem>>, vector<16xf32>,
      tpu.vector_store %arg10[%swap3A_284, %swap3A_285], %max3A_283 {strides = array<i32>} : memref<32x64xf32, #tpu.memory_space<vmem>>, vector<16xf32>,
      %mul3A_287 = arith.constant 9 : i32
      %mul3A_288 = arith.muli %scan3A_138, %mul3A_287 : i32
      %get3A_289 = arith.index_cast %mul3A_288 : i32 to index
      %get3A_290 = arith.constant 32 : index
      %get3A_291 = tpu.vector_load %arg9[%get3A_289, %get3A_290] {strides = array<i32>} : memref<288x128xf32, #tpu.memory_space<vmem>>, vector<16xf32>,
      %mul3A_292 = arith.constant 9 : i32
      %mul3A_293 = arith.muli %scan3A_138, %mul3A_292 : i32
      %add3A_294 = arith.constant 1 : i32
      %add3A_295 = arith.addi %mul3A_293, %add3A_294 : i32
      %get3A_296 = arith.index_cast %add3A_295 : i32 to index
      %get3A_297 = arith.constant 32 : index
      %get3A_298 = tpu.vector_load %arg9[%get3A_296, %get3A_297] {strides = array<i32>} : memref<288x128xf32, #tpu.memory_space<vmem>>, vector<16xf32>,
      %add3A_299 = arith.addf %get3A_291, %get3A_298 : vector<16xf32>
      %mul3A_300 = arith.constant 9 : i32
      %mul3A_301 = arith.muli %scan3A_138, %mul3A_300 : i32
      %add3A_302 = arith.constant 2 : i32
      %add3A_303 = arith.addi %mul3A_301, %add3A_302 : i32
      %get3A_304 = arith.index_cast %add3A_303 : i32 to index
      %get3A_305 = arith.constant 32 : index
      %get3A_306 = tpu.vector_load %arg9[%get3A_304, %get3A_305] {strides = array<i32>} : memref<288x128xf32, #tpu.memory_space<vmem>>, vector<16xf32>,
      %add3A_307 = arith.addf %add3A_299, %get3A_306 : vector<16xf32>
      %mul3A_308 = arith.constant 9 : i32
      %mul3A_309 = arith.muli %scan3A_138, %mul3A_308 : i32
      %add3A_310 = arith.constant 3 : i32
      %add3A_311 = arith.addi %mul3A_309, %add3A_310 : i32
      %get3A_312 = arith.index_cast %add3A_311 : i32 to index
      %get3A_313 = arith.constant 32 : index
      %get3A_314 = tpu.vector_load %arg9[%get3A_312, %get3A_313] {strides = array<i32>} : memref<288x128xf32, #tpu.memory_space<vmem>>, vector<16xf32>,
      %add3A_315 = arith.addf %add3A_307, %get3A_314 : vector<16xf32>
      %mul3A_316 = arith.constant 9 : i32
      %mul3A_317 = arith.muli %scan3A_138, %mul3A_316 : i32
      %add3A_318 = arith.constant 4 : i32
      %add3A_319 = arith.addi %mul3A_317, %add3A_318 : i32
      %get3A_320 = arith.index_cast %add3A_319 : i32 to index
      %get3A_321 = arith.constant 32 : index
      %get3A_322 = tpu.vector_load %arg9[%get3A_320, %get3A_321] {strides = array<i32>} : memref<288x128xf32, #tpu.memory_space<vmem>>, vector<16xf32>,
      %add3A_323 = arith.addf %add3A_315, %get3A_322 : vector<16xf32>
      %mul3A_324 = arith.constant 9 : i32
      %mul3A_325 = arith.muli %scan3A_138, %mul3A_324 : i32
      %add3A_326 = arith.constant 5 : i32
      %add3A_327 = arith.addi %mul3A_325, %add3A_326 : i32
      %get3A_328 = arith.index_cast %add3A_327 : i32 to index
      %get3A_329 = arith.constant 32 : index
      %get3A_330 = tpu.vector_load %arg9[%get3A_328, %get3A_329] {strides = array<i32>} : memref<288x128xf32, #tpu.memory_space<vmem>>, vector<16xf32>,
      %add3A_331 = arith.addf %add3A_323, %get3A_330 : vector<16xf32>
      %mul3A_332 = arith.constant 9 : i32
      %mul3A_333 = arith.muli %scan3A_138, %mul3A_332 : i32
      %add3A_334 = arith.constant 6 : i32
      %add3A_335 = arith.addi %mul3A_333, %add3A_334 : i32
      %get3A_336 = arith.index_cast %add3A_335 : i32 to index
      %get3A_337 = arith.constant 32 : index
      %get3A_338 = tpu.vector_load %arg9[%get3A_336, %get3A_337] {strides = array<i32>} : memref<288x128xf32, #tpu.memory_space<vmem>>, vector<16xf32>,
      %add3A_339 = arith.addf %add3A_331, %get3A_338 : vector<16xf32>
      %mul3A_340 = arith.constant 9 : i32
      %mul3A_341 = arith.muli %scan3A_138, %mul3A_340 : i32
      %add3A_342 = arith.constant 7 : i32
      %add3A_343 = arith.addi %mul3A_341, %add3A_342 : i32
      %get3A_344 = arith.index_cast %add3A_343 : i32 to index
      %get3A_345 = arith.constant 32 : index
      %get3A_346 = tpu.vector_load %arg9[%get3A_344, %get3A_345] {strides = array<i32>} : memref<288x128xf32, #tpu.memory_space<vmem>>, vector<16xf32>,
      %add3A_347 = arith.addf %add3A_339, %get3A_346 : vector<16xf32>
      %mul3A_348 = arith.constant 9 : i32
      %mul3A_349 = arith.muli %scan3A_138, %mul3A_348 : i32
      %add3A_350 = arith.constant 8 : i32
      %add3A_351 = arith.addi %mul3A_349, %add3A_350 : i32
      %get3A_352 = arith.index_cast %add3A_351 : i32 to index
      %get3A_353 = arith.constant 32 : index
      %get3A_354 = tpu.vector_load %arg9[%get3A_352, %get3A_353] {strides = array<i32>} : memref<288x128xf32, #tpu.memory_space<vmem>>, vector<16xf32>,
      %add3A_355 = arith.addf %add3A_347, %get3A_354 : vector<16xf32>
      %max3A_356 = arith.constant 0.000000e+00 : f32
      %max3A_357 = vector.broadcast %max3A_356 : f32 to vector<16xf32>
      %max3A_358 = arith.maximumf %add3A_355, %max3A_357 : vector<16xf32>
      %swap3A_359 = arith.index_cast %scan3A_138 : i32 to index
      %swap3A_360 = arith.constant 32 : index
      %swap3A_361 = tpu.vector_load %arg10[%swap3A_359, %swap3A_360] {strides = array<i32>} : memref<32x64xf32, #tpu.memory_space<vmem>>, vector<16xf32>,
      tpu.vector_store %arg10[%swap3A_359, %swap3A_360], %max3A_358 {strides = array<i32>} : memref<32x64xf32, #tpu.memory_space<vmem>>, vector<16xf32>,
      %mul3A_362 = arith.constant 9 : i32
      %mul3A_363 = arith.muli %scan3A_138, %mul3A_362 : i32
      %get3A_364 = arith.index_cast %mul3A_363 : i32 to index
      %get3A_365 = arith.constant 48 : index
      %get3A_366 = tpu.vector_load %arg9[%get3A_364, %get3A_365] {strides = array<i32>} : memref<288x128xf32, #tpu.memory_space<vmem>>, vector<16xf32>,
      %mul3A_367 = arith.constant 9 : i32
      %mul3A_368 = arith.muli %scan3A_138, %mul3A_367 : i32
      %add3A_369 = arith.constant 1 : i32
      %add3A_370 = arith.addi %mul3A_368, %add3A_369 : i32
      %get3A_371 = arith.index_cast %add3A_370 : i32 to index
      %get3A_372 = arith.constant 48 : index
      %get3A_373 = tpu.vector_load %arg9[%get3A_371, %get3A_372] {strides = array<i32>} : memref<288x128xf32, #tpu.memory_space<vmem>>, vector<16xf32>,
      %add3A_374 = arith.addf %get3A_366, %get3A_373 : vector<16xf32>
      %mul3A_375 = arith.constant 9 : i32
      %mul3A_376 = arith.muli %scan3A_138, %mul3A_375 : i32
      %add3A_377 = arith.constant 2 : i32
      %add3A_378 = arith.addi %mul3A_376, %add3A_377 : i32
      %get3A_379 = arith.index_cast %add3A_378 : i32 to index
      %get3A_380 = arith.constant 48 : index
      %get3A_381 = tpu.vector_load %arg9[%get3A_379, %get3A_380] {strides = array<i32>} : memref<288x128xf32, #tpu.memory_space<vmem>>, vector<16xf32>,
      %add3A_382 = arith.addf %add3A_374, %get3A_381 : vector<16xf32>
      %mul3A_383 = arith.constant 9 : i32
      %mul3A_384 = arith.muli %scan3A_138, %mul3A_383 : i32
      %add3A_385 = arith.constant 3 : i32
      %add3A_386 = arith.addi %mul3A_384, %add3A_385 : i32
      %get3A_387 = arith.index_cast %add3A_386 : i32 to index
      %get3A_388 = arith.constant 48 : index
      %get3A_389 = tpu.vector_load %arg9[%get3A_387, %get3A_388] {strides = array<i32>} : memref<288x128xf32, #tpu.memory_space<vmem>>, vector<16xf32>,
      %add3A_390 = arith.addf %add3A_382, %get3A_389 : vector<16xf32>
      %mul3A_391 = arith.constant 9 : i32
      %mul3A_392 = arith.muli %scan3A_138, %mul3A_391 : i32
      %add3A_393 = arith.constant 4 : i32
      %add3A_394 = arith.addi %mul3A_392, %add3A_393 : i32
      %get3A_395 = arith.index_cast %add3A_394 : i32 to index
      %get3A_396 = arith.constant 48 : index
      %get3A_397 = tpu.vector_load %arg9[%get3A_395, %get3A_396] {strides = array<i32>} : memref<288x128xf32, #tpu.memory_space<vmem>>, vector<16xf32>,
      %add3A_398 = arith.addf %add3A_390, %get3A_397 : vector<16xf32>
      %mul3A_399 = arith.constant 9 : i32
      %mul3A_400 = arith.muli %scan3A_138, %mul3A_399 : i32
      %add3A_401 = arith.constant 5 : i32
      %add3A_402 = arith.addi %mul3A_400, %add3A_401 : i32
      %get3A_403 = arith.index_cast %add3A_402 : i32 to index
      %get3A_404 = arith.constant 48 : index
      %get3A_405 = tpu.vector_load %arg9[%get3A_403, %get3A_404] {strides = array<i32>} : memref<288x128xf32, #tpu.memory_space<vmem>>, vector<16xf32>,
      %add3A_406 = arith.addf %add3A_398, %get3A_405 : vector<16xf32>
      %mul3A_407 = arith.constant 9 : i32
      %mul3A_408 = arith.muli %scan3A_138, %mul3A_407 : i32
      %add3A_409 = arith.constant 6 : i32
      %add3A_410 = arith.addi %mul3A_408, %add3A_409 : i32
      %get3A_411 = arith.index_cast %add3A_410 : i32 to index
      %get3A_412 = arith.constant 48 : index
      %get3A_413 = tpu.vector_load %arg9[%get3A_411, %get3A_412] {strides = array<i32>} : memref<288x128xf32, #tpu.memory_space<vmem>>, vector<16xf32>,
      %add3A_414 = arith.addf %add3A_406, %get3A_413 : vector<16xf32>
      %mul3A_415 = arith.constant 9 : i32
      %mul3A_416 = arith.muli %scan3A_138, %mul3A_415 : i32
      %add3A_417 = arith.constant 7 : i32
      %add3A_418 = arith.addi %mul3A_416, %add3A_417 : i32
      %get3A_419 = arith.index_cast %add3A_418 : i32 to index
      %get3A_420 = arith.constant 48 : index
      %get3A_421 = tpu.vector_load %arg9[%get3A_419, %get3A_420] {strides = array<i32>} : memref<288x128xf32, #tpu.memory_space<vmem>>, vector<16xf32>,
      %add3A_422 = arith.addf %add3A_414, %get3A_421 : vector<16xf32>
      %mul3A_423 = arith.constant 9 : i32
      %mul3A_424 = arith.muli %scan3A_138, %mul3A_423 : i32
      %add3A_425 = arith.constant 8 : i32
      %add3A_426 = arith.addi %mul3A_424, %add3A_425 : i32
      %get3A_427 = arith.index_cast %add3A_426 : i32 to index
      %get3A_428 = arith.constant 48 : index
      %get3A_429 = tpu.vector_load %arg9[%get3A_427, %get3A_428] {strides = array<i32>} : memref<288x128xf32, #tpu.memory_space<vmem>>, vector<16xf32>,
      %add3A_430 = arith.addf %add3A_422, %get3A_429 : vector<16xf32>
      %max3A_431 = arith.constant 0.000000e+00 : f32
      %max3A_432 = vector.broadcast %max3A_431 : f32 to vector<16xf32>
      %max3A_433 = arith.maximumf %add3A_430, %max3A_432 : vector<16xf32>
      %swap3A_434 = arith.index_cast %scan3A_138 : i32 to index
      %swap3A_435 = arith.constant 48 : index
      %swap3A_436 = tpu.vector_load %arg10[%swap3A_434, %swap3A_435] {strides = array<i32>} : memref<32x64xf32, #tpu.memory_space<vmem>>, vector<16xf32>,
      tpu.vector_store %arg10[%swap3A_434, %swap3A_435], %max3A_433 {strides = array<i32>} : memref<32x64xf32, #tpu.memory_space<vmem>>, vector<16xf32>,
      %scan3A_437 = arith.constant 0 : i32
      scf.yield %scan3A_437 : i32
    }
    %scan3A_120 = arith.constant 32 : i32
    "tpu.region"() ({
      %run_scoped3A = tpu.sem_alloc : memref<!tpu.dma_semaphore, #tpu.memory_space<semaphore_mem>>
      %dma_start3A_138 = arith.constant 0 : i32
      %dma_start3A_139 = tpu.memref_slice %arg6[%add3A_105, %dma_start3A_138] : memref<4096x64xf32, #tpu.memory_space<hbm>> -> memref<32x64xf32, #tpu.memory_space<hbm>>
      %dma_start3A_140 = arith.constant 0 : i32
      %dma_start3A_141 = tpu.memref_slice %arg6[%add3A_105, %dma_start3A_140] : memref<4096x64xf32, #tpu.memory_space<hbm>> -> memref<32x64xf32, #tpu.memory_space<hbm>>
      tpu.enqueue_dma source(%arg10 : memref<32x64xf32, #tpu.memory_space<vmem>>) target(%dma_start3A_141 : memref<32x64xf32, #tpu.memory_space<hbm>>) target_semaphore(%run_scoped3A : memref<!tpu.dma_semaphore, #tpu.memory_space<semaphore_mem>>)
      %dma_wait3A_142 = arith.constant 0 : i32
      %dma_wait3A_143 = tpu.memref_slice %arg6[%add3A_105, %dma_wait3A_142] : memref<4096x64xf32, #tpu.memory_space<hbm>> -> memref<32x64xf32, #tpu.memory_space<hbm>>
      %dma_wait3A_144 = arith.constant 0 : i32
      %dma_wait3A_145 = tpu.memref_slice %arg6[%add3A_105, %dma_wait3A_144] : memref<4096x64xf32, #tpu.memory_space<hbm>> -> memref<32x64xf32, #tpu.memory_space<hbm>>
      tpu.wait_dma2 semaphore(%run_scoped3A : memref<!tpu.dma_semaphore, #tpu.memory_space<semaphore_mem>>) src(%arg10 : memref<32x64xf32, #tpu.memory_space<vmem>>) dst(%dma_wait3A_145 : memref<32x64xf32, #tpu.memory_space<hbm>>)
      tpu.yield
    }) : () -> ()
    %add3A_121 = arith.constant 96 : i32
    %add3A_122 = arith.addi %mul3A_69, %add3A_121 : i32
    %mul3A_123 = arith.constant 9 : i32
    %mul3A_124 = arith.muli %add3A_122, %mul3A_123 : i32
    "tpu.region"() ({
      %run_scoped3A = tpu.sem_alloc : memref<!tpu.dma_semaphore, #tpu.memory_space<semaphore_mem>>
      %dma_start3A_138 = tpu.memref_slice %arg4[%mul3A_124] : memref<36864xi32, #tpu.memory_space<hbm>> -> memref<288xi32, #tpu.memory_space<hbm>>
      %dma_start3A_139 = tpu.memref_slice %arg4[%mul3A_124] : memref<36864xi32, #tpu.memory_space<hbm>> -> memref<288xi32, #tpu.memory_space<hbm>>
      tpu.enqueue_dma source(%dma_start3A_139 : memref<288xi32, #tpu.memory_space<hbm>>) target(%arg8 : memref<288xi32, #tpu.memory_space<vmem>>) target_semaphore(%run_scoped3A : memref<!tpu.dma_semaphore, #tpu.memory_space<semaphore_mem>>)
      %dma_wait3A_140 = tpu.memref_slice %arg4[%mul3A_124] : memref<36864xi32, #tpu.memory_space<hbm>> -> memref<288xi32, #tpu.memory_space<hbm>>
      %dma_wait3A_141 = tpu.memref_slice %arg4[%mul3A_124] : memref<36864xi32, #tpu.memory_space<hbm>> -> memref<288xi32, #tpu.memory_space<hbm>>
      tpu.wait_dma2 semaphore(%run_scoped3A : memref<!tpu.dma_semaphore, #tpu.memory_space<semaphore_mem>>) src(%dma_wait3A_141 : memref<288xi32, #tpu.memory_space<hbm>>) dst(%arg8 : memref<288xi32, #tpu.memory_space<vmem>>)
      tpu.yield
    }) : () -> ()
    %dma_start3A_125 = arith.constant 0 : i32
    %dma_start3A_126 = arith.constant 0 : i32
    %dma_start3A_127 = tpu.memref_slice %arg2[%dma_start3A_125, %dma_start3A_126] : memref<577x128xf32, #tpu.memory_space<hbm>> -> memref<577x128xf32, #tpu.memory_space<hbm>>
    tpu.enqueue_indirect_dma source(%dma_start3A_127 : memref<577x128xf32, #tpu.memory_space<hbm>>) target(%arg9 : memref<288x128xf32, #tpu.memory_space<vmem>>) offsets(%arg8 : memref<288xi32, #tpu.memory_space<vmem>>) semaphore(%arg14 : memref<!tpu.dma_semaphore, #tpu.memory_space<semaphore_mem>>)
    %dma_wait3A_128 = arith.constant 0 : i32
    %dma_wait3A_129 = arith.constant 0 : i32
    %dma_wait3A_130 = tpu.memref_slice %arg2[%dma_wait3A_128, %dma_wait3A_129] : memref<577x128xf32, #tpu.memory_space<hbm>> -> memref<577x128xf32, #tpu.memory_space<hbm>>
    tpu.wait_indirect_dma semaphore(%arg14 : memref<!tpu.dma_semaphore, #tpu.memory_space<semaphore_mem>>) src(%dma_wait3A_130 : memref<577x128xf32, #tpu.memory_space<hbm>>) dst(%arg9 : memref<288x128xf32, #tpu.memory_space<vmem>>)
    %scan3A_131 = arith.constant 0 : i32
    %scan3A_132 = arith.constant 0 : i32
    %scan3A_133 = arith.constant 32 : i32
    %scan3A_134 = arith.addi %scan3A_132, %scan3A_133 : i32
    %scan3A_135 = arith.constant 1 : i32
    %scan3A_136 = scf.for %scan3A_138 = %scan3A_132 to %scan3A_134 step %scan3A_135 iter_args(%scan3A_139 = %scan3A_131) -> (i32)  : i32 {
      %mul3A_140 = arith.constant 9 : i32
      %mul3A_141 = arith.muli %scan3A_138, %mul3A_140 : i32
      %get3A = arith.index_cast %mul3A_141 : i32 to index
      %get3A_142 = arith.constant 0 : index
      %get3A_143 = tpu.vector_load %arg9[%get3A, %get3A_142] {strides = array<i32>} : memref<288x128xf32, #tpu.memory_space<vmem>>, vector<16xf32>,
      %mul3A_144 = arith.constant 9 : i32
      %mul3A_145 = arith.muli %scan3A_138, %mul3A_144 : i32
      %add3A_146 = arith.constant 1 : i32
      %add3A_147 = arith.addi %mul3A_145, %add3A_146 : i32
      %get3A_148 = arith.index_cast %add3A_147 : i32 to index
      %get3A_149 = arith.constant 0 : index
      %get3A_150 = tpu.vector_load %arg9[%get3A_148, %get3A_149] {strides = array<i32>} : memref<288x128xf32, #tpu.memory_space<vmem>>, vector<16xf32>,
      %add3A_151 = arith.addf %get3A_143, %get3A_150 : vector<16xf32>
      %mul3A_152 = arith.constant 9 : i32
      %mul3A_153 = arith.muli %scan3A_138, %mul3A_152 : i32
      %add3A_154 = arith.constant 2 : i32
      %add3A_155 = arith.addi %mul3A_153, %add3A_154 : i32
      %get3A_156 = arith.index_cast %add3A_155 : i32 to index
      %get3A_157 = arith.constant 0 : index
      %get3A_158 = tpu.vector_load %arg9[%get3A_156, %get3A_157] {strides = array<i32>} : memref<288x128xf32, #tpu.memory_space<vmem>>, vector<16xf32>,
      %add3A_159 = arith.addf %add3A_151, %get3A_158 : vector<16xf32>
      %mul3A_160 = arith.constant 9 : i32
      %mul3A_161 = arith.muli %scan3A_138, %mul3A_160 : i32
      %add3A_162 = arith.constant 3 : i32
      %add3A_163 = arith.addi %mul3A_161, %add3A_162 : i32
      %get3A_164 = arith.index_cast %add3A_163 : i32 to index
      %get3A_165 = arith.constant 0 : index
      %get3A_166 = tpu.vector_load %arg9[%get3A_164, %get3A_165] {strides = array<i32>} : memref<288x128xf32, #tpu.memory_space<vmem>>, vector<16xf32>,
      %add3A_167 = arith.addf %add3A_159, %get3A_166 : vector<16xf32>
      %mul3A_168 = arith.constant 9 : i32
      %mul3A_169 = arith.muli %scan3A_138, %mul3A_168 : i32
      %add3A_170 = arith.constant 4 : i32
      %add3A_171 = arith.addi %mul3A_169, %add3A_170 : i32
      %get3A_172 = arith.index_cast %add3A_171 : i32 to index
      %get3A_173 = arith.constant 0 : index
      %get3A_174 = tpu.vector_load %arg9[%get3A_172, %get3A_173] {strides = array<i32>} : memref<288x128xf32, #tpu.memory_space<vmem>>, vector<16xf32>,
      %add3A_175 = arith.addf %add3A_167, %get3A_174 : vector<16xf32>
      %mul3A_176 = arith.constant 9 : i32
      %mul3A_177 = arith.muli %scan3A_138, %mul3A_176 : i32
      %add3A_178 = arith.constant 5 : i32
      %add3A_179 = arith.addi %mul3A_177, %add3A_178 : i32
      %get3A_180 = arith.index_cast %add3A_179 : i32 to index
      %get3A_181 = arith.constant 0 : index
      %get3A_182 = tpu.vector_load %arg9[%get3A_180, %get3A_181] {strides = array<i32>} : memref<288x128xf32, #tpu.memory_space<vmem>>, vector<16xf32>,
      %add3A_183 = arith.addf %add3A_175, %get3A_182 : vector<16xf32>
      %mul3A_184 = arith.constant 9 : i32
      %mul3A_185 = arith.muli %scan3A_138, %mul3A_184 : i32
      %add3A_186 = arith.constant 6 : i32
      %add3A_187 = arith.addi %mul3A_185, %add3A_186 : i32
      %get3A_188 = arith.index_cast %add3A_187 : i32 to index
      %get3A_189 = arith.constant 0 : index
      %get3A_190 = tpu.vector_load %arg9[%get3A_188, %get3A_189] {strides = array<i32>} : memref<288x128xf32, #tpu.memory_space<vmem>>, vector<16xf32>,
      %add3A_191 = arith.addf %add3A_183, %get3A_190 : vector<16xf32>
      %mul3A_192 = arith.constant 9 : i32
      %mul3A_193 = arith.muli %scan3A_138, %mul3A_192 : i32
      %add3A_194 = arith.constant 7 : i32
      %add3A_195 = arith.addi %mul3A_193, %add3A_194 : i32
      %get3A_196 = arith.index_cast %add3A_195 : i32 to index
      %get3A_197 = arith.constant 0 : index
      %get3A_198 = tpu.vector_load %arg9[%get3A_196, %get3A_197] {strides = array<i32>} : memref<288x128xf32, #tpu.memory_space<vmem>>, vector<16xf32>,
      %add3A_199 = arith.addf %add3A_191, %get3A_198 : vector<16xf32>
      %mul3A_200 = arith.constant 9 : i32
      %mul3A_201 = arith.muli %scan3A_138, %mul3A_200 : i32
      %add3A_202 = arith.constant 8 : i32
      %add3A_203 = arith.addi %mul3A_201, %add3A_202 : i32
      %get3A_204 = arith.index_cast %add3A_203 : i32 to index
      %get3A_205 = arith.constant 0 : index
      %get3A_206 = tpu.vector_load %arg9[%get3A_204, %get3A_205] {strides = array<i32>} : memref<288x128xf32, #tpu.memory_space<vmem>>, vector<16xf32>,
      %add3A_207 = arith.addf %add3A_199, %get3A_206 : vector<16xf32>
      %max3A = arith.constant 0.000000e+00 : f32
      %max3A_208 = vector.broadcast %max3A : f32 to vector<16xf32>
      %max3A_209 = arith.maximumf %add3A_207, %max3A_208 : vector<16xf32>
      %swap3A = arith.index_cast %scan3A_138 : i32 to index
      %swap3A_210 = arith.constant 0 : index
      %swap3A_211 = tpu.vector_load %arg10[%swap3A, %swap3A_210] {strides = array<i32>} : memref<32x64xf32, #tpu.memory_space<vmem>>, vector<16xf32>,
      tpu.vector_store %arg10[%swap3A, %swap3A_210], %max3A_209 {strides = array<i32>} : memref<32x64xf32, #tpu.memory_space<vmem>>, vector<16xf32>,
      %mul3A_212 = arith.constant 9 : i32
      %mul3A_213 = arith.muli %scan3A_138, %mul3A_212 : i32
      %get3A_214 = arith.index_cast %mul3A_213 : i32 to index
      %get3A_215 = arith.constant 16 : index
      %get3A_216 = tpu.vector_load %arg9[%get3A_214, %get3A_215] {strides = array<i32>} : memref<288x128xf32, #tpu.memory_space<vmem>>, vector<16xf32>,
      %mul3A_217 = arith.constant 9 : i32
      %mul3A_218 = arith.muli %scan3A_138, %mul3A_217 : i32
      %add3A_219 = arith.constant 1 : i32
      %add3A_220 = arith.addi %mul3A_218, %add3A_219 : i32
      %get3A_221 = arith.index_cast %add3A_220 : i32 to index
      %get3A_222 = arith.constant 16 : index
      %get3A_223 = tpu.vector_load %arg9[%get3A_221, %get3A_222] {strides = array<i32>} : memref<288x128xf32, #tpu.memory_space<vmem>>, vector<16xf32>,
      %add3A_224 = arith.addf %get3A_216, %get3A_223 : vector<16xf32>
      %mul3A_225 = arith.constant 9 : i32
      %mul3A_226 = arith.muli %scan3A_138, %mul3A_225 : i32
      %add3A_227 = arith.constant 2 : i32
      %add3A_228 = arith.addi %mul3A_226, %add3A_227 : i32
      %get3A_229 = arith.index_cast %add3A_228 : i32 to index
      %get3A_230 = arith.constant 16 : index
      %get3A_231 = tpu.vector_load %arg9[%get3A_229, %get3A_230] {strides = array<i32>} : memref<288x128xf32, #tpu.memory_space<vmem>>, vector<16xf32>,
      %add3A_232 = arith.addf %add3A_224, %get3A_231 : vector<16xf32>
      %mul3A_233 = arith.constant 9 : i32
      %mul3A_234 = arith.muli %scan3A_138, %mul3A_233 : i32
      %add3A_235 = arith.constant 3 : i32
      %add3A_236 = arith.addi %mul3A_234, %add3A_235 : i32
      %get3A_237 = arith.index_cast %add3A_236 : i32 to index
      %get3A_238 = arith.constant 16 : index
      %get3A_239 = tpu.vector_load %arg9[%get3A_237, %get3A_238] {strides = array<i32>} : memref<288x128xf32, #tpu.memory_space<vmem>>, vector<16xf32>,
      %add3A_240 = arith.addf %add3A_232, %get3A_239 : vector<16xf32>
      %mul3A_241 = arith.constant 9 : i32
      %mul3A_242 = arith.muli %scan3A_138, %mul3A_241 : i32
      %add3A_243 = arith.constant 4 : i32
      %add3A_244 = arith.addi %mul3A_242, %add3A_243 : i32
      %get3A_245 = arith.index_cast %add3A_244 : i32 to index
      %get3A_246 = arith.constant 16 : index
      %get3A_247 = tpu.vector_load %arg9[%get3A_245, %get3A_246] {strides = array<i32>} : memref<288x128xf32, #tpu.memory_space<vmem>>, vector<16xf32>,
      %add3A_248 = arith.addf %add3A_240, %get3A_247 : vector<16xf32>
      %mul3A_249 = arith.constant 9 : i32
      %mul3A_250 = arith.muli %scan3A_138, %mul3A_249 : i32
      %add3A_251 = arith.constant 5 : i32
      %add3A_252 = arith.addi %mul3A_250, %add3A_251 : i32
      %get3A_253 = arith.index_cast %add3A_252 : i32 to index
      %get3A_254 = arith.constant 16 : index
      %get3A_255 = tpu.vector_load %arg9[%get3A_253, %get3A_254] {strides = array<i32>} : memref<288x128xf32, #tpu.memory_space<vmem>>, vector<16xf32>,
      %add3A_256 = arith.addf %add3A_248, %get3A_255 : vector<16xf32>
      %mul3A_257 = arith.constant 9 : i32
      %mul3A_258 = arith.muli %scan3A_138, %mul3A_257 : i32
      %add3A_259 = arith.constant 6 : i32
      %add3A_260 = arith.addi %mul3A_258, %add3A_259 : i32
      %get3A_261 = arith.index_cast %add3A_260 : i32 to index
      %get3A_262 = arith.constant 16 : index
      %get3A_263 = tpu.vector_load %arg9[%get3A_261, %get3A_262] {strides = array<i32>} : memref<288x128xf32, #tpu.memory_space<vmem>>, vector<16xf32>,
      %add3A_264 = arith.addf %add3A_256, %get3A_263 : vector<16xf32>
      %mul3A_265 = arith.constant 9 : i32
      %mul3A_266 = arith.muli %scan3A_138, %mul3A_265 : i32
      %add3A_267 = arith.constant 7 : i32
      %add3A_268 = arith.addi %mul3A_266, %add3A_267 : i32
      %get3A_269 = arith.index_cast %add3A_268 : i32 to index
      %get3A_270 = arith.constant 16 : index
      %get3A_271 = tpu.vector_load %arg9[%get3A_269, %get3A_270] {strides = array<i32>} : memref<288x128xf32, #tpu.memory_space<vmem>>, vector<16xf32>,
      %add3A_272 = arith.addf %add3A_264, %get3A_271 : vector<16xf32>
      %mul3A_273 = arith.constant 9 : i32
      %mul3A_274 = arith.muli %scan3A_138, %mul3A_273 : i32
      %add3A_275 = arith.constant 8 : i32
      %add3A_276 = arith.addi %mul3A_274, %add3A_275 : i32
      %get3A_277 = arith.index_cast %add3A_276 : i32 to index
      %get3A_278 = arith.constant 16 : index
      %get3A_279 = tpu.vector_load %arg9[%get3A_277, %get3A_278] {strides = array<i32>} : memref<288x128xf32, #tpu.memory_space<vmem>>, vector<16xf32>,
      %add3A_280 = arith.addf %add3A_272, %get3A_279 : vector<16xf32>
      %max3A_281 = arith.constant 0.000000e+00 : f32
      %max3A_282 = vector.broadcast %max3A_281 : f32 to vector<16xf32>
      %max3A_283 = arith.maximumf %add3A_280, %max3A_282 : vector<16xf32>
      %swap3A_284 = arith.index_cast %scan3A_138 : i32 to index
      %swap3A_285 = arith.constant 16 : index
      %swap3A_286 = tpu.vector_load %arg10[%swap3A_284, %swap3A_285] {strides = array<i32>} : memref<32x64xf32, #tpu.memory_space<vmem>>, vector<16xf32>,
      tpu.vector_store %arg10[%swap3A_284, %swap3A_285], %max3A_283 {strides = array<i32>} : memref<32x64xf32, #tpu.memory_space<vmem>>, vector<16xf32>,
      %mul3A_287 = arith.constant 9 : i32
      %mul3A_288 = arith.muli %scan3A_138, %mul3A_287 : i32
      %get3A_289 = arith.index_cast %mul3A_288 : i32 to index
      %get3A_290 = arith.constant 32 : index
      %get3A_291 = tpu.vector_load %arg9[%get3A_289, %get3A_290] {strides = array<i32>} : memref<288x128xf32, #tpu.memory_space<vmem>>, vector<16xf32>,
      %mul3A_292 = arith.constant 9 : i32
      %mul3A_293 = arith.muli %scan3A_138, %mul3A_292 : i32
      %add3A_294 = arith.constant 1 : i32
      %add3A_295 = arith.addi %mul3A_293, %add3A_294 : i32
      %get3A_296 = arith.index_cast %add3A_295 : i32 to index
      %get3A_297 = arith.constant 32 : index
      %get3A_298 = tpu.vector_load %arg9[%get3A_296, %get3A_297] {strides = array<i32>} : memref<288x128xf32, #tpu.memory_space<vmem>>, vector<16xf32>,
      %add3A_299 = arith.addf %get3A_291, %get3A_298 : vector<16xf32>
      %mul3A_300 = arith.constant 9 : i32
      %mul3A_301 = arith.muli %scan3A_138, %mul3A_300 : i32
      %add3A_302 = arith.constant 2 : i32
      %add3A_303 = arith.addi %mul3A_301, %add3A_302 : i32
      %get3A_304 = arith.index_cast %add3A_303 : i32 to index
      %get3A_305 = arith.constant 32 : index
      %get3A_306 = tpu.vector_load %arg9[%get3A_304, %get3A_305] {strides = array<i32>} : memref<288x128xf32, #tpu.memory_space<vmem>>, vector<16xf32>,
      %add3A_307 = arith.addf %add3A_299, %get3A_306 : vector<16xf32>
      %mul3A_308 = arith.constant 9 : i32
      %mul3A_309 = arith.muli %scan3A_138, %mul3A_308 : i32
      %add3A_310 = arith.constant 3 : i32
      %add3A_311 = arith.addi %mul3A_309, %add3A_310 : i32
      %get3A_312 = arith.index_cast %add3A_311 : i32 to index
      %get3A_313 = arith.constant 32 : index
      %get3A_314 = tpu.vector_load %arg9[%get3A_312, %get3A_313] {strides = array<i32>} : memref<288x128xf32, #tpu.memory_space<vmem>>, vector<16xf32>,
      %add3A_315 = arith.addf %add3A_307, %get3A_314 : vector<16xf32>
      %mul3A_316 = arith.constant 9 : i32
      %mul3A_317 = arith.muli %scan3A_138, %mul3A_316 : i32
      %add3A_318 = arith.constant 4 : i32
      %add3A_319 = arith.addi %mul3A_317, %add3A_318 : i32
      %get3A_320 = arith.index_cast %add3A_319 : i32 to index
      %get3A_321 = arith.constant 32 : index
      %get3A_322 = tpu.vector_load %arg9[%get3A_320, %get3A_321] {strides = array<i32>} : memref<288x128xf32, #tpu.memory_space<vmem>>, vector<16xf32>,
      %add3A_323 = arith.addf %add3A_315, %get3A_322 : vector<16xf32>
      %mul3A_324 = arith.constant 9 : i32
      %mul3A_325 = arith.muli %scan3A_138, %mul3A_324 : i32
      %add3A_326 = arith.constant 5 : i32
      %add3A_327 = arith.addi %mul3A_325, %add3A_326 : i32
      %get3A_328 = arith.index_cast %add3A_327 : i32 to index
      %get3A_329 = arith.constant 32 : index
      %get3A_330 = tpu.vector_load %arg9[%get3A_328, %get3A_329] {strides = array<i32>} : memref<288x128xf32, #tpu.memory_space<vmem>>, vector<16xf32>,
      %add3A_331 = arith.addf %add3A_323, %get3A_330 : vector<16xf32>
      %mul3A_332 = arith.constant 9 : i32
      %mul3A_333 = arith.muli %scan3A_138, %mul3A_332 : i32
      %add3A_334 = arith.constant 6 : i32
      %add3A_335 = arith.addi %mul3A_333, %add3A_334 : i32
      %get3A_336 = arith.index_cast %add3A_335 : i32 to index
      %get3A_337 = arith.constant 32 : index
      %get3A_338 = tpu.vector_load %arg9[%get3A_336, %get3A_337] {strides = array<i32>} : memref<288x128xf32, #tpu.memory_space<vmem>>, vector<16xf32>,
      %add3A_339 = arith.addf %add3A_331, %get3A_338 : vector<16xf32>
      %mul3A_340 = arith.constant 9 : i32
      %mul3A_341 = arith.muli %scan3A_138, %mul3A_340 : i32
      %add3A_342 = arith.constant 7 : i32
      %add3A_343 = arith.addi %mul3A_341, %add3A_342 : i32
      %get3A_344 = arith.index_cast %add3A_343 : i32 to index
      %get3A_345 = arith.constant 32 : index
      %get3A_346 = tpu.vector_load %arg9[%get3A_344, %get3A_345] {strides = array<i32>} : memref<288x128xf32, #tpu.memory_space<vmem>>, vector<16xf32>,
      %add3A_347 = arith.addf %add3A_339, %get3A_346 : vector<16xf32>
      %mul3A_348 = arith.constant 9 : i32
      %mul3A_349 = arith.muli %scan3A_138, %mul3A_348 : i32
      %add3A_350 = arith.constant 8 : i32
      %add3A_351 = arith.addi %mul3A_349, %add3A_350 : i32
      %get3A_352 = arith.index_cast %add3A_351 : i32 to index
      %get3A_353 = arith.constant 32 : index
      %get3A_354 = tpu.vector_load %arg9[%get3A_352, %get3A_353] {strides = array<i32>} : memref<288x128xf32, #tpu.memory_space<vmem>>, vector<16xf32>,
      %add3A_355 = arith.addf %add3A_347, %get3A_354 : vector<16xf32>
      %max3A_356 = arith.constant 0.000000e+00 : f32
      %max3A_357 = vector.broadcast %max3A_356 : f32 to vector<16xf32>
      %max3A_358 = arith.maximumf %add3A_355, %max3A_357 : vector<16xf32>
      %swap3A_359 = arith.index_cast %scan3A_138 : i32 to index
      %swap3A_360 = arith.constant 32 : index
      %swap3A_361 = tpu.vector_load %arg10[%swap3A_359, %swap3A_360] {strides = array<i32>} : memref<32x64xf32, #tpu.memory_space<vmem>>, vector<16xf32>,
      tpu.vector_store %arg10[%swap3A_359, %swap3A_360], %max3A_358 {strides = array<i32>} : memref<32x64xf32, #tpu.memory_space<vmem>>, vector<16xf32>,
      %mul3A_362 = arith.constant 9 : i32
      %mul3A_363 = arith.muli %scan3A_138, %mul3A_362 : i32
      %get3A_364 = arith.index_cast %mul3A_363 : i32 to index
      %get3A_365 = arith.constant 48 : index
      %get3A_366 = tpu.vector_load %arg9[%get3A_364, %get3A_365] {strides = array<i32>} : memref<288x128xf32, #tpu.memory_space<vmem>>, vector<16xf32>,
      %mul3A_367 = arith.constant 9 : i32
      %mul3A_368 = arith.muli %scan3A_138, %mul3A_367 : i32
      %add3A_369 = arith.constant 1 : i32
      %add3A_370 = arith.addi %mul3A_368, %add3A_369 : i32
      %get3A_371 = arith.index_cast %add3A_370 : i32 to index
      %get3A_372 = arith.constant 48 : index
      %get3A_373 = tpu.vector_load %arg9[%get3A_371, %get3A_372] {strides = array<i32>} : memref<288x128xf32, #tpu.memory_space<vmem>>, vector<16xf32>,
      %add3A_374 = arith.addf %get3A_366, %get3A_373 : vector<16xf32>
      %mul3A_375 = arith.constant 9 : i32
      %mul3A_376 = arith.muli %scan3A_138, %mul3A_375 : i32
      %add3A_377 = arith.constant 2 : i32
      %add3A_378 = arith.addi %mul3A_376, %add3A_377 : i32
      %get3A_379 = arith.index_cast %add3A_378 : i32 to index
      %get3A_380 = arith.constant 48 : index
      %get3A_381 = tpu.vector_load %arg9[%get3A_379, %get3A_380] {strides = array<i32>} : memref<288x128xf32, #tpu.memory_space<vmem>>, vector<16xf32>,
      %add3A_382 = arith.addf %add3A_374, %get3A_381 : vector<16xf32>
      %mul3A_383 = arith.constant 9 : i32
      %mul3A_384 = arith.muli %scan3A_138, %mul3A_383 : i32
      %add3A_385 = arith.constant 3 : i32
      %add3A_386 = arith.addi %mul3A_384, %add3A_385 : i32
      %get3A_387 = arith.index_cast %add3A_386 : i32 to index
      %get3A_388 = arith.constant 48 : index
      %get3A_389 = tpu.vector_load %arg9[%get3A_387, %get3A_388] {strides = array<i32>} : memref<288x128xf32, #tpu.memory_space<vmem>>, vector<16xf32>,
      %add3A_390 = arith.addf %add3A_382, %get3A_389 : vector<16xf32>
      %mul3A_391 = arith.constant 9 : i32
      %mul3A_392 = arith.muli %scan3A_138, %mul3A_391 : i32
      %add3A_393 = arith.constant 4 : i32
      %add3A_394 = arith.addi %mul3A_392, %add3A_393 : i32
      %get3A_395 = arith.index_cast %add3A_394 : i32 to index
      %get3A_396 = arith.constant 48 : index
      %get3A_397 = tpu.vector_load %arg9[%get3A_395, %get3A_396] {strides = array<i32>} : memref<288x128xf32, #tpu.memory_space<vmem>>, vector<16xf32>,
      %add3A_398 = arith.addf %add3A_390, %get3A_397 : vector<16xf32>
      %mul3A_399 = arith.constant 9 : i32
      %mul3A_400 = arith.muli %scan3A_138, %mul3A_399 : i32
      %add3A_401 = arith.constant 5 : i32
      %add3A_402 = arith.addi %mul3A_400, %add3A_401 : i32
      %get3A_403 = arith.index_cast %add3A_402 : i32 to index
      %get3A_404 = arith.constant 48 : index
      %get3A_405 = tpu.vector_load %arg9[%get3A_403, %get3A_404] {strides = array<i32>} : memref<288x128xf32, #tpu.memory_space<vmem>>, vector<16xf32>,
      %add3A_406 = arith.addf %add3A_398, %get3A_405 : vector<16xf32>
      %mul3A_407 = arith.constant 9 : i32
      %mul3A_408 = arith.muli %scan3A_138, %mul3A_407 : i32
      %add3A_409 = arith.constant 6 : i32
      %add3A_410 = arith.addi %mul3A_408, %add3A_409 : i32
      %get3A_411 = arith.index_cast %add3A_410 : i32 to index
      %get3A_412 = arith.constant 48 : index
      %get3A_413 = tpu.vector_load %arg9[%get3A_411, %get3A_412] {strides = array<i32>} : memref<288x128xf32, #tpu.memory_space<vmem>>, vector<16xf32>,
      %add3A_414 = arith.addf %add3A_406, %get3A_413 : vector<16xf32>
      %mul3A_415 = arith.constant 9 : i32
      %mul3A_416 = arith.muli %scan3A_138, %mul3A_415 : i32
      %add3A_417 = arith.constant 7 : i32
      %add3A_418 = arith.addi %mul3A_416, %add3A_417 : i32
      %get3A_419 = arith.index_cast %add3A_418 : i32 to index
      %get3A_420 = arith.constant 48 : index
      %get3A_421 = tpu.vector_load %arg9[%get3A_419, %get3A_420] {strides = array<i32>} : memref<288x128xf32, #tpu.memory_space<vmem>>, vector<16xf32>,
      %add3A_422 = arith.addf %add3A_414, %get3A_421 : vector<16xf32>
      %mul3A_423 = arith.constant 9 : i32
      %mul3A_424 = arith.muli %scan3A_138, %mul3A_423 : i32
      %add3A_425 = arith.constant 8 : i32
      %add3A_426 = arith.addi %mul3A_424, %add3A_425 : i32
      %get3A_427 = arith.index_cast %add3A_426 : i32 to index
      %get3A_428 = arith.constant 48 : index
      %get3A_429 = tpu.vector_load %arg9[%get3A_427, %get3A_428] {strides = array<i32>} : memref<288x128xf32, #tpu.memory_space<vmem>>, vector<16xf32>,
      %add3A_430 = arith.addf %add3A_422, %get3A_429 : vector<16xf32>
      %max3A_431 = arith.constant 0.000000e+00 : f32
      %max3A_432 = vector.broadcast %max3A_431 : f32 to vector<16xf32>
      %max3A_433 = arith.maximumf %add3A_430, %max3A_432 : vector<16xf32>
      %swap3A_434 = arith.index_cast %scan3A_138 : i32 to index
      %swap3A_435 = arith.constant 48 : index
      %swap3A_436 = tpu.vector_load %arg10[%swap3A_434, %swap3A_435] {strides = array<i32>} : memref<32x64xf32, #tpu.memory_space<vmem>>, vector<16xf32>,
      tpu.vector_store %arg10[%swap3A_434, %swap3A_435], %max3A_433 {strides = array<i32>} : memref<32x64xf32, #tpu.memory_space<vmem>>, vector<16xf32>,
      %scan3A_437 = arith.constant 0 : i32
      scf.yield %scan3A_437 : i32
    }
    %scan3A_137 = arith.constant 32 : i32
    "tpu.region"() ({
      %run_scoped3A = tpu.sem_alloc : memref<!tpu.dma_semaphore, #tpu.memory_space<semaphore_mem>>
      %dma_start3A_138 = arith.constant 0 : i32
      %dma_start3A_139 = tpu.memref_slice %arg6[%add3A_122, %dma_start3A_138] : memref<4096x64xf32, #tpu.memory_space<hbm>> -> memref<32x64xf32, #tpu.memory_space<hbm>>
      %dma_start3A_140 = arith.constant 0 : i32
      %dma_start3A_141 = tpu.memref_slice %arg6[%add3A_122, %dma_start3A_140] : memref<4096x64xf32, #tpu.memory_space<hbm>> -> memref<32x64xf32, #tpu.memory_space<hbm>>
      tpu.enqueue_dma source(%arg10 : memref<32x64xf32, #tpu.memory_space<vmem>>) target(%dma_start3A_141 : memref<32x64xf32, #tpu.memory_space<hbm>>) target_semaphore(%run_scoped3A : memref<!tpu.dma_semaphore, #tpu.memory_space<semaphore_mem>>)
      %dma_wait3A_142 = arith.constant 0 : i32
      %dma_wait3A_143 = tpu.memref_slice %arg6[%add3A_122, %dma_wait3A_142] : memref<4096x64xf32, #tpu.memory_space<hbm>> -> memref<32x64xf32, #tpu.memory_space<hbm>>
      %dma_wait3A_144 = arith.constant 0 : i32
      %dma_wait3A_145 = tpu.memref_slice %arg6[%add3A_122, %dma_wait3A_144] : memref<4096x64xf32, #tpu.memory_space<hbm>> -> memref<32x64xf32, #tpu.memory_space<hbm>>
      tpu.wait_dma2 semaphore(%run_scoped3A : memref<!tpu.dma_semaphore, #tpu.memory_space<semaphore_mem>>) src(%arg10 : memref<32x64xf32, #tpu.memory_space<vmem>>) dst(%dma_wait3A_145 : memref<32x64xf32, #tpu.memory_space<hbm>>)
      tpu.yield
    }) : () -> ()
    return
  }
}

module attributes {stable_mosaic.version = 14 : i64} {
  func.func @_dense_kernel(%arg0: i32, %arg1: memref<129xi32, #tpu.memory_space<smem>>, %arg2: memref<128xi32, #tpu.memory_space<smem>>, %arg3: memref<128xi32, #tpu.memory_space<smem>>, %arg4: memref<16384xi32, #tpu.memory_space<smem>>, %arg5: memref<4096xi32, #tpu.memory_space<smem>>, %arg6: memref<16384x64xf32, #tpu.memory_space<vmem>>, %arg7: memref<4096x64xf32, #tpu.memory_space<vmem>>, %arg8: memref<1x48x128xf32, #tpu.memory_space<vmem>>, %arg9: memref<3x128x128xf32, #tpu.memory_space<vmem>>, %arg10: memref<3x128x128xf32, #tpu.memory_space<vmem>>, %arg11: memref<3x128x128xf32, #tpu.memory_space<vmem>>, %arg12: memref<128x2xf32, #tpu.memory_space<vmem>>, %arg13: memref<64x2xf32, #tpu.memory_space<vmem>>, %arg14: memref<2304x128xf32, #tpu.memory_space<vmem>>) attributes {dimension_semantics = [#tpu.dimension_semantics<arbitrary>], iteration_bounds = array<i64: 64>, scalar_prefetch = 5 : i64, scratch_operands = 1 : i64, tpu.core_type = #tpu.core_type<tc>, window_params = [{pipeline_mode = #tpu.pipeline_mode<synchronous>, transform_indices = @transform_0, window_bounds = array<i64: 16384, 64>}, {pipeline_mode = #tpu.pipeline_mode<synchronous>, transform_indices = @transform_1, window_bounds = array<i64: 4096, 64>}, {transform_indices = @transform_2, window_bounds = array<i64: 1, 48, 128>}, {pipeline_mode = #tpu.pipeline_mode<synchronous>, transform_indices = @transform_3, window_bounds = array<i64: 3, 128, 128>}, {pipeline_mode = #tpu.pipeline_mode<synchronous>, transform_indices = @transform_4, window_bounds = array<i64: 3, 128, 128>}, {pipeline_mode = #tpu.pipeline_mode<synchronous>, transform_indices = @transform_5, window_bounds = array<i64: 3, 128, 128>}, {pipeline_mode = #tpu.pipeline_mode<synchronous>, transform_indices = @transform_6, window_bounds = array<i64: 128, 2>}, {pipeline_mode = #tpu.pipeline_mode<synchronous>, transform_indices = @transform_7, window_bounds = array<i64: 64, 2>}]} {
    %broadcast_in_dim3A = arith.constant 0.000000e+00 : f32
    %broadcast_in_dim3A_0 = vector.broadcast %broadcast_in_dim3A : f32 to vector<2304x128xf32>
    %swap3A = arith.constant 0 : index
    %swap3A_1 = arith.constant 0 : index
    %swap3A_2 = vector.load %arg14[%swap3A, %swap3A_1] : memref<2304x128xf32, #tpu.memory_space<vmem>>, vector<2304x128xf32>
    tpu.vector_store %arg14[%swap3A, %swap3A_1], %broadcast_in_dim3A_0 {strides = array<i32>} : memref<2304x128xf32, #tpu.memory_space<vmem>>, vector<2304x128xf32>,
    %mul3A = arith.constant 2 : i32
    %mul3A_3 = arith.muli %mul3A, %arg0 : i32
    %get3A = arith.index_cast %mul3A_3 : i32 to index
    %get3A_4 = memref.load %arg1[%get3A] : memref<129xi32, #tpu.memory_space<smem>>
    %mul3A_5 = arith.constant 2 : i32
    %mul3A_6 = arith.muli %mul3A_5, %arg0 : i32
    %add3A = arith.constant 1 : i32
    %add3A_7 = arith.addi %mul3A_6, %add3A : i32
    %get3A_8 = arith.index_cast %add3A_7 : i32 to index
    %get3A_9 = memref.load %arg1[%get3A_8] : memref<129xi32, #tpu.memory_space<smem>>
    %while3A = arith.constant 0 : i32
    %while3A_10 = arith.subi %get3A_9, %get3A_4 : i32
    %while3A_11 = arith.addi %get3A_4, %while3A_10 : i32
    %while3A_12 = arith.constant 1 : i32
    %while3A_13 = arith.divsi %while3A_10, %while3A_12 : i32
    %while3A_14 = arith.muli %while3A_13, %while3A_12 : i32
    %while3A_15 = arith.addi %get3A_4, %while3A_14 : i32
    %while3A_16 = arith.constant 1 : i32
    %while3A_17 = scf.for %while3A_274 = %get3A_4 to %while3A_15 step %while3A_16 iter_args(%while3A_275 = %while3A) -> (i32)  : i32 {
      %get3A_276 = arith.index_cast %while3A_274 : i32 to index
      %get3A_277 = memref.load %arg4[%get3A_276] : memref<16384xi32, #tpu.memory_space<smem>>
      %get3A_278 = arith.index_cast %get3A_277 : i32 to index
      %get3A_279 = arith.constant 0 : index
      %get3A_280 = vector.load %arg14[%get3A_278, %get3A_279] : memref<2304x128xf32, #tpu.memory_space<vmem>>, vector<1x64xf32>
      %get3A_281 = arith.index_cast %while3A_274 : i32 to index
      %get3A_282 = arith.constant 0 : index
      %get3A_283 = vector.load %arg6[%get3A_281, %get3A_282] : memref<16384x64xf32, #tpu.memory_space<vmem>>, vector<1x64xf32>
      %add3A_284 = arith.addf %get3A_280, %get3A_283 : vector<1x64xf32>
      %swap3A_285 = arith.index_cast %get3A_277 : i32 to index
      %swap3A_286 = arith.constant 0 : index
      %swap3A_287 = vector.load %arg14[%swap3A_285, %swap3A_286] : memref<2304x128xf32, #tpu.memory_space<vmem>>, vector<1x64xf32>
      tpu.vector_store %arg14[%swap3A_285, %swap3A_286], %add3A_284 {strides = array<i32>} : memref<2304x128xf32, #tpu.memory_space<vmem>>, vector<1x64xf32>,
      %while3A_288 = arith.constant 0 : i32
      scf.yield %while3A_288 : i32
    }
    %while3A_18 = arith.constant 1 : i32
    %while3A_19 = scf.for %while3A_274 = %while3A_15 to %while3A_11 step %while3A_18 iter_args(%while3A_275 = %while3A_17) -> (i32)  : i32 {
      %get3A_276 = arith.index_cast %while3A_274 : i32 to index
      %get3A_277 = memref.load %arg4[%get3A_276] : memref<16384xi32, #tpu.memory_space<smem>>
      %get3A_278 = arith.index_cast %get3A_277 : i32 to index
      %get3A_279 = arith.constant 0 : index
      %get3A_280 = vector.load %arg14[%get3A_278, %get3A_279] : memref<2304x128xf32, #tpu.memory_space<vmem>>, vector<1x64xf32>
      %get3A_281 = arith.index_cast %while3A_274 : i32 to index
      %get3A_282 = arith.constant 0 : index
      %get3A_283 = vector.load %arg6[%get3A_281, %get3A_282] : memref<16384x64xf32, #tpu.memory_space<vmem>>, vector<1x64xf32>
      %add3A_284 = arith.addf %get3A_280, %get3A_283 : vector<1x64xf32>
      %swap3A_285 = arith.index_cast %get3A_277 : i32 to index
      %swap3A_286 = arith.constant 0 : index
      %swap3A_287 = vector.load %arg14[%swap3A_285, %swap3A_286] : memref<2304x128xf32, #tpu.memory_space<vmem>>, vector<1x64xf32>
      tpu.vector_store %arg14[%swap3A_285, %swap3A_286], %add3A_284 {strides = array<i32>} : memref<2304x128xf32, #tpu.memory_space<vmem>>, vector<1x64xf32>,
      %while3A_288 = arith.constant 0 : i32
      scf.yield %while3A_288 : i32
    }
    %mul3A_20 = arith.constant 2 : i32
    %mul3A_21 = arith.muli %mul3A_20, %arg0 : i32
    %add3A_22 = arith.constant 1 : i32
    %add3A_23 = arith.addi %mul3A_21, %add3A_22 : i32
    %get3A_24 = arith.index_cast %add3A_23 : i32 to index
    %get3A_25 = memref.load %arg1[%get3A_24] : memref<129xi32, #tpu.memory_space<smem>>
    %mul3A_26 = arith.constant 2 : i32
    %mul3A_27 = arith.muli %mul3A_26, %arg0 : i32
    %add3A_28 = arith.constant 2 : i32
    %add3A_29 = arith.addi %mul3A_27, %add3A_28 : i32
    %get3A_30 = arith.index_cast %add3A_29 : i32 to index
    %get3A_31 = memref.load %arg1[%get3A_30] : memref<129xi32, #tpu.memory_space<smem>>
    %while3A_32 = arith.constant 0 : i32
    %while3A_33 = arith.subi %get3A_31, %get3A_25 : i32
    %while3A_34 = arith.addi %get3A_25, %while3A_33 : i32
    %while3A_35 = arith.constant 1 : i32
    %while3A_36 = arith.divsi %while3A_33, %while3A_35 : i32
    %while3A_37 = arith.muli %while3A_36, %while3A_35 : i32
    %while3A_38 = arith.addi %get3A_25, %while3A_37 : i32
    %while3A_39 = arith.constant 1 : i32
    %while3A_40 = scf.for %while3A_274 = %get3A_25 to %while3A_38 step %while3A_39 iter_args(%while3A_275 = %while3A_32) -> (i32)  : i32 {
      %get3A_276 = arith.index_cast %while3A_274 : i32 to index
      %get3A_277 = memref.load %arg4[%get3A_276] : memref<16384xi32, #tpu.memory_space<smem>>
      %get3A_278 = arith.index_cast %get3A_277 : i32 to index
      %get3A_279 = arith.constant 64 : index
      %get3A_280 = vector.load %arg14[%get3A_278, %get3A_279] : memref<2304x128xf32, #tpu.memory_space<vmem>>, vector<1x64xf32>
      %get3A_281 = arith.index_cast %while3A_274 : i32 to index
      %get3A_282 = arith.constant 0 : index
      %get3A_283 = vector.load %arg6[%get3A_281, %get3A_282] : memref<16384x64xf32, #tpu.memory_space<vmem>>, vector<1x64xf32>
      %add3A_284 = arith.addf %get3A_280, %get3A_283 : vector<1x64xf32>
      %swap3A_285 = arith.index_cast %get3A_277 : i32 to index
      %swap3A_286 = arith.constant 64 : index
      %swap3A_287 = vector.load %arg14[%swap3A_285, %swap3A_286] : memref<2304x128xf32, #tpu.memory_space<vmem>>, vector<1x64xf32>
      tpu.vector_store %arg14[%swap3A_285, %swap3A_286], %add3A_284 {strides = array<i32>} : memref<2304x128xf32, #tpu.memory_space<vmem>>, vector<1x64xf32>,
      %while3A_288 = arith.constant 0 : i32
      scf.yield %while3A_288 : i32
    }
    %while3A_41 = arith.constant 1 : i32
    %while3A_42 = scf.for %while3A_274 = %while3A_38 to %while3A_34 step %while3A_41 iter_args(%while3A_275 = %while3A_40) -> (i32)  : i32 {
      %get3A_276 = arith.index_cast %while3A_274 : i32 to index
      %get3A_277 = memref.load %arg4[%get3A_276] : memref<16384xi32, #tpu.memory_space<smem>>
      %get3A_278 = arith.index_cast %get3A_277 : i32 to index
      %get3A_279 = arith.constant 64 : index
      %get3A_280 = vector.load %arg14[%get3A_278, %get3A_279] : memref<2304x128xf32, #tpu.memory_space<vmem>>, vector<1x64xf32>
      %get3A_281 = arith.index_cast %while3A_274 : i32 to index
      %get3A_282 = arith.constant 0 : index
      %get3A_283 = vector.load %arg6[%get3A_281, %get3A_282] : memref<16384x64xf32, #tpu.memory_space<vmem>>, vector<1x64xf32>
      %add3A_284 = arith.addf %get3A_280, %get3A_283 : vector<1x64xf32>
      %swap3A_285 = arith.index_cast %get3A_277 : i32 to index
      %swap3A_286 = arith.constant 64 : index
      %swap3A_287 = vector.load %arg14[%swap3A_285, %swap3A_286] : memref<2304x128xf32, #tpu.memory_space<vmem>>, vector<1x64xf32>
      tpu.vector_store %arg14[%swap3A_285, %swap3A_286], %add3A_284 {strides = array<i32>} : memref<2304x128xf32, #tpu.memory_space<vmem>>, vector<1x64xf32>,
      %while3A_288 = arith.constant 0 : i32
      scf.yield %while3A_288 : i32
    }
    %mul3A_43 = arith.constant 2 : i32
    %mul3A_44 = arith.muli %mul3A_43, %arg0 : i32
    %get3A_45 = arith.index_cast %mul3A_44 : i32 to index
    %get3A_46 = memref.load %arg2[%get3A_45] : memref<128xi32, #tpu.memory_space<smem>>
    %get3A_47 = arith.index_cast %mul3A_44 : i32 to index
    %get3A_48 = memref.load %arg3[%get3A_47] : memref<128xi32, #tpu.memory_space<smem>>
    %while3A_49 = arith.constant 0 : i32
    %while3A_50 = arith.subi %get3A_48, %get3A_46 : i32
    %while3A_51 = arith.addi %get3A_46, %while3A_50 : i32
    %while3A_52 = arith.constant 1 : i32
    %while3A_53 = arith.divsi %while3A_50, %while3A_52 : i32
    %while3A_54 = arith.muli %while3A_53, %while3A_52 : i32
    %while3A_55 = arith.addi %get3A_46, %while3A_54 : i32
    %while3A_56 = arith.constant 1 : i32
    %while3A_57 = scf.for %while3A_274 = %get3A_46 to %while3A_55 step %while3A_56 iter_args(%while3A_275 = %while3A_49) -> (i32)  : i32 {
      %get3A_276 = arith.index_cast %while3A_274 : i32 to index
      %get3A_277 = memref.load %arg5[%get3A_276] : memref<4096xi32, #tpu.memory_space<smem>>
      %get3A_278 = arith.index_cast %get3A_277 : i32 to index
      %get3A_279 = arith.constant 0 : index
      %get3A_280 = vector.load %arg14[%get3A_278, %get3A_279] : memref<2304x128xf32, #tpu.memory_space<vmem>>, vector<1x64xf32>
      %get3A_281 = arith.index_cast %while3A_274 : i32 to index
      %get3A_282 = arith.constant 0 : index
      %get3A_283 = vector.load %arg7[%get3A_281, %get3A_282] : memref<4096x64xf32, #tpu.memory_space<vmem>>, vector<1x64xf32>
      %add3A_284 = arith.addf %get3A_280, %get3A_283 : vector<1x64xf32>
      %swap3A_285 = arith.index_cast %get3A_277 : i32 to index
      %swap3A_286 = arith.constant 0 : index
      %swap3A_287 = vector.load %arg14[%swap3A_285, %swap3A_286] : memref<2304x128xf32, #tpu.memory_space<vmem>>, vector<1x64xf32>
      tpu.vector_store %arg14[%swap3A_285, %swap3A_286], %add3A_284 {strides = array<i32>} : memref<2304x128xf32, #tpu.memory_space<vmem>>, vector<1x64xf32>,
      %while3A_288 = arith.constant 0 : i32
      scf.yield %while3A_288 : i32
    }
    %while3A_58 = arith.constant 1 : i32
    %while3A_59 = scf.for %while3A_274 = %while3A_55 to %while3A_51 step %while3A_58 iter_args(%while3A_275 = %while3A_57) -> (i32)  : i32 {
      %get3A_276 = arith.index_cast %while3A_274 : i32 to index
      %get3A_277 = memref.load %arg5[%get3A_276] : memref<4096xi32, #tpu.memory_space<smem>>
      %get3A_278 = arith.index_cast %get3A_277 : i32 to index
      %get3A_279 = arith.constant 0 : index
      %get3A_280 = vector.load %arg14[%get3A_278, %get3A_279] : memref<2304x128xf32, #tpu.memory_space<vmem>>, vector<1x64xf32>
      %get3A_281 = arith.index_cast %while3A_274 : i32 to index
      %get3A_282 = arith.constant 0 : index
      %get3A_283 = vector.load %arg7[%get3A_281, %get3A_282] : memref<4096x64xf32, #tpu.memory_space<vmem>>, vector<1x64xf32>
      %add3A_284 = arith.addf %get3A_280, %get3A_283 : vector<1x64xf32>
      %swap3A_285 = arith.index_cast %get3A_277 : i32 to index
      %swap3A_286 = arith.constant 0 : index
      %swap3A_287 = vector.load %arg14[%swap3A_285, %swap3A_286] : memref<2304x128xf32, #tpu.memory_space<vmem>>, vector<1x64xf32>
      tpu.vector_store %arg14[%swap3A_285, %swap3A_286], %add3A_284 {strides = array<i32>} : memref<2304x128xf32, #tpu.memory_space<vmem>>, vector<1x64xf32>,
      %while3A_288 = arith.constant 0 : i32
      scf.yield %while3A_288 : i32
    }
    %mul3A_60 = arith.constant 2 : i32
    %mul3A_61 = arith.muli %mul3A_60, %arg0 : i32
    %add3A_62 = arith.constant 1 : i32
    %add3A_63 = arith.addi %mul3A_61, %add3A_62 : i32
    %get3A_64 = arith.index_cast %add3A_63 : i32 to index
    %get3A_65 = memref.load %arg2[%get3A_64] : memref<128xi32, #tpu.memory_space<smem>>
    %get3A_66 = arith.index_cast %add3A_63 : i32 to index
    %get3A_67 = memref.load %arg3[%get3A_66] : memref<128xi32, #tpu.memory_space<smem>>
    %while3A_68 = arith.constant 0 : i32
    %while3A_69 = arith.subi %get3A_67, %get3A_65 : i32
    %while3A_70 = arith.addi %get3A_65, %while3A_69 : i32
    %while3A_71 = arith.constant 1 : i32
    %while3A_72 = arith.divsi %while3A_69, %while3A_71 : i32
    %while3A_73 = arith.muli %while3A_72, %while3A_71 : i32
    %while3A_74 = arith.addi %get3A_65, %while3A_73 : i32
    %while3A_75 = arith.constant 1 : i32
    %while3A_76 = scf.for %while3A_274 = %get3A_65 to %while3A_74 step %while3A_75 iter_args(%while3A_275 = %while3A_68) -> (i32)  : i32 {
      %get3A_276 = arith.index_cast %while3A_274 : i32 to index
      %get3A_277 = memref.load %arg5[%get3A_276] : memref<4096xi32, #tpu.memory_space<smem>>
      %get3A_278 = arith.index_cast %get3A_277 : i32 to index
      %get3A_279 = arith.constant 64 : index
      %get3A_280 = vector.load %arg14[%get3A_278, %get3A_279] : memref<2304x128xf32, #tpu.memory_space<vmem>>, vector<1x64xf32>
      %get3A_281 = arith.index_cast %while3A_274 : i32 to index
      %get3A_282 = arith.constant 0 : index
      %get3A_283 = vector.load %arg7[%get3A_281, %get3A_282] : memref<4096x64xf32, #tpu.memory_space<vmem>>, vector<1x64xf32>
      %add3A_284 = arith.addf %get3A_280, %get3A_283 : vector<1x64xf32>
      %swap3A_285 = arith.index_cast %get3A_277 : i32 to index
      %swap3A_286 = arith.constant 64 : index
      %swap3A_287 = vector.load %arg14[%swap3A_285, %swap3A_286] : memref<2304x128xf32, #tpu.memory_space<vmem>>, vector<1x64xf32>
      tpu.vector_store %arg14[%swap3A_285, %swap3A_286], %add3A_284 {strides = array<i32>} : memref<2304x128xf32, #tpu.memory_space<vmem>>, vector<1x64xf32>,
      %while3A_288 = arith.constant 0 : i32
      scf.yield %while3A_288 : i32
    }
    %while3A_77 = arith.constant 1 : i32
    %while3A_78 = scf.for %while3A_274 = %while3A_74 to %while3A_70 step %while3A_77 iter_args(%while3A_275 = %while3A_76) -> (i32)  : i32 {
      %get3A_276 = arith.index_cast %while3A_274 : i32 to index
      %get3A_277 = memref.load %arg5[%get3A_276] : memref<4096xi32, #tpu.memory_space<smem>>
      %get3A_278 = arith.index_cast %get3A_277 : i32 to index
      %get3A_279 = arith.constant 64 : index
      %get3A_280 = vector.load %arg14[%get3A_278, %get3A_279] : memref<2304x128xf32, #tpu.memory_space<vmem>>, vector<1x64xf32>
      %get3A_281 = arith.index_cast %while3A_274 : i32 to index
      %get3A_282 = arith.constant 0 : index
      %get3A_283 = vector.load %arg7[%get3A_281, %get3A_282] : memref<4096x64xf32, #tpu.memory_space<vmem>>, vector<1x64xf32>
      %add3A_284 = arith.addf %get3A_280, %get3A_283 : vector<1x64xf32>
      %swap3A_285 = arith.index_cast %get3A_277 : i32 to index
      %swap3A_286 = arith.constant 64 : index
      %swap3A_287 = vector.load %arg14[%swap3A_285, %swap3A_286] : memref<2304x128xf32, #tpu.memory_space<vmem>>, vector<1x64xf32>
      tpu.vector_store %arg14[%swap3A_285, %swap3A_286], %add3A_284 {strides = array<i32>} : memref<2304x128xf32, #tpu.memory_space<vmem>>, vector<1x64xf32>,
      %while3A_288 = arith.constant 0 : i32
      scf.yield %while3A_288 : i32
    }
    %get3A_79 = arith.constant 0 : index
    %get3A_80 = arith.constant 0 : index
    %get3A_81 = arith.constant 0 : index
    %get3A_82 = vector.load %arg8[%get3A_79, %get3A_80, %get3A_81] : memref<1x48x128xf32, #tpu.memory_space<vmem>>, vector<1x48x128xf32>
    %get3A_83 = vector.shape_cast %get3A_82 : vector<1x48x128xf32> to vector<48x128xf32>
    %broadcast_in_dim3A_84 = vector.shape_cast %get3A_83 : vector<48x128xf32> to vector<48x1x128xf32>
    %broadcast_in_dim3A_85 = vector.shape_cast %broadcast_in_dim3A_84 : vector<48x1x128xf32> to vector<48x1x128xf32>
    %broadcast_in_dim3A_86 = vector.broadcast %broadcast_in_dim3A_85 : vector<48x1x128xf32> to vector<48x48x128xf32>
    %reshape3A = vector.shape_cast %broadcast_in_dim3A_86 : vector<48x48x128xf32> to vector<2304x128xf32>
    %broadcast_in_dim3A_87 = vector.shape_cast %get3A_83 : vector<48x128xf32> to vector<1x48x128xf32>
    %broadcast_in_dim3A_88 = vector.shape_cast %broadcast_in_dim3A_87 : vector<1x48x128xf32> to vector<1x48x128xf32>
    %broadcast_in_dim3A_89 = vector.broadcast %broadcast_in_dim3A_88 : vector<1x48x128xf32> to vector<48x48x128xf32>
    %reshape3A_90 = vector.shape_cast %broadcast_in_dim3A_89 : vector<48x48x128xf32> to vector<2304x128xf32>
    %mul3A_91 = arith.mulf %reshape3A, %reshape3A_90 : vector<2304x128xf32>
    %reduce_sum3A = arith.constant dense<0.000000e+00> : vector<128xf32>
    %reduce_sum3A_92 = vector.multi_reduction <add>, %mul3A_91, %reduce_sum3A [0] : vector<2304x128xf32> to vector<128xf32>
    %broadcast_in_dim3A_93 = vector.shape_cast %reduce_sum3A_92 : vector<128xf32> to vector<1x128xf32>
    %add3A_94 = arith.constant 9.99999997E-7 : f32
    %add3A_95 = vector.broadcast %add3A_94 : f32 to vector<1x128xf32>
    %add3A_96 = arith.addf %broadcast_in_dim3A_93, %add3A_95 : vector<1x128xf32>
    %div3A = arith.constant 1.000000e+00 : f32
    %div3A_97 = vector.broadcast %div3A : f32 to vector<1x128xf32>
    %div3A_98 = arith.divf %div3A_97, %add3A_96 : vector<1x128xf32>
    %get3A_99 = arith.constant 0 : index
    %get3A_100 = arith.constant 0 : index
    %get3A_101 = vector.load %arg14[%get3A_99, %get3A_100] : memref<2304x128xf32, #tpu.memory_space<vmem>>, vector<2304x128xf32>
    %get3A_102 = arith.constant 0 : index
    %get3A_103 = arith.constant 0 : index
    %get3A_104 = arith.constant 0 : index
    %get3A_105 = vector.load %arg9[%get3A_102, %get3A_103, %get3A_104] : memref<3x128x128xf32, #tpu.memory_space<vmem>>, vector<1x128x128xf32>
    %get3A_106 = vector.shape_cast %get3A_105 : vector<1x128x128xf32> to vector<128x128xf32>
    %dot_general3A = arith.constant dense<0.000000e+00> : vector<2304x128xf32>
    %dot_general3A_107 = tpu.matmul %get3A_101, %get3A_106, %dot_general3A {dimension_numbers = #tpu.dot_dimension_numbers<[1], [0], [0], [1], [0, 0, 1, 1], [], []>, transpose_lhs_hint = false} : vector<2304x128xf32>, vector<128x128xf32>, vector<2304x128xf32> -> vector<2304x128xf32>
    %max3A = arith.constant 0.000000e+00 : f32
    %max3A_108 = vector.broadcast %max3A : f32 to vector<2304x128xf32>
    %max3A_109 = arith.maximumf %dot_general3A_107, %max3A_108 : vector<2304x128xf32>
    %get3A_110 = arith.constant 0 : index
    %get3A_111 = arith.constant 0 : index
    %get3A_112 = arith.constant 0 : index
    %get3A_113 = vector.load %arg10[%get3A_110, %get3A_111, %get3A_112] : memref<3x128x128xf32, #tpu.memory_space<vmem>>, vector<1x128x128xf32>
    %get3A_114 = vector.shape_cast %get3A_113 : vector<1x128x128xf32> to vector<128x128xf32>
    %dot_general3A_115 = arith.constant dense<0.000000e+00> : vector<2304x128xf32>
    %dot_general3A_116 = tpu.matmul %get3A_101, %get3A_114, %dot_general3A_115 {dimension_numbers = #tpu.dot_dimension_numbers<[1], [0], [0], [1], [0, 0, 1, 1], [], []>, transpose_lhs_hint = false} : vector<2304x128xf32>, vector<128x128xf32>, vector<2304x128xf32> -> vector<2304x128xf32>
    %max3A_117 = arith.constant 0.000000e+00 : f32
    %max3A_118 = vector.broadcast %max3A_117 : f32 to vector<2304x128xf32>
    %max3A_119 = arith.maximumf %dot_general3A_116, %max3A_118 : vector<2304x128xf32>
    %get3A_120 = arith.constant 0 : index
    %get3A_121 = arith.constant 0 : index
    %get3A_122 = arith.constant 0 : index
    %get3A_123 = vector.load %arg11[%get3A_120, %get3A_121, %get3A_122] : memref<3x128x128xf32, #tpu.memory_space<vmem>>, vector<1x128x128xf32>
    %get3A_124 = vector.shape_cast %get3A_123 : vector<1x128x128xf32> to vector<128x128xf32>
    %dot_general3A_125 = arith.constant dense<0.000000e+00> : vector<2304x128xf32>
    %dot_general3A_126 = tpu.matmul %get3A_101, %get3A_124, %dot_general3A_125 {dimension_numbers = #tpu.dot_dimension_numbers<[1], [0], [0], [1], [0, 0, 1, 1], [], []>, transpose_lhs_hint = false} : vector<2304x128xf32>, vector<128x128xf32>, vector<2304x128xf32> -> vector<2304x128xf32>
    %reshape3A_127 = vector.shape_cast %max3A_109 : vector<2304x128xf32> to vector<48x48x128xf32>
    %reshape3A_128 = vector.shape_cast %max3A_119 : vector<2304x128xf32> to vector<48x48x128xf32>
    "tpu.trace_start"() <{level = 10 : i32, message = "uwd,wvd->uvd"}> : () -> ()
    %dot_general3A_129 = arith.constant dense<0.000000e+00> : vector<128x48x48xf32>
    %dot_general3A_130 = tpu.matmul %reshape3A_128, %reshape3A_127, %dot_general3A_129 {dimension_numbers = #tpu.dot_dimension_numbers<[0], [1], [1], [0], [0, 2, 0, 1, 1, 0], [2], [2]>, transpose_lhs_hint = false} : vector<48x48x128xf32>, vector<48x48x128xf32>, vector<128x48x48xf32> -> vector<128x48x48xf32>
    %transpose3A = tpu.transpose %dot_general3A_130, [2, 1, 0] : vector<128x48x48xf32> -> vector<48x48x128xf32>
    "tpu.trace_stop"() : () -> ()
    %reshape3A_131 = vector.shape_cast %transpose3A : vector<48x48x128xf32> to vector<2304x128xf32>
    %add3A_132 = arith.addf %dot_general3A_126, %reshape3A_131 : vector<2304x128xf32>
    %reduce_sum3A_133 = arith.constant dense<0.000000e+00> : vector<128xf32>
    %reduce_sum3A_134 = vector.multi_reduction <add>, %add3A_132, %reduce_sum3A_133 [0] : vector<2304x128xf32> to vector<128xf32>
    %broadcast_in_dim3A_135 = vector.shape_cast %reduce_sum3A_134 : vector<128xf32> to vector<1x128xf32>
    %mul3A_136 = arith.mulf %broadcast_in_dim3A_135, %div3A_98 : vector<1x128xf32>
    %sub3A = vector.broadcast %mul3A_136 : vector<1x128xf32> to vector<2304x128xf32>
    %sub3A_137 = arith.subf %add3A_132, %sub3A : vector<2304x128xf32>
    %mul3A_138 = arith.mulf %sub3A_137, %mul3A_91 : vector<2304x128xf32>
    %mul3A_139 = arith.mulf %mul3A_138, %mul3A_138 : vector<2304x128xf32>
    %reduce_sum3A_140 = arith.constant dense<0.000000e+00> : vector<128xf32>
    %reduce_sum3A_141 = vector.multi_reduction <add>, %mul3A_139, %reduce_sum3A_140 [0] : vector<2304x128xf32> to vector<128xf32>
    %broadcast_in_dim3A_142 = vector.shape_cast %reduce_sum3A_141 : vector<128xf32> to vector<1x128xf32>
    %mul3A_143 = arith.mulf %broadcast_in_dim3A_142, %div3A_98 : vector<1x128xf32>
    %add3A_144 = arith.constant 9.99999974E-6 : f32
    %add3A_145 = vector.broadcast %add3A_144 : f32 to vector<1x128xf32>
    %add3A_146 = arith.addf %mul3A_143, %add3A_145 : vector<1x128xf32>
    %rsqrt3A = math.rsqrt %add3A_146 : vector<1x128xf32>
    %mul3A_147 = vector.broadcast %rsqrt3A : vector<1x128xf32> to vector<2304x128xf32>
    %mul3A_148 = arith.mulf %mul3A_138, %mul3A_147 : vector<2304x128xf32>
    %max3A_149 = arith.constant 0.000000e+00 : f32
    %max3A_150 = vector.broadcast %max3A_149 : f32 to vector<2304x128xf32>
    %max3A_151 = arith.maximumf %mul3A_148, %max3A_150 : vector<2304x128xf32>
    %get3A_152 = arith.constant 1 : index
    %get3A_153 = arith.constant 0 : index
    %get3A_154 = arith.constant 0 : index
    %get3A_155 = vector.load %arg9[%get3A_152, %get3A_153, %get3A_154] : memref<3x128x128xf32, #tpu.memory_space<vmem>>, vector<1x128x128xf32>
    %get3A_156 = vector.shape_cast %get3A_155 : vector<1x128x128xf32> to vector<128x128xf32>
    %dot_general3A_157 = arith.constant dense<0.000000e+00> : vector<2304x128xf32>
    %dot_general3A_158 = tpu.matmul %max3A_151, %get3A_156, %dot_general3A_157 {dimension_numbers = #tpu.dot_dimension_numbers<[1], [0], [0], [1], [0, 0, 1, 1], [], []>, transpose_lhs_hint = false} : vector<2304x128xf32>, vector<128x128xf32>, vector<2304x128xf32> -> vector<2304x128xf32>
    %max3A_159 = arith.constant 0.000000e+00 : f32
    %max3A_160 = vector.broadcast %max3A_159 : f32 to vector<2304x128xf32>
    %max3A_161 = arith.maximumf %dot_general3A_158, %max3A_160 : vector<2304x128xf32>
    %get3A_162 = arith.constant 1 : index
    %get3A_163 = arith.constant 0 : index
    %get3A_164 = arith.constant 0 : index
    %get3A_165 = vector.load %arg10[%get3A_162, %get3A_163, %get3A_164] : memref<3x128x128xf32, #tpu.memory_space<vmem>>, vector<1x128x128xf32>
    %get3A_166 = vector.shape_cast %get3A_165 : vector<1x128x128xf32> to vector<128x128xf32>
    %dot_general3A_167 = arith.constant dense<0.000000e+00> : vector<2304x128xf32>
    %dot_general3A_168 = tpu.matmul %max3A_151, %get3A_166, %dot_general3A_167 {dimension_numbers = #tpu.dot_dimension_numbers<[1], [0], [0], [1], [0, 0, 1, 1], [], []>, transpose_lhs_hint = false} : vector<2304x128xf32>, vector<128x128xf32>, vector<2304x128xf32> -> vector<2304x128xf32>
    %max3A_169 = arith.constant 0.000000e+00 : f32
    %max3A_170 = vector.broadcast %max3A_169 : f32 to vector<2304x128xf32>
    %max3A_171 = arith.maximumf %dot_general3A_168, %max3A_170 : vector<2304x128xf32>
    %get3A_172 = arith.constant 1 : index
    %get3A_173 = arith.constant 0 : index
    %get3A_174 = arith.constant 0 : index
    %get3A_175 = vector.load %arg11[%get3A_172, %get3A_173, %get3A_174] : memref<3x128x128xf32, #tpu.memory_space<vmem>>, vector<1x128x128xf32>
    %get3A_176 = vector.shape_cast %get3A_175 : vector<1x128x128xf32> to vector<128x128xf32>
    %dot_general3A_177 = arith.constant dense<0.000000e+00> : vector<2304x128xf32>
    %dot_general3A_178 = tpu.matmul %max3A_151, %get3A_176, %dot_general3A_177 {dimension_numbers = #tpu.dot_dimension_numbers<[1], [0], [0], [1], [0, 0, 1, 1], [], []>, transpose_lhs_hint = false} : vector<2304x128xf32>, vector<128x128xf32>, vector<2304x128xf32> -> vector<2304x128xf32>
    %reshape3A_179 = vector.shape_cast %max3A_161 : vector<2304x128xf32> to vector<48x48x128xf32>
    %reshape3A_180 = vector.shape_cast %max3A_171 : vector<2304x128xf32> to vector<48x48x128xf32>
    "tpu.trace_start"() <{level = 10 : i32, message = "uwd,wvd->uvd"}> : () -> ()
    %dot_general3A_181 = arith.constant dense<0.000000e+00> : vector<128x48x48xf32>
    %dot_general3A_182 = tpu.matmul %reshape3A_180, %reshape3A_179, %dot_general3A_181 {dimension_numbers = #tpu.dot_dimension_numbers<[0], [1], [1], [0], [0, 2, 0, 1, 1, 0], [2], [2]>, transpose_lhs_hint = false} : vector<48x48x128xf32>, vector<48x48x128xf32>, vector<128x48x48xf32> -> vector<128x48x48xf32>
    %transpose3A_183 = tpu.transpose %dot_general3A_182, [2, 1, 0] : vector<128x48x48xf32> -> vector<48x48x128xf32>
    "tpu.trace_stop"() : () -> ()
    %reshape3A_184 = vector.shape_cast %transpose3A_183 : vector<48x48x128xf32> to vector<2304x128xf32>
    %add3A_185 = arith.addf %dot_general3A_178, %reshape3A_184 : vector<2304x128xf32>
    %reduce_sum3A_186 = arith.constant dense<0.000000e+00> : vector<128xf32>
    %reduce_sum3A_187 = vector.multi_reduction <add>, %add3A_185, %reduce_sum3A_186 [0] : vector<2304x128xf32> to vector<128xf32>
    %broadcast_in_dim3A_188 = vector.shape_cast %reduce_sum3A_187 : vector<128xf32> to vector<1x128xf32>
    %mul3A_189 = arith.mulf %broadcast_in_dim3A_188, %div3A_98 : vector<1x128xf32>
    %sub3A_190 = vector.broadcast %mul3A_189 : vector<1x128xf32> to vector<2304x128xf32>
    %sub3A_191 = arith.subf %add3A_185, %sub3A_190 : vector<2304x128xf32>
    %mul3A_192 = arith.mulf %sub3A_191, %mul3A_91 : vector<2304x128xf32>
    %mul3A_193 = arith.mulf %mul3A_192, %mul3A_192 : vector<2304x128xf32>
    %reduce_sum3A_194 = arith.constant dense<0.000000e+00> : vector<128xf32>
    %reduce_sum3A_195 = vector.multi_reduction <add>, %mul3A_193, %reduce_sum3A_194 [0] : vector<2304x128xf32> to vector<128xf32>
    %broadcast_in_dim3A_196 = vector.shape_cast %reduce_sum3A_195 : vector<128xf32> to vector<1x128xf32>
    %mul3A_197 = arith.mulf %broadcast_in_dim3A_196, %div3A_98 : vector<1x128xf32>
    %add3A_198 = arith.constant 9.99999974E-6 : f32
    %add3A_199 = vector.broadcast %add3A_198 : f32 to vector<1x128xf32>
    %add3A_200 = arith.addf %mul3A_197, %add3A_199 : vector<1x128xf32>
    %rsqrt3A_201 = math.rsqrt %add3A_200 : vector<1x128xf32>
    %mul3A_202 = vector.broadcast %rsqrt3A_201 : vector<1x128xf32> to vector<2304x128xf32>
    %mul3A_203 = arith.mulf %mul3A_192, %mul3A_202 : vector<2304x128xf32>
    %max3A_204 = arith.constant 0.000000e+00 : f32
    %max3A_205 = vector.broadcast %max3A_204 : f32 to vector<2304x128xf32>
    %max3A_206 = arith.maximumf %mul3A_203, %max3A_205 : vector<2304x128xf32>
    %get3A_207 = arith.constant 2 : index
    %get3A_208 = arith.constant 0 : index
    %get3A_209 = arith.constant 0 : index
    %get3A_210 = vector.load %arg9[%get3A_207, %get3A_208, %get3A_209] : memref<3x128x128xf32, #tpu.memory_space<vmem>>, vector<1x128x128xf32>
    %get3A_211 = vector.shape_cast %get3A_210 : vector<1x128x128xf32> to vector<128x128xf32>
    %dot_general3A_212 = arith.constant dense<0.000000e+00> : vector<2304x128xf32>
    %dot_general3A_213 = tpu.matmul %max3A_206, %get3A_211, %dot_general3A_212 {dimension_numbers = #tpu.dot_dimension_numbers<[1], [0], [0], [1], [0, 0, 1, 1], [], []>, transpose_lhs_hint = false} : vector<2304x128xf32>, vector<128x128xf32>, vector<2304x128xf32> -> vector<2304x128xf32>
    %max3A_214 = arith.constant 0.000000e+00 : f32
    %max3A_215 = vector.broadcast %max3A_214 : f32 to vector<2304x128xf32>
    %max3A_216 = arith.maximumf %dot_general3A_213, %max3A_215 : vector<2304x128xf32>
    %get3A_217 = arith.constant 2 : index
    %get3A_218 = arith.constant 0 : index
    %get3A_219 = arith.constant 0 : index
    %get3A_220 = vector.load %arg10[%get3A_217, %get3A_218, %get3A_219] : memref<3x128x128xf32, #tpu.memory_space<vmem>>, vector<1x128x128xf32>
    %get3A_221 = vector.shape_cast %get3A_220 : vector<1x128x128xf32> to vector<128x128xf32>
    %dot_general3A_222 = arith.constant dense<0.000000e+00> : vector<2304x128xf32>
    %dot_general3A_223 = tpu.matmul %max3A_206, %get3A_221, %dot_general3A_222 {dimension_numbers = #tpu.dot_dimension_numbers<[1], [0], [0], [1], [0, 0, 1, 1], [], []>, transpose_lhs_hint = false} : vector<2304x128xf32>, vector<128x128xf32>, vector<2304x128xf32> -> vector<2304x128xf32>
    %max3A_224 = arith.constant 0.000000e+00 : f32
    %max3A_225 = vector.broadcast %max3A_224 : f32 to vector<2304x128xf32>
    %max3A_226 = arith.maximumf %dot_general3A_223, %max3A_225 : vector<2304x128xf32>
    %get3A_227 = arith.constant 2 : index
    %get3A_228 = arith.constant 0 : index
    %get3A_229 = arith.constant 0 : index
    %get3A_230 = vector.load %arg11[%get3A_227, %get3A_228, %get3A_229] : memref<3x128x128xf32, #tpu.memory_space<vmem>>, vector<1x128x128xf32>
    %get3A_231 = vector.shape_cast %get3A_230 : vector<1x128x128xf32> to vector<128x128xf32>
    %dot_general3A_232 = arith.constant dense<0.000000e+00> : vector<2304x128xf32>
    %dot_general3A_233 = tpu.matmul %max3A_206, %get3A_231, %dot_general3A_232 {dimension_numbers = #tpu.dot_dimension_numbers<[1], [0], [0], [1], [0, 0, 1, 1], [], []>, transpose_lhs_hint = false} : vector<2304x128xf32>, vector<128x128xf32>, vector<2304x128xf32> -> vector<2304x128xf32>
    %reshape3A_234 = vector.shape_cast %max3A_216 : vector<2304x128xf32> to vector<48x48x128xf32>
    %reshape3A_235 = vector.shape_cast %max3A_226 : vector<2304x128xf32> to vector<48x48x128xf32>
    "tpu.trace_start"() <{level = 10 : i32, message = "uwd,wvd->uvd"}> : () -> ()
    %dot_general3A_236 = arith.constant dense<0.000000e+00> : vector<128x48x48xf32>
    %dot_general3A_237 = tpu.matmul %reshape3A_235, %reshape3A_234, %dot_general3A_236 {dimension_numbers = #tpu.dot_dimension_numbers<[0], [1], [1], [0], [0, 2, 0, 1, 1, 0], [2], [2]>, transpose_lhs_hint = false} : vector<48x48x128xf32>, vector<48x48x128xf32>, vector<128x48x48xf32> -> vector<128x48x48xf32>
    %transpose3A_238 = tpu.transpose %dot_general3A_237, [2, 1, 0] : vector<128x48x48xf32> -> vector<48x48x128xf32>
    "tpu.trace_stop"() : () -> ()
    %reshape3A_239 = vector.shape_cast %transpose3A_238 : vector<48x48x128xf32> to vector<2304x128xf32>
    %add3A_240 = arith.addf %dot_general3A_233, %reshape3A_239 : vector<2304x128xf32>
    %reduce_sum3A_241 = arith.constant dense<0.000000e+00> : vector<128xf32>
    %reduce_sum3A_242 = vector.multi_reduction <add>, %add3A_240, %reduce_sum3A_241 [0] : vector<2304x128xf32> to vector<128xf32>
    %broadcast_in_dim3A_243 = vector.shape_cast %reduce_sum3A_242 : vector<128xf32> to vector<1x128xf32>
    %mul3A_244 = arith.mulf %broadcast_in_dim3A_243, %div3A_98 : vector<1x128xf32>
    %sub3A_245 = vector.broadcast %mul3A_244 : vector<1x128xf32> to vector<2304x128xf32>
    %sub3A_246 = arith.subf %add3A_240, %sub3A_245 : vector<2304x128xf32>
    %mul3A_247 = arith.mulf %sub3A_246, %mul3A_91 : vector<2304x128xf32>
    %mul3A_248 = arith.mulf %mul3A_247, %mul3A_247 : vector<2304x128xf32>
    %reduce_sum3A_249 = arith.constant dense<0.000000e+00> : vector<128xf32>
    %reduce_sum3A_250 = vector.multi_reduction <add>, %mul3A_248, %reduce_sum3A_249 [0] : vector<2304x128xf32> to vector<128xf32>
    %broadcast_in_dim3A_251 = vector.shape_cast %reduce_sum3A_250 : vector<128xf32> to vector<1x128xf32>
    %mul3A_252 = arith.mulf %broadcast_in_dim3A_251, %div3A_98 : vector<1x128xf32>
    %add3A_253 = arith.constant 9.99999974E-6 : f32
    %add3A_254 = vector.broadcast %add3A_253 : f32 to vector<1x128xf32>
    %add3A_255 = arith.addf %mul3A_252, %add3A_254 : vector<1x128xf32>
    %rsqrt3A_256 = math.rsqrt %add3A_255 : vector<1x128xf32>
    %mul3A_257 = vector.broadcast %rsqrt3A_256 : vector<1x128xf32> to vector<2304x128xf32>
    %mul3A_258 = arith.mulf %mul3A_247, %mul3A_257 : vector<2304x128xf32>
    %max3A_259 = arith.constant 0.000000e+00 : f32
    %max3A_260 = vector.broadcast %max3A_259 : f32 to vector<2304x128xf32>
    %max3A_261 = arith.maximumf %mul3A_258, %max3A_260 : vector<2304x128xf32>
    %reduce_sum3A_262 = arith.constant dense<0.000000e+00> : vector<128xf32>
    %reduce_sum3A_263 = vector.multi_reduction <add>, %max3A_261, %reduce_sum3A_262 [0] : vector<2304x128xf32> to vector<128xf32>
    %broadcast_in_dim3A_264 = vector.shape_cast %reduce_sum3A_263 : vector<128xf32> to vector<1x128xf32>
    %mul3A_265 = arith.mulf %broadcast_in_dim3A_264, %div3A_98 : vector<1x128xf32>
    %get3A_266 = arith.constant 0 : index
    %get3A_267 = arith.constant 0 : index
    %get3A_268 = vector.load %arg12[%get3A_266, %get3A_267] : memref<128x2xf32, #tpu.memory_space<vmem>>, vector<128x2xf32>
    %dot_general3A_269 = arith.constant dense<0.000000e+00> : vector<1x2xf32>
    %dot_general3A_270 = tpu.matmul %mul3A_265, %get3A_268, %dot_general3A_269 {dimension_numbers = #tpu.dot_dimension_numbers<[1], [0], [0], [1], [0, 0, 1, 1], [], []>, transpose_lhs_hint = false} : vector<1x128xf32>, vector<128x2xf32>, vector<1x2xf32> -> vector<1x2xf32>
    %swap3A_271 = arith.index_cast %arg0 : i32 to index
    %swap3A_272 = arith.constant 0 : index
    %swap3A_273 = vector.load %arg13[%swap3A_271, %swap3A_272] : memref<64x2xf32, #tpu.memory_space<vmem>>, vector<1x2xf32>
    tpu.vector_store %arg13[%swap3A_271, %swap3A_272], %dot_general3A_270 {strides = array<i32>} : memref<64x2xf32, #tpu.memory_space<vmem>>, vector<1x2xf32>,
    return
  }
  func.func @transform_0(%arg0: i32, %arg1: memref<129xi32, #tpu.memory_space<smem>>, %arg2: memref<128xi32, #tpu.memory_space<smem>>, %arg3: memref<128xi32, #tpu.memory_space<smem>>, %arg4: memref<16384xi32, #tpu.memory_space<smem>>, %arg5: memref<4096xi32, #tpu.memory_space<smem>>) -> (i32, i32) {
    %c0_i32 = arith.constant 0 : i32
    %c0_i32_0 = arith.constant 0 : i32
    %c0_i32_1 = arith.constant 0 : i32
    return %c0_i32, %c0_i32_0 : i32, i32
  }
  func.func @transform_1(%arg0: i32, %arg1: memref<129xi32, #tpu.memory_space<smem>>, %arg2: memref<128xi32, #tpu.memory_space<smem>>, %arg3: memref<128xi32, #tpu.memory_space<smem>>, %arg4: memref<16384xi32, #tpu.memory_space<smem>>, %arg5: memref<4096xi32, #tpu.memory_space<smem>>) -> (i32, i32) {
    %c0_i32 = arith.constant 0 : i32
    %c0_i32_0 = arith.constant 0 : i32
    %c0_i32_1 = arith.constant 0 : i32
    return %c0_i32, %c0_i32_0 : i32, i32
  }
  func.func @transform_2(%arg0: i32, %arg1: memref<129xi32, #tpu.memory_space<smem>>, %arg2: memref<128xi32, #tpu.memory_space<smem>>, %arg3: memref<128xi32, #tpu.memory_space<smem>>, %arg4: memref<16384xi32, #tpu.memory_space<smem>>, %arg5: memref<4096xi32, #tpu.memory_space<smem>>) -> (i32, i32, i32) {
    %c0_i32 = arith.constant 0 : i32
    %c0_i32_0 = arith.constant 0 : i32
    %c0_i32_1 = arith.constant 0 : i32
    return %arg0, %c0_i32, %c0_i32_0 : i32, i32, i32
  }
  func.func @transform_3(%arg0: i32, %arg1: memref<129xi32, #tpu.memory_space<smem>>, %arg2: memref<128xi32, #tpu.memory_space<smem>>, %arg3: memref<128xi32, #tpu.memory_space<smem>>, %arg4: memref<16384xi32, #tpu.memory_space<smem>>, %arg5: memref<4096xi32, #tpu.memory_space<smem>>) -> (i32, i32, i32) {
    %c0_i32 = arith.constant 0 : i32
    %c0_i32_0 = arith.constant 0 : i32
    %c0_i32_1 = arith.constant 0 : i32
    %c0_i32_2 = arith.constant 0 : i32
    return %c0_i32, %c0_i32_0, %c0_i32_1 : i32, i32, i32
  }
  func.func @transform_4(%arg0: i32, %arg1: memref<129xi32, #tpu.memory_space<smem>>, %arg2: memref<128xi32, #tpu.memory_space<smem>>, %arg3: memref<128xi32, #tpu.memory_space<smem>>, %arg4: memref<16384xi32, #tpu.memory_space<smem>>, %arg5: memref<4096xi32, #tpu.memory_space<smem>>) -> (i32, i32, i32) {
    %c0_i32 = arith.constant 0 : i32
    %c0_i32_0 = arith.constant 0 : i32
    %c0_i32_1 = arith.constant 0 : i32
    %c0_i32_2 = arith.constant 0 : i32
    return %c0_i32, %c0_i32_0, %c0_i32_1 : i32, i32, i32
  }
  func.func @transform_5(%arg0: i32, %arg1: memref<129xi32, #tpu.memory_space<smem>>, %arg2: memref<128xi32, #tpu.memory_space<smem>>, %arg3: memref<128xi32, #tpu.memory_space<smem>>, %arg4: memref<16384xi32, #tpu.memory_space<smem>>, %arg5: memref<4096xi32, #tpu.memory_space<smem>>) -> (i32, i32, i32) {
    %c0_i32 = arith.constant 0 : i32
    %c0_i32_0 = arith.constant 0 : i32
    %c0_i32_1 = arith.constant 0 : i32
    %c0_i32_2 = arith.constant 0 : i32
    return %c0_i32, %c0_i32_0, %c0_i32_1 : i32, i32, i32
  }
  func.func @transform_6(%arg0: i32, %arg1: memref<129xi32, #tpu.memory_space<smem>>, %arg2: memref<128xi32, #tpu.memory_space<smem>>, %arg3: memref<128xi32, #tpu.memory_space<smem>>, %arg4: memref<16384xi32, #tpu.memory_space<smem>>, %arg5: memref<4096xi32, #tpu.memory_space<smem>>) -> (i32, i32) {
    %c0_i32 = arith.constant 0 : i32
    %c0_i32_0 = arith.constant 0 : i32
    %c0_i32_1 = arith.constant 0 : i32
    return %c0_i32, %c0_i32_0 : i32, i32
  }
  func.func @transform_7(%arg0: i32, %arg1: memref<129xi32, #tpu.memory_space<smem>>, %arg2: memref<128xi32, #tpu.memory_space<smem>>, %arg3: memref<128xi32, #tpu.memory_space<smem>>, %arg4: memref<16384xi32, #tpu.memory_space<smem>>, %arg5: memref<4096xi32, #tpu.memory_space<smem>>) -> (i32, i32) {
    %c0_i32 = arith.constant 0 : i32
    %c0_i32_0 = arith.constant 0 : i32
    %c0_i32_1 = arith.constant 0 : i32
    return %c0_i32, %c0_i32_0 : i32, i32
  }
}

</mosaic_0001>

<sc_bundles>
// kernel: gather_offload_async_start.1
scs
__scs_entry_jumppad:
0x0: {  	(pc) =	sbr.rel $0x88, $3  }
0x1: {  	(tag) =	ssettag $0x0;
	lr =	simm.s32 $0x1  }
0x2: {  	[smem:$0x3F96] =	sst lr;
	_ =	strace $0xD0000000  }
0x3: {  	_ = 	snop  }
0x4: {  	_ = 	snop  }
0x5: {  	_ = 	snop  }
0x6: {  	_ = 	snop  }
0x7: {  	_ = 	snop  }
__scs_overlays_trampoline_lowered:
0x8: {  	[smem:$0x3FA5] =	sst s0  }
0x9: {  	[smem:$0x3FA6] =	sst s1  }
0xa: {  	[smem:$0x3FA7] =	sst s2  }
0xb: {  	[smem:$0x3FA8] =	sst s3  }
0xc: {  	[smem:$0x3FA9] =	sst s4  }
0xd: {  	[smem:$0x3FAA] =	sst s5  }
0xe: {  	[smem:$0x3FAB] =	sst s6  }
0xf: {  	[smem:$0x3FAC] =	sst s7  }
0x10: {  	[smem:$0x3FAD] =	sst s8  }
0x11: {  	[smem:$0x3FAE] =	sst s9;
	s0 =	simm.s32 @!p0 $0x0  }
0x12: {  	s1 =	sld [smem:$0x3F94];
	s0 =	simm.s32 @p0 $0x1  }
0x13: {  	[smem:$0x3FAF] =	sst s0;
	s0 =	simm.s32 @!p1 $0x0  }
0x14: {  	s2 =	sld [smem:$0x3F93];
	s0 =	simm.s32 @p1 $0x1  }
0x15: {  	[smem:$0x3FB0] =	sst s0;
	s0 =	simm.s32 @!p2 $0x0  }
0x16: {  	s3 =	sld [smem:$0x3FDB];
	s0 =	simm.s32 @p2 $0x1  }
0x17: {  	s4 =	simm.s32 $0x1BF5;
	[smem:$0x3FB2] =	sst s0  }
0x18: {  	s0 =	sld [smem:$0x3F95];
	_ =	swait.ge [sflag:s4], $0x0  }
0x19: {  	s7 =	sld [smem:$0x3F96]  }
0x1a: {  	s8 =	sadd.s32 $0xFFFFE003, lr  }
0x1b: {  	s9 =	sadd.s32 $0xFFFFFEF7, lr;
	s5 =	simm.s32 $0xFFFFFFFF;
	p2 =	slt.u32 s8, $0xFFFFF086  }
0x1c: {  	p1 =	slt.u32 s9, $0xF7A;
	s5 =	simm.s32 @!p2 $0x0  }
0x1d: {  	s5 =	simm.s32 @p1 $0x1;
	p0 =	seq.s32 s7, s2  }
0x1e: {  	s7 =	smul.u32 @!p0 $0xF7A, s2;
	p2 =	seq.s32 @!p0 s5, $0x0  }
0x1f: {  	s9 =	smul.u32 $0xF7A, s1;
	s8 =	simm.s32 @!p0 $0x1BF5;
	p2 =	por !p2, p0  }
0x20: {  	[sflag:s8] =	ssyncset.s32 @!p0 $0xFFFFF086;
	s6 =	sadd.s32 @!p0 s3, s7;
	s7 =	simm.s32 @!p0 $0x108  }
0x21: {  	s3 =	sadd.s32 s3, s9;
	s6 =	sadd.s32 @!p0 $0x88, s6;
	s7 =	simm.s32 @p2 $0x1082  }
0x22: {  	[simem:s7], [sflag:s8] =	dma.local @!p0 [hbm:s6], $0xF7A  }
0x23: {  	s9 =	sor.u32 $0xD0000000, s2;
	s6 =	simm.s32 $0x108;
	_ =	swait.ge @!p0 [sflag:s8], $0x0  }
0x24: {  	s3 =	sadd.s32 $0x88, s3;
	s6 =	simm.s32 @!p1 $0x1082;
	[sflag:s4] =	ssyncset.s32 $0xFFFFF086  }
0x25: {  	[simem:s6], [sflag:s4] =	dma.local [hbm:s3], $0xF7A  }
0x26: {  	[smem:$0x3F96] =	sst s1;
	(tag) =	ssettag s2;
	_ =	strace s9  }
0x27: {  	s1 =	sld [smem:$0x3FA6]  }
0x28: {  	s2 =	sld [smem:$0x3FA7]  }
0x29: {  	s4 =	sld [smem:$0x3FA9]  }
0x2a: {  	p0 =	seq.s32 s5, $0x0;
	s5 =	sld [smem:$0x3FAA]  }
0x2b: {  	s6 =	sld [smem:$0x3FAB]  }
0x2c: {  	s7 =	sld [smem:$0x3FAC]  }
0x2d: {  	s3 =	simm.s32 $0x108;
	s8 =	sld [smem:$0x3FAD]  }
0x2e: {  	s3 =	simm.s32 @!p0 $0x1082;
	s9 =	sld [smem:$0x3FAE]  }
0x2f: {  	lr =	sadd.s32 s0, s3;
	s0 =	sld [smem:$0x3FA5]  }
0x30: {  	s3 =	sld [smem:$0x3FA8]  }
0x31: {  	[smem:$0x3FB1] =	sst s10  }
0x32: {  	s10 =	sld [smem:$0x3FAF];
	_ =	sdelay $0x3  }
0x33: {  	p0 =	seq.s32 s10, $0x1;
	s10 =	sld [smem:$0x3FB1];
	_ =	sdelay $0x3  }
0x34: {  	[smem:$0x3FB1] =	sst s10  }
0x35: {  	s10 =	sld [smem:$0x3FB0];
	_ =	sdelay $0x3  }
0x36: {  	p1 =	seq.s32 s10, $0x1;
	s10 =	sld [smem:$0x3FB1];
	_ =	sdelay $0x3  }
0x37: {  	[smem:$0x3FB1] =	sst s10  }
0x38: {  	s10 =	sld [smem:$0x3FB2]  }
0x39: {  	_ = 	snop;
	(pc) =	sbr.ind lr, $3  }
0x3a: {  	_ = 	snop  }
0x3b: {  	_ = 	snop  }
0x3c: {  	p2 =	seq.s32 s10, $0x1;
	s10 =	sld [smem:$0x3FB1]  }
0x3d: {  	_ =	shalt  }
0x3e: {  	_ =	shalt  }
0x3f: {  	_ =	shalt  }
0x40: {  	_ =	shalt  }
0x41: {  	_ =	shalt  }
0x42: {  	_ =	shalt  }
0x43: {  	_ =	shalt  }
0x44: {  	_ =	shalt  }
0x45: {  	_ =	shalt  }
0x46: {  	_ =	shalt  }
0x47: {  	_ =	shalt  }
0x48: {  	_ =	shalt  }
0x49: {  	_ =	shalt  }
0x4a: {  	_ =	shalt  }
0x4b: {  	_ =	shalt  }
0x4c: {  	_ =	shalt  }
0x4d: {  	_ =	shalt  }
0x4e: {  	_ =	shalt  }
0x4f: {  	_ =	shalt  }
0x50: {  	_ =	shalt  }
0x51: {  	_ =	shalt  }
0x52: {  	_ =	shalt  }
0x53: {  	_ =	shalt  }
0x54: {  	_ =	shalt  }
0x55: {  	_ =	shalt  }
0x56: {  	_ =	shalt  }
0x57: {  	_ =	shalt  }
0x58: {  	_ =	shalt  }
0x59: {  	_ =	shalt  }
0x5a: {  	_ =	shalt  }
0x5b: {  	_ =	shalt  }
0x5c: {  	_ =	shalt  }
0x5d: {  	_ =	shalt  }
0x5e: {  	_ =	shalt  }
0x5f: {  	_ =	shalt  }
0x60: {  	_ =	shalt  }
0x61: {  	_ =	shalt  }
0x62: {  	_ =	shalt  }
0x63: {  	_ =	shalt  }
0x64: {  	_ =	shalt  }
0x65: {  	_ =	shalt  }
0x66: {  	_ =	shalt  }
0x67: {  	_ =	shalt  }
0x68: {  	_ =	shalt  }
0x69: {  	_ =	shalt  }
0x6a: {  	_ =	shalt  }
0x6b: {  	_ =	shalt  }
0x6c: {  	_ =	shalt  }
0x6d: {  	_ =	shalt  }
0x6e: {  	_ =	shalt  }
0x6f: {  	_ =	shalt  }
0x70: {  	_ =	shalt  }
0x71: {  	_ =	shalt  }
0x72: {  	_ =	shalt  }
0x73: {  	_ =	shalt  }
0x74: {  	_ =	shalt  }
0x75: {  	_ =	shalt  }
0x76: {  	_ =	shalt  }
0x77: {  	_ =	shalt  }
0x78: {  	_ =	shalt  }
0x79: {  	_ =	shalt  }
0x7a: {  	_ =	shalt  }
0x7b: {  	_ =	shalt  }
0x7c: {  	_ =	shalt  }
0x7d: {  	_ =	shalt  }
0x7e: {  	_ =	shalt  }
0x7f: {  	_ =	shalt  }
0x80: {  	_ =	shalt  }
0x81: {  	_ =	shalt  }
0x82: {  	_ =	shalt  }
0x83: {  	_ =	shalt  }
0x84: {  	_ =	shalt  }
0x85: {  	_ =	shalt  }
0x86: {  	_ =	shalt  }
0x87: {  	_ =	shalt  }
.Lfunc_end0:
.L_simem_size_0:
called_computation.2_lowered:
.L_overlay_start_0:
0x88: {  	s2 =	sld [smem:$0x3FD9]  }
0x89: {  	s3 =	sld [smem:$0x3FFE];
	_ =	sdelay $0x1  }
0x8a: {  	s1 =	srdreg.scid  }
0x8b: {  	s0 =	sand.u32 $0x1, s1  }
0x8c: {  	s17 =	sshll.u32 s0, $0xA;
	s2 =	sadd.s32 s3, s2  }
0x8d: {  	s2 =	sadd.s32 s2, s17  }
0x8e: {  	[smem:$0x3FBD] =	sst s2  }
0x8f: {  	_ = 	snop  }
0x90: {  	(tm) =	ssettm $0x1  }
0x91: {  	s18 =	sld [smem:$0x3FFB];
	_ =	sdelay $0x3  }
0x92: {  	_ =	strace s18  }
0x93: {  	s2 =	sld [smem:$0x3FFC];
	_ =	sdelay $0x3  }
0x94: {  	_ =	strace s2  }
0x95: {  	s2 =	sld [smem:$0x3FFD];
	_ =	sdelay $0x3  }
0x96: {  	_ =	strace s2  }
0x97: {  	_ =	strace $0x8FFFFFFF  }
0x98: {  	s19 =	sld [smem:$0x3FDB];
	_ =	sdelay $0x1  }
0x99: {  	s20 =	simm.s32 $_scs_section_size  }
0x9a: {  	s4 =	simm.s32 $_size__tile_overlayer_lowered;
	s5 =	simm.s32 $_tile_overlayer_lowered  }
0x9b: {  	s6 =	simm.s32 $0x1BFF;
	s21 =	sshll.u32 s5, $0x1;
	s3 =	sadd.s32 s20, s19  }
0x9c: {  	s22 =	simm.s32 $0x0;
	s4 =	sshll.u32 s4, $0x1;
	s5 =	sadd.s32 s21, s3  }
0x9d: {  	[timem:s22], [sflag:s6] =	dma.local [hbm:s5], s4  }
0x9e: {  	_ =	swait.ge [sflag:s6], s4  }
0x9f: {  	s4 =	ssub.s32 $0x0, s4;
	[sflag:s6] =	ssyncset.done $0x0  }
0xa0: {  	[sflag:s6] =	ssyncadd.s32 s4;
	_ =	sdelay $0x1  }
0xa1: {  	s23 =	simm.s32 $0x1B8B  }
0xa2: {  	_ =	swait.ge [sflag:s23], $0x1  }
0xa3: {  	[sflag:s23] =	ssyncset.done $0x0  }
0xa4: {  	[sflag:s23] =	ssyncadd.s32 $0xFFFFFFFF  }
0xa5: {  	s4 =	sld [smem:$0x0]  }
0xa6: {  	s5 =	sand.u32 $0xFFFFFFFE, s1  }
0xa7: {  	p0 =	sne.s32 s1, s5  }
0xa8: {  	s5 =	sshll.u32 @p0 s5, $0xE  }
0xa9: {  	s5 =	sadd.s32 @p0 $0x11B8D, s5;
	s6 =	sshll.u32 @p0 s4, $0x11  }
0xaa: {  	s5 =	sor.u32 @p0 s6, s5  }
0xab: {  	[sflag:s5] =	ssyncadd.remote.s32 @p0 $0x1;
	_ =	sdelay $0x1  }
0xac: {  	s5 =	simm.s32 @p0 $0x1B8D  }
0xad: {  	_ =	swait.eq @p0 [sflag:s5], $0x1  }
0xae: {  	[sflag:s5] =	ssyncadd.s32 @p0 $0xFFFFFFFF  }
0xaf: {  	s6 =	sshll.u32 @!p0 s1, $0xE  }
0xb0: {  	s6 =	sor.u32 @!p0 $0x4000, s6;
	s5 =	simm.s32 @!p0 $0x1B8D  }
0xb1: {  	s4 =	sshll.u32 @!p0 s4, $0x11;
	s6 =	sadd.s32 @!p0 $0x11B8D, s6;
	_ =	swait.eq @!p0 [sflag:s5], $0x1  }
0xb2: {  	s4 =	sor.u32 @!p0 s4, s6;
	[sflag:s5] =	ssyncadd.s32 @!p0 $0xFFFFFFFF  }
0xb3: {  	s25 =	simm.s32 $0x1B8E;
	s24 =	sld [smem:$0x3FFE];
	[sflag:s4] =	ssyncadd.remote.s32 @!p0 $0x1  }
0xb4: {  	s26 =	simm.s32 $execute0_lowered;
	[smem:$0x3FD2] =	sst s25  }
0xb5: {  	s5 =	sshll.u32 s26, $0x1;
	_ =	strace $0x8000004F;
	[dreg:$0x1] =	wrdreg $0xFFFFFFFF  }
0xb6: {  	s28 =	simm.s32 $_size_execute0_lowered;
	s3 =	sadd.s32 s3, s5;
	[dreg:$0x0] =	wrdreg $0x0  }
0xb7: {  	s5 =	sshll.u32 s28, $0x1;
	[dreg:$0x2] =	wrdreg s3  }
0xb8: {  	[dreg:$0x3] =	wrdreg s5  }
0xb9: {  	[dreg:$0x4] =	wrdreg $0xC0  }
0xba: {  	_ =	task [dreg:s22], $0x5FFFF  }
0xbb: {  	[dreg:$0x1] =	wrdreg $0xFFFFFFFF  }
0xbc: {  	[dreg:$0x0] =	wrdreg $0x60  }
0xbd: {  	[dreg:$0x2] =	wrdreg s24  }
0xbe: {  	[dreg:$0x3] =	wrdreg $0xA  }
0xbf: {  	_ =	task.clear_ibuf [dreg:s22], $0x4FFFF;
	_ =	strace $0x9000004F  }
0xc0: {  	s29 =	simm.s32 $0xA;
	_ =	strace $0x80000051  }
0xc1: {  	_ =	swait.ge [sflag:s29], $0x1  }
0xc2: {  	[sflag:s29] =	ssyncadd.s32 $0xFFFFFFFF  }
0xc3: {  	_ =	strace $0x90000051  }
0xc4: {  	_ =	sfence  }
0xc5: {  	s30 =	sld [smem:$0x0];
	_ =	sdelay $0x2  }
0xc6: {  	s31 =	sshll.u32 s1, $0xD;
	s1 =	sshrl.u32 s1, $0x2  }
0xc7: {  	s4 =	sand.u32 $0x4000, s31;
	s1 =	sadd.s32 s1, s30  }
0xc8: {  	s0 =	sor.u32 s4, s0;
	s1 =	sshll.u32 s1, $0x11  }
0xc9: {  	s0 =	sor.u32 s1, s0  }
0xca: {  	s0 =	sadd.s32 $0x8F2B, s0  }
0xcb: {  	[sflag:s0] =	ssyncadd.remote.s32 $0x1  }
0xcc: {  	_ =	sfence.sel $0xFFFF  }
0xcd: {  	[dreg:$0x0] =	wrdreg $0xFFFFFFFF;
	(pc) =	sbr.abs _section_cstart, $3  }
0xce: {  	[dreg:$0x1] =	wrdreg $0xFFFFFFFF  }
0xcf: {  	_ =	task.clear_ibuf [dreg:s22], $0x2FFFF;
	_ =	strace $0x9FFFFFFF  }
0xd0: {  	(tm) =	ssettm $0x7FFFFFFF  }
0xd1: {  	_ =	shalt  }
tec
execute0_lowered:
.L_overlay_start_1:
0x0: {  	(tag) =	ssettag $0x1  }
0x1: {  	s0 =	srdreg.scid;
	s5 =	rddreg [dreg:$0x0]  }
0x2: {  	s1 =	stileid.u32;
	s6 =	simm.s32 $0x1;
	s9 =	simm.s32 $0x1  }
0x3: {  	s10 =	simm.s32 $0x3;
	s13 =	simm.s32 $0x0;
	s2 =	sshll.u32 s0, $0x8  }
0x4: {  	s12 =	simm.s32 $0x0;
	s3 =	sshll.u32 s1, $0x9;
	s2 =	sand.u32 $0x100, s2  }
0x5: {  	s0 =	rddreg [dreg:$0x1];
	_ =	strace $0x80000050;
	s2 =	sor.u32 s3, s2  }
0x6: {  	s4 =	sadd.s32 $0x43C00, s5;
	[sflag:s6] =	ssyncpa.u1 $0x0;
	s8 =	ssub.s32 $0x4000, s2  }
.Ltmp0:
0x7: {  	s3 =	sadd.s32 $0x44400, s5;
	s7 =	sand.u32 $0x1F00, s8;
	(pc) =	sbr.rel .LBB2_1-.Ltmp0, $4  }
0x8: {  	s5 =	sadd.s32 $0x3600, s5;
	s11 =	smov.u32 s2;
	p0 =	sne.s32 s7, $0x0  }
0x9: {  	s8 =	sshrl.u32 s8, $0xD;
	s7 =	simm.s32 $0x2;
	s9 =	simm.s32 @!p0 $0x0  }
0xa: {  	[sflag:s7] =	ssyncpa.u1 $0x0;
	p0 =	por $0x0, $0x0;
	s8 =	sadd.s32 s9, s8  }
0xb: {  	vm0 =	vmmov $0xffff;
	[sflag:s10] =	ssyncpa.u1 $0x0;
	s10 =	simm.s32 $0x0;
	s9 =	sadd.s32 $0x1, s8  }
.LBB2_4:
0xc: {  	v2 =	vnsel vm1, $0x0, v2  }
0xd: {  	vm1 =	vgt.s32 v0, $0x0;
	v2 =	vmin.u32 v2, $0x3FFF  }
0xe: {  	v0 =	vnsel vm1, $0x0, v0  }
0xf: {  	v0 =	vmin.u32 v0, $0x3FFF  }
0x10: {  	[tilespmem:s15], [sflag:$0x1] =	stream.indirect_vreg.gather [hbm4b:s3+s10], $0x1, v1, vm0, $0x4038;
	[tilespmem:$0x400] =	vst v63  }
0x11: {  	(ifvalue) =	ssetifvalue $0x7FFFFFFF  }
0x12: {  	[tilespmem:s16], [sflag:$0x1] =	stream.indirect_vreg.gather [hbm4b:s3+s10], $0x1, v2, vm0, $0x4038;
	[tilespmem:$0x400] =	vst v63  }
0x13: {  	s29 =	sadd.s32 $0x10, s16;
	(ifvalue) =	ssetifvalue $0x7FFFFFFF  }
0x14: {  	[tilespmem:s29], [sflag:$0x1] =	stream.indirect_vreg.gather [hbm4b:s3+s10], $0x1, v0, vm0, $0x4038;
	[tilespmem:$0x400] =	vst v63  }
0x15: {  	_ =	swait.ge [sflag:s6], $0x100  }
0x16: {  	s30 =	sshrl.u32 s13, $0x3;
	[sflag:s6] =	ssyncset.done $0x0  }
0x17: {  	s31 =	sand.u32 $0x7, s13;
	s15 =	sadd.s32 s5, s30;
	[sflag:s6] =	ssyncadd.s32 $0xFFFFFF00  }
0x18: {  	[hbm4b:s15+s31] =	stream.linear.scatter [tilespmem:s14], [sflag:$0x3], $0x100, $0x38;
	[tilespmem:$0x400] =	vst v63  }
.LBB2_5:
0x19: {  	s15 =	sadd.s32 $0x2000, s11  }
0x1a: {  	p2 =	sgt.s32 s15, $0x3FFF  }
0x1b: {  	s15 =	smov.u32 @p2 s2;
	p2 =	sne.s32 s12, s9  }
.Ltmp1:
0x1c: {  	p1 =	slt.u32 s12, $0x2;
	(pc) =	sbr.rel @!p2 .LBB2_6-.Ltmp1, $4  }
0x1d: {  	s14 =	simm.s32 @!p1 $0x3  }
0x1e: {  	s16 =	sadd.s32 $0x1, s12;
	_ =	swait.ge @!p1 [sflag:s14], $0x100  }
0x1f: {  	s13 =	smov.u32 s11;
	p0 =	por !p0, !p0;
	[sflag:s14] =	ssyncset.done @!p1 $0x0  }
0x20: {  	s12 =	smov.u32 s16;
	s11 =	smov.u32 s15;
	[sflag:s14] =	ssyncadd.s32 @!p1 $0xFFFFFF00  }
.LBB2_1:
0x21: {  	p1 =	sge.u32 s12, s8  }
0x22: {  	s14 =	sxor.u32 @!p1 $0xFFFFFFFF, s12  }
0x23: {  	s31 =	sadd.s32 $0xFFFFFFFF, s12;
	s15 =	sshrl.u32 @!p1 s11, $0x3;
	s14 =	sshll.u32 @!p1 s14, $0x8  }
0x24: {  	s16 =	sand.u32 @!p1 $0x7, s11;
	s15 =	sadd.s32 @!p1 s4, s15;
	s14 =	sand.u32 @!p1 $0x100, s14  }
0x25: {  	[tilespmem:s14], [sflag:$0x2] =	stream.linear.gather @!p1 [hbm4b:s15+s16], $0x100, $0x38;
	[tilespmem:$0x400] =	vst v63  }
0x26: {  	p1 =	sge.u32 s31, s8  }
.Ltmp2:
0x27: {  	_ = 	snop;
	(pc) =	sbr.rel @p1 .LBB2_5-.Ltmp2, $1  }
0x28: {  	_ =	sdelay $0x3  }
0x29: {  	s14 =	simm.s32 $0x1  }
0x2a: {  	_ =	swait.ge [sflag:s7], $0x100;
	s14 =	simm.s32 @!p0 $0x0  }
0x2b: {  	[sflag:s7] =	ssyncset.done $0x0;
	s14 =	sshll.u32 s14, $0x8  }
0x2c: {  	[sflag:s7] =	ssyncadd.s32 $0xFFFFFF00;
	(ifvalue) =	ssetifvalue $0x7FFFFFFF;
	v0 =	vld.msk [tilespmem:s14+$0x0 ss:$0x1], $0xffff;
	_ =	sdelay $0x4  }
0x2d: {  	s15 =	sadd.s32 $0x10, s14;
	vm1 =	vgt.s32 v0, $0x0  }
0x2e: {  	v2 =	vld.msk [tilespmem:s15+$0x0 ss:$0x1], $0xffff;
	v1 =	vnsel vm1, $0x0, v0  }
0x2f: {  	v1 =	vmin.u32 v1, $0x3FFF;
	_ =	sdelay $0x1  }
0x30: {  	s16 =	sshll.u32 s12, $0x8;
	s18 =	simm.s32 $0x20  }
0x31: {  	s16 =	sand.u32 $0x100, s16;
	s17 =	sadd.s32 $0x10, s15;
	s15 =	sor.u32 $0x200, s14  }
0x32: {  	s14 =	sor.u32 $0x200, s16;
	s16 =	sadd.s32 $0x10, s15;
	v0 =	vld.msk [tilespmem:s17+$0x0 ss:$0x1], $0xffff;
	vm1 =	vgt.s32 v2, $0x0;
	(ifvalue) =	ssetifvalue $0x7FFFFFFF  }
.LBB2_3:
0x33: {  	[tilespmem:s15], [sflag:$0x1] =	stream.indirect_vreg.gather [hbm4b:s3+s10], $0x1, v1, vm0, $0x4038;
	[tilespmem:$0x400] =	vst v63  }
0x34: {  	s18 =	sadd.s32 $0x10, s18  }
0x35: {  	v2 =	vnsel vm1, $0x0, v2;
	p1 =	slt.u32 s18, $0xF0  }
.Ltmp3:
0x36: {  	s15 =	smov.u32 s16;
	v1 =	vmin.u32 v2, $0x3FFF;
	(pc) =	sbr.rel @p1 .LBB2_3-.Ltmp3, $3  }
0x37: {  	_ =	sdelay $0x1  }
0x38: {  	s17 =	sadd.s32 $0x10, s17  }
0x39: {  	vm1 =	vgt.s32 v0, $0x0;
	s16 =	sadd.s32 $0x10, s16;
	v2 =	vmov v0;
	(ifvalue) =	ssetifvalue $0x7FFFFFFF;
	v0 =	vld.msk [tilespmem:s17+$0x0 ss:$0x1], $0xffff  }
.Ltmp4:
0x3a: {  	_ = 	snop;
	(pc) =	sbr.rel .LBB2_4-.Ltmp4, $1  }
0x3b: {  	_ =	sdelay $0x3  }
.LBB2_6:
0x3c: {  	_ =	sfence.sel $0x180000  }
0x3d: {  	s2 =	simm.s32 $0x2;
	[bflag:$0x0] =	sbarrier.arrive $0xFFFF  }
0x3e: {  	s30 =	simm.s32 $0x3;
	[sflag:s2] =	ssyncpa.u1 $0x1  }
0x3f: {  	s31 =	simm.s32 $0x1;
	[sflag:s30] =	ssyncpa.u1 $0x1  }
0x40: {  	[sflag:s31] =	ssyncpa.u1 $0x1  }
0x41: {  	p0 =	sne.s32 s1, $0x0;
	_ =	strace $0x90000050  }
0x42: {  	s0 =	sadd.s32 @!p0 $0x100000, s0;
	[bflag:$0x2] =	sbarrier.arrive $0xFFFF  }
0x43: {  	[sflag:s0] =	ssyncadd.tile.s32 @!p0 $0x1;
	_ =	shalt  }
.Lfunc_end2:
_tile_overlayer_lowered:
.L_overlay_start_2:
0x44: {  	(tag) =	ssettag $0x2  }
0x45: {  	s0 =	rddreg [dreg:$0x0];
	s2 =	stileid.u32  }
0x46: {  	s1 =	rddreg [dreg:$0x1];
	p0 =	sne.s32 s2, $0x0  }
0x47: {  	s3 =	rddreg [dreg:$0x2];
	[bflag:$0x3] =	sbarrier.arrive $0xFFFF;
	s2 =	simm.s32 @!p0 $0x1C01  }
0x48: {  	[timem:s3], [sflag:s2] =	dma.local @!p0 [hbm:s0], s1  }
0x49: {  	s0 =	simm.s32 @!p0 $0x1  }
0x4a: {  	_ =	swait.ge @!p0 [sflag:s0], s1  }
0x4b: {  	s1 =	ssub.s32 @!p0 $0x0, s1;
	[sflag:s0] =	ssyncset.done @!p0 $0x0  }
0x4c: {  	[sflag:s0] =	ssyncadd.s32 @!p0 s1  }
0x4d: {  	[bflag:$0x3] =	sbarrier.arrive $0xFFFF  }
0x4e: {  	_ =	shalt  }

// kernel: gather_offload_async_start.2
scs
__scs_entry_jumppad:
0x0: {  	(pc) =	sbr.rel $0x88, $3  }
0x1: {  	(tag) =	ssettag $0x0;
	lr =	simm.s32 $0x1  }
0x2: {  	[smem:$0x3F96] =	sst lr;
	_ =	strace $0xD0000000  }
0x3: {  	_ = 	snop  }
0x4: {  	_ = 	snop  }
0x5: {  	_ = 	snop  }
0x6: {  	_ = 	snop  }
0x7: {  	_ = 	snop  }
__scs_overlays_trampoline_lowered:
0x8: {  	[smem:$0x3FA5] =	sst s0  }
0x9: {  	[smem:$0x3FA6] =	sst s1  }
0xa: {  	[smem:$0x3FA7] =	sst s2  }
0xb: {  	[smem:$0x3FA8] =	sst s3  }
0xc: {  	[smem:$0x3FA9] =	sst s4  }
0xd: {  	[smem:$0x3FAA] =	sst s5  }
0xe: {  	[smem:$0x3FAB] =	sst s6  }
0xf: {  	[smem:$0x3FAC] =	sst s7  }
0x10: {  	[smem:$0x3FAD] =	sst s8  }
0x11: {  	[smem:$0x3FAE] =	sst s9;
	s0 =	simm.s32 @!p0 $0x0  }
0x12: {  	s1 =	sld [smem:$0x3F94];
	s0 =	simm.s32 @p0 $0x1  }
0x13: {  	[smem:$0x3FAF] =	sst s0;
	s0 =	simm.s32 @!p1 $0x0  }
0x14: {  	s2 =	sld [smem:$0x3F93];
	s0 =	simm.s32 @p1 $0x1  }
0x15: {  	[smem:$0x3FB0] =	sst s0;
	s0 =	simm.s32 @!p2 $0x0  }
0x16: {  	s3 =	sld [smem:$0x3FDB];
	s0 =	simm.s32 @p2 $0x1  }
0x17: {  	s4 =	simm.s32 $0x1BF5;
	[smem:$0x3FB2] =	sst s0  }
0x18: {  	s0 =	sld [smem:$0x3F95];
	_ =	swait.ge [sflag:s4], $0x0  }
0x19: {  	s7 =	sld [smem:$0x3F96]  }
0x1a: {  	s8 =	sadd.s32 $0xFFFFE003, lr  }
0x1b: {  	s9 =	sadd.s32 $0xFFFFFEF7, lr;
	s5 =	simm.s32 $0xFFFFFFFF;
	p2 =	slt.u32 s8, $0xFFFFF086  }
0x1c: {  	p1 =	slt.u32 s9, $0xF7A;
	s5 =	simm.s32 @!p2 $0x0  }
0x1d: {  	s5 =	simm.s32 @p1 $0x1;
	p0 =	seq.s32 s7, s2  }
0x1e: {  	s7 =	smul.u32 @!p0 $0xF7A, s2;
	p2 =	seq.s32 @!p0 s5, $0x0  }
0x1f: {  	s9 =	smul.u32 $0xF7A, s1;
	s8 =	simm.s32 @!p0 $0x1BF5;
	p2 =	por !p2, p0  }
0x20: {  	[sflag:s8] =	ssyncset.s32 @!p0 $0xFFFFF086;
	s6 =	sadd.s32 @!p0 s3, s7;
	s7 =	simm.s32 @!p0 $0x108  }
0x21: {  	s3 =	sadd.s32 s3, s9;
	s6 =	sadd.s32 @!p0 $0x88, s6;
	s7 =	simm.s32 @p2 $0x1082  }
0x22: {  	[simem:s7], [sflag:s8] =	dma.local @!p0 [hbm:s6], $0xF7A  }
0x23: {  	s9 =	sor.u32 $0xD0000000, s2;
	s6 =	simm.s32 $0x108;
	_ =	swait.ge @!p0 [sflag:s8], $0x0  }
0x24: {  	s3 =	sadd.s32 $0x88, s3;
	s6 =	simm.s32 @!p1 $0x1082;
	[sflag:s4] =	ssyncset.s32 $0xFFFFF086  }
0x25: {  	[simem:s6], [sflag:s4] =	dma.local [hbm:s3], $0xF7A  }
0x26: {  	[smem:$0x3F96] =	sst s1;
	(tag) =	ssettag s2;
	_ =	strace s9  }
0x27: {  	s1 =	sld [smem:$0x3FA6]  }
0x28: {  	s2 =	sld [smem:$0x3FA7]  }
0x29: {  	s4 =	sld [smem:$0x3FA9]  }
0x2a: {  	p0 =	seq.s32 s5, $0x0;
	s5 =	sld [smem:$0x3FAA]  }
0x2b: {  	s6 =	sld [smem:$0x3FAB]  }
0x2c: {  	s7 =	sld [smem:$0x3FAC]  }
0x2d: {  	s3 =	simm.s32 $0x108;
	s8 =	sld [smem:$0x3FAD]  }
0x2e: {  	s3 =	simm.s32 @!p0 $0x1082;
	s9 =	sld [smem:$0x3FAE]  }
0x2f: {  	lr =	sadd.s32 s0, s3;
	s0 =	sld [smem:$0x3FA5]  }
0x30: {  	s3 =	sld [smem:$0x3FA8]  }
0x31: {  	[smem:$0x3FB1] =	sst s10  }
0x32: {  	s10 =	sld [smem:$0x3FAF];
	_ =	sdelay $0x3  }
0x33: {  	p0 =	seq.s32 s10, $0x1;
	s10 =	sld [smem:$0x3FB1];
	_ =	sdelay $0x3  }
0x34: {  	[smem:$0x3FB1] =	sst s10  }
0x35: {  	s10 =	sld [smem:$0x3FB0];
	_ =	sdelay $0x3  }
0x36: {  	p1 =	seq.s32 s10, $0x1;
	s10 =	sld [smem:$0x3FB1];
	_ =	sdelay $0x3  }
0x37: {  	[smem:$0x3FB1] =	sst s10  }
0x38: {  	s10 =	sld [smem:$0x3FB2]  }
0x39: {  	_ = 	snop;
	(pc) =	sbr.ind lr, $3  }
0x3a: {  	_ = 	snop  }
0x3b: {  	_ = 	snop  }
0x3c: {  	p2 =	seq.s32 s10, $0x1;
	s10 =	sld [smem:$0x3FB1]  }
0x3d: {  	_ =	shalt  }
0x3e: {  	_ =	shalt  }
0x3f: {  	_ =	shalt  }
0x40: {  	_ =	shalt  }
0x41: {  	_ =	shalt  }
0x42: {  	_ =	shalt  }
0x43: {  	_ =	shalt  }
0x44: {  	_ =	shalt  }
0x45: {  	_ =	shalt  }
0x46: {  	_ =	shalt  }
0x47: {  	_ =	shalt  }
0x48: {  	_ =	shalt  }
0x49: {  	_ =	shalt  }
0x4a: {  	_ =	shalt  }
0x4b: {  	_ =	shalt  }
0x4c: {  	_ =	shalt  }
0x4d: {  	_ =	shalt  }
0x4e: {  	_ =	shalt  }
0x4f: {  	_ =	shalt  }
0x50: {  	_ =	shalt  }
0x51: {  	_ =	shalt  }
0x52: {  	_ =	shalt  }
0x53: {  	_ =	shalt  }
0x54: {  	_ =	shalt  }
0x55: {  	_ =	shalt  }
0x56: {  	_ =	shalt  }
0x57: {  	_ =	shalt  }
0x58: {  	_ =	shalt  }
0x59: {  	_ =	shalt  }
0x5a: {  	_ =	shalt  }
0x5b: {  	_ =	shalt  }
0x5c: {  	_ =	shalt  }
0x5d: {  	_ =	shalt  }
0x5e: {  	_ =	shalt  }
0x5f: {  	_ =	shalt  }
0x60: {  	_ =	shalt  }
0x61: {  	_ =	shalt  }
0x62: {  	_ =	shalt  }
0x63: {  	_ =	shalt  }
0x64: {  	_ =	shalt  }
0x65: {  	_ =	shalt  }
0x66: {  	_ =	shalt  }
0x67: {  	_ =	shalt  }
0x68: {  	_ =	shalt  }
0x69: {  	_ =	shalt  }
0x6a: {  	_ =	shalt  }
0x6b: {  	_ =	shalt  }
0x6c: {  	_ =	shalt  }
0x6d: {  	_ =	shalt  }
0x6e: {  	_ =	shalt  }
0x6f: {  	_ =	shalt  }
0x70: {  	_ =	shalt  }
0x71: {  	_ =	shalt  }
0x72: {  	_ =	shalt  }
0x73: {  	_ =	shalt  }
0x74: {  	_ =	shalt  }
0x75: {  	_ =	shalt  }
0x76: {  	_ =	shalt  }
0x77: {  	_ =	shalt  }
0x78: {  	_ =	shalt  }
0x79: {  	_ =	shalt  }
0x7a: {  	_ =	shalt  }
0x7b: {  	_ =	shalt  }
0x7c: {  	_ =	shalt  }
0x7d: {  	_ =	shalt  }
0x7e: {  	_ =	shalt  }
0x7f: {  	_ =	shalt  }
0x80: {  	_ =	shalt  }
0x81: {  	_ =	shalt  }
0x82: {  	_ =	shalt  }
0x83: {  	_ =	shalt  }
0x84: {  	_ =	shalt  }
0x85: {  	_ =	shalt  }
0x86: {  	_ =	shalt  }
0x87: {  	_ =	shalt  }
.Lfunc_end0:
.L_simem_size_0:
called_computation.3_lowered:
.L_overlay_start_0:
0x88: {  	s2 =	sld [smem:$0x3FD9]  }
0x89: {  	s3 =	sld [smem:$0x3FFE];
	_ =	sdelay $0x1  }
0x8a: {  	s1 =	srdreg.scid  }
0x8b: {  	s0 =	sand.u32 $0x1, s1  }
0x8c: {  	s16 =	sshll.u32 s0, $0xA;
	s2 =	sadd.s32 s3, s2  }
0x8d: {  	s2 =	sadd.s32 s2, s16  }
0x8e: {  	[smem:$0x3FBD] =	sst s2  }
0x8f: {  	_ = 	snop  }
0x90: {  	(tm) =	ssettm $0x1  }
0x91: {  	s17 =	sld [smem:$0x3FFB];
	_ =	sdelay $0x3  }
0x92: {  	_ =	strace s17  }
0x93: {  	s2 =	sld [smem:$0x3FFC];
	_ =	sdelay $0x3  }
0x94: {  	_ =	strace s2  }
0x95: {  	s2 =	sld [smem:$0x3FFD];
	_ =	sdelay $0x3  }
0x96: {  	_ =	strace s2  }
0x97: {  	_ =	strace $0x8FFFFFFF  }
0x98: {  	s18 =	sld [smem:$0x3FDB];
	_ =	sdelay $0x1  }
0x99: {  	s19 =	simm.s32 $_scs_section_size  }
0x9a: {  	s4 =	simm.s32 $_size__tile_overlayer_lowered;
	s5 =	simm.s32 $_tile_overlayer_lowered  }
0x9b: {  	s22 =	simm.s32 $0x1BFF;
	s21 =	sshll.u32 s5, $0x1;
	s2 =	sadd.s32 s19, s18  }
0x9c: {  	s6 =	simm.s32 $0x0;
	s20 =	sshll.u32 s4, $0x1;
	s4 =	sadd.s32 s21, s2  }
0x9d: {  	[timem:s6], [sflag:s22] =	dma.local [hbm:s4], s20  }
0x9e: {  	_ =	swait.ge [sflag:s22], s20  }
0x9f: {  	s3 =	ssub.s32 $0x0, s20;
	[sflag:s22] =	ssyncset.done $0x0  }
0xa0: {  	[sflag:s22] =	ssyncadd.s32 s3;
	_ =	sdelay $0x1  }
0xa1: {  	s23 =	simm.s32 $0x1B8B  }
0xa2: {  	_ =	swait.ge [sflag:s23], $0x1  }
0xa3: {  	[sflag:s23] =	ssyncset.done $0x0  }
0xa4: {  	s25 =	simm.s32 $0x1B8E;
	s24 =	sld [smem:$0x3FFE];
	[sflag:s23] =	ssyncadd.s32 $0xFFFFFFFF  }
0xa5: {  	s26 =	simm.s32 $execute0_lowered;
	[smem:$0x3FD2] =	sst s25  }
0xa6: {  	s4 =	sshll.u32 s26, $0x1;
	_ =	strace $0x80000049;
	[dreg:$0x1] =	wrdreg $0xFFFFFFFF  }
0xa7: {  	s28 =	simm.s32 $_size_execute0_lowered;
	s2 =	sadd.s32 s2, s4;
	[dreg:$0x0] =	wrdreg $0x0  }
0xa8: {  	s4 =	sshll.u32 s28, $0x1;
	[dreg:$0x2] =	wrdreg s2  }
0xa9: {  	[dreg:$0x3] =	wrdreg s4  }
0xaa: {  	[dreg:$0x4] =	wrdreg $0xC0  }
0xab: {  	_ =	task [dreg:s6], $0x5FFFF  }
0xac: {  	[dreg:$0x1] =	wrdreg $0xFFFFFFFF  }
0xad: {  	[dreg:$0x0] =	wrdreg $0x60  }
0xae: {  	[dreg:$0x2] =	wrdreg s24  }
0xaf: {  	[dreg:$0x3] =	wrdreg $0x9  }
0xb0: {  	_ =	task.clear_ibuf [dreg:s6], $0x4FFFF;
	_ =	strace $0x90000049  }
0xb1: {  	s29 =	simm.s32 $0x9;
	_ =	strace $0x8000004B  }
0xb2: {  	_ =	swait.ge [sflag:s29], $0x1  }
0xb3: {  	[sflag:s29] =	ssyncadd.s32 $0xFFFFFFFF  }
0xb4: {  	_ =	strace $0x9000004B  }
0xb5: {  	_ =	sfence  }
0xb6: {  	s30 =	sld [smem:$0x0];
	_ =	sdelay $0x2  }
0xb7: {  	s31 =	sshll.u32 s1, $0xD;
	s1 =	sshrl.u32 s1, $0x2  }
0xb8: {  	s3 =	sand.u32 $0x4000, s31;
	s1 =	sadd.s32 s1, s30  }
0xb9: {  	s0 =	sor.u32 s3, s0;
	s1 =	sshll.u32 s1, $0x11  }
0xba: {  	s0 =	sor.u32 s1, s0  }
0xbb: {  	s0 =	sadd.s32 $0x8F2B, s0  }
0xbc: {  	[sflag:s0] =	ssyncadd.remote.s32 $0x1  }
0xbd: {  	_ =	sfence.sel $0xFFFF  }
0xbe: {  	[dreg:$0x0] =	wrdreg $0xFFFFFFFF;
	(pc) =	sbr.abs _section_cstart, $3  }
0xbf: {  	[dreg:$0x1] =	wrdreg $0xFFFFFFFF  }
0xc0: {  	_ =	task.clear_ibuf [dreg:s6], $0x2FFFF;
	_ =	strace $0x9FFFFFFF  }
0xc1: {  	(tm) =	ssettm $0x7FFFFFFF  }
tec
execute0_lowered:
.L_overlay_start_1:
0x0: {  	(tag) =	ssettag $0x1  }
0x1: {  	s7 =	rddreg [dreg:$0x0]  }
0x2: {  	s0 =	rddreg [dreg:$0x1];
	_ =	strace $0x8000004A  }
0x3: {  	s1 =	srdreg.scid;
	s4 =	simm.s32 $0x1;
	s9 =	simm.s32 $0x3  }
0x4: {  	s11 =	simm.s32 $0x0;
	p0 =	por $0x0, $0x0;
	s5 =	sshll.u32 s1, $0x4  }
.Ltmp0:
0x5: {  	s1 =	stileid.u32;
	s5 =	sand.u32 $0x10, s5;
	(pc) =	sbr.rel .LBB2_1-.Ltmp0, $4  }
0x6: {  	s2 =	sadd.s32 $0x2E00, s7;
	s3 =	sadd.s32 $0x43C00, s7;
	s6 =	sor.u32 s1, s5  }
0x7: {  	[sflag:s4] =	ssyncpa.u1 $0x0;
	s5 =	simm.s32 $0x2;
	s6 =	sshll.u32 s6, $0x9  }
0x8: {  	s7 =	sadd.s32 $0x44C00, s7;
	[sflag:s5] =	ssyncpa.u1 $0x0;
	s8 =	sadd.s32 $0x200, s6  }
0x9: {  	vm0 =	vmmov $0xff;
	vm1 =	vcmask $0x3F20;
	[sflag:s9] =	ssyncpa.u1 $0x0;
	s10 =	smov.u32 s6;
	s9 =	simm.s32 $0x0  }
.LBB2_7:
0xa: {  	p1 =	slt.u32 s9, $0x2;
	s11 =	sadd.s32 $0x100, s10  }
0xb: {  	s13 =	smov.u32 s6;
	s9 =	sadd.s32 $0x1, s9;
	p2 =	slt.s32 s11, s8  }
0xc: {  	s13 =	smov.u32 @p2 s11;
	p2 =	sne.s32 s9, $0x4  }
.Ltmp1:
0xd: {  	_ = 	snop;
	(pc) =	sbr.rel @!p2 .LBB2_8-.Ltmp1, $4  }
0xe: {  	s12 =	simm.s32 @!p1 $0x3  }
0xf: {  	_ =	swait.ge @!p1 [sflag:s12], $0x8000  }
0x10: {  	p0 =	por !p0, !p0;
	[sflag:s12] =	ssyncset.done @!p1 $0x0  }
0x11: {  	s11 =	smov.u32 s10;
	s10 =	smov.u32 s13;
	[sflag:s12] =	ssyncadd.s32 @!p1 $0xFFFF8000  }
.LBB2_1:
0x12: {  	p1 =	sgt.u32 s9, $0x1  }
0x13: {  	s12 =	sshll.u32 @!p1 s9, $0x8;
	s13 =	sshrl.u32 @!p1 s10, $0x3  }
0x14: {  	s14 =	sand.u32 @!p1 $0x7, s10;
	s12 =	sxor.u32 @!p1 $0x100, s12;
	s13 =	sadd.s32 @!p1 s3, s13  }
0x15: {  	[tilespmem:s12], [sflag:$0x2] =	stream.linear.gather @!p1 [hbm4b:s13+s14], $0x100, $0x38;
	[tilespmem:$0x10200] =	vst v63  }
0x16: {  	p1 =	seq.s32 s9, $0x0  }
0x17: {  	p2 =	seq.s32 @!p1 s9, $0x3  }
0x18: {  	p1 =	por p1, p2  }
.Ltmp2:
0x19: {  	_ = 	snop;
	(pc) =	sbr.rel @p1 .LBB2_7-.Ltmp2, $1  }
0x1a: {  	_ =	sdelay $0x3  }
0x1b: {  	s12 =	simm.s32 $0x1  }
0x1c: {  	_ =	swait.ge [sflag:s5], $0x100;
	s12 =	simm.s32 @!p0 $0x0  }
0x1d: {  	[sflag:s5] =	ssyncset.done $0x0;
	s14 =	sshll.u32 s12, $0x8  }
0x1e: {  	[sflag:s5] =	ssyncadd.s32 $0xFFFFFF00;
	s13 =	sadd.s32 $0x0, s14  }
0x1f: {  	v0 =	vld.msk [tilespmem:s13+$0x0 ss:$0x1], $0xffff;
	_ =	sdelay $0x4  }
0x20: {  	vm2 =	vgt.s32 v0, $0x0  }
0x21: {  	v0 =	vnsel vm2, $0x0, v0  }
0x22: {  	v0 =	vmin.u32 v0, $0x3FFF  }
0x23: {  	v0 =	vshll.u32 v0, $0x4;
	_ =	sdelay $0x2  }
0x24: {  	s12 =	sshll.u32 s12, $0xF  }
0x25: {  	s12 =	sor.u32 $0x200, s12  }
0x26: {  	[tilespmem:s12], [sflag:$0x1] =	stream.indirect_vreg.gather [hbm:s2], $0x80, v0, vm0, $0x38;
	[tilespmem:$0x10200] =	vst v63  }
0x27: {  	s15 =	sadd.s32 $0x10, s14;
	s13 =	sadd.s32 $0x400, s12  }
0x28: {  	[tilespmem:s13], [sflag:$0x1] =	stream.indirect_vreg.gather [hbm:s2], $0x80, v0, vm1, $0x38;
	[tilespmem:$0x10200] =	vst v63  }
0x29: {  	s16 =	simm.s32 $0x80;
	v0 =	vld.msk [tilespmem:s15+$0x0 ss:$0x1], $0xffff;
	s15 =	smov.u32 s12  }
.LBB2_3:
0x2a: {  	p1 =	sne.s32 s16, $0x3C0;
	_ =	sdelay $0x4  }
0x2b: {  	vm2 =	vgt.s32 v0, $0x0  }
0x2c: {  	v0 =	vnsel vm2, $0x0, v0  }
0x2d: {  	v0 =	vmin.u32 v0, $0x3FFF  }
0x2e: {  	v0 =	vshll.u32 v0, $0x4;
	_ =	sdelay $0x3  }
.Ltmp3:
0x2f: {  	s17 =	sshra.s32 s16, $0x2;
	s15 =	sadd.s32 $0x800, s15;
	(pc) =	sbr.rel @p1 .LBB2_3-.Ltmp3, $4  }
0x30: {  	[tilespmem:s15], [sflag:$0x1] =	stream.indirect_vreg.gather [hbm:s2], $0x80, v0, vm0, $0x38;
	[tilespmem:$0x10200] =	vst v63  }
0x31: {  	s17 =	sadd.s32 s17, s14;
	s18 =	sadd.s32 $0x400, s15  }
0x32: {  	[tilespmem:s18], [sflag:$0x1] =	stream.indirect_vreg.gather [hbm:s2], $0x80, v0, vm1, $0x38;
	[tilespmem:$0x10200] =	vst v63  }
0x33: {  	s16 =	sadd.s32 $0x40, s16;
	v0 =	vld.msk [tilespmem:s17+$0x0 ss:$0x1], $0xffff  }
0x34: {  	_ =	sdelay $0x3  }
0x35: {  	vm2 =	vgt.s32 v0, $0x0  }
0x36: {  	v0 =	vnsel vm2, $0x0, v0  }
0x37: {  	v0 =	vmin.u32 v0, $0x3FFF  }
0x38: {  	v0 =	vshll.u32 v0, $0x4;
	_ =	sdelay $0x3  }
0x39: {  	s14 =	sadd.s32 $0x800, s15  }
0x3a: {  	[tilespmem:s14], [sflag:$0x1] =	stream.indirect_vreg.gather [hbm:s2], $0x80, v0, vm0, $0x38;
	[tilespmem:$0x10200] =	vst v63  }
0x3b: {  	s14 =	sadd.s32 $0x400, s14  }
0x3c: {  	[tilespmem:s14], [sflag:$0x1] =	stream.indirect_vreg.gather [hbm:s2], $0x80, v0, vm1, $0x38;
	[tilespmem:$0x10200] =	vst v63  }
0x3d: {  	s11 =	sshll.u32 s11, $0x4;
	_ =	swait.ge [sflag:s4], $0x8000  }
0x3e: {  	s11 =	sadd.s32 s11, s7;
	[sflag:s4] =	ssyncset.done $0x0  }
0x3f: {  	s15 =	sadd.s32 $0x0, s11;
	s14 =	simm.s32 $0x80;
	[sflag:s4] =	ssyncadd.s32 $0xFFFF8000  }
.LBB2_5:
0x40: {  	[hbm:s15] =	stream.linear.scatter [tilespmem:s12], [sflag:$0x3], $0x400, $0x38;
	[tilespmem:$0x10200] =	vst v63  }
0x41: {  	s15 =	smov.u32 s14;
	s12 =	smov.u32 s13;
	p1 =	sne.s32 s14, $0xF80  }
.Ltmp4:
0x42: {  	s14 =	sadd.s32 $0x80, s14;
	(pc) =	sbr.rel @p1 .LBB2_5-.Ltmp4, $2  }
0x43: {  	_ =	sdelay $0x2  }
0x44: {  	s13 =	sadd.s32 $0x400, s13;
	s15 =	sadd.s32 s15, s11  }
.Ltmp5:
0x45: {  	(pc) =	sbr.rel .LBB2_7-.Ltmp5, $2  }
0x46: {  	_ =	sdelay $0x2  }
0x47: {  	[hbm:s15] =	stream.linear.scatter [tilespmem:s12], [sflag:$0x3], $0x400, $0x38;
	[tilespmem:$0x10200] =	vst v63  }
.LBB2_8:
0x48: {  	_ =	sfence.sel $0x180000  }
0x49: {  	s2 =	simm.s32 $0x2;
	[bflag:$0x0] =	sbarrier.arrive $0xFFFF  }
0x4a: {  	s30 =	simm.s32 $0x3;
	[sflag:s2] =	ssyncpa.u1 $0x1  }
0x4b: {  	s31 =	simm.s32 $0x1;
	[sflag:s30] =	ssyncpa.u1 $0x1  }
0x4c: {  	[sflag:s31] =	ssyncpa.u1 $0x1  }
0x4d: {  	p0 =	sne.s32 s1, $0x0;
	_ =	strace $0x9000004A  }
0x4e: {  	s0 =	sadd.s32 @!p0 $0x100000, s0;
	[bflag:$0x2] =	sbarrier.arrive $0xFFFF  }
0x4f: {  	[sflag:s0] =	ssyncadd.tile.s32 @!p0 $0x1;
	_ =	shalt  }
.Lfunc_end2:
_tile_overlayer_lowered:
.L_overlay_start_2:
0x50: {  	(tag) =	ssettag $0x2  }
0x51: {  	s0 =	rddreg [dreg:$0x0];
	s2 =	stileid.u32  }
0x52: {  	s1 =	rddreg [dreg:$0x1];
	p0 =	sne.s32 s2, $0x0  }
0x53: {  	s3 =	rddreg [dreg:$0x2];
	[bflag:$0x3] =	sbarrier.arrive $0xFFFF;
	s2 =	simm.s32 @!p0 $0x1C01  }
0x54: {  	[timem:s3], [sflag:s2] =	dma.local @!p0 [hbm:s0], s1  }
0x55: {  	s0 =	simm.s32 @!p0 $0x1  }
0x56: {  	_ =	swait.ge @!p0 [sflag:s0], s1  }
0x57: {  	s1 =	ssub.s32 @!p0 $0x0, s1;
	[sflag:s0] =	ssyncset.done @!p0 $0x0  }
0x58: {  	[sflag:s0] =	ssyncadd.s32 @!p0 s1  }
0x59: {  	[bflag:$0x3] =	sbarrier.arrive $0xFFFF  }
0x5a: {  	_ =	shalt  }

// kernel: gather_offload_async_start
scs
__scs_entry_jumppad:
0x0: {  	(pc) =	sbr.rel $0x88, $3  }
0x1: {  	(tag) =	ssettag $0x0;
	lr =	simm.s32 $0x1  }
0x2: {  	[smem:$0x3F96] =	sst lr;
	_ =	strace $0xD0000000  }
0x3: {  	_ = 	snop  }
0x4: {  	_ = 	snop  }
0x5: {  	_ = 	snop  }
0x6: {  	_ = 	snop  }
0x7: {  	_ = 	snop  }
__scs_overlays_trampoline_lowered:
0x8: {  	[smem:$0x3FA5] =	sst s0  }
0x9: {  	[smem:$0x3FA6] =	sst s1  }
0xa: {  	[smem:$0x3FA7] =	sst s2  }
0xb: {  	[smem:$0x3FA8] =	sst s3  }
0xc: {  	[smem:$0x3FA9] =	sst s4  }
0xd: {  	[smem:$0x3FAA] =	sst s5  }
0xe: {  	[smem:$0x3FAB] =	sst s6  }
0xf: {  	[smem:$0x3FAC] =	sst s7  }
0x10: {  	[smem:$0x3FAD] =	sst s8  }
0x11: {  	[smem:$0x3FAE] =	sst s9;
	s0 =	simm.s32 @!p0 $0x0  }
0x12: {  	s1 =	sld [smem:$0x3F94];
	s0 =	simm.s32 @p0 $0x1  }
0x13: {  	[smem:$0x3FAF] =	sst s0;
	s0 =	simm.s32 @!p1 $0x0  }
0x14: {  	s2 =	sld [smem:$0x3F93];
	s0 =	simm.s32 @p1 $0x1  }
0x15: {  	[smem:$0x3FB0] =	sst s0;
	s0 =	simm.s32 @!p2 $0x0  }
0x16: {  	s3 =	sld [smem:$0x3FDB];
	s0 =	simm.s32 @p2 $0x1  }
0x17: {  	s4 =	simm.s32 $0x1BF5;
	[smem:$0x3FB2] =	sst s0  }
0x18: {  	s0 =	sld [smem:$0x3F95];
	_ =	swait.ge [sflag:s4], $0x0  }
0x19: {  	s7 =	sld [smem:$0x3F96]  }
0x1a: {  	s8 =	sadd.s32 $0xFFFFE003, lr  }
0x1b: {  	s9 =	sadd.s32 $0xFFFFFEF7, lr;
	s5 =	simm.s32 $0xFFFFFFFF;
	p2 =	slt.u32 s8, $0xFFFFF086  }
0x1c: {  	p1 =	slt.u32 s9, $0xF7A;
	s5 =	simm.s32 @!p2 $0x0  }
0x1d: {  	s5 =	simm.s32 @p1 $0x1;
	p0 =	seq.s32 s7, s2  }
0x1e: {  	s7 =	smul.u32 @!p0 $0xF7A, s2;
	p2 =	seq.s32 @!p0 s5, $0x0  }
0x1f: {  	s9 =	smul.u32 $0xF7A, s1;
	s8 =	simm.s32 @!p0 $0x1BF5;
	p2 =	por !p2, p0  }
0x20: {  	[sflag:s8] =	ssyncset.s32 @!p0 $0xFFFFF086;
	s6 =	sadd.s32 @!p0 s3, s7;
	s7 =	simm.s32 @!p0 $0x108  }
0x21: {  	s3 =	sadd.s32 s3, s9;
	s6 =	sadd.s32 @!p0 $0x88, s6;
	s7 =	simm.s32 @p2 $0x1082  }
0x22: {  	[simem:s7], [sflag:s8] =	dma.local @!p0 [hbm:s6], $0xF7A  }
0x23: {  	s9 =	sor.u32 $0xD0000000, s2;
	s6 =	simm.s32 $0x108;
	_ =	swait.ge @!p0 [sflag:s8], $0x0  }
0x24: {  	s3 =	sadd.s32 $0x88, s3;
	s6 =	simm.s32 @!p1 $0x1082;
	[sflag:s4] =	ssyncset.s32 $0xFFFFF086  }
0x25: {  	[simem:s6], [sflag:s4] =	dma.local [hbm:s3], $0xF7A  }
0x26: {  	[smem:$0x3F96] =	sst s1;
	(tag) =	ssettag s2;
	_ =	strace s9  }
0x27: {  	s1 =	sld [smem:$0x3FA6]  }
0x28: {  	s2 =	sld [smem:$0x3FA7]  }
0x29: {  	s4 =	sld [smem:$0x3FA9]  }
0x2a: {  	p0 =	seq.s32 s5, $0x0;
	s5 =	sld [smem:$0x3FAA]  }
0x2b: {  	s6 =	sld [smem:$0x3FAB]  }
0x2c: {  	s7 =	sld [smem:$0x3FAC]  }
0x2d: {  	s3 =	simm.s32 $0x108;
	s8 =	sld [smem:$0x3FAD]  }
0x2e: {  	s3 =	simm.s32 @!p0 $0x1082;
	s9 =	sld [smem:$0x3FAE]  }
0x2f: {  	lr =	sadd.s32 s0, s3;
	s0 =	sld [smem:$0x3FA5]  }
0x30: {  	s3 =	sld [smem:$0x3FA8]  }
0x31: {  	[smem:$0x3FB1] =	sst s10  }
0x32: {  	s10 =	sld [smem:$0x3FAF];
	_ =	sdelay $0x3  }
0x33: {  	p0 =	seq.s32 s10, $0x1;
	s10 =	sld [smem:$0x3FB1];
	_ =	sdelay $0x3  }
0x34: {  	[smem:$0x3FB1] =	sst s10  }
0x35: {  	s10 =	sld [smem:$0x3FB0];
	_ =	sdelay $0x3  }
0x36: {  	p1 =	seq.s32 s10, $0x1;
	s10 =	sld [smem:$0x3FB1];
	_ =	sdelay $0x3  }
0x37: {  	[smem:$0x3FB1] =	sst s10  }
0x38: {  	s10 =	sld [smem:$0x3FB2]  }
0x39: {  	_ = 	snop;
	(pc) =	sbr.ind lr, $3  }
0x3a: {  	_ = 	snop  }
0x3b: {  	_ = 	snop  }
0x3c: {  	p2 =	seq.s32 s10, $0x1;
	s10 =	sld [smem:$0x3FB1]  }
0x3d: {  	_ =	shalt  }
0x3e: {  	_ =	shalt  }
0x3f: {  	_ =	shalt  }
0x40: {  	_ =	shalt  }
0x41: {  	_ =	shalt  }
0x42: {  	_ =	shalt  }
0x43: {  	_ =	shalt  }
0x44: {  	_ =	shalt  }
0x45: {  	_ =	shalt  }
0x46: {  	_ =	shalt  }
0x47: {  	_ =	shalt  }
0x48: {  	_ =	shalt  }
0x49: {  	_ =	shalt  }
0x4a: {  	_ =	shalt  }
0x4b: {  	_ =	shalt  }
0x4c: {  	_ =	shalt  }
0x4d: {  	_ =	shalt  }
0x4e: {  	_ =	shalt  }
0x4f: {  	_ =	shalt  }
0x50: {  	_ =	shalt  }
0x51: {  	_ =	shalt  }
0x52: {  	_ =	shalt  }
0x53: {  	_ =	shalt  }
0x54: {  	_ =	shalt  }
0x55: {  	_ =	shalt  }
0x56: {  	_ =	shalt  }
0x57: {  	_ =	shalt  }
0x58: {  	_ =	shalt  }
0x59: {  	_ =	shalt  }
0x5a: {  	_ =	shalt  }
0x5b: {  	_ =	shalt  }
0x5c: {  	_ =	shalt  }
0x5d: {  	_ =	shalt  }
0x5e: {  	_ =	shalt  }
0x5f: {  	_ =	shalt  }
0x60: {  	_ =	shalt  }
0x61: {  	_ =	shalt  }
0x62: {  	_ =	shalt  }
0x63: {  	_ =	shalt  }
0x64: {  	_ =	shalt  }
0x65: {  	_ =	shalt  }
0x66: {  	_ =	shalt  }
0x67: {  	_ =	shalt  }
0x68: {  	_ =	shalt  }
0x69: {  	_ =	shalt  }
0x6a: {  	_ =	shalt  }
0x6b: {  	_ =	shalt  }
0x6c: {  	_ =	shalt  }
0x6d: {  	_ =	shalt  }
0x6e: {  	_ =	shalt  }
0x6f: {  	_ =	shalt  }
0x70: {  	_ =	shalt  }
0x71: {  	_ =	shalt  }
0x72: {  	_ =	shalt  }
0x73: {  	_ =	shalt  }
0x74: {  	_ =	shalt  }
0x75: {  	_ =	shalt  }
0x76: {  	_ =	shalt  }
0x77: {  	_ =	shalt  }
0x78: {  	_ =	shalt  }
0x79: {  	_ =	shalt  }
0x7a: {  	_ =	shalt  }
0x7b: {  	_ =	shalt  }
0x7c: {  	_ =	shalt  }
0x7d: {  	_ =	shalt  }
0x7e: {  	_ =	shalt  }
0x7f: {  	_ =	shalt  }
0x80: {  	_ =	shalt  }
0x81: {  	_ =	shalt  }
0x82: {  	_ =	shalt  }
0x83: {  	_ =	shalt  }
0x84: {  	_ =	shalt  }
0x85: {  	_ =	shalt  }
0x86: {  	_ =	shalt  }
0x87: {  	_ =	shalt  }
.Lfunc_end0:
.L_simem_size_0:
called_computation.1_lowered:
.L_overlay_start_0:
0x88: {  	s2 =	sld [smem:$0x3FD9]  }
0x89: {  	s3 =	sld [smem:$0x3FFE];
	_ =	sdelay $0x1  }
0x8a: {  	s1 =	srdreg.scid  }
0x8b: {  	s0 =	sand.u32 $0x1, s1  }
0x8c: {  	s16 =	sshll.u32 s0, $0xA;
	s2 =	sadd.s32 s3, s2  }
0x8d: {  	s2 =	sadd.s32 s2, s16  }
0x8e: {  	[smem:$0x3FBD] =	sst s2  }
0x8f: {  	_ = 	snop  }
0x90: {  	(tm) =	ssettm $0x1  }
0x91: {  	s17 =	sld [smem:$0x3FFB];
	_ =	sdelay $0x3  }
0x92: {  	_ =	strace s17  }
0x93: {  	s2 =	sld [smem:$0x3FFC];
	_ =	sdelay $0x3  }
0x94: {  	_ =	strace s2  }
0x95: {  	s2 =	sld [smem:$0x3FFD];
	_ =	sdelay $0x3  }
0x96: {  	_ =	strace s2  }
0x97: {  	_ =	strace $0x8FFFFFFF  }
0x98: {  	s18 =	sld [smem:$0x3FDB];
	_ =	sdelay $0x1  }
0x99: {  	s19 =	simm.s32 $_scs_section_size  }
0x9a: {  	s4 =	simm.s32 $_size__tile_overlayer_lowered;
	s5 =	simm.s32 $_tile_overlayer_lowered  }
0x9b: {  	s22 =	simm.s32 $0x1BFF;
	s21 =	sshll.u32 s5, $0x1;
	s2 =	sadd.s32 s19, s18  }
0x9c: {  	s6 =	simm.s32 $0x0;
	s20 =	sshll.u32 s4, $0x1;
	s4 =	sadd.s32 s21, s2  }
0x9d: {  	[timem:s6], [sflag:s22] =	dma.local [hbm:s4], s20  }
0x9e: {  	_ =	swait.ge [sflag:s22], s20  }
0x9f: {  	s3 =	ssub.s32 $0x0, s20;
	[sflag:s22] =	ssyncset.done $0x0  }
0xa0: {  	[sflag:s22] =	ssyncadd.s32 s3;
	_ =	sdelay $0x1  }
0xa1: {  	s23 =	simm.s32 $0x1B8B  }
0xa2: {  	_ =	swait.ge [sflag:s23], $0x1  }
0xa3: {  	[sflag:s23] =	ssyncset.done $0x0  }
0xa4: {  	s25 =	simm.s32 $0x1B8E;
	s24 =	sld [smem:$0x3FFE];
	[sflag:s23] =	ssyncadd.s32 $0xFFFFFFFF  }
0xa5: {  	s26 =	simm.s32 $execute0_lowered;
	[smem:$0x3FD2] =	sst s25  }
0xa6: {  	s4 =	sshll.u32 s26, $0x1;
	_ =	strace $0x8000004C;
	[dreg:$0x1] =	wrdreg $0xFFFFFFFF  }
0xa7: {  	s28 =	simm.s32 $_size_execute0_lowered;
	s2 =	sadd.s32 s2, s4;
	[dreg:$0x0] =	wrdreg $0x0  }
0xa8: {  	s4 =	sshll.u32 s28, $0x1;
	[dreg:$0x2] =	wrdreg s2  }
0xa9: {  	[dreg:$0x3] =	wrdreg s4  }
0xaa: {  	[dreg:$0x4] =	wrdreg $0xC0  }
0xab: {  	_ =	task [dreg:s6], $0x5FFFF  }
0xac: {  	[dreg:$0x1] =	wrdreg $0xFFFFFFFF  }
0xad: {  	[dreg:$0x0] =	wrdreg $0x60  }
0xae: {  	[dreg:$0x2] =	wrdreg s24  }
0xaf: {  	[dreg:$0x3] =	wrdreg $0x9  }
0xb0: {  	_ =	task.clear_ibuf [dreg:s6], $0x4FFFF;
	_ =	strace $0x9000004C  }
0xb1: {  	s29 =	simm.s32 $0x9;
	_ =	strace $0x8000004E  }
0xb2: {  	_ =	swait.ge [sflag:s29], $0x1  }
0xb3: {  	[sflag:s29] =	ssyncadd.s32 $0xFFFFFFFF  }
0xb4: {  	_ =	strace $0x9000004E  }
0xb5: {  	_ =	sfence  }
0xb6: {  	s30 =	sld [smem:$0x0];
	_ =	sdelay $0x2  }
0xb7: {  	s31 =	sshll.u32 s1, $0xD;
	s1 =	sshrl.u32 s1, $0x2  }
0xb8: {  	s3 =	sand.u32 $0x4000, s31;
	s1 =	sadd.s32 s1, s30  }
0xb9: {  	s0 =	sor.u32 s3, s0;
	s1 =	sshll.u32 s1, $0x11  }
0xba: {  	s0 =	sor.u32 s1, s0  }
0xbb: {  	s0 =	sadd.s32 $0x8F2B, s0  }
0xbc: {  	[sflag:s0] =	ssyncadd.remote.s32 $0x1  }
0xbd: {  	_ =	sfence.sel $0xFFFF  }
0xbe: {  	[dreg:$0x0] =	wrdreg $0xFFFFFFFF;
	(pc) =	sbr.abs _section_cstart, $3  }
0xbf: {  	[dreg:$0x1] =	wrdreg $0xFFFFFFFF  }
0xc0: {  	_ =	task.clear_ibuf [dreg:s6], $0x2FFFF;
	_ =	strace $0x9FFFFFFF  }
0xc1: {  	(tm) =	ssettm $0x7FFFFFFF  }
tec
execute0_lowered:
.L_overlay_start_1:
0x0: {  	(tag) =	ssettag $0x1  }
0x1: {  	s0 =	srdreg.scid;
	s5 =	rddreg [dreg:$0x0]  }
0x2: {  	s1 =	stileid.u32;
	s6 =	simm.s32 $0x1;
	s9 =	simm.s32 $0x1  }
0x3: {  	s10 =	simm.s32 $0x3;
	s13 =	simm.s32 $0x0;
	s2 =	sshll.u32 s0, $0x8  }
0x4: {  	s12 =	simm.s32 $0x0;
	s3 =	sshll.u32 s1, $0x9;
	s2 =	sand.u32 $0x100, s2  }
0x5: {  	s0 =	rddreg [dreg:$0x1];
	_ =	strace $0x8000004D;
	s2 =	sor.u32 s3, s2  }
0x6: {  	s4 =	sadd.s32 $0x43C00, s5;
	[sflag:s6] =	ssyncpa.u1 $0x0;
	s8 =	ssub.s32 $0x4000, s2  }
.Ltmp0:
0x7: {  	s3 =	sadd.s32 $0x43400, s5;
	s7 =	sand.u32 $0x1F00, s8;
	(pc) =	sbr.rel .LBB2_1-.Ltmp0, $4  }
0x8: {  	s5 =	sadd.s32 $0x2E00, s5;
	s11 =	smov.u32 s2;
	p0 =	sne.s32 s7, $0x0  }
0x9: {  	s8 =	sshrl.u32 s8, $0xD;
	s7 =	simm.s32 $0x2;
	s9 =	simm.s32 @!p0 $0x0  }
0xa: {  	[sflag:s7] =	ssyncpa.u1 $0x0;
	p0 =	por $0x0, $0x0;
	s8 =	sadd.s32 s9, s8  }
0xb: {  	vm0 =	vmmov $0xffff;
	[sflag:s10] =	ssyncpa.u1 $0x0;
	s10 =	simm.s32 $0x0;
	s9 =	sadd.s32 $0x1, s8  }
.LBB2_4:
0xc: {  	v2 =	vnsel vm1, $0x0, v2  }
0xd: {  	vm1 =	vgt.s32 v0, $0x0;
	v2 =	vmin.u32 v2, $0x3FFF  }
0xe: {  	v0 =	vnsel vm1, $0x0, v0  }
0xf: {  	v0 =	vmin.u32 v0, $0x3FFF  }
0x10: {  	[tilespmem:s15], [sflag:$0x1] =	stream.indirect_vreg.gather [hbm4b:s3+s10], $0x1, v1, vm0, $0x4038;
	[tilespmem:$0x400] =	vst v63  }
0x11: {  	(ifvalue) =	ssetifvalue $0x7FFFFFFF  }
0x12: {  	[tilespmem:s16], [sflag:$0x1] =	stream.indirect_vreg.gather [hbm4b:s3+s10], $0x1, v2, vm0, $0x4038;
	[tilespmem:$0x400] =	vst v63  }
0x13: {  	s29 =	sadd.s32 $0x10, s16;
	(ifvalue) =	ssetifvalue $0x7FFFFFFF  }
0x14: {  	[tilespmem:s29], [sflag:$0x1] =	stream.indirect_vreg.gather [hbm4b:s3+s10], $0x1, v0, vm0, $0x4038;
	[tilespmem:$0x400] =	vst v63  }
0x15: {  	_ =	swait.ge [sflag:s6], $0x100  }
0x16: {  	s30 =	sshrl.u32 s13, $0x3;
	[sflag:s6] =	ssyncset.done $0x0  }
0x17: {  	s31 =	sand.u32 $0x7, s13;
	s15 =	sadd.s32 s5, s30;
	[sflag:s6] =	ssyncadd.s32 $0xFFFFFF00  }
0x18: {  	[hbm4b:s15+s31] =	stream.linear.scatter [tilespmem:s14], [sflag:$0x3], $0x100, $0x38;
	[tilespmem:$0x400] =	vst v63  }
.LBB2_5:
0x19: {  	s15 =	sadd.s32 $0x2000, s11  }
0x1a: {  	p2 =	sgt.s32 s15, $0x3FFF  }
0x1b: {  	s15 =	smov.u32 @p2 s2;
	p2 =	sne.s32 s12, s9  }
.Ltmp1:
0x1c: {  	p1 =	slt.u32 s12, $0x2;
	(pc) =	sbr.rel @!p2 .LBB2_6-.Ltmp1, $4  }
0x1d: {  	s14 =	simm.s32 @!p1 $0x3  }
0x1e: {  	s16 =	sadd.s32 $0x1, s12;
	_ =	swait.ge @!p1 [sflag:s14], $0x100  }
0x1f: {  	s13 =	smov.u32 s11;
	p0 =	por !p0, !p0;
	[sflag:s14] =	ssyncset.done @!p1 $0x0  }
0x20: {  	s12 =	smov.u32 s16;
	s11 =	smov.u32 s15;
	[sflag:s14] =	ssyncadd.s32 @!p1 $0xFFFFFF00  }
.LBB2_1:
0x21: {  	p1 =	sge.u32 s12, s8  }
0x22: {  	s14 =	sxor.u32 @!p1 $0xFFFFFFFF, s12  }
0x23: {  	s31 =	sadd.s32 $0xFFFFFFFF, s12;
	s15 =	sshrl.u32 @!p1 s11, $0x3;
	s14 =	sshll.u32 @!p1 s14, $0x8  }
0x24: {  	s16 =	sand.u32 @!p1 $0x7, s11;
	s15 =	sadd.s32 @!p1 s4, s15;
	s14 =	sand.u32 @!p1 $0x100, s14  }
0x25: {  	[tilespmem:s14], [sflag:$0x2] =	stream.linear.gather @!p1 [hbm4b:s15+s16], $0x100, $0x38;
	[tilespmem:$0x400] =	vst v63  }
0x26: {  	p1 =	sge.u32 s31, s8  }
.Ltmp2:
0x27: {  	_ = 	snop;
	(pc) =	sbr.rel @p1 .LBB2_5-.Ltmp2, $1  }
0x28: {  	_ =	sdelay $0x3  }
0x29: {  	s14 =	simm.s32 $0x1  }
0x2a: {  	_ =	swait.ge [sflag:s7], $0x100;
	s14 =	simm.s32 @!p0 $0x0  }
0x2b: {  	[sflag:s7] =	ssyncset.done $0x0;
	s14 =	sshll.u32 s14, $0x8  }
0x2c: {  	[sflag:s7] =	ssyncadd.s32 $0xFFFFFF00;
	(ifvalue) =	ssetifvalue $0x7FFFFFFF;
	v0 =	vld.msk [tilespmem:s14+$0x0 ss:$0x1], $0xffff;
	_ =	sdelay $0x4  }
0x2d: {  	s15 =	sadd.s32 $0x10, s14;
	vm1 =	vgt.s32 v0, $0x0  }
0x2e: {  	v2 =	vld.msk [tilespmem:s15+$0x0 ss:$0x1], $0xffff;
	v1 =	vnsel vm1, $0x0, v0  }
0x2f: {  	v1 =	vmin.u32 v1, $0x3FFF;
	_ =	sdelay $0x1  }
0x30: {  	s16 =	sshll.u32 s12, $0x8;
	s18 =	simm.s32 $0x20  }
0x31: {  	s16 =	sand.u32 $0x100, s16;
	s17 =	sadd.s32 $0x10, s15;
	s15 =	sor.u32 $0x200, s14  }
0x32: {  	s14 =	sor.u32 $0x200, s16;
	s16 =	sadd.s32 $0x10, s15;
	v0 =	vld.msk [tilespmem:s17+$0x0 ss:$0x1], $0xffff;
	vm1 =	vgt.s32 v2, $0x0;
	(ifvalue) =	ssetifvalue $0x7FFFFFFF  }
.LBB2_3:
0x33: {  	[tilespmem:s15], [sflag:$0x1] =	stream.indirect_vreg.gather [hbm4b:s3+s10], $0x1, v1, vm0, $0x4038;
	[tilespmem:$0x400] =	vst v63  }
0x34: {  	s18 =	sadd.s32 $0x10, s18  }
0x35: {  	v2 =	vnsel vm1, $0x0, v2;
	p1 =	slt.u32 s18, $0xF0  }
.Ltmp3:
0x36: {  	s15 =	smov.u32 s16;
	v1 =	vmin.u32 v2, $0x3FFF;
	(pc) =	sbr.rel @p1 .LBB2_3-.Ltmp3, $3  }
0x37: {  	_ =	sdelay $0x1  }
0x38: {  	s17 =	sadd.s32 $0x10, s17  }
0x39: {  	vm1 =	vgt.s32 v0, $0x0;
	s16 =	sadd.s32 $0x10, s16;
	v2 =	vmov v0;
	(ifvalue) =	ssetifvalue $0x7FFFFFFF;
	v0 =	vld.msk [tilespmem:s17+$0x0 ss:$0x1], $0xffff  }
.Ltmp4:
0x3a: {  	_ = 	snop;
	(pc) =	sbr.rel .LBB2_4-.Ltmp4, $1  }
0x3b: {  	_ =	sdelay $0x3  }
.LBB2_6:
0x3c: {  	_ =	sfence.sel $0x180000  }
0x3d: {  	s2 =	simm.s32 $0x2;
	[bflag:$0x0] =	sbarrier.arrive $0xFFFF  }
0x3e: {  	s30 =	simm.s32 $0x3;
	[sflag:s2] =	ssyncpa.u1 $0x1  }
0x3f: {  	s31 =	simm.s32 $0x1;
	[sflag:s30] =	ssyncpa.u1 $0x1  }
0x40: {  	[sflag:s31] =	ssyncpa.u1 $0x1  }
0x41: {  	p0 =	sne.s32 s1, $0x0;
	_ =	strace $0x9000004D  }
0x42: {  	s0 =	sadd.s32 @!p0 $0x100000, s0;
	[bflag:$0x2] =	sbarrier.arrive $0xFFFF  }
0x43: {  	[sflag:s0] =	ssyncadd.tile.s32 @!p0 $0x1;
	_ =	shalt  }
.Lfunc_end2:
_tile_overlayer_lowered:
.L_overlay_start_2:
0x44: {  	(tag) =	ssettag $0x2  }
0x45: {  	s0 =	rddreg [dreg:$0x0];
	s2 =	stileid.u32  }
0x46: {  	s1 =	rddreg [dreg:$0x1];
	p0 =	sne.s32 s2, $0x0  }
0x47: {  	s3 =	rddreg [dreg:$0x2];
	[bflag:$0x3] =	sbarrier.arrive $0xFFFF;
	s2 =	simm.s32 @!p0 $0x1C01  }
0x48: {  	[timem:s3], [sflag:s2] =	dma.local @!p0 [hbm:s0], s1  }
0x49: {  	s0 =	simm.s32 @!p0 $0x1  }
0x4a: {  	_ =	swait.ge @!p0 [sflag:s0], s1  }
0x4b: {  	s1 =	ssub.s32 @!p0 $0x0, s1;
	[sflag:s0] =	ssyncset.done @!p0 $0x0  }
0x4c: {  	[sflag:s0] =	ssyncadd.s32 @!p0 s1  }
0x4d: {  	[bflag:$0x3] =	sbarrier.arrive $0xFFFF  }
0x4e: {  	_ =	shalt  }

// kernel: kernel.4.cloned.1.call-start
scs
__scs_entry_jumppad:
0x0: {  	(pc) =	sbr.rel $0x88, $3  }
0x1: {  	(tag) =	ssettag $0x0;
	lr =	simm.s32 $0x1  }
0x2: {  	[smem:$0x3F96] =	sst lr;
	_ =	strace $0xD0000000  }
0x3: {  	_ = 	snop  }
0x4: {  	_ = 	snop  }
0x5: {  	_ = 	snop  }
0x6: {  	_ = 	snop  }
0x7: {  	_ = 	snop  }
__scs_overlays_trampoline_lowered:
0x8: {  	[smem:$0x3FA5] =	sst s0  }
0x9: {  	[smem:$0x3FA6] =	sst s1  }
0xa: {  	[smem:$0x3FA7] =	sst s2  }
0xb: {  	[smem:$0x3FA8] =	sst s3  }
0xc: {  	[smem:$0x3FA9] =	sst s4  }
0xd: {  	[smem:$0x3FAA] =	sst s5  }
0xe: {  	[smem:$0x3FAB] =	sst s6  }
0xf: {  	[smem:$0x3FAC] =	sst s7  }
0x10: {  	[smem:$0x3FAD] =	sst s8  }
0x11: {  	[smem:$0x3FAE] =	sst s9;
	s0 =	simm.s32 @!p0 $0x0  }
0x12: {  	s1 =	sld [smem:$0x3F94];
	s0 =	simm.s32 @p0 $0x1  }
0x13: {  	[smem:$0x3FAF] =	sst s0;
	s0 =	simm.s32 @!p1 $0x0  }
0x14: {  	s2 =	sld [smem:$0x3F93];
	s0 =	simm.s32 @p1 $0x1  }
0x15: {  	[smem:$0x3FB0] =	sst s0;
	s0 =	simm.s32 @!p2 $0x0  }
0x16: {  	s3 =	sld [smem:$0x3FDB];
	s0 =	simm.s32 @p2 $0x1  }
0x17: {  	s4 =	simm.s32 $0x1BF5;
	[smem:$0x3FB2] =	sst s0  }
0x18: {  	s0 =	sld [smem:$0x3F95];
	_ =	swait.ge [sflag:s4], $0x0  }
0x19: {  	s7 =	sld [smem:$0x3F96]  }
0x1a: {  	s8 =	sadd.s32 $0xFFFFE003, lr  }
0x1b: {  	s9 =	sadd.s32 $0xFFFFFEF7, lr;
	s5 =	simm.s32 $0xFFFFFFFF;
	p2 =	slt.u32 s8, $0xFFFFF086  }
0x1c: {  	p1 =	slt.u32 s9, $0xF7A;
	s5 =	simm.s32 @!p2 $0x0  }
0x1d: {  	s5 =	simm.s32 @p1 $0x1;
	p0 =	seq.s32 s7, s2  }
0x1e: {  	s7 =	smul.u32 @!p0 $0xF7A, s2;
	p2 =	seq.s32 @!p0 s5, $0x0  }
0x1f: {  	s9 =	smul.u32 $0xF7A, s1;
	s8 =	simm.s32 @!p0 $0x1BF5;
	p2 =	por !p2, p0  }
0x20: {  	[sflag:s8] =	ssyncset.s32 @!p0 $0xFFFFF086;
	s6 =	sadd.s32 @!p0 s3, s7;
	s7 =	simm.s32 @!p0 $0x108  }
0x21: {  	s3 =	sadd.s32 s3, s9;
	s6 =	sadd.s32 @!p0 $0x88, s6;
	s7 =	simm.s32 @p2 $0x1082  }
0x22: {  	[simem:s7], [sflag:s8] =	dma.local @!p0 [hbm:s6], $0xF7A  }
0x23: {  	s9 =	sor.u32 $0xD0000000, s2;
	s6 =	simm.s32 $0x108;
	_ =	swait.ge @!p0 [sflag:s8], $0x0  }
0x24: {  	s3 =	sadd.s32 $0x88, s3;
	s6 =	simm.s32 @!p1 $0x1082;
	[sflag:s4] =	ssyncset.s32 $0xFFFFF086  }
0x25: {  	[simem:s6], [sflag:s4] =	dma.local [hbm:s3], $0xF7A  }
0x26: {  	[smem:$0x3F96] =	sst s1;
	(tag) =	ssettag s2;
	_ =	strace s9  }
0x27: {  	s1 =	sld [smem:$0x3FA6]  }
0x28: {  	s2 =	sld [smem:$0x3FA7]  }
0x29: {  	s4 =	sld [smem:$0x3FA9]  }
0x2a: {  	p0 =	seq.s32 s5, $0x0;
	s5 =	sld [smem:$0x3FAA]  }
0x2b: {  	s6 =	sld [smem:$0x3FAB]  }
0x2c: {  	s7 =	sld [smem:$0x3FAC]  }
0x2d: {  	s3 =	simm.s32 $0x108;
	s8 =	sld [smem:$0x3FAD]  }
0x2e: {  	s3 =	simm.s32 @!p0 $0x1082;
	s9 =	sld [smem:$0x3FAE]  }
0x2f: {  	lr =	sadd.s32 s0, s3;
	s0 =	sld [smem:$0x3FA5]  }
0x30: {  	s3 =	sld [smem:$0x3FA8]  }
0x31: {  	[smem:$0x3FB1] =	sst s10  }
0x32: {  	s10 =	sld [smem:$0x3FAF];
	_ =	sdelay $0x3  }
0x33: {  	p0 =	seq.s32 s10, $0x1;
	s10 =	sld [smem:$0x3FB1];
	_ =	sdelay $0x3  }
0x34: {  	[smem:$0x3FB1] =	sst s10  }
0x35: {  	s10 =	sld [smem:$0x3FB0];
	_ =	sdelay $0x3  }
0x36: {  	p1 =	seq.s32 s10, $0x1;
	s10 =	sld [smem:$0x3FB1];
	_ =	sdelay $0x3  }
0x37: {  	[smem:$0x3FB1] =	sst s10  }
0x38: {  	s10 =	sld [smem:$0x3FB2]  }
0x39: {  	_ = 	snop;
	(pc) =	sbr.ind lr, $3  }
0x3a: {  	_ = 	snop  }
0x3b: {  	_ = 	snop  }
0x3c: {  	p2 =	seq.s32 s10, $0x1;
	s10 =	sld [smem:$0x3FB1]  }
0x3d: {  	_ =	shalt  }
0x3e: {  	_ =	shalt  }
0x3f: {  	_ =	shalt  }
0x40: {  	_ =	shalt  }
0x41: {  	_ =	shalt  }
0x42: {  	_ =	shalt  }
0x43: {  	_ =	shalt  }
0x44: {  	_ =	shalt  }
0x45: {  	_ =	shalt  }
0x46: {  	_ =	shalt  }
0x47: {  	_ =	shalt  }
0x48: {  	_ =	shalt  }
0x49: {  	_ =	shalt  }
0x4a: {  	_ =	shalt  }
0x4b: {  	_ =	shalt  }
0x4c: {  	_ =	shalt  }
0x4d: {  	_ =	shalt  }
0x4e: {  	_ =	shalt  }
0x4f: {  	_ =	shalt  }
0x50: {  	_ =	shalt  }
0x51: {  	_ =	shalt  }
0x52: {  	_ =	shalt  }
0x53: {  	_ =	shalt  }
0x54: {  	_ =	shalt  }
0x55: {  	_ =	shalt  }
0x56: {  	_ =	shalt  }
0x57: {  	_ =	shalt  }
0x58: {  	_ =	shalt  }
0x59: {  	_ =	shalt  }
0x5a: {  	_ =	shalt  }
0x5b: {  	_ =	shalt  }
0x5c: {  	_ =	shalt  }
0x5d: {  	_ =	shalt  }
0x5e: {  	_ =	shalt  }
0x5f: {  	_ =	shalt  }
0x60: {  	_ =	shalt  }
0x61: {  	_ =	shalt  }
0x62: {  	_ =	shalt  }
0x63: {  	_ =	shalt  }
0x64: {  	_ =	shalt  }
0x65: {  	_ =	shalt  }
0x66: {  	_ =	shalt  }
0x67: {  	_ =	shalt  }
0x68: {  	_ =	shalt  }
0x69: {  	_ =	shalt  }
0x6a: {  	_ =	shalt  }
0x6b: {  	_ =	shalt  }
0x6c: {  	_ =	shalt  }
0x6d: {  	_ =	shalt  }
0x6e: {  	_ =	shalt  }
0x6f: {  	_ =	shalt  }
0x70: {  	_ =	shalt  }
0x71: {  	_ =	shalt  }
0x72: {  	_ =	shalt  }
0x73: {  	_ =	shalt  }
0x74: {  	_ =	shalt  }
0x75: {  	_ =	shalt  }
0x76: {  	_ =	shalt  }
0x77: {  	_ =	shalt  }
0x78: {  	_ =	shalt  }
0x79: {  	_ =	shalt  }
0x7a: {  	_ =	shalt  }
0x7b: {  	_ =	shalt  }
0x7c: {  	_ =	shalt  }
0x7d: {  	_ =	shalt  }
0x7e: {  	_ =	shalt  }
0x7f: {  	_ =	shalt  }
0x80: {  	_ =	shalt  }
0x81: {  	_ =	shalt  }
0x82: {  	_ =	shalt  }
0x83: {  	_ =	shalt  }
0x84: {  	_ =	shalt  }
0x85: {  	_ =	shalt  }
0x86: {  	_ =	shalt  }
0x87: {  	_ =	shalt  }
.Lfunc_end0:
.L_simem_size_0:
called_computation.4_lowered:
.L_overlay_start_0:
0x88: {  	s2 =	sld [smem:$0x3FD9]  }
0x89: {  	s3 =	sld [smem:$0x3FFE];
	_ =	sdelay $0x1  }
0x8a: {  	s1 =	srdreg.scid  }
0x8b: {  	s0 =	sand.u32 $0x1, s1  }
0x8c: {  	s17 =	sshll.u32 s0, $0xA;
	s2 =	sadd.s32 s3, s2  }
0x8d: {  	s2 =	sadd.s32 s2, s17  }
0x8e: {  	[smem:$0x3FBD] =	sst s2  }
0x8f: {  	_ = 	snop  }
0x90: {  	(tm) =	ssettm $0x1  }
0x91: {  	s18 =	sld [smem:$0x3FFB];
	_ =	sdelay $0x3  }
0x92: {  	_ =	strace s18  }
0x93: {  	s2 =	sld [smem:$0x3FFC];
	_ =	sdelay $0x3  }
0x94: {  	_ =	strace s2  }
0x95: {  	s2 =	sld [smem:$0x3FFD];
	_ =	sdelay $0x3  }
0x96: {  	_ =	strace s2  }
0x97: {  	_ =	strace $0x8FFFFFFF  }
0x98: {  	s19 =	sld [smem:$0x3FDB];
	_ =	sdelay $0x1  }
0x99: {  	s20 =	simm.s32 $_scs_section_size  }
0x9a: {  	s4 =	simm.s32 $_size__tile_overlayer_lowered;
	s5 =	simm.s32 $_tile_overlayer_lowered  }
0x9b: {  	s6 =	simm.s32 $0x1BFF;
	s21 =	sshll.u32 s5, $0x1;
	s3 =	sadd.s32 s20, s19  }
0x9c: {  	s22 =	simm.s32 $0x0;
	s4 =	sshll.u32 s4, $0x1;
	s5 =	sadd.s32 s21, s3  }
0x9d: {  	[timem:s22], [sflag:s6] =	dma.local [hbm:s5], s4  }
0x9e: {  	_ =	swait.ge [sflag:s6], s4  }
0x9f: {  	s4 =	ssub.s32 $0x0, s4;
	[sflag:s6] =	ssyncset.done $0x0  }
0xa0: {  	[sflag:s6] =	ssyncadd.s32 s4;
	_ =	sdelay $0x1  }
0xa1: {  	s23 =	simm.s32 $0x1B8B  }
0xa2: {  	_ =	swait.ge [sflag:s23], $0x1  }
0xa3: {  	[sflag:s23] =	ssyncset.done $0x0  }
0xa4: {  	[sflag:s23] =	ssyncadd.s32 $0xFFFFFFFF  }
0xa5: {  	s4 =	sld [smem:$0x0]  }
0xa6: {  	s5 =	sand.u32 $0xFFFFFFFE, s1  }
0xa7: {  	p0 =	sne.s32 s1, s5  }
0xa8: {  	s5 =	sshll.u32 @p0 s5, $0xE  }
0xa9: {  	s5 =	sadd.s32 @p0 $0x11B8D, s5;
	s6 =	sshll.u32 @p0 s4, $0x11  }
0xaa: {  	s5 =	sor.u32 @p0 s6, s5  }
0xab: {  	[sflag:s5] =	ssyncadd.remote.s32 @p0 $0x1;
	_ =	sdelay $0x1  }
0xac: {  	s5 =	simm.s32 @p0 $0x1B8D  }
0xad: {  	_ =	swait.eq @p0 [sflag:s5], $0x1  }
0xae: {  	[sflag:s5] =	ssyncadd.s32 @p0 $0xFFFFFFFF  }
0xaf: {  	s6 =	sshll.u32 @!p0 s1, $0xE  }
0xb0: {  	s6 =	sor.u32 @!p0 $0x4000, s6;
	s5 =	simm.s32 @!p0 $0x1B8D  }
0xb1: {  	s4 =	sshll.u32 @!p0 s4, $0x11;
	s6 =	sadd.s32 @!p0 $0x11B8D, s6;
	_ =	swait.eq @!p0 [sflag:s5], $0x1  }
0xb2: {  	s4 =	sor.u32 @!p0 s4, s6;
	[sflag:s5] =	ssyncadd.s32 @!p0 $0xFFFFFFFF  }
0xb3: {  	s25 =	simm.s32 $0x1B8E;
	s24 =	sld [smem:$0x3FFE];
	[sflag:s4] =	ssyncadd.remote.s32 @!p0 $0x1  }
0xb4: {  	s26 =	simm.s32 $execute0_lowered;
	[smem:$0x3FD2] =	sst s25  }
0xb5: {  	s5 =	sshll.u32 s26, $0x1;
	_ =	strace $0x80000052;
	[dreg:$0x1] =	wrdreg $0xFFFFFFFF  }
0xb6: {  	s28 =	simm.s32 $_size_execute0_lowered;
	s3 =	sadd.s32 s3, s5;
	[dreg:$0x0] =	wrdreg $0x0  }
0xb7: {  	s5 =	sshll.u32 s28, $0x1;
	[dreg:$0x2] =	wrdreg s3  }
0xb8: {  	[dreg:$0x3] =	wrdreg s5  }
0xb9: {  	[dreg:$0x4] =	wrdreg $0xC0  }
0xba: {  	_ =	task [dreg:s22], $0x5FFFF  }
0xbb: {  	[dreg:$0x1] =	wrdreg $0xFFFFFFFF  }
0xbc: {  	[dreg:$0x0] =	wrdreg $0x60  }
0xbd: {  	[dreg:$0x2] =	wrdreg s24  }
0xbe: {  	[dreg:$0x3] =	wrdreg $0xB  }
0xbf: {  	_ =	task.clear_ibuf [dreg:s22], $0x4FFFF;
	_ =	strace $0x90000052  }
0xc0: {  	s29 =	simm.s32 $0xB;
	_ =	strace $0x80000054  }
0xc1: {  	_ =	swait.ge [sflag:s29], $0x1  }
0xc2: {  	[sflag:s29] =	ssyncadd.s32 $0xFFFFFFFF  }
0xc3: {  	_ =	strace $0x90000054  }
0xc4: {  	_ =	sfence  }
0xc5: {  	s30 =	sld [smem:$0x0];
	_ =	sdelay $0x2  }
0xc6: {  	s31 =	sshll.u32 s1, $0xD;
	s1 =	sshrl.u32 s1, $0x2  }
0xc7: {  	s4 =	sand.u32 $0x4000, s31;
	s1 =	sadd.s32 s1, s30  }
0xc8: {  	s0 =	sor.u32 s4, s0;
	s1 =	sshll.u32 s1, $0x11  }
0xc9: {  	s0 =	sor.u32 s1, s0  }
0xca: {  	s0 =	sadd.s32 $0x8F2B, s0  }
0xcb: {  	[sflag:s0] =	ssyncadd.remote.s32 $0x1  }
0xcc: {  	_ =	sfence.sel $0xFFFF  }
0xcd: {  	[dreg:$0x0] =	wrdreg $0xFFFFFFFF;
	(pc) =	sbr.abs _section_cstart, $3  }
0xce: {  	[dreg:$0x1] =	wrdreg $0xFFFFFFFF  }
0xcf: {  	_ =	task.clear_ibuf [dreg:s22], $0x2FFFF;
	_ =	strace $0x9FFFFFFF  }
0xd0: {  	(tm) =	ssettm $0x7FFFFFFF  }
0xd1: {  	_ =	shalt  }
tec
execute0_lowered:
.L_overlay_start_1:
0x0: {  	(tag) =	ssettag $0x1  }
0x1: {  	s0 =	rddreg [dreg:$0x0]  }
0x2: {  	s1 =	simm.s32 $0x0;
	s17 =	srdreg.scid;
	s6 =	stileid.u32  }
0x3: {  	s28 =	simm.s32 $0x16300;
	s29 =	simm.s32 $0x120;
	s30 =	simm.s32 $0x9180  }
0x4: {  	s31 =	simm.s32 $0x0;
	[smem:$0x7FF] =	sst s1;
	s3 =	sadd.s32 $0x85E00, s0  }
0x5: {  	s4 =	sadd.s32 $0x88400, s0;
	s1 =	sand.u32 $0x1, s17;
	s2 =	sadd.s32 $0x84C00, s0  }
0x6: {  	s11 =	sadd.s32 $0x3E00, s0;
	s20 =	sadd.s32 $0x5600, s0;
	s5 =	sshll.u32 s1, $0x4  }
0x7: {  	s0 =	sadd.s32 $0x44C00, s0;
	s1 =	ssub.s32 $0x2, s1;
	s13 =	sor.u32 s6, s5  }
0x8: {  	_ =	strace $0x80000053;
	s18 =	sshrl.u32 s1, $0x1;
	s7 =	sshll.u32 s13, $0x9  }
0x9: {  	s6 =	smul.u32 $0xC0, s13;
	s1 =	ssub.s32 s1, s18;
	s9 =	sshll.u32 s13, $0xD  }
0xa: {  	s26 =	smul.u32 $0x90, s13;
	s5 =	sshll.u32 s13, $0x7;
	s8 =	sor.u32 $0x80, s7  }
0xb: {  	s21 =	sor.u32 $0x100, s7;
	s14 =	sor.u32 $0x180, s7;
	s10 =	smul.u32 $0x3, s8  }
0xc: {  	s19 =	sadd.s32 s11, s6;
	s6 =	sadd.s32 s0, s9;
	s12 =	smul.u32 $0x3, s21  }
0xd: {  	s8 =	sshll.u32 s8, $0x4;
	s15 =	smul.u32 $0x3, s14;
	s23 =	sshll.u32 s21, $0x4  }
0xe: {  	s25 =	sshll.u32 s14, $0x4;
	[dreg:$0x2] =	wrdreg s19;
	s8 =	sadd.s32 s0, s8  }
0xf: {  	s10 =	sshrl.u32 s10, $0x3;
	s22 =	sshrl.u32 s12, $0x3;
	s24 =	sshrl.u32 s15, $0x3  }
0x10: {  	s12 =	sadd.s32 s0, s25;
	s7 =	sadd.s32 s11, s10;
	s9 =	sadd.s32 s11, s22  }
0x11: {  	s10 =	sadd.s32 s0, s23;
	s11 =	sadd.s32 s11, s24;
	s22 =	sshll.u32 s13, $0xB  }
0x12: {  	s13 =	sadd.s32 s2, s26;
	s23 =	sor.u32 $0x20, s5;
	s24 =	sor.u32 $0x40, s5  }
0x13: {  	s0 =	sor.u32 $0x60, s5;
	s14 =	sadd.s32 s20, s22;
	s16 =	sshrl.u32 s23, $0x3  }
0x14: {  	s17 =	sadd.s32 s2, s23;
	s18 =	sshll.u32 s23, $0x4;
	s25 =	sshrl.u32 s24, $0x3  }
0x15: {  	s19 =	sadd.s32 s2, s24;
	s21 =	sshll.u32 s24, $0x4;
	s26 =	sshrl.u32 s0, $0x3  }
0x16: {  	s2 =	sadd.s32 s2, s0;
	s0 =	sshll.u32 s0, $0x4;
	s22 =	simm.s32 $0xA180  }
0x17: {  	s23 =	simm.s32 $0x2;
	s24 =	simm.s32 $0x180;
	s15 =	sadd.s32 s16, s17  }
0x18: {  	s16 =	sadd.s32 s20, s18;
	s17 =	sadd.s32 s25, s19;
	s18 =	sadd.s32 s20, s21  }
0x19: {  	s19 =	sadd.s32 s26, s2;
	s20 =	sadd.s32 s20, s0;
	s0 =	simm.s32 $0x0  }
0x1a: {  	s21 =	smax.u32 s1, $0x1;
	s25 =	simm.s32 $0xA300;
	s26 =	simm.s32 $0x1  }
.LBB2_1:
0x1b: {  	s1 =	rddreg [dreg:$0x2]  }
0x1c: {  	[tilespmem:s22], [sflag:$0x2] =	stream.linear.gather [hbm4b:s1+s0], $0x180, $0x38;
	[tilespmem:$0x1A300] =	vst v63  }
0x1d: {  	_ =	swait.ge [sflag:s23], $0x180  }
0x1e: {  	[sflag:s23] =	ssyncset.done $0x0  }
0x1f: {  	[sflag:s23] =	ssyncadd.s32 $0xFFFFFE80  }
0x20: {  	[tilespmem:s25], [sflag:$0x1] =	stream.indirect.gather [hbm4b:s4+s24], $0x80, s22, s24, $0xb8;
	[tilespmem:$0x1A300] =	vst v63  }
0x21: {  	_ =	swait.ge [sflag:s26], $0xC000  }
0x22: {  	[sflag:s26] =	ssyncset.done $0x0  }
0x23: {  	s0 =	simm.s32 $0xA3A0;
	[sflag:s26] =	ssyncadd.s32 $0xFFFF4000  }
0x24: {  	v0 =	vld [tilespmem:s0+$0xFFFFFFE0]  }
0x25: {  	v1 =	vld [tilespmem:s0+$0xFFFFFF60];
	_ =	sdelay $0x1  }
0x26: {  	v2 =	vld [tilespmem:s0+$0x60];
	_ =	sdelay $0x2  }
0x27: {  	v0 =	vadd.f32 v0, v1;
	_ =	sdelay $0x1  }
0x28: {  	v0 =	vadd.f32 v2, v0;
	_ =	sdelay $0x1  }
0x29: {  	s1 =	simm.s32 $0x0;
	v0 =	vmax.f32 v0, $0.0e+00  }
0x2a: {  	[tilespmem:s1+$0x16300] =	vst v0  }
0x2b: {  	v0 =	vld [tilespmem:s0+$0xFFFFFF70]  }
0x2c: {  	v1 =	vld [tilespmem:s0+$0xFFFFFFF0];
	_ =	sdelay $0x1  }
0x2d: {  	v2 =	vld [tilespmem:s0+$0x70];
	_ =	sdelay $0x2  }
0x2e: {  	v0 =	vadd.f32 v1, v0;
	_ =	sdelay $0x1  }
0x2f: {  	v0 =	vadd.f32 v2, v0;
	_ =	sdelay $0x1  }
0x30: {  	v0 =	vmax.f32 v0, $0.0e+00  }
0x31: {  	[tilespmem:s1+$0x16310] =	vst v0  }
0x32: {  	v0 =	vld [tilespmem:s0+$0xFFFFFF80]  }
0x33: {  	v1 =	vld [tilespmem:s0+$0x0];
	_ =	sdelay $0x1  }
0x34: {  	v2 =	vld [tilespmem:s0+$0x80];
	_ =	sdelay $0x2  }
0x35: {  	v0 =	vadd.f32 v1, v0;
	_ =	sdelay $0x1  }
0x36: {  	v0 =	vadd.f32 v2, v0;
	_ =	sdelay $0x1  }
0x37: {  	v0 =	vmax.f32 v0, $0.0e+00  }
0x38: {  	[tilespmem:s1+$0x16320] =	vst v0  }
0x39: {  	v1 =	vld [tilespmem:s0+$0xFFFFFF90]  }
0x3a: {  	v2 =	vld [tilespmem:s0+$0x10];
	_ =	sdelay $0x2  }
0x3b: {  	v0 =	vld [tilespmem:s0+$0x90];
	_ =	sdelay $0x1  }
0x3c: {  	s2 =	simm.s32 $0x200;
	v1 =	vadd.f32 v2, v1  }
.LBB2_2:
0x3d: {  	p0 =	sne.s32 s2, $0xFE00  }
0x3e: {  	s0 =	sadd.s32 $0x180, s0;
	s5 =	smov.u32 s2;
	s2 =	sadd.s32 $0x200, s2  }
0x3f: {  	v0 =	vadd.f32 v0, v1;
	_ =	sdelay $0x1  }
0x40: {  	v0 =	vmax.f32 v0, $0.0e+00  }
0x41: {  	[tilespmem:s1+$0x16330] =	vst v0  }
0x42: {  	v0 =	vld [tilespmem:s0+$0xFFFFFFE0]  }
0x43: {  	v1 =	vld [tilespmem:s0+$0xFFFFFF60];
	_ =	sdelay $0x1  }
0x44: {  	v2 =	vld [tilespmem:s0+$0x60];
	_ =	sdelay $0x2  }
0x45: {  	v0 =	vadd.f32 v0, v1;
	_ =	sdelay $0x1  }
0x46: {  	v0 =	vadd.f32 v2, v0;
	_ =	sdelay $0x1  }
0x47: {  	s1 =	sshra.s32 s5, $0x2;
	v0 =	vmax.f32 v0, $0.0e+00  }
0x48: {  	[tilespmem:s1+$0x16300] =	vst v0  }
0x49: {  	v0 =	vld [tilespmem:s0+$0xFFFFFF70]  }
0x4a: {  	v1 =	vld [tilespmem:s0+$0xFFFFFFF0];
	_ =	sdelay $0x1  }
0x4b: {  	v2 =	vld [tilespmem:s0+$0x70];
	_ =	sdelay $0x2  }
0x4c: {  	v0 =	vadd.f32 v1, v0;
	_ =	sdelay $0x1  }
0x4d: {  	v0 =	vadd.f32 v2, v0;
	_ =	sdelay $0x1  }
0x4e: {  	v0 =	vmax.f32 v0, $0.0e+00  }
0x4f: {  	[tilespmem:s1+$0x16310] =	vst v0  }
0x50: {  	v0 =	vld [tilespmem:s0+$0xFFFFFF80]  }
0x51: {  	v1 =	vld [tilespmem:s0+$0x0];
	_ =	sdelay $0x1  }
0x52: {  	v2 =	vld [tilespmem:s0+$0x80];
	_ =	sdelay $0x2  }
0x53: {  	v0 =	vadd.f32 v1, v0;
	_ =	sdelay $0x1  }
0x54: {  	v0 =	vadd.f32 v2, v0;
	_ =	sdelay $0x1  }
0x55: {  	v0 =	vmax.f32 v0, $0.0e+00  }
0x56: {  	[tilespmem:s1+$0x16320] =	vst v0  }
0x57: {  	v1 =	vld [tilespmem:s0+$0xFFFFFF90]  }
0x58: {  	v2 =	vld [tilespmem:s0+$0x10]  }
.Ltmp0:
0x59: {  	v0 =	vld [tilespmem:s0+$0x90];
	(pc) =	sbr.rel @p0 .LBB2_2-.Ltmp0, $2  }
0x5a: {  	_ =	sdelay $0x2  }
0x5b: {  	v1 =	vadd.f32 v2, v1  }
0x5c: {  	_ = 	snop  }
0x5d: {  	v0 =	vadd.f32 v0, v1;
	_ =	sdelay $0x1  }
0x5e: {  	v0 =	vmax.f32 v0, $0.0e+00  }
0x5f: {  	s0 =	simm.s32 $0x0;
	[tilespmem:s1+$0x16330] =	vst v0  }
0x60: {  	[hbm4b:s6+s0] =	stream.linear.scatter [tilespmem:s28], [sflag:$0x2], $0x4000, $0x38;
	[tilespmem:$0x1A300] =	vst v63  }
0x61: {  	_ =	swait.ge [sflag:s23], $0x4000  }
0x62: {  	[sflag:s23] =	ssyncset.done $0x0  }
0x63: {  	[sflag:s23] =	ssyncadd.s32 $0xFFFFC000  }
0x64: {  	[tilespmem:s22], [sflag:$0x2] =	stream.linear.gather [hbm4b:s7+s0], $0x180, $0x38;
	[tilespmem:$0x1A300] =	vst v63  }
0x65: {  	_ =	swait.ge [sflag:s23], $0x180  }
0x66: {  	[sflag:s23] =	ssyncset.done $0x0  }
0x67: {  	[sflag:s23] =	ssyncadd.s32 $0xFFFFFE80  }
0x68: {  	[tilespmem:s25], [sflag:$0x1] =	stream.indirect.gather [hbm4b:s4+s24], $0x80, s22, s24, $0xb8;
	[tilespmem:$0x1A300] =	vst v63  }
0x69: {  	_ =	swait.ge [sflag:s26], $0xC000  }
0x6a: {  	[sflag:s26] =	ssyncset.done $0x0  }
0x6b: {  	s0 =	simm.s32 $0xA3A0;
	[sflag:s26] =	ssyncadd.s32 $0xFFFF4000  }
0x6c: {  	v0 =	vld [tilespmem:s0+$0xFFFFFFE0]  }
0x6d: {  	v1 =	vld [tilespmem:s0+$0xFFFFFF60];
	_ =	sdelay $0x1  }
0x6e: {  	v2 =	vld [tilespmem:s0+$0x60];
	_ =	sdelay $0x2  }
0x6f: {  	v0 =	vadd.f32 v0, v1;
	_ =	sdelay $0x1  }
0x70: {  	v0 =	vadd.f32 v2, v0;
	_ =	sdelay $0x1  }
0x71: {  	s1 =	simm.s32 $0x0;
	v0 =	vmax.f32 v0, $0.0e+00  }
0x72: {  	[tilespmem:s1+$0x16300] =	vst v0  }
0x73: {  	v0 =	vld [tilespmem:s0+$0xFFFFFF70]  }
0x74: {  	v1 =	vld [tilespmem:s0+$0xFFFFFFF0];
	_ =	sdelay $0x1  }
0x75: {  	v2 =	vld [tilespmem:s0+$0x70];
	_ =	sdelay $0x2  }
0x76: {  	v0 =	vadd.f32 v1, v0;
	_ =	sdelay $0x1  }
0x77: {  	v0 =	vadd.f32 v2, v0;
	_ =	sdelay $0x1  }
0x78: {  	v0 =	vmax.f32 v0, $0.0e+00  }
0x79: {  	[tilespmem:s1+$0x16310] =	vst v0  }
0x7a: {  	v0 =	vld [tilespmem:s0+$0xFFFFFF80]  }
0x7b: {  	v1 =	vld [tilespmem:s0+$0x0];
	_ =	sdelay $0x1  }
0x7c: {  	v2 =	vld [tilespmem:s0+$0x80];
	_ =	sdelay $0x2  }
0x7d: {  	v0 =	vadd.f32 v1, v0;
	_ =	sdelay $0x1  }
0x7e: {  	v0 =	vadd.f32 v2, v0;
	_ =	sdelay $0x1  }
0x7f: {  	v0 =	vmax.f32 v0, $0.0e+00  }
0x80: {  	[tilespmem:s1+$0x16320] =	vst v0  }
0x81: {  	v1 =	vld [tilespmem:s0+$0xFFFFFF90]  }
0x82: {  	v2 =	vld [tilespmem:s0+$0x10];
	_ =	sdelay $0x2  }
0x83: {  	v0 =	vld [tilespmem:s0+$0x90];
	_ =	sdelay $0x1  }
0x84: {  	s2 =	simm.s32 $0x200;
	v1 =	vadd.f32 v2, v1  }
.LBB2_4:
0x85: {  	p0 =	sne.s32 s2, $0xFE00  }
0x86: {  	s0 =	sadd.s32 $0x180, s0;
	s5 =	smov.u32 s2;
	s2 =	sadd.s32 $0x200, s2  }
0x87: {  	v0 =	vadd.f32 v0, v1;
	_ =	sdelay $0x1  }
0x88: {  	v0 =	vmax.f32 v0, $0.0e+00  }
0x89: {  	[tilespmem:s1+$0x16330] =	vst v0  }
0x8a: {  	v0 =	vld [tilespmem:s0+$0xFFFFFFE0]  }
0x8b: {  	v1 =	vld [tilespmem:s0+$0xFFFFFF60];
	_ =	sdelay $0x1  }
0x8c: {  	v2 =	vld [tilespmem:s0+$0x60];
	_ =	sdelay $0x2  }
0x8d: {  	v0 =	vadd.f32 v0, v1;
	_ =	sdelay $0x1  }
0x8e: {  	v0 =	vadd.f32 v2, v0;
	_ =	sdelay $0x1  }
0x8f: {  	s1 =	sshra.s32 s5, $0x2;
	v0 =	vmax.f32 v0, $0.0e+00  }
0x90: {  	[tilespmem:s1+$0x16300] =	vst v0  }
0x91: {  	v0 =	vld [tilespmem:s0+$0xFFFFFF70]  }
0x92: {  	v1 =	vld [tilespmem:s0+$0xFFFFFFF0];
	_ =	sdelay $0x1  }
0x93: {  	v2 =	vld [tilespmem:s0+$0x70];
	_ =	sdelay $0x2  }
0x94: {  	v0 =	vadd.f32 v1, v0;
	_ =	sdelay $0x1  }
0x95: {  	v0 =	vadd.f32 v2, v0;
	_ =	sdelay $0x1  }
0x96: {  	v0 =	vmax.f32 v0, $0.0e+00  }
0x97: {  	[tilespmem:s1+$0x16310] =	vst v0  }
0x98: {  	v0 =	vld [tilespmem:s0+$0xFFFFFF80]  }
0x99: {  	v1 =	vld [tilespmem:s0+$0x0];
	_ =	sdelay $0x1  }
0x9a: {  	v2 =	vld [tilespmem:s0+$0x80];
	_ =	sdelay $0x2  }
0x9b: {  	v0 =	vadd.f32 v1, v0;
	_ =	sdelay $0x1  }
0x9c: {  	v0 =	vadd.f32 v2, v0;
	_ =	sdelay $0x1  }
0x9d: {  	v0 =	vmax.f32 v0, $0.0e+00  }
0x9e: {  	[tilespmem:s1+$0x16320] =	vst v0  }
0x9f: {  	v1 =	vld [tilespmem:s0+$0xFFFFFF90]  }
0xa0: {  	v2 =	vld [tilespmem:s0+$0x10]  }
.Ltmp1:
0xa1: {  	v0 =	vld [tilespmem:s0+$0x90];
	(pc) =	sbr.rel @p0 .LBB2_4-.Ltmp1, $2  }
0xa2: {  	_ =	sdelay $0x2  }
0xa3: {  	v1 =	vadd.f32 v2, v1  }
0xa4: {  	_ = 	snop  }
0xa5: {  	v0 =	vadd.f32 v0, v1;
	_ =	sdelay $0x1  }
0xa6: {  	v0 =	vmax.f32 v0, $0.0e+00  }
0xa7: {  	s0 =	simm.s32 $0x0;
	[tilespmem:s1+$0x16330] =	vst v0  }
0xa8: {  	[hbm4b:s8+s0] =	stream.linear.scatter [tilespmem:s28], [sflag:$0x2], $0x4000, $0x38;
	[tilespmem:$0x1A300] =	vst v63  }
0xa9: {  	_ =	swait.ge [sflag:s23], $0x4000  }
0xaa: {  	[sflag:s23] =	ssyncset.done $0x0  }
0xab: {  	[sflag:s23] =	ssyncadd.s32 $0xFFFFC000  }
0xac: {  	[tilespmem:s22], [sflag:$0x2] =	stream.linear.gather [hbm4b:s9+s0], $0x180, $0x38;
	[tilespmem:$0x1A300] =	vst v63  }
0xad: {  	_ =	swait.ge [sflag:s23], $0x180  }
0xae: {  	[sflag:s23] =	ssyncset.done $0x0  }
0xaf: {  	[sflag:s23] =	ssyncadd.s32 $0xFFFFFE80  }
0xb0: {  	[tilespmem:s25], [sflag:$0x1] =	stream.indirect.gather [hbm4b:s4+s24], $0x80, s22, s24, $0xb8;
	[tilespmem:$0x1A300] =	vst v63  }
0xb1: {  	_ =	swait.ge [sflag:s26], $0xC000  }
0xb2: {  	[sflag:s26] =	ssyncset.done $0x0  }
0xb3: {  	s0 =	simm.s32 $0xA3A0;
	[sflag:s26] =	ssyncadd.s32 $0xFFFF4000  }
0xb4: {  	v0 =	vld [tilespmem:s0+$0xFFFFFFE0]  }
0xb5: {  	v1 =	vld [tilespmem:s0+$0xFFFFFF60];
	_ =	sdelay $0x1  }
0xb6: {  	v2 =	vld [tilespmem:s0+$0x60];
	_ =	sdelay $0x2  }
0xb7: {  	v0 =	vadd.f32 v0, v1;
	_ =	sdelay $0x1  }
0xb8: {  	v0 =	vadd.f32 v2, v0;
	_ =	sdelay $0x1  }
0xb9: {  	s1 =	simm.s32 $0x0;
	v0 =	vmax.f32 v0, $0.0e+00  }
0xba: {  	[tilespmem:s1+$0x16300] =	vst v0  }
0xbb: {  	v0 =	vld [tilespmem:s0+$0xFFFFFF70]  }
0xbc: {  	v1 =	vld [tilespmem:s0+$0xFFFFFFF0];
	_ =	sdelay $0x1  }
0xbd: {  	v2 =	vld [tilespmem:s0+$0x70];
	_ =	sdelay $0x2  }
0xbe: {  	v0 =	vadd.f32 v1, v0;
	_ =	sdelay $0x1  }
0xbf: {  	v0 =	vadd.f32 v2, v0;
	_ =	sdelay $0x1  }
0xc0: {  	v0 =	vmax.f32 v0, $0.0e+00  }
0xc1: {  	[tilespmem:s1+$0x16310] =	vst v0  }
0xc2: {  	v0 =	vld [tilespmem:s0+$0xFFFFFF80]  }
0xc3: {  	v1 =	vld [tilespmem:s0+$0x0];
	_ =	sdelay $0x1  }
0xc4: {  	v2 =	vld [tilespmem:s0+$0x80];
	_ =	sdelay $0x2  }
0xc5: {  	v0 =	vadd.f32 v1, v0;
	_ =	sdelay $0x1  }
0xc6: {  	v0 =	vadd.f32 v2, v0;
	_ =	sdelay $0x1  }
0xc7: {  	v0 =	vmax.f32 v0, $0.0e+00  }
0xc8: {  	[tilespmem:s1+$0x16320] =	vst v0  }
0xc9: {  	v1 =	vld [tilespmem:s0+$0xFFFFFF90]  }
0xca: {  	v2 =	vld [tilespmem:s0+$0x10];
	_ =	sdelay $0x2  }
0xcb: {  	v0 =	vld [tilespmem:s0+$0x90];
	_ =	sdelay $0x1  }
0xcc: {  	s2 =	simm.s32 $0x200;
	v1 =	vadd.f32 v2, v1  }
.LBB2_6:
0xcd: {  	p0 =	sne.s32 s2, $0xFE00  }
0xce: {  	s0 =	sadd.s32 $0x180, s0;
	s5 =	smov.u32 s2;
	s2 =	sadd.s32 $0x200, s2  }
0xcf: {  	v0 =	vadd.f32 v0, v1;
	_ =	sdelay $0x1  }
0xd0: {  	v0 =	vmax.f32 v0, $0.0e+00  }
0xd1: {  	[tilespmem:s1+$0x16330] =	vst v0  }
0xd2: {  	v0 =	vld [tilespmem:s0+$0xFFFFFFE0]  }
0xd3: {  	v1 =	vld [tilespmem:s0+$0xFFFFFF60];
	_ =	sdelay $0x1  }
0xd4: {  	v2 =	vld [tilespmem:s0+$0x60];
	_ =	sdelay $0x2  }
0xd5: {  	v0 =	vadd.f32 v0, v1;
	_ =	sdelay $0x1  }
0xd6: {  	v0 =	vadd.f32 v2, v0;
	_ =	sdelay $0x1  }
0xd7: {  	s1 =	sshra.s32 s5, $0x2;
	v0 =	vmax.f32 v0, $0.0e+00  }
0xd8: {  	[tilespmem:s1+$0x16300] =	vst v0  }
0xd9: {  	v0 =	vld [tilespmem:s0+$0xFFFFFF70]  }
0xda: {  	v1 =	vld [tilespmem:s0+$0xFFFFFFF0];
	_ =	sdelay $0x1  }
0xdb: {  	v2 =	vld [tilespmem:s0+$0x70];
	_ =	sdelay $0x2  }
0xdc: {  	v0 =	vadd.f32 v1, v0;
	_ =	sdelay $0x1  }
0xdd: {  	v0 =	vadd.f32 v2, v0;
	_ =	sdelay $0x1  }
0xde: {  	v0 =	vmax.f32 v0, $0.0e+00  }
0xdf: {  	[tilespmem:s1+$0x16310] =	vst v0  }
0xe0: {  	v0 =	vld [tilespmem:s0+$0xFFFFFF80]  }
0xe1: {  	v1 =	vld [tilespmem:s0+$0x0];
	_ =	sdelay $0x1  }
0xe2: {  	v2 =	vld [tilespmem:s0+$0x80];
	_ =	sdelay $0x2  }
0xe3: {  	v0 =	vadd.f32 v1, v0;
	_ =	sdelay $0x1  }
0xe4: {  	v0 =	vadd.f32 v2, v0;
	_ =	sdelay $0x1  }
0xe5: {  	v0 =	vmax.f32 v0, $0.0e+00  }
0xe6: {  	[tilespmem:s1+$0x16320] =	vst v0  }
0xe7: {  	v1 =	vld [tilespmem:s0+$0xFFFFFF90]  }
0xe8: {  	v2 =	vld [tilespmem:s0+$0x10]  }
.Ltmp2:
0xe9: {  	v0 =	vld [tilespmem:s0+$0x90];
	(pc) =	sbr.rel @p0 .LBB2_6-.Ltmp2, $2  }
0xea: {  	_ =	sdelay $0x2  }
0xeb: {  	v1 =	vadd.f32 v2, v1  }
0xec: {  	_ = 	snop  }
0xed: {  	v0 =	vadd.f32 v0, v1;
	_ =	sdelay $0x1  }
0xee: {  	v0 =	vmax.f32 v0, $0.0e+00  }
0xef: {  	s0 =	simm.s32 $0x0;
	[tilespmem:s1+$0x16330] =	vst v0  }
0xf0: {  	[hbm4b:s10+s0] =	stream.linear.scatter [tilespmem:s28], [sflag:$0x2], $0x4000, $0x38;
	[tilespmem:$0x1A300] =	vst v63  }
0xf1: {  	_ =	swait.ge [sflag:s23], $0x4000  }
0xf2: {  	[sflag:s23] =	ssyncset.done $0x0  }
0xf3: {  	[sflag:s23] =	ssyncadd.s32 $0xFFFFC000  }
0xf4: {  	[tilespmem:s22], [sflag:$0x2] =	stream.linear.gather [hbm4b:s11+s0], $0x180, $0x38;
	[tilespmem:$0x1A300] =	vst v63  }
0xf5: {  	_ =	swait.ge [sflag:s23], $0x180  }
0xf6: {  	[sflag:s23] =	ssyncset.done $0x0  }
0xf7: {  	[sflag:s23] =	ssyncadd.s32 $0xFFFFFE80  }
0xf8: {  	[tilespmem:s25], [sflag:$0x1] =	stream.indirect.gather [hbm4b:s4+s24], $0x80, s22, s24, $0xb8;
	[tilespmem:$0x1A300] =	vst v63  }
0xf9: {  	_ =	swait.ge [sflag:s26], $0xC000  }
0xfa: {  	[sflag:s26] =	ssyncset.done $0x0  }
0xfb: {  	s0 =	simm.s32 $0xA3A0;
	[sflag:s26] =	ssyncadd.s32 $0xFFFF4000  }
0xfc: {  	v0 =	vld [tilespmem:s0+$0xFFFFFFE0]  }
0xfd: {  	v1 =	vld [tilespmem:s0+$0xFFFFFF60];
	_ =	sdelay $0x1  }
0xfe: {  	v2 =	vld [tilespmem:s0+$0x60];
	_ =	sdelay $0x2  }
0xff: {  	v0 =	vadd.f32 v0, v1;
	_ =	sdelay $0x1  }
0x100: {  	v0 =	vadd.f32 v2, v0;
	_ =	sdelay $0x1  }
0x101: {  	s1 =	simm.s32 $0x0;
	v0 =	vmax.f32 v0, $0.0e+00  }
0x102: {  	[tilespmem:s1+$0x16300] =	vst v0  }
0x103: {  	v0 =	vld [tilespmem:s0+$0xFFFFFF70]  }
0x104: {  	v1 =	vld [tilespmem:s0+$0xFFFFFFF0];
	_ =	sdelay $0x1  }
0x105: {  	v2 =	vld [tilespmem:s0+$0x70];
	_ =	sdelay $0x2  }
0x106: {  	v0 =	vadd.f32 v1, v0;
	_ =	sdelay $0x1  }
0x107: {  	v0 =	vadd.f32 v2, v0;
	_ =	sdelay $0x1  }
0x108: {  	v0 =	vmax.f32 v0, $0.0e+00  }
0x109: {  	[tilespmem:s1+$0x16310] =	vst v0  }
0x10a: {  	v0 =	vld [tilespmem:s0+$0xFFFFFF80]  }
0x10b: {  	v1 =	vld [tilespmem:s0+$0x0];
	_ =	sdelay $0x1  }
0x10c: {  	v2 =	vld [tilespmem:s0+$0x80];
	_ =	sdelay $0x2  }
0x10d: {  	v0 =	vadd.f32 v1, v0;
	_ =	sdelay $0x1  }
0x10e: {  	v0 =	vadd.f32 v2, v0;
	_ =	sdelay $0x1  }
0x10f: {  	v0 =	vmax.f32 v0, $0.0e+00  }
0x110: {  	[tilespmem:s1+$0x16320] =	vst v0  }
0x111: {  	v1 =	vld [tilespmem:s0+$0xFFFFFF90]  }
0x112: {  	v2 =	vld [tilespmem:s0+$0x10];
	_ =	sdelay $0x2  }
0x113: {  	v0 =	vld [tilespmem:s0+$0x90];
	_ =	sdelay $0x1  }
0x114: {  	s2 =	simm.s32 $0x200;
	v1 =	vadd.f32 v2, v1  }
.LBB2_8:
0x115: {  	p0 =	sne.s32 s2, $0xFE00  }
0x116: {  	s0 =	sadd.s32 $0x180, s0;
	s5 =	smov.u32 s2;
	s2 =	sadd.s32 $0x200, s2  }
0x117: {  	v0 =	vadd.f32 v0, v1;
	_ =	sdelay $0x1  }
0x118: {  	v0 =	vmax.f32 v0, $0.0e+00  }
0x119: {  	[tilespmem:s1+$0x16330] =	vst v0  }
0x11a: {  	v0 =	vld [tilespmem:s0+$0xFFFFFFE0]  }
0x11b: {  	v1 =	vld [tilespmem:s0+$0xFFFFFF60];
	_ =	sdelay $0x1  }
0x11c: {  	v2 =	vld [tilespmem:s0+$0x60];
	_ =	sdelay $0x2  }
0x11d: {  	v0 =	vadd.f32 v0, v1;
	_ =	sdelay $0x1  }
0x11e: {  	v0 =	vadd.f32 v2, v0;
	_ =	sdelay $0x1  }
0x11f: {  	s1 =	sshra.s32 s5, $0x2;
	v0 =	vmax.f32 v0, $0.0e+00  }
0x120: {  	[tilespmem:s1+$0x16300] =	vst v0  }
0x121: {  	v0 =	vld [tilespmem:s0+$0xFFFFFF70]  }
0x122: {  	v1 =	vld [tilespmem:s0+$0xFFFFFFF0];
	_ =	sdelay $0x1  }
0x123: {  	v2 =	vld [tilespmem:s0+$0x70];
	_ =	sdelay $0x2  }
0x124: {  	v0 =	vadd.f32 v1, v0;
	_ =	sdelay $0x1  }
0x125: {  	v0 =	vadd.f32 v2, v0;
	_ =	sdelay $0x1  }
0x126: {  	v0 =	vmax.f32 v0, $0.0e+00  }
0x127: {  	[tilespmem:s1+$0x16310] =	vst v0  }
0x128: {  	v0 =	vld [tilespmem:s0+$0xFFFFFF80]  }
0x129: {  	v1 =	vld [tilespmem:s0+$0x0];
	_ =	sdelay $0x1  }
0x12a: {  	v2 =	vld [tilespmem:s0+$0x80];
	_ =	sdelay $0x2  }
0x12b: {  	v0 =	vadd.f32 v1, v0;
	_ =	sdelay $0x1  }
0x12c: {  	v0 =	vadd.f32 v2, v0;
	_ =	sdelay $0x1  }
0x12d: {  	v0 =	vmax.f32 v0, $0.0e+00  }
0x12e: {  	[tilespmem:s1+$0x16320] =	vst v0  }
0x12f: {  	v1 =	vld [tilespmem:s0+$0xFFFFFF90]  }
0x130: {  	v2 =	vld [tilespmem:s0+$0x10]  }
.Ltmp3:
0x131: {  	v0 =	vld [tilespmem:s0+$0x90];
	(pc) =	sbr.rel @p0 .LBB2_8-.Ltmp3, $2  }
0x132: {  	_ =	sdelay $0x2  }
0x133: {  	v1 =	vadd.f32 v2, v1  }
0x134: {  	_ = 	snop  }
0x135: {  	v0 =	vadd.f32 v0, v1;
	_ =	sdelay $0x1  }
0x136: {  	v0 =	vmax.f32 v0, $0.0e+00  }
0x137: {  	s0 =	simm.s32 $0x0;
	[tilespmem:s1+$0x16330] =	vst v0  }
0x138: {  	[hbm4b:s12+s0] =	stream.linear.scatter [tilespmem:s28], [sflag:$0x2], $0x4000, $0x38;
	[tilespmem:$0x1A300] =	vst v63  }
0x139: {  	_ =	swait.ge [sflag:s23], $0x4000  }
0x13a: {  	[sflag:s23] =	ssyncset.done $0x0  }
0x13b: {  	[sflag:s23] =	ssyncadd.s32 $0xFFFFC000  }
0x13c: {  	[tilespmem:s0], [sflag:$0x2] =	stream.linear.gather [hbm4b:s13+s0], $0x120, $0x38;
	[tilespmem:$0x1A300] =	vst v63  }
0x13d: {  	_ =	swait.ge [sflag:s23], $0x120  }
0x13e: {  	[sflag:s23] =	ssyncset.done $0x0  }
0x13f: {  	[sflag:s23] =	ssyncadd.s32 $0xFFFFFEE0  }
0x140: {  	[tilespmem:s24], [sflag:$0x1] =	stream.indirect.gather [hbm4b:s3+s29], $0x80, s0, s29, $0xb8;
	[tilespmem:$0x1A300] =	vst v63  }
0x141: {  	_ =	swait.ge [sflag:s26], $0x9000  }
0x142: {  	[sflag:s26] =	ssyncset.done $0x0  }
0x143: {  	s0 =	simm.s32 $0x3A0;
	[sflag:s26] =	ssyncadd.s32 $0xFFFF7000  }
0x144: {  	v0 =	vld [tilespmem:s0+$0xFFFFFE60]  }
0x145: {  	v1 =	vld [tilespmem:s0+$0xFFFFFDE0];
	_ =	sdelay $0x1  }
0x146: {  	v2 =	vld [tilespmem:s0+$0xFFFFFEE0];
	_ =	sdelay $0x1  }
0x147: {  	v3 =	vld [tilespmem:s0+$0xFFFFFF60]  }
0x148: {  	v0 =	vadd.f32 v0, v1  }
0x149: {  	v1 =	vld [tilespmem:s0+$0xFFFFFFE0]  }
0x14a: {  	v0 =	vadd.f32 v2, v0  }
0x14b: {  	v2 =	vld [tilespmem:s0+$0x60]  }
0x14c: {  	v0 =	vadd.f32 v3, v0  }
0x14d: {  	v3 =	vld [tilespmem:s0+$0xE0]  }
0x14e: {  	v0 =	vadd.f32 v1, v0  }
0x14f: {  	v1 =	vld [tilespmem:s0+$0x160]  }
0x150: {  	v0 =	vadd.f32 v2, v0  }
0x151: {  	v2 =	vld [tilespmem:s0+$0x1E0]  }
0x152: {  	v0 =	vadd.f32 v3, v0;
	_ =	sdelay $0x1  }
0x153: {  	v0 =	vadd.f32 v1, v0;
	_ =	sdelay $0x1  }
0x154: {  	v0 =	vadd.f32 v2, v0;
	_ =	sdelay $0x1  }
0x155: {  	s2 =	simm.s32 $0x0;
	v0 =	vmax.f32 v0, $0.0e+00  }
0x156: {  	[tilespmem:s2+$0x9180] =	vst v0  }
0x157: {  	v0 =	vld [tilespmem:s0+$0xFFFFFDF0]  }
0x158: {  	v1 =	vld [tilespmem:s0+$0xFFFFFE70];
	_ =	sdelay $0x1  }
0x159: {  	v2 =	vld [tilespmem:s0+$0xFFFFFEF0];
	_ =	sdelay $0x1  }
0x15a: {  	v3 =	vld [tilespmem:s0+$0xFFFFFF70]  }
0x15b: {  	v0 =	vadd.f32 v1, v0  }
0x15c: {  	v1 =	vld [tilespmem:s0+$0xFFFFFFF0]  }
0x15d: {  	v0 =	vadd.f32 v2, v0  }
0x15e: {  	v2 =	vld [tilespmem:s0+$0x70]  }
0x15f: {  	v0 =	vadd.f32 v3, v0  }
0x160: {  	v3 =	vld [tilespmem:s0+$0xF0]  }
0x161: {  	v0 =	vadd.f32 v1, v0  }
0x162: {  	v1 =	vld [tilespmem:s0+$0x170]  }
0x163: {  	v0 =	vadd.f32 v2, v0  }
0x164: {  	v2 =	vld [tilespmem:s0+$0x1F0]  }
0x165: {  	v0 =	vadd.f32 v3, v0;
	_ =	sdelay $0x1  }
0x166: {  	v0 =	vadd.f32 v1, v0;
	_ =	sdelay $0x1  }
0x167: {  	v0 =	vadd.f32 v2, v0;
	_ =	sdelay $0x1  }
0x168: {  	v0 =	vmax.f32 v0, $0.0e+00  }
0x169: {  	[tilespmem:s2+$0x9190] =	vst v0  }
0x16a: {  	v0 =	vld [tilespmem:s0+$0xFFFFFE00]  }
0x16b: {  	v1 =	vld [tilespmem:s0+$0xFFFFFE80];
	_ =	sdelay $0x1  }
0x16c: {  	v2 =	vld [tilespmem:s0+$0xFFFFFF00];
	_ =	sdelay $0x1  }
0x16d: {  	v3 =	vld [tilespmem:s0+$0xFFFFFF80]  }
0x16e: {  	v0 =	vadd.f32 v1, v0  }
0x16f: {  	v1 =	vld [tilespmem:s0+$0x0]  }
0x170: {  	v0 =	vadd.f32 v2, v0  }
0x171: {  	v2 =	vld [tilespmem:s0+$0x80]  }
0x172: {  	v0 =	vadd.f32 v3, v0  }
0x173: {  	v3 =	vld [tilespmem:s0+$0x100]  }
0x174: {  	v0 =	vadd.f32 v1, v0  }
0x175: {  	v1 =	vld [tilespmem:s0+$0x180]  }
0x176: {  	v0 =	vadd.f32 v2, v0  }
0x177: {  	v2 =	vld [tilespmem:s0+$0x200]  }
0x178: {  	v0 =	vadd.f32 v3, v0;
	_ =	sdelay $0x1  }
0x179: {  	v0 =	vadd.f32 v1, v0;
	_ =	sdelay $0x1  }
0x17a: {  	v0 =	vadd.f32 v2, v0;
	_ =	sdelay $0x1  }
0x17b: {  	v0 =	vmax.f32 v0, $0.0e+00  }
0x17c: {  	[tilespmem:s2+$0x91A0] =	vst v0  }
0x17d: {  	v0 =	vld [tilespmem:s0+$0xFFFFFE10]  }
0x17e: {  	v1 =	vld [tilespmem:s0+$0xFFFFFE90];
	_ =	sdelay $0x1  }
0x17f: {  	v2 =	vld [tilespmem:s0+$0xFFFFFF10];
	_ =	sdelay $0x1  }
0x180: {  	v3 =	vld [tilespmem:s0+$0xFFFFFF90]  }
0x181: {  	v0 =	vadd.f32 v1, v0  }
0x182: {  	v1 =	vld [tilespmem:s0+$0x10]  }
0x183: {  	v0 =	vadd.f32 v2, v0  }
0x184: {  	v2 =	vld [tilespmem:s0+$0x90]  }
0x185: {  	v0 =	vadd.f32 v3, v0  }
0x186: {  	v3 =	vld [tilespmem:s0+$0x110]  }
0x187: {  	v0 =	vadd.f32 v1, v0  }
0x188: {  	v1 =	vld [tilespmem:s0+$0x190]  }
0x189: {  	v0 =	vadd.f32 v2, v0;
	_ =	sdelay $0x1  }
0x18a: {  	v2 =	vadd.f32 v3, v0;
	v0 =	vld [tilespmem:s0+$0x210];
	_ =	sdelay $0x1  }
0x18b: {  	s1 =	simm.s32 $0x200;
	v1 =	vadd.f32 v1, v2  }
.LBB2_10:
0x18c: {  	p0 =	sne.s32 s1, $0x3E00  }
0x18d: {  	s0 =	sadd.s32 $0x480, s0;
	s5 =	smov.u32 s1;
	s1 =	sadd.s32 $0x200, s1  }
0x18e: {  	v0 =	vadd.f32 v0, v1;
	_ =	sdelay $0x1  }
0x18f: {  	v0 =	vmax.f32 v0, $0.0e+00  }
0x190: {  	[tilespmem:s2+$0x91B0] =	vst v0  }
0x191: {  	v0 =	vld [tilespmem:s0+$0xFFFFFE60]  }
0x192: {  	v1 =	vld [tilespmem:s0+$0xFFFFFDE0];
	_ =	sdelay $0x1  }
0x193: {  	v2 =	vld [tilespmem:s0+$0xFFFFFEE0];
	_ =	sdelay $0x1  }
0x194: {  	v3 =	vld [tilespmem:s0+$0xFFFFFF60]  }
0x195: {  	v0 =	vadd.f32 v0, v1  }
0x196: {  	v1 =	vld [tilespmem:s0+$0xFFFFFFE0]  }
0x197: {  	v0 =	vadd.f32 v2, v0  }
0x198: {  	v2 =	vld [tilespmem:s0+$0x60]  }
0x199: {  	v0 =	vadd.f32 v3, v0  }
0x19a: {  	v3 =	vld [tilespmem:s0+$0xE0]  }
0x19b: {  	v0 =	vadd.f32 v1, v0  }
0x19c: {  	v1 =	vld [tilespmem:s0+$0x160]  }
0x19d: {  	v0 =	vadd.f32 v2, v0  }
0x19e: {  	v2 =	vld [tilespmem:s0+$0x1E0]  }
0x19f: {  	v0 =	vadd.f32 v3, v0;
	_ =	sdelay $0x1  }
0x1a0: {  	v0 =	vadd.f32 v1, v0;
	_ =	sdelay $0x1  }
0x1a1: {  	v0 =	vadd.f32 v2, v0;
	_ =	sdelay $0x1  }
0x1a2: {  	s2 =	sshra.s32 s5, $0x2;
	v0 =	vmax.f32 v0, $0.0e+00  }
0x1a3: {  	[tilespmem:s2+$0x9180] =	vst v0  }
0x1a4: {  	v0 =	vld [tilespmem:s0+$0xFFFFFDF0]  }
0x1a5: {  	v1 =	vld [tilespmem:s0+$0xFFFFFE70];
	_ =	sdelay $0x1  }
0x1a6: {  	v2 =	vld [tilespmem:s0+$0xFFFFFEF0];
	_ =	sdelay $0x1  }
0x1a7: {  	v3 =	vld [tilespmem:s0+$0xFFFFFF70]  }
0x1a8: {  	v0 =	vadd.f32 v1, v0  }
0x1a9: {  	v1 =	vld [tilespmem:s0+$0xFFFFFFF0]  }
0x1aa: {  	v0 =	vadd.f32 v2, v0  }
0x1ab: {  	v2 =	vld [tilespmem:s0+$0x70]  }
0x1ac: {  	v0 =	vadd.f32 v3, v0  }
0x1ad: {  	v3 =	vld [tilespmem:s0+$0xF0]  }
0x1ae: {  	v0 =	vadd.f32 v1, v0  }
0x1af: {  	v1 =	vld [tilespmem:s0+$0x170]  }
0x1b0: {  	v0 =	vadd.f32 v2, v0  }
0x1b1: {  	v2 =	vld [tilespmem:s0+$0x1F0]  }
0x1b2: {  	v0 =	vadd.f32 v3, v0;
	_ =	sdelay $0x1  }
0x1b3: {  	v0 =	vadd.f32 v1, v0;
	_ =	sdelay $0x1  }
0x1b4: {  	v0 =	vadd.f32 v2, v0;
	_ =	sdelay $0x1  }
0x1b5: {  	v0 =	vmax.f32 v0, $0.0e+00  }
0x1b6: {  	[tilespmem:s2+$0x9190] =	vst v0  }
0x1b7: {  	v0 =	vld [tilespmem:s0+$0xFFFFFE00]  }
0x1b8: {  	v1 =	vld [tilespmem:s0+$0xFFFFFE80];
	_ =	sdelay $0x1  }
0x1b9: {  	v2 =	vld [tilespmem:s0+$0xFFFFFF00];
	_ =	sdelay $0x1  }
0x1ba: {  	v3 =	vld [tilespmem:s0+$0xFFFFFF80]  }
0x1bb: {  	v0 =	vadd.f32 v1, v0  }
0x1bc: {  	v1 =	vld [tilespmem:s0+$0x0]  }
0x1bd: {  	v0 =	vadd.f32 v2, v0  }
0x1be: {  	v2 =	vld [tilespmem:s0+$0x80]  }
0x1bf: {  	v0 =	vadd.f32 v3, v0  }
0x1c0: {  	v3 =	vld [tilespmem:s0+$0x100]  }
0x1c1: {  	v0 =	vadd.f32 v1, v0  }
0x1c2: {  	v1 =	vld [tilespmem:s0+$0x180]  }
0x1c3: {  	v0 =	vadd.f32 v2, v0  }
0x1c4: {  	v2 =	vld [tilespmem:s0+$0x200]  }
0x1c5: {  	v0 =	vadd.f32 v3, v0;
	_ =	sdelay $0x1  }
0x1c6: {  	v0 =	vadd.f32 v1, v0;
	_ =	sdelay $0x1  }
0x1c7: {  	v0 =	vadd.f32 v2, v0;
	_ =	sdelay $0x1  }
0x1c8: {  	v0 =	vmax.f32 v0, $0.0e+00  }
0x1c9: {  	[tilespmem:s2+$0x91A0] =	vst v0  }
0x1ca: {  	v0 =	vld [tilespmem:s0+$0xFFFFFE10]  }
0x1cb: {  	v1 =	vld [tilespmem:s0+$0xFFFFFE90]  }
0x1cc: {  	v2 =	vld [tilespmem:s0+$0xFFFFFF10]  }
0x1cd: {  	v3 =	vld [tilespmem:s0+$0xFFFFFF90]  }
0x1ce: {  	v4 =	vld [tilespmem:s0+$0x10]  }
0x1cf: {  	v5 =	vld [tilespmem:s0+$0x90]  }
0x1d0: {  	v0 =	vadd.f32 v1, v0;
	v1 =	vld [tilespmem:s0+$0x110]  }
0x1d1: {  	v6 =	vld [tilespmem:s0+$0x190]  }
0x1d2: {  	v2 =	vadd.f32 v2, v0;
	v0 =	vld [tilespmem:s0+$0x210];
	_ =	sdelay $0x1  }
0x1d3: {  	v2 =	vadd.f32 v3, v2;
	_ =	sdelay $0x1  }
0x1d4: {  	v2 =	vadd.f32 v4, v2;
	_ =	sdelay $0x1  }
.Ltmp4:
0x1d5: {  	v2 =	vadd.f32 v5, v2;
	(pc) =	sbr.rel @p0 .LBB2_10-.Ltmp4, $3  }
0x1d6: {  	_ = 	snop  }
0x1d7: {  	v1 =	vadd.f32 v1, v2;
	_ =	sdelay $0x1  }
0x1d8: {  	v1 =	vadd.f32 v6, v1  }
0x1d9: {  	_ = 	snop  }
0x1da: {  	v0 =	vadd.f32 v0, v1;
	_ =	sdelay $0x1  }
0x1db: {  	v0 =	vmax.f32 v0, $0.0e+00  }
0x1dc: {  	s0 =	simm.s32 $0x0;
	[tilespmem:s2+$0x91B0] =	vst v0  }
0x1dd: {  	[hbm4b:s14+s0] =	stream.linear.scatter [tilespmem:s30], [sflag:$0x2], $0x1000, $0x38;
	[tilespmem:$0x1A300] =	vst v63  }
0x1de: {  	_ =	swait.ge [sflag:s23], $0x1000  }
0x1df: {  	[sflag:s23] =	ssyncset.done $0x0  }
0x1e0: {  	[sflag:s23] =	ssyncadd.s32 $0xFFFFF000  }
0x1e1: {  	[tilespmem:s0], [sflag:$0x2] =	stream.linear.gather [hbm4b:s15+s0], $0x120, $0x38;
	[tilespmem:$0x1A300] =	vst v63  }
0x1e2: {  	_ =	swait.ge [sflag:s23], $0x120  }
0x1e3: {  	[sflag:s23] =	ssyncset.done $0x0  }
0x1e4: {  	[sflag:s23] =	ssyncadd.s32 $0xFFFFFEE0  }
0x1e5: {  	[tilespmem:s24], [sflag:$0x1] =	stream.indirect.gather [hbm4b:s3+s29], $0x80, s0, s29, $0xb8;
	[tilespmem:$0x1A300] =	vst v63  }
0x1e6: {  	_ =	swait.ge [sflag:s26], $0x9000  }
0x1e7: {  	[sflag:s26] =	ssyncset.done $0x0  }
0x1e8: {  	s0 =	simm.s32 $0x3A0;
	[sflag:s26] =	ssyncadd.s32 $0xFFFF7000  }
0x1e9: {  	v0 =	vld [tilespmem:s0+$0xFFFFFE60]  }
0x1ea: {  	v1 =	vld [tilespmem:s0+$0xFFFFFDE0];
	_ =	sdelay $0x1  }
0x1eb: {  	v2 =	vld [tilespmem:s0+$0xFFFFFEE0];
	_ =	sdelay $0x1  }
0x1ec: {  	v3 =	vld [tilespmem:s0+$0xFFFFFF60]  }
0x1ed: {  	v0 =	vadd.f32 v0, v1  }
0x1ee: {  	v1 =	vld [tilespmem:s0+$0xFFFFFFE0]  }
0x1ef: {  	v0 =	vadd.f32 v2, v0  }
0x1f0: {  	v2 =	vld [tilespmem:s0+$0x60]  }
0x1f1: {  	v0 =	vadd.f32 v3, v0  }
0x1f2: {  	v3 =	vld [tilespmem:s0+$0xE0]  }
0x1f3: {  	v0 =	vadd.f32 v1, v0  }
0x1f4: {  	v1 =	vld [tilespmem:s0+$0x160]  }
0x1f5: {  	v0 =	vadd.f32 v2, v0  }
0x1f6: {  	v2 =	vld [tilespmem:s0+$0x1E0]  }
0x1f7: {  	v0 =	vadd.f32 v3, v0;
	_ =	sdelay $0x1  }
0x1f8: {  	v0 =	vadd.f32 v1, v0;
	_ =	sdelay $0x1  }
0x1f9: {  	v0 =	vadd.f32 v2, v0;
	_ =	sdelay $0x1  }
0x1fa: {  	s2 =	simm.s32 $0x0;
	v0 =	vmax.f32 v0, $0.0e+00  }
0x1fb: {  	[tilespmem:s2+$0x9180] =	vst v0  }
0x1fc: {  	v0 =	vld [tilespmem:s0+$0xFFFFFDF0]  }
0x1fd: {  	v1 =	vld [tilespmem:s0+$0xFFFFFE70];
	_ =	sdelay $0x1  }
0x1fe: {  	v2 =	vld [tilespmem:s0+$0xFFFFFEF0];
	_ =	sdelay $0x1  }
0x1ff: {  	v3 =	vld [tilespmem:s0+$0xFFFFFF70]  }
0x200: {  	v0 =	vadd.f32 v1, v0  }
0x201: {  	v1 =	vld [tilespmem:s0+$0xFFFFFFF0]  }
0x202: {  	v0 =	vadd.f32 v2, v0  }
0x203: {  	v2 =	vld [tilespmem:s0+$0x70]  }
0x204: {  	v0 =	vadd.f32 v3, v0  }
0x205: {  	v3 =	vld [tilespmem:s0+$0xF0]  }
0x206: {  	v0 =	vadd.f32 v1, v0  }
0x207: {  	v1 =	vld [tilespmem:s0+$0x170]  }
0x208: {  	v0 =	vadd.f32 v2, v0  }
0x209: {  	v2 =	vld [tilespmem:s0+$0x1F0]  }
0x20a: {  	v0 =	vadd.f32 v3, v0;
	_ =	sdelay $0x1  }
0x20b: {  	v0 =	vadd.f32 v1, v0;
	_ =	sdelay $0x1  }
0x20c: {  	v0 =	vadd.f32 v2, v0;
	_ =	sdelay $0x1  }
0x20d: {  	v0 =	vmax.f32 v0, $0.0e+00  }
0x20e: {  	[tilespmem:s2+$0x9190] =	vst v0  }
0x20f: {  	v0 =	vld [tilespmem:s0+$0xFFFFFE00]  }
0x210: {  	v1 =	vld [tilespmem:s0+$0xFFFFFE80];
	_ =	sdelay $0x1  }
0x211: {  	v2 =	vld [tilespmem:s0+$0xFFFFFF00];
	_ =	sdelay $0x1  }
0x212: {  	v3 =	vld [tilespmem:s0+$0xFFFFFF80]  }
0x213: {  	v0 =	vadd.f32 v1, v0  }
0x214: {  	v1 =	vld [tilespmem:s0+$0x0]  }
0x215: {  	v0 =	vadd.f32 v2, v0  }
0x216: {  	v2 =	vld [tilespmem:s0+$0x80]  }
0x217: {  	v0 =	vadd.f32 v3, v0  }
0x218: {  	v3 =	vld [tilespmem:s0+$0x100]  }
0x219: {  	v0 =	vadd.f32 v1, v0  }
0x21a: {  	v1 =	vld [tilespmem:s0+$0x180]  }
0x21b: {  	v0 =	vadd.f32 v2, v0  }
0x21c: {  	v2 =	vld [tilespmem:s0+$0x200]  }
0x21d: {  	v0 =	vadd.f32 v3, v0;
	_ =	sdelay $0x1  }
0x21e: {  	v0 =	vadd.f32 v1, v0;
	_ =	sdelay $0x1  }
0x21f: {  	v0 =	vadd.f32 v2, v0;
	_ =	sdelay $0x1  }
0x220: {  	v0 =	vmax.f32 v0, $0.0e+00  }
0x221: {  	[tilespmem:s2+$0x91A0] =	vst v0  }
0x222: {  	v0 =	vld [tilespmem:s0+$0xFFFFFE10]  }
0x223: {  	v1 =	vld [tilespmem:s0+$0xFFFFFE90];
	_ =	sdelay $0x1  }
0x224: {  	v2 =	vld [tilespmem:s0+$0xFFFFFF10];
	_ =	sdelay $0x1  }
0x225: {  	v3 =	vld [tilespmem:s0+$0xFFFFFF90]  }
0x226: {  	v0 =	vadd.f32 v1, v0  }
0x227: {  	v1 =	vld [tilespmem:s0+$0x10]  }
0x228: {  	v0 =	vadd.f32 v2, v0  }
0x229: {  	v2 =	vld [tilespmem:s0+$0x90]  }
0x22a: {  	v0 =	vadd.f32 v3, v0  }
0x22b: {  	v3 =	vld [tilespmem:s0+$0x110]  }
0x22c: {  	v0 =	vadd.f32 v1, v0  }
0x22d: {  	v1 =	vld [tilespmem:s0+$0x190]  }
0x22e: {  	v0 =	vadd.f32 v2, v0;
	_ =	sdelay $0x1  }
0x22f: {  	v2 =	vadd.f32 v3, v0;
	v0 =	vld [tilespmem:s0+$0x210];
	_ =	sdelay $0x1  }
0x230: {  	s1 =	simm.s32 $0x200;
	v1 =	vadd.f32 v1, v2  }
.LBB2_12:
0x231: {  	p0 =	sne.s32 s1, $0x3E00  }
0x232: {  	s0 =	sadd.s32 $0x480, s0;
	s5 =	smov.u32 s1;
	s1 =	sadd.s32 $0x200, s1  }
0x233: {  	v0 =	vadd.f32 v0, v1;
	_ =	sdelay $0x1  }
0x234: {  	v0 =	vmax.f32 v0, $0.0e+00  }
0x235: {  	[tilespmem:s2+$0x91B0] =	vst v0  }
0x236: {  	v0 =	vld [tilespmem:s0+$0xFFFFFE60]  }
0x237: {  	v1 =	vld [tilespmem:s0+$0xFFFFFDE0];
	_ =	sdelay $0x1  }
0x238: {  	v2 =	vld [tilespmem:s0+$0xFFFFFEE0];
	_ =	sdelay $0x1  }
0x239: {  	v3 =	vld [tilespmem:s0+$0xFFFFFF60]  }
0x23a: {  	v0 =	vadd.f32 v0, v1  }
0x23b: {  	v1 =	vld [tilespmem:s0+$0xFFFFFFE0]  }
0x23c: {  	v0 =	vadd.f32 v2, v0  }
0x23d: {  	v2 =	vld [tilespmem:s0+$0x60]  }
0x23e: {  	v0 =	vadd.f32 v3, v0  }
0x23f: {  	v3 =	vld [tilespmem:s0+$0xE0]  }
0x240: {  	v0 =	vadd.f32 v1, v0  }
0x241: {  	v1 =	vld [tilespmem:s0+$0x160]  }
0x242: {  	v0 =	vadd.f32 v2, v0  }
0x243: {  	v2 =	vld [tilespmem:s0+$0x1E0]  }
0x244: {  	v0 =	vadd.f32 v3, v0;
	_ =	sdelay $0x1  }
0x245: {  	v0 =	vadd.f32 v1, v0;
	_ =	sdelay $0x1  }
0x246: {  	v0 =	vadd.f32 v2, v0;
	_ =	sdelay $0x1  }
0x247: {  	s2 =	sshra.s32 s5, $0x2;
	v0 =	vmax.f32 v0, $0.0e+00  }
0x248: {  	[tilespmem:s2+$0x9180] =	vst v0  }
0x249: {  	v0 =	vld [tilespmem:s0+$0xFFFFFDF0]  }
0x24a: {  	v1 =	vld [tilespmem:s0+$0xFFFFFE70];
	_ =	sdelay $0x1  }
0x24b: {  	v2 =	vld [tilespmem:s0+$0xFFFFFEF0];
	_ =	sdelay $0x1  }
0x24c: {  	v3 =	vld [tilespmem:s0+$0xFFFFFF70]  }
0x24d: {  	v0 =	vadd.f32 v1, v0  }
0x24e: {  	v1 =	vld [tilespmem:s0+$0xFFFFFFF0]  }
0x24f: {  	v0 =	vadd.f32 v2, v0  }
0x250: {  	v2 =	vld [tilespmem:s0+$0x70]  }
0x251: {  	v0 =	vadd.f32 v3, v0  }
0x252: {  	v3 =	vld [tilespmem:s0+$0xF0]  }
0x253: {  	v0 =	vadd.f32 v1, v0  }
0x254: {  	v1 =	vld [tilespmem:s0+$0x170]  }
0x255: {  	v0 =	vadd.f32 v2, v0  }
0x256: {  	v2 =	vld [tilespmem:s0+$0x1F0]  }
0x257: {  	v0 =	vadd.f32 v3, v0;
	_ =	sdelay $0x1  }
0x258: {  	v0 =	vadd.f32 v1, v0;
	_ =	sdelay $0x1  }
0x259: {  	v0 =	vadd.f32 v2, v0;
	_ =	sdelay $0x1  }
0x25a: {  	v0 =	vmax.f32 v0, $0.0e+00  }
0x25b: {  	[tilespmem:s2+$0x9190] =	vst v0  }
0x25c: {  	v0 =	vld [tilespmem:s0+$0xFFFFFE00]  }
0x25d: {  	v1 =	vld [tilespmem:s0+$0xFFFFFE80];
	_ =	sdelay $0x1  }
0x25e: {  	v2 =	vld [tilespmem:s0+$0xFFFFFF00];
	_ =	sdelay $0x1  }
0x25f: {  	v3 =	vld [tilespmem:s0+$0xFFFFFF80]  }
0x260: {  	v0 =	vadd.f32 v1, v0  }
0x261: {  	v1 =	vld [tilespmem:s0+$0x0]  }
0x262: {  	v0 =	vadd.f32 v2, v0  }
0x263: {  	v2 =	vld [tilespmem:s0+$0x80]  }
0x264: {  	v0 =	vadd.f32 v3, v0  }
0x265: {  	v3 =	vld [tilespmem:s0+$0x100]  }
0x266: {  	v0 =	vadd.f32 v1, v0  }
0x267: {  	v1 =	vld [tilespmem:s0+$0x180]  }
0x268: {  	v0 =	vadd.f32 v2, v0  }
0x269: {  	v2 =	vld [tilespmem:s0+$0x200]  }
0x26a: {  	v0 =	vadd.f32 v3, v0;
	_ =	sdelay $0x1  }
0x26b: {  	v0 =	vadd.f32 v1, v0;
	_ =	sdelay $0x1  }
0x26c: {  	v0 =	vadd.f32 v2, v0;
	_ =	sdelay $0x1  }
0x26d: {  	v0 =	vmax.f32 v0, $0.0e+00  }
0x26e: {  	[tilespmem:s2+$0x91A0] =	vst v0  }
0x26f: {  	v0 =	vld [tilespmem:s0+$0xFFFFFE10]  }
0x270: {  	v1 =	vld [tilespmem:s0+$0xFFFFFE90]  }
0x271: {  	v2 =	vld [tilespmem:s0+$0xFFFFFF10]  }
0x272: {  	v3 =	vld [tilespmem:s0+$0xFFFFFF90]  }
0x273: {  	v4 =	vld [tilespmem:s0+$0x10]  }
0x274: {  	v5 =	vld [tilespmem:s0+$0x90]  }
0x275: {  	v0 =	vadd.f32 v1, v0;
	v1 =	vld [tilespmem:s0+$0x110]  }
0x276: {  	v6 =	vld [tilespmem:s0+$0x190]  }
0x277: {  	v2 =	vadd.f32 v2, v0;
	v0 =	vld [tilespmem:s0+$0x210];
	_ =	sdelay $0x1  }
0x278: {  	v2 =	vadd.f32 v3, v2;
	_ =	sdelay $0x1  }
0x279: {  	v2 =	vadd.f32 v4, v2;
	_ =	sdelay $0x1  }
.Ltmp5:
0x27a: {  	v2 =	vadd.f32 v5, v2;
	(pc) =	sbr.rel @p0 .LBB2_12-.Ltmp5, $3  }
0x27b: {  	_ = 	snop  }
0x27c: {  	v1 =	vadd.f32 v1, v2;
	_ =	sdelay $0x1  }
0x27d: {  	v1 =	vadd.f32 v6, v1  }
0x27e: {  	_ = 	snop  }
0x27f: {  	v0 =	vadd.f32 v0, v1;
	_ =	sdelay $0x1  }
0x280: {  	v0 =	vmax.f32 v0, $0.0e+00  }
0x281: {  	s0 =	simm.s32 $0x0;
	[tilespmem:s2+$0x91B0] =	vst v0  }
0x282: {  	[hbm4b:s16+s0] =	stream.linear.scatter [tilespmem:s30], [sflag:$0x2], $0x1000, $0x38;
	[tilespmem:$0x1A300] =	vst v63  }
0x283: {  	_ =	swait.ge [sflag:s23], $0x1000  }
0x284: {  	[sflag:s23] =	ssyncset.done $0x0  }
0x285: {  	[sflag:s23] =	ssyncadd.s32 $0xFFFFF000  }
0x286: {  	[tilespmem:s0], [sflag:$0x2] =	stream.linear.gather [hbm4b:s17+s0], $0x120, $0x38;
	[tilespmem:$0x1A300] =	vst v63  }
0x287: {  	_ =	swait.ge [sflag:s23], $0x120  }
0x288: {  	[sflag:s23] =	ssyncset.done $0x0  }
0x289: {  	[sflag:s23] =	ssyncadd.s32 $0xFFFFFEE0  }
0x28a: {  	[tilespmem:s24], [sflag:$0x1] =	stream.indirect.gather [hbm4b:s3+s29], $0x80, s0, s29, $0xb8;
	[tilespmem:$0x1A300] =	vst v63  }
0x28b: {  	_ =	swait.ge [sflag:s26], $0x9000  }
0x28c: {  	[sflag:s26] =	ssyncset.done $0x0  }
0x28d: {  	s0 =	simm.s32 $0x3A0;
	[sflag:s26] =	ssyncadd.s32 $0xFFFF7000  }
0x28e: {  	v0 =	vld [tilespmem:s0+$0xFFFFFE60]  }
0x28f: {  	v1 =	vld [tilespmem:s0+$0xFFFFFDE0];
	_ =	sdelay $0x1  }
0x290: {  	v2 =	vld [tilespmem:s0+$0xFFFFFEE0];
	_ =	sdelay $0x1  }
0x291: {  	v3 =	vld [tilespmem:s0+$0xFFFFFF60]  }
0x292: {  	v0 =	vadd.f32 v0, v1  }
0x293: {  	v1 =	vld [tilespmem:s0+$0xFFFFFFE0]  }
0x294: {  	v0 =	vadd.f32 v2, v0  }
0x295: {  	v2 =	vld [tilespmem:s0+$0x60]  }
0x296: {  	v0 =	vadd.f32 v3, v0  }
0x297: {  	v3 =	vld [tilespmem:s0+$0xE0]  }
0x298: {  	v0 =	vadd.f32 v1, v0  }
0x299: {  	v1 =	vld [tilespmem:s0+$0x160]  }
0x29a: {  	v0 =	vadd.f32 v2, v0  }
0x29b: {  	v2 =	vld [tilespmem:s0+$0x1E0]  }
0x29c: {  	v0 =	vadd.f32 v3, v0;
	_ =	sdelay $0x1  }
0x29d: {  	v0 =	vadd.f32 v1, v0;
	_ =	sdelay $0x1  }
0x29e: {  	v0 =	vadd.f32 v2, v0;
	_ =	sdelay $0x1  }
0x29f: {  	s2 =	simm.s32 $0x0;
	v0 =	vmax.f32 v0, $0.0e+00  }
0x2a0: {  	[tilespmem:s2+$0x9180] =	vst v0  }
0x2a1: {  	v0 =	vld [tilespmem:s0+$0xFFFFFDF0]  }
0x2a2: {  	v1 =	vld [tilespmem:s0+$0xFFFFFE70];
	_ =	sdelay $0x1  }
0x2a3: {  	v2 =	vld [tilespmem:s0+$0xFFFFFEF0];
	_ =	sdelay $0x1  }
0x2a4: {  	v3 =	vld [tilespmem:s0+$0xFFFFFF70]  }
0x2a5: {  	v0 =	vadd.f32 v1, v0  }
0x2a6: {  	v1 =	vld [tilespmem:s0+$0xFFFFFFF0]  }
0x2a7: {  	v0 =	vadd.f32 v2, v0  }
0x2a8: {  	v2 =	vld [tilespmem:s0+$0x70]  }
0x2a9: {  	v0 =	vadd.f32 v3, v0  }
0x2aa: {  	v3 =	vld [tilespmem:s0+$0xF0]  }
0x2ab: {  	v0 =	vadd.f32 v1, v0  }
0x2ac: {  	v1 =	vld [tilespmem:s0+$0x170]  }
0x2ad: {  	v0 =	vadd.f32 v2, v0  }
0x2ae: {  	v2 =	vld [tilespmem:s0+$0x1F0]  }
0x2af: {  	v0 =	vadd.f32 v3, v0;
	_ =	sdelay $0x1  }
0x2b0: {  	v0 =	vadd.f32 v1, v0;
	_ =	sdelay $0x1  }
0x2b1: {  	v0 =	vadd.f32 v2, v0;
	_ =	sdelay $0x1  }
0x2b2: {  	v0 =	vmax.f32 v0, $0.0e+00  }
0x2b3: {  	[tilespmem:s2+$0x9190] =	vst v0  }
0x2b4: {  	v0 =	vld [tilespmem:s0+$0xFFFFFE00]  }
0x2b5: {  	v1 =	vld [tilespmem:s0+$0xFFFFFE80];
	_ =	sdelay $0x1  }
0x2b6: {  	v2 =	vld [tilespmem:s0+$0xFFFFFF00];
	_ =	sdelay $0x1  }
0x2b7: {  	v3 =	vld [tilespmem:s0+$0xFFFFFF80]  }
0x2b8: {  	v0 =	vadd.f32 v1, v0  }
0x2b9: {  	v1 =	vld [tilespmem:s0+$0x0]  }
0x2ba: {  	v0 =	vadd.f32 v2, v0  }
0x2bb: {  	v2 =	vld [tilespmem:s0+$0x80]  }
0x2bc: {  	v0 =	vadd.f32 v3, v0  }
0x2bd: {  	v3 =	vld [tilespmem:s0+$0x100]  }
0x2be: {  	v0 =	vadd.f32 v1, v0  }
0x2bf: {  	v1 =	vld [tilespmem:s0+$0x180]  }
0x2c0: {  	v0 =	vadd.f32 v2, v0  }
0x2c1: {  	v2 =	vld [tilespmem:s0+$0x200]  }
0x2c2: {  	v0 =	vadd.f32 v3, v0;
	_ =	sdelay $0x1  }
0x2c3: {  	v0 =	vadd.f32 v1, v0;
	_ =	sdelay $0x1  }
0x2c4: {  	v0 =	vadd.f32 v2, v0;
	_ =	sdelay $0x1  }
0x2c5: {  	v0 =	vmax.f32 v0, $0.0e+00  }
0x2c6: {  	[tilespmem:s2+$0x91A0] =	vst v0  }
0x2c7: {  	v0 =	vld [tilespmem:s0+$0xFFFFFE10]  }
0x2c8: {  	v1 =	vld [tilespmem:s0+$0xFFFFFE90];
	_ =	sdelay $0x1  }
0x2c9: {  	v2 =	vld [tilespmem:s0+$0xFFFFFF10];
	_ =	sdelay $0x1  }
0x2ca: {  	v3 =	vld [tilespmem:s0+$0xFFFFFF90]  }
0x2cb: {  	v0 =	vadd.f32 v1, v0  }
0x2cc: {  	v1 =	vld [tilespmem:s0+$0x10]  }
0x2cd: {  	v0 =	vadd.f32 v2, v0  }
0x2ce: {  	v2 =	vld [tilespmem:s0+$0x90]  }
0x2cf: {  	v0 =	vadd.f32 v3, v0  }
0x2d0: {  	v3 =	vld [tilespmem:s0+$0x110]  }
0x2d1: {  	v0 =	vadd.f32 v1, v0  }
0x2d2: {  	v1 =	vld [tilespmem:s0+$0x190]  }
0x2d3: {  	v0 =	vadd.f32 v2, v0;
	_ =	sdelay $0x1  }
0x2d4: {  	v2 =	vadd.f32 v3, v0;
	v0 =	vld [tilespmem:s0+$0x210];
	_ =	sdelay $0x1  }
0x2d5: {  	s1 =	simm.s32 $0x200;
	v1 =	vadd.f32 v1, v2  }
.LBB2_14:
0x2d6: {  	p0 =	sne.s32 s1, $0x3E00  }
0x2d7: {  	s0 =	sadd.s32 $0x480, s0;
	s5 =	smov.u32 s1;
	s1 =	sadd.s32 $0x200, s1  }
0x2d8: {  	v0 =	vadd.f32 v0, v1;
	_ =	sdelay $0x1  }
0x2d9: {  	v0 =	vmax.f32 v0, $0.0e+00  }
0x2da: {  	[tilespmem:s2+$0x91B0] =	vst v0  }
0x2db: {  	v0 =	vld [tilespmem:s0+$0xFFFFFE60]  }
0x2dc: {  	v1 =	vld [tilespmem:s0+$0xFFFFFDE0];
	_ =	sdelay $0x1  }
0x2dd: {  	v2 =	vld [tilespmem:s0+$0xFFFFFEE0];
	_ =	sdelay $0x1  }
0x2de: {  	v3 =	vld [tilespmem:s0+$0xFFFFFF60]  }
0x2df: {  	v0 =	vadd.f32 v0, v1  }
0x2e0: {  	v1 =	vld [tilespmem:s0+$0xFFFFFFE0]  }
0x2e1: {  	v0 =	vadd.f32 v2, v0  }
0x2e2: {  	v2 =	vld [tilespmem:s0+$0x60]  }
0x2e3: {  	v0 =	vadd.f32 v3, v0  }
0x2e4: {  	v3 =	vld [tilespmem:s0+$0xE0]  }
0x2e5: {  	v0 =	vadd.f32 v1, v0  }
0x2e6: {  	v1 =	vld [tilespmem:s0+$0x160]  }
0x2e7: {  	v0 =	vadd.f32 v2, v0  }
0x2e8: {  	v2 =	vld [tilespmem:s0+$0x1E0]  }
0x2e9: {  	v0 =	vadd.f32 v3, v0;
	_ =	sdelay $0x1  }
0x2ea: {  	v0 =	vadd.f32 v1, v0;
	_ =	sdelay $0x1  }
0x2eb: {  	v0 =	vadd.f32 v2, v0;
	_ =	sdelay $0x1  }
0x2ec: {  	s2 =	sshra.s32 s5, $0x2;
	v0 =	vmax.f32 v0, $0.0e+00  }
0x2ed: {  	[tilespmem:s2+$0x9180] =	vst v0  }
0x2ee: {  	v0 =	vld [tilespmem:s0+$0xFFFFFDF0]  }
0x2ef: {  	v1 =	vld [tilespmem:s0+$0xFFFFFE70];
	_ =	sdelay $0x1  }
0x2f0: {  	v2 =	vld [tilespmem:s0+$0xFFFFFEF0];
	_ =	sdelay $0x1  }
0x2f1: {  	v3 =	vld [tilespmem:s0+$0xFFFFFF70]  }
0x2f2: {  	v0 =	vadd.f32 v1, v0  }
0x2f3: {  	v1 =	vld [tilespmem:s0+$0xFFFFFFF0]  }
0x2f4: {  	v0 =	vadd.f32 v2, v0  }
0x2f5: {  	v2 =	vld [tilespmem:s0+$0x70]  }
0x2f6: {  	v0 =	vadd.f32 v3, v0  }
0x2f7: {  	v3 =	vld [tilespmem:s0+$0xF0]  }
0x2f8: {  	v0 =	vadd.f32 v1, v0  }
0x2f9: {  	v1 =	vld [tilespmem:s0+$0x170]  }
0x2fa: {  	v0 =	vadd.f32 v2, v0  }
0x2fb: {  	v2 =	vld [tilespmem:s0+$0x1F0]  }
0x2fc: {  	v0 =	vadd.f32 v3, v0;
	_ =	sdelay $0x1  }
0x2fd: {  	v0 =	vadd.f32 v1, v0;
	_ =	sdelay $0x1  }
0x2fe: {  	v0 =	vadd.f32 v2, v0;
	_ =	sdelay $0x1  }
0x2ff: {  	v0 =	vmax.f32 v0, $0.0e+00  }
0x300: {  	[tilespmem:s2+$0x9190] =	vst v0  }
0x301: {  	v0 =	vld [tilespmem:s0+$0xFFFFFE00]  }
0x302: {  	v1 =	vld [tilespmem:s0+$0xFFFFFE80];
	_ =	sdelay $0x1  }
0x303: {  	v2 =	vld [tilespmem:s0+$0xFFFFFF00];
	_ =	sdelay $0x1  }
0x304: {  	v3 =	vld [tilespmem:s0+$0xFFFFFF80]  }
0x305: {  	v0 =	vadd.f32 v1, v0  }
0x306: {  	v1 =	vld [tilespmem:s0+$0x0]  }
0x307: {  	v0 =	vadd.f32 v2, v0  }
0x308: {  	v2 =	vld [tilespmem:s0+$0x80]  }
0x309: {  	v0 =	vadd.f32 v3, v0  }
0x30a: {  	v3 =	vld [tilespmem:s0+$0x100]  }
0x30b: {  	v0 =	vadd.f32 v1, v0  }
0x30c: {  	v1 =	vld [tilespmem:s0+$0x180]  }
0x30d: {  	v0 =	vadd.f32 v2, v0  }
0x30e: {  	v2 =	vld [tilespmem:s0+$0x200]  }
0x30f: {  	v0 =	vadd.f32 v3, v0;
	_ =	sdelay $0x1  }
0x310: {  	v0 =	vadd.f32 v1, v0;
	_ =	sdelay $0x1  }
0x311: {  	v0 =	vadd.f32 v2, v0;
	_ =	sdelay $0x1  }
0x312: {  	v0 =	vmax.f32 v0, $0.0e+00  }
0x313: {  	[tilespmem:s2+$0x91A0] =	vst v0  }
0x314: {  	v0 =	vld [tilespmem:s0+$0xFFFFFE10]  }
0x315: {  	v1 =	vld [tilespmem:s0+$0xFFFFFE90]  }
0x316: {  	v2 =	vld [tilespmem:s0+$0xFFFFFF10]  }
0x317: {  	v3 =	vld [tilespmem:s0+$0xFFFFFF90]  }
0x318: {  	v4 =	vld [tilespmem:s0+$0x10]  }
0x319: {  	v5 =	vld [tilespmem:s0+$0x90]  }
0x31a: {  	v0 =	vadd.f32 v1, v0;
	v1 =	vld [tilespmem:s0+$0x110]  }
0x31b: {  	v6 =	vld [tilespmem:s0+$0x190]  }
0x31c: {  	v2 =	vadd.f32 v2, v0;
	v0 =	vld [tilespmem:s0+$0x210];
	_ =	sdelay $0x1  }
0x31d: {  	v2 =	vadd.f32 v3, v2;
	_ =	sdelay $0x1  }
0x31e: {  	v2 =	vadd.f32 v4, v2;
	_ =	sdelay $0x1  }
.Ltmp6:
0x31f: {  	v2 =	vadd.f32 v5, v2;
	(pc) =	sbr.rel @p0 .LBB2_14-.Ltmp6, $3  }
0x320: {  	_ = 	snop  }
0x321: {  	v1 =	vadd.f32 v1, v2;
	_ =	sdelay $0x1  }
0x322: {  	v1 =	vadd.f32 v6, v1  }
0x323: {  	_ = 	snop  }
0x324: {  	v0 =	vadd.f32 v0, v1;
	_ =	sdelay $0x1  }
0x325: {  	v0 =	vmax.f32 v0, $0.0e+00  }
0x326: {  	s0 =	simm.s32 $0x0;
	[tilespmem:s2+$0x91B0] =	vst v0  }
0x327: {  	[hbm4b:s18+s0] =	stream.linear.scatter [tilespmem:s30], [sflag:$0x2], $0x1000, $0x38;
	[tilespmem:$0x1A300] =	vst v63  }
0x328: {  	_ =	swait.ge [sflag:s23], $0x1000  }
0x329: {  	[sflag:s23] =	ssyncset.done $0x0  }
0x32a: {  	[sflag:s23] =	ssyncadd.s32 $0xFFFFF000  }
0x32b: {  	[tilespmem:s0], [sflag:$0x2] =	stream.linear.gather [hbm4b:s19+s0], $0x120, $0x38;
	[tilespmem:$0x1A300] =	vst v63  }
0x32c: {  	_ =	swait.ge [sflag:s23], $0x120  }
0x32d: {  	[sflag:s23] =	ssyncset.done $0x0  }
0x32e: {  	[sflag:s23] =	ssyncadd.s32 $0xFFFFFEE0  }
0x32f: {  	[tilespmem:s24], [sflag:$0x1] =	stream.indirect.gather [hbm4b:s3+s29], $0x80, s0, s29, $0xb8;
	[tilespmem:$0x1A300] =	vst v63  }
0x330: {  	_ =	swait.ge [sflag:s26], $0x9000  }
0x331: {  	[sflag:s26] =	ssyncset.done $0x0  }
0x332: {  	s0 =	simm.s32 $0x3A0;
	[sflag:s26] =	ssyncadd.s32 $0xFFFF7000  }
0x333: {  	v0 =	vld [tilespmem:s0+$0xFFFFFE60]  }
0x334: {  	v1 =	vld [tilespmem:s0+$0xFFFFFDE0];
	_ =	sdelay $0x1  }
0x335: {  	v2 =	vld [tilespmem:s0+$0xFFFFFEE0];
	_ =	sdelay $0x1  }
0x336: {  	v3 =	vld [tilespmem:s0+$0xFFFFFF60]  }
0x337: {  	v0 =	vadd.f32 v0, v1  }
0x338: {  	v1 =	vld [tilespmem:s0+$0xFFFFFFE0]  }
0x339: {  	v0 =	vadd.f32 v2, v0  }
0x33a: {  	v2 =	vld [tilespmem:s0+$0x60]  }
0x33b: {  	v0 =	vadd.f32 v3, v0  }
0x33c: {  	v3 =	vld [tilespmem:s0+$0xE0]  }
0x33d: {  	v0 =	vadd.f32 v1, v0  }
0x33e: {  	v1 =	vld [tilespmem:s0+$0x160]  }
0x33f: {  	v0 =	vadd.f32 v2, v0  }
0x340: {  	v2 =	vld [tilespmem:s0+$0x1E0]  }
0x341: {  	v0 =	vadd.f32 v3, v0;
	_ =	sdelay $0x1  }
0x342: {  	v0 =	vadd.f32 v1, v0;
	_ =	sdelay $0x1  }
0x343: {  	v0 =	vadd.f32 v2, v0;
	_ =	sdelay $0x1  }
0x344: {  	s2 =	simm.s32 $0x0;
	v0 =	vmax.f32 v0, $0.0e+00  }
0x345: {  	[tilespmem:s2+$0x9180] =	vst v0  }
0x346: {  	v0 =	vld [tilespmem:s0+$0xFFFFFDF0]  }
0x347: {  	v1 =	vld [tilespmem:s0+$0xFFFFFE70];
	_ =	sdelay $0x1  }
0x348: {  	v2 =	vld [tilespmem:s0+$0xFFFFFEF0];
	_ =	sdelay $0x1  }
0x349: {  	v3 =	vld [tilespmem:s0+$0xFFFFFF70]  }
0x34a: {  	v0 =	vadd.f32 v1, v0  }
0x34b: {  	v1 =	vld [tilespmem:s0+$0xFFFFFFF0]  }
0x34c: {  	v0 =	vadd.f32 v2, v0  }
0x34d: {  	v2 =	vld [tilespmem:s0+$0x70]  }
0x34e: {  	v0 =	vadd.f32 v3, v0  }
0x34f: {  	v3 =	vld [tilespmem:s0+$0xF0]  }
0x350: {  	v0 =	vadd.f32 v1, v0  }
0x351: {  	v1 =	vld [tilespmem:s0+$0x170]  }
0x352: {  	v0 =	vadd.f32 v2, v0  }
0x353: {  	v2 =	vld [tilespmem:s0+$0x1F0]  }
0x354: {  	v0 =	vadd.f32 v3, v0;
	_ =	sdelay $0x1  }
0x355: {  	v0 =	vadd.f32 v1, v0;
	_ =	sdelay $0x1  }
0x356: {  	v0 =	vadd.f32 v2, v0;
	_ =	sdelay $0x1  }
0x357: {  	v0 =	vmax.f32 v0, $0.0e+00  }
0x358: {  	[tilespmem:s2+$0x9190] =	vst v0  }
0x359: {  	v0 =	vld [tilespmem:s0+$0xFFFFFE00]  }
0x35a: {  	v1 =	vld [tilespmem:s0+$0xFFFFFE80];
	_ =	sdelay $0x1  }
0x35b: {  	v2 =	vld [tilespmem:s0+$0xFFFFFF00];
	_ =	sdelay $0x1  }
0x35c: {  	v3 =	vld [tilespmem:s0+$0xFFFFFF80]  }
0x35d: {  	v0 =	vadd.f32 v1, v0  }
0x35e: {  	v1 =	vld [tilespmem:s0+$0x0]  }
0x35f: {  	v0 =	vadd.f32 v2, v0  }
0x360: {  	v2 =	vld [tilespmem:s0+$0x80]  }
0x361: {  	v0 =	vadd.f32 v3, v0  }
0x362: {  	v3 =	vld [tilespmem:s0+$0x100]  }
0x363: {  	v0 =	vadd.f32 v1, v0  }
0x364: {  	v1 =	vld [tilespmem:s0+$0x180]  }
0x365: {  	v0 =	vadd.f32 v2, v0  }
0x366: {  	v2 =	vld [tilespmem:s0+$0x200]  }
0x367: {  	v0 =	vadd.f32 v3, v0;
	_ =	sdelay $0x1  }
0x368: {  	v0 =	vadd.f32 v1, v0;
	_ =	sdelay $0x1  }
0x369: {  	v0 =	vadd.f32 v2, v0;
	_ =	sdelay $0x1  }
0x36a: {  	v0 =	vmax.f32 v0, $0.0e+00  }
0x36b: {  	[tilespmem:s2+$0x91A0] =	vst v0  }
0x36c: {  	v0 =	vld [tilespmem:s0+$0xFFFFFE10]  }
0x36d: {  	v1 =	vld [tilespmem:s0+$0xFFFFFE90];
	_ =	sdelay $0x1  }
0x36e: {  	v2 =	vld [tilespmem:s0+$0xFFFFFF10];
	_ =	sdelay $0x1  }
0x36f: {  	v3 =	vld [tilespmem:s0+$0xFFFFFF90]  }
0x370: {  	v0 =	vadd.f32 v1, v0  }
0x371: {  	v1 =	vld [tilespmem:s0+$0x10]  }
0x372: {  	v0 =	vadd.f32 v2, v0  }
0x373: {  	v2 =	vld [tilespmem:s0+$0x90]  }
0x374: {  	v0 =	vadd.f32 v3, v0  }
0x375: {  	v3 =	vld [tilespmem:s0+$0x110]  }
0x376: {  	v0 =	vadd.f32 v1, v0  }
0x377: {  	v1 =	vld [tilespmem:s0+$0x190]  }
0x378: {  	v0 =	vadd.f32 v2, v0;
	_ =	sdelay $0x1  }
0x379: {  	v2 =	vadd.f32 v3, v0;
	v0 =	vld [tilespmem:s0+$0x210];
	_ =	sdelay $0x1  }
0x37a: {  	s1 =	simm.s32 $0x200;
	v1 =	vadd.f32 v1, v2  }
.LBB2_16:
0x37b: {  	p0 =	sne.s32 s1, $0x3E00  }
0x37c: {  	s0 =	sadd.s32 $0x480, s0;
	s5 =	smov.u32 s1;
	s1 =	sadd.s32 $0x200, s1  }
0x37d: {  	v0 =	vadd.f32 v0, v1;
	_ =	sdelay $0x1  }
0x37e: {  	v0 =	vmax.f32 v0, $0.0e+00  }
0x37f: {  	[tilespmem:s2+$0x91B0] =	vst v0  }
0x380: {  	v0 =	vld [tilespmem:s0+$0xFFFFFE60]  }
0x381: {  	v1 =	vld [tilespmem:s0+$0xFFFFFDE0];
	_ =	sdelay $0x1  }
0x382: {  	v2 =	vld [tilespmem:s0+$0xFFFFFEE0];
	_ =	sdelay $0x1  }
0x383: {  	v3 =	vld [tilespmem:s0+$0xFFFFFF60]  }
0x384: {  	v0 =	vadd.f32 v0, v1  }
0x385: {  	v1 =	vld [tilespmem:s0+$0xFFFFFFE0]  }
0x386: {  	v0 =	vadd.f32 v2, v0  }
0x387: {  	v2 =	vld [tilespmem:s0+$0x60]  }
0x388: {  	v0 =	vadd.f32 v3, v0  }
0x389: {  	v3 =	vld [tilespmem:s0+$0xE0]  }
0x38a: {  	v0 =	vadd.f32 v1, v0  }
0x38b: {  	v1 =	vld [tilespmem:s0+$0x160]  }
0x38c: {  	v0 =	vadd.f32 v2, v0  }
0x38d: {  	v2 =	vld [tilespmem:s0+$0x1E0]  }
0x38e: {  	v0 =	vadd.f32 v3, v0;
	_ =	sdelay $0x1  }
0x38f: {  	v0 =	vadd.f32 v1, v0;
	_ =	sdelay $0x1  }
0x390: {  	v0 =	vadd.f32 v2, v0;
	_ =	sdelay $0x1  }
0x391: {  	s2 =	sshra.s32 s5, $0x2;
	v0 =	vmax.f32 v0, $0.0e+00  }
0x392: {  	[tilespmem:s2+$0x9180] =	vst v0  }
0x393: {  	v0 =	vld [tilespmem:s0+$0xFFFFFDF0]  }
0x394: {  	v1 =	vld [tilespmem:s0+$0xFFFFFE70];
	_ =	sdelay $0x1  }
0x395: {  	v2 =	vld [tilespmem:s0+$0xFFFFFEF0];
	_ =	sdelay $0x1  }
0x396: {  	v3 =	vld [tilespmem:s0+$0xFFFFFF70]  }
0x397: {  	v0 =	vadd.f32 v1, v0  }
0x398: {  	v1 =	vld [tilespmem:s0+$0xFFFFFFF0]  }
0x399: {  	v0 =	vadd.f32 v2, v0  }
0x39a: {  	v2 =	vld [tilespmem:s0+$0x70]  }
0x39b: {  	v0 =	vadd.f32 v3, v0  }
0x39c: {  	v3 =	vld [tilespmem:s0+$0xF0]  }
0x39d: {  	v0 =	vadd.f32 v1, v0  }
0x39e: {  	v1 =	vld [tilespmem:s0+$0x170]  }
0x39f: {  	v0 =	vadd.f32 v2, v0  }
0x3a0: {  	v2 =	vld [tilespmem:s0+$0x1F0]  }
0x3a1: {  	v0 =	vadd.f32 v3, v0;
	_ =	sdelay $0x1  }
0x3a2: {  	v0 =	vadd.f32 v1, v0;
	_ =	sdelay $0x1  }
0x3a3: {  	v0 =	vadd.f32 v2, v0;
	_ =	sdelay $0x1  }
0x3a4: {  	v0 =	vmax.f32 v0, $0.0e+00  }
0x3a5: {  	[tilespmem:s2+$0x9190] =	vst v0  }
0x3a6: {  	v0 =	vld [tilespmem:s0+$0xFFFFFE00]  }
0x3a7: {  	v1 =	vld [tilespmem:s0+$0xFFFFFE80];
	_ =	sdelay $0x1  }
0x3a8: {  	v2 =	vld [tilespmem:s0+$0xFFFFFF00];
	_ =	sdelay $0x1  }
0x3a9: {  	v3 =	vld [tilespmem:s0+$0xFFFFFF80]  }
0x3aa: {  	v0 =	vadd.f32 v1, v0  }
0x3ab: {  	v1 =	vld [tilespmem:s0+$0x0]  }
0x3ac: {  	v0 =	vadd.f32 v2, v0  }
0x3ad: {  	v2 =	vld [tilespmem:s0+$0x80]  }
0x3ae: {  	v0 =	vadd.f32 v3, v0  }
0x3af: {  	v3 =	vld [tilespmem:s0+$0x100]  }
0x3b0: {  	v0 =	vadd.f32 v1, v0  }
0x3b1: {  	v1 =	vld [tilespmem:s0+$0x180]  }
0x3b2: {  	v0 =	vadd.f32 v2, v0  }
0x3b3: {  	v2 =	vld [tilespmem:s0+$0x200]  }
0x3b4: {  	v0 =	vadd.f32 v3, v0;
	_ =	sdelay $0x1  }
0x3b5: {  	v0 =	vadd.f32 v1, v0;
	_ =	sdelay $0x1  }
0x3b6: {  	v0 =	vadd.f32 v2, v0;
	_ =	sdelay $0x1  }
0x3b7: {  	v0 =	vmax.f32 v0, $0.0e+00  }
0x3b8: {  	[tilespmem:s2+$0x91A0] =	vst v0  }
0x3b9: {  	v0 =	vld [tilespmem:s0+$0xFFFFFE10]  }
0x3ba: {  	v1 =	vld [tilespmem:s0+$0xFFFFFE90]  }
0x3bb: {  	v2 =	vld [tilespmem:s0+$0xFFFFFF10]  }
0x3bc: {  	v3 =	vld [tilespmem:s0+$0xFFFFFF90]  }
0x3bd: {  	v4 =	vld [tilespmem:s0+$0x10]  }
0x3be: {  	v5 =	vld [tilespmem:s0+$0x90]  }
0x3bf: {  	v0 =	vadd.f32 v1, v0;
	v1 =	vld [tilespmem:s0+$0x110]  }
0x3c0: {  	v6 =	vld [tilespmem:s0+$0x190]  }
0x3c1: {  	v2 =	vadd.f32 v2, v0;
	v0 =	vld [tilespmem:s0+$0x210];
	_ =	sdelay $0x1  }
0x3c2: {  	v2 =	vadd.f32 v3, v2;
	_ =	sdelay $0x1  }
0x3c3: {  	v2 =	vadd.f32 v4, v2;
	_ =	sdelay $0x1  }
.Ltmp7:
0x3c4: {  	v2 =	vadd.f32 v5, v2;
	(pc) =	sbr.rel @p0 .LBB2_16-.Ltmp7, $3  }
0x3c5: {  	_ = 	snop  }
0x3c6: {  	v1 =	vadd.f32 v1, v2;
	_ =	sdelay $0x1  }
0x3c7: {  	v1 =	vadd.f32 v6, v1  }
0x3c8: {  	_ = 	snop  }
0x3c9: {  	v0 =	vadd.f32 v0, v1  }
0x3ca: {  	s31 =	sadd.s32 $0x1, s31  }
0x3cb: {  	p0 =	sne.s32 s31, s21;
	v0 =	vmax.f32 v0, $0.0e+00  }
.Ltmp8:
0x3cc: {  	s0 =	simm.s32 $0x0;
	[tilespmem:s2+$0x91B0] =	vst v0;
	(pc) =	sbr.rel @p0 .LBB2_1-.Ltmp8, $4  }
0x3cd: {  	[hbm4b:s20+s0] =	stream.linear.scatter [tilespmem:s30], [sflag:$0x2], $0x1000, $0x38;
	[tilespmem:$0x1A300] =	vst v63  }
0x3ce: {  	_ =	swait.ge [sflag:s23], $0x1000  }
0x3cf: {  	[sflag:s23] =	ssyncset.done $0x0  }
0x3d0: {  	[sflag:s23] =	ssyncadd.s32 $0xFFFFF000  }
0x3d1: {  	_ =	sfence.sel $0x180000  }
0x3d2: {  	[bflag:$0x0] =	sbarrier.arrive $0xFFFF  }
0x3d3: {  	_ =	strace $0x90000053  }
0x3d4: {  	s0 =	stileid.u32;
	[bflag:$0x2] =	sbarrier.arrive $0xFFFF  }
0x3d5: {  	p0 =	sne.s32 s0, $0x0;
	s0 =	rddreg [dreg:$0x1]  }
0x3d6: {  	s0 =	sadd.s32 @!p0 $0x100000, s0  }
0x3d7: {  	[sflag:s0] =	ssyncadd.tile.s32 @!p0 $0x1;
	_ =	shalt  }
.Lfunc_end2:
_tile_overlayer_lowered:
.L_overlay_start_2:
0x3d8: {  	(tag) =	ssettag $0x2  }
0x3d9: {  	s0 =	rddreg [dreg:$0x0];
	s2 =	stileid.u32  }
0x3da: {  	s1 =	rddreg [dreg:$0x1];
	p0 =	sne.s32 s2, $0x0  }
0x3db: {  	s3 =	rddreg [dreg:$0x2];
	[bflag:$0x3] =	sbarrier.arrive $0xFFFF;
	s2 =	simm.s32 @!p0 $0x1C02  }
0x3dc: {  	[timem:s3], [sflag:s2] =	dma.local @!p0 [hbm:s0], s1  }
0x3dd: {  	s0 =	simm.s32 @!p0 $0x2  }
0x3de: {  	_ =	swait.ge @!p0 [sflag:s0], s1  }
0x3df: {  	s1 =	ssub.s32 @!p0 $0x0, s1;
	[sflag:s0] =	ssyncset.done @!p0 $0x0  }
0x3e0: {  	[sflag:s0] =	ssyncadd.s32 @!p0 s1  }
0x3e1: {  	[bflag:$0x3] =	sbarrier.arrive $0xFFFF  }
0x3e2: {  	_ =	shalt  }

// kernel: scatter_offload_async_start
scs
__scs_entry_jumppad:
0x0: {  	(pc) =	sbr.rel $0x88, $3  }
0x1: {  	(tag) =	ssettag $0x0;
	lr =	simm.s32 $0x1  }
0x2: {  	[smem:$0x3F96] =	sst lr;
	_ =	strace $0xD0000000  }
0x3: {  	_ = 	snop  }
0x4: {  	_ = 	snop  }
0x5: {  	_ = 	snop  }
0x6: {  	_ = 	snop  }
0x7: {  	_ = 	snop  }
__scs_overlays_trampoline_lowered:
0x8: {  	[smem:$0x3FA5] =	sst s0  }
0x9: {  	[smem:$0x3FA6] =	sst s1  }
0xa: {  	[smem:$0x3FA7] =	sst s2  }
0xb: {  	[smem:$0x3FA8] =	sst s3  }
0xc: {  	[smem:$0x3FA9] =	sst s4  }
0xd: {  	[smem:$0x3FAA] =	sst s5  }
0xe: {  	[smem:$0x3FAB] =	sst s6  }
0xf: {  	[smem:$0x3FAC] =	sst s7  }
0x10: {  	[smem:$0x3FAD] =	sst s8  }
0x11: {  	[smem:$0x3FAE] =	sst s9;
	s0 =	simm.s32 @!p0 $0x0  }
0x12: {  	s1 =	sld [smem:$0x3F94];
	s0 =	simm.s32 @p0 $0x1  }
0x13: {  	[smem:$0x3FAF] =	sst s0;
	s0 =	simm.s32 @!p1 $0x0  }
0x14: {  	s2 =	sld [smem:$0x3F93];
	s0 =	simm.s32 @p1 $0x1  }
0x15: {  	[smem:$0x3FB0] =	sst s0;
	s0 =	simm.s32 @!p2 $0x0  }
0x16: {  	s3 =	sld [smem:$0x3FDB];
	s0 =	simm.s32 @p2 $0x1  }
0x17: {  	s4 =	simm.s32 $0x1BF5;
	[smem:$0x3FB2] =	sst s0  }
0x18: {  	s0 =	sld [smem:$0x3F95];
	_ =	swait.ge [sflag:s4], $0x0  }
0x19: {  	s7 =	sld [smem:$0x3F96]  }
0x1a: {  	s8 =	sadd.s32 $0xFFFFE003, lr  }
0x1b: {  	s9 =	sadd.s32 $0xFFFFFEF7, lr;
	s5 =	simm.s32 $0xFFFFFFFF;
	p2 =	slt.u32 s8, $0xFFFFF086  }
0x1c: {  	p1 =	slt.u32 s9, $0xF7A;
	s5 =	simm.s32 @!p2 $0x0  }
0x1d: {  	s5 =	simm.s32 @p1 $0x1;
	p0 =	seq.s32 s7, s2  }
0x1e: {  	s7 =	smul.u32 @!p0 $0xF7A, s2;
	p2 =	seq.s32 @!p0 s5, $0x0  }
0x1f: {  	s9 =	smul.u32 $0xF7A, s1;
	s8 =	simm.s32 @!p0 $0x1BF5;
	p2 =	por !p2, p0  }
0x20: {  	[sflag:s8] =	ssyncset.s32 @!p0 $0xFFFFF086;
	s6 =	sadd.s32 @!p0 s3, s7;
	s7 =	simm.s32 @!p0 $0x108  }
0x21: {  	s3 =	sadd.s32 s3, s9;
	s6 =	sadd.s32 @!p0 $0x88, s6;
	s7 =	simm.s32 @p2 $0x1082  }
0x22: {  	[simem:s7], [sflag:s8] =	dma.local @!p0 [hbm:s6], $0xF7A  }
0x23: {  	s9 =	sor.u32 $0xD0000000, s2;
	s6 =	simm.s32 $0x108;
	_ =	swait.ge @!p0 [sflag:s8], $0x0  }
0x24: {  	s3 =	sadd.s32 $0x88, s3;
	s6 =	simm.s32 @!p1 $0x1082;
	[sflag:s4] =	ssyncset.s32 $0xFFFFF086  }
0x25: {  	[simem:s6], [sflag:s4] =	dma.local [hbm:s3], $0xF7A  }
0x26: {  	[smem:$0x3F96] =	sst s1;
	(tag) =	ssettag s2;
	_ =	strace s9  }
0x27: {  	s1 =	sld [smem:$0x3FA6]  }
0x28: {  	s2 =	sld [smem:$0x3FA7]  }
0x29: {  	s4 =	sld [smem:$0x3FA9]  }
0x2a: {  	p0 =	seq.s32 s5, $0x0;
	s5 =	sld [smem:$0x3FAA]  }
0x2b: {  	s6 =	sld [smem:$0x3FAB]  }
0x2c: {  	s7 =	sld [smem:$0x3FAC]  }
0x2d: {  	s3 =	simm.s32 $0x108;
	s8 =	sld [smem:$0x3FAD]  }
0x2e: {  	s3 =	simm.s32 @!p0 $0x1082;
	s9 =	sld [smem:$0x3FAE]  }
0x2f: {  	lr =	sadd.s32 s0, s3;
	s0 =	sld [smem:$0x3FA5]  }
0x30: {  	s3 =	sld [smem:$0x3FA8]  }
0x31: {  	[smem:$0x3FB1] =	sst s10  }
0x32: {  	s10 =	sld [smem:$0x3FAF];
	_ =	sdelay $0x3  }
0x33: {  	p0 =	seq.s32 s10, $0x1;
	s10 =	sld [smem:$0x3FB1];
	_ =	sdelay $0x3  }
0x34: {  	[smem:$0x3FB1] =	sst s10  }
0x35: {  	s10 =	sld [smem:$0x3FB0];
	_ =	sdelay $0x3  }
0x36: {  	p1 =	seq.s32 s10, $0x1;
	s10 =	sld [smem:$0x3FB1];
	_ =	sdelay $0x3  }
0x37: {  	[smem:$0x3FB1] =	sst s10  }
0x38: {  	s10 =	sld [smem:$0x3FB2]  }
0x39: {  	_ = 	snop;
	(pc) =	sbr.ind lr, $3  }
0x3a: {  	_ = 	snop  }
0x3b: {  	_ = 	snop  }
0x3c: {  	p2 =	seq.s32 s10, $0x1;
	s10 =	sld [smem:$0x3FB1]  }
0x3d: {  	_ =	shalt  }
0x3e: {  	_ =	shalt  }
0x3f: {  	_ =	shalt  }
0x40: {  	_ =	shalt  }
0x41: {  	_ =	shalt  }
0x42: {  	_ =	shalt  }
0x43: {  	_ =	shalt  }
0x44: {  	_ =	shalt  }
0x45: {  	_ =	shalt  }
0x46: {  	_ =	shalt  }
0x47: {  	_ =	shalt  }
0x48: {  	_ =	shalt  }
0x49: {  	_ =	shalt  }
0x4a: {  	_ =	shalt  }
0x4b: {  	_ =	shalt  }
0x4c: {  	_ =	shalt  }
0x4d: {  	_ =	shalt  }
0x4e: {  	_ =	shalt  }
0x4f: {  	_ =	shalt  }
0x50: {  	_ =	shalt  }
0x51: {  	_ =	shalt  }
0x52: {  	_ =	shalt  }
0x53: {  	_ =	shalt  }
0x54: {  	_ =	shalt  }
0x55: {  	_ =	shalt  }
0x56: {  	_ =	shalt  }
0x57: {  	_ =	shalt  }
0x58: {  	_ =	shalt  }
0x59: {  	_ =	shalt  }
0x5a: {  	_ =	shalt  }
0x5b: {  	_ =	shalt  }
0x5c: {  	_ =	shalt  }
0x5d: {  	_ =	shalt  }
0x5e: {  	_ =	shalt  }
0x5f: {  	_ =	shalt  }
0x60: {  	_ =	shalt  }
0x61: {  	_ =	shalt  }
0x62: {  	_ =	shalt  }
0x63: {  	_ =	shalt  }
0x64: {  	_ =	shalt  }
0x65: {  	_ =	shalt  }
0x66: {  	_ =	shalt  }
0x67: {  	_ =	shalt  }
0x68: {  	_ =	shalt  }
0x69: {  	_ =	shalt  }
0x6a: {  	_ =	shalt  }
0x6b: {  	_ =	shalt  }
0x6c: {  	_ =	shalt  }
0x6d: {  	_ =	shalt  }
0x6e: {  	_ =	shalt  }
0x6f: {  	_ =	shalt  }
0x70: {  	_ =	shalt  }
0x71: {  	_ =	shalt  }
0x72: {  	_ =	shalt  }
0x73: {  	_ =	shalt  }
0x74: {  	_ =	shalt  }
0x75: {  	_ =	shalt  }
0x76: {  	_ =	shalt  }
0x77: {  	_ =	shalt  }
0x78: {  	_ =	shalt  }
0x79: {  	_ =	shalt  }
0x7a: {  	_ =	shalt  }
0x7b: {  	_ =	shalt  }
0x7c: {  	_ =	shalt  }
0x7d: {  	_ =	shalt  }
0x7e: {  	_ =	shalt  }
0x7f: {  	_ =	shalt  }
0x80: {  	_ =	shalt  }
0x81: {  	_ =	shalt  }
0x82: {  	_ =	shalt  }
0x83: {  	_ =	shalt  }
0x84: {  	_ =	shalt  }
0x85: {  	_ =	shalt  }
0x86: {  	_ =	shalt  }
0x87: {  	_ =	shalt  }
.Lfunc_end0:
.L_simem_size_0:
called_computation_lowered:
.L_overlay_start_0:
0x88: {  	s0 =	sld [smem:$0x3FD9]  }
0x89: {  	s1 =	sld [smem:$0x3FFE];
	_ =	sdelay $0x3  }
0x8a: {  	s0 =	sadd.s32 s1, s0  }
0x8b: {  	[smem:$0x3FBD] =	sst s0  }
0x8c: {  	_ = 	snop  }
0x8d: {  	s0 =	sld [smem:$0x3FD0];
	(tm) =	ssettm $0x1  }
0x8e: {  	s16 =	sld [smem:$0x3FFB];
	_ =	sdelay $0x3  }
0x8f: {  	_ =	strace s16  }
0x90: {  	s1 =	sld [smem:$0x3FFC];
	_ =	sdelay $0x3  }
0x91: {  	_ =	strace s1  }
0x92: {  	s1 =	sld [smem:$0x3FFD];
	_ =	sdelay $0x3  }
0x93: {  	_ =	strace s1  }
0x94: {  	_ =	strace $0x8FFFFFFF  }
0x95: {  	s17 =	sld [smem:$0x3FDB];
	_ =	sdelay $0x1  }
0x96: {  	s2 =	simm.s32 $_scs_section_size  }
0x97: {  	s3 =	simm.s32 $_size__tile_overlayer_lowered;
	s4 =	simm.s32 $_tile_overlayer_lowered  }
0x98: {  	s20 =	simm.s32 $0x1BFF;
	s19 =	sshll.u32 s4, $0x1;
	s1 =	sadd.s32 s2, s17  }
0x99: {  	s5 =	simm.s32 $0x0;
	s18 =	sshll.u32 s3, $0x1;
	s3 =	sadd.s32 s19, s1  }
0x9a: {  	[timem:s5], [sflag:s20] =	dma.local [hbm:s3], s18  }
0x9b: {  	_ =	swait.ge [sflag:s20], s18  }
0x9c: {  	s2 =	ssub.s32 $0x0, s18;
	[sflag:s20] =	ssyncset.done $0x0  }
0x9d: {  	[sflag:s20] =	ssyncadd.s32 s2;
	_ =	sdelay $0x1  }
0x9e: {  	s21 =	simm.s32 $0x1B8B  }
0x9f: {  	_ =	swait.ge [sflag:s21], $0x1  }
0xa0: {  	[sflag:s21] =	ssyncset.done $0x0  }
0xa1: {  	s23 =	simm.s32 $0x1B8E;
	s22 =	sld [smem:$0x3FFE];
	[sflag:s21] =	ssyncadd.s32 $0xFFFFFFFF  }
0xa2: {  	s24 =	simm.s32 $execute0_lowered;
	[smem:$0x3FD2] =	sst s23  }
0xa3: {  	s3 =	sshll.u32 s24, $0x1;
	_ =	strace $0x80000046;
	[dreg:$0x1] =	wrdreg $0xFFFFFFFF  }
0xa4: {  	s25 =	simm.s32 $_size_execute0_lowered;
	s1 =	sadd.s32 s1, s3;
	[dreg:$0x0] =	wrdreg $0x0  }
0xa5: {  	s3 =	sshll.u32 s25, $0x1;
	[dreg:$0x2] =	wrdreg s1  }
0xa6: {  	[dreg:$0x3] =	wrdreg s3  }
0xa7: {  	[dreg:$0x4] =	wrdreg $0xC0  }
0xa8: {  	_ =	task [dreg:s5], $0x5FFFF  }
0xa9: {  	[dreg:$0x1] =	wrdreg $0xFFFFFFFF  }
0xaa: {  	[dreg:$0x0] =	wrdreg $0x60  }
0xab: {  	[dreg:$0x2] =	wrdreg s0  }
0xac: {  	[dreg:$0x3] =	wrdreg s22  }
0xad: {  	[dreg:$0x4] =	wrdreg $0x9  }
0xae: {  	_ =	task.clear_ibuf [dreg:s5], $0x5FFFF;
	_ =	strace $0x90000046  }
0xaf: {  	s26 =	simm.s32 $0x9;
	_ =	strace $0x80000048  }
0xb0: {  	_ =	swait.ge [sflag:s26], $0x1  }
0xb1: {  	[sflag:s26] =	ssyncadd.s32 $0xFFFFFFFF  }
0xb2: {  	_ =	strace $0x90000048  }
0xb3: {  	_ =	sfence  }
0xb4: {  	s28 =	sld [smem:$0x0];
	_ =	sdelay $0x1  }
0xb5: {  	s29 =	srdreg.scid  }
0xb6: {  	s30 =	sshll.u32 s29, $0xD;
	s31 =	sshrl.u32 s29, $0x2  }
0xb7: {  	s2 =	sand.u32 $0x4000, s30;
	s1 =	sand.u32 $0x1, s29;
	s0 =	sadd.s32 s31, s28  }
0xb8: {  	s1 =	sor.u32 s2, s1;
	s0 =	sshll.u32 s0, $0x11  }
0xb9: {  	s0 =	sor.u32 s0, s1  }
0xba: {  	s0 =	sadd.s32 $0x8F2B, s0  }
0xbb: {  	[sflag:s0] =	ssyncadd.remote.s32 $0x1  }
0xbc: {  	_ =	sfence.sel $0xFFFF  }
0xbd: {  	[dreg:$0x0] =	wrdreg $0xFFFFFFFF;
	(pc) =	sbr.abs _section_cstart, $3  }
0xbe: {  	[dreg:$0x1] =	wrdreg $0xFFFFFFFF  }
0xbf: {  	_ =	task.clear_ibuf [dreg:s5], $0x2FFFF;
	_ =	strace $0x9FFFFFFF  }
0xc0: {  	(tm) =	ssettm $0x7FFFFFFF  }
0xc1: {  	_ =	shalt  }
tec
execute0_lowered:
.L_overlay_start_1:
0x0: {  	(tag) =	ssettag $0x1  }
0x1: {  	s1 =	rddreg [dreg:$0x0]  }
0x2: {  	s5 =	rddreg [dreg:$0x1]  }
0x3: {  	s0 =	rddreg [dreg:$0x2];
	s6 =	stileid.u32  }
0x4: {  	_ =	strace $0x80000047;
	s3 =	simm.s32 $0x3E;
	p0 =	sne.s32 s6, $0x0  }
0x5: {  	[sflag:s3] =	ssyncpa.u1 $0x0;
	s4 =	simm.s32 @!p0 $0x1C3E;
	s2 =	simm.s32 @!p0 $0x0  }
0x6: {  	[spmem:s2], [sflag:s4] =	dma.local @!p0 [hbm:s1], $0x10  }
0x7: {  	s4 =	simm.s32 @!p0 $0x3E  }
0x8: {  	_ =	swait.ge @!p0 [sflag:s4], $0x10  }
0x9: {  	[sflag:s4] =	ssyncset.done @!p0 $0x0  }
0xa: {  	s9 =	simm.s32 $0x108;
	[sflag:s4] =	ssyncadd.s32 @!p0 $0xFFFFFFF0  }
0xb: {  	s7 =	sadd.s32 $0x2C00, s5;
	s8 =	sadd.s32 $0x42E00, s5;
	[bflag:$0x0] =	sbarrier.arrive $0xFFFF  }
0xc: {  	s6 =	sshll.u32 s6, $0x5;
	[sflag:s3] =	ssyncpa.u1 $0x1;
	s3 =	simm.s32 $0x1  }
0xd: {  	s5 =	simm.s32 $0x0;
	s4 =	simm.s32 $0x2;
	[sflag:s3] =	ssyncpa.u1 $0x0  }
0xe: {  	s7 =	sadd.s32 s7, s6;
	(ifvalue) =	ssetifvalue $0x80;
	[sflag:s4] =	ssyncpa.u1 $0x0  }
0xf: {  	[tilespmem:s9], [sflag:$0x2] =	stream.linear.gather [hbm4b:s7+s5], $0x100, $0x38;
	[tilespmem:$0x408] =	vst v63  }
0x10: {  	s23 =	simm.s32 $0x308;
	s6 =	sadd.s32 s8, s6  }
0x11: {  	[tilespmem:s23], [sflag:$0x2] =	stream.linear.gather [hbm4b:s6+s5], $0x100, $0x38;
	[tilespmem:$0x408] =	vst v63  }
0x12: {  	_ =	swait.ge [sflag:s4], $0x200  }
0x13: {  	[sflag:s4] =	ssyncset.done $0x0  }
0x14: {  	[sflag:s4] =	ssyncadd.s32 $0xFFFFFE00  }
0x15: {  	v0 =	vld.msk [tilespmem:s9+$0x0 ss:$0x1], $0xffff;
	_ =	sdelay $0x4  }
0x16: {  	v0 =	vmin.u32 v0, $0x80;
	_ =	sdelay $0x3  }
0x17: {  	vm0 =	vmmov $0xffff;
	s24 =	simm.s32 $0x118  }
0x18: {  	[spmem:s5] =	stream.indirect_vreg.scatter.add.s32 [tilespmem:s23], [sflag:$0x1], $0x1, v0, vm0, $0x4038;
	[tilespmem:$0x408] =	vst v63  }
0x19: {  	v0 =	vld.msk [tilespmem:s24+$0x0 ss:$0x1], $0xffff;
	_ =	sdelay $0x4  }
0x1a: {  	v0 =	vmin.u32 v0, $0x80;
	_ =	sdelay $0x3  }
0x1b: {  	s25 =	simm.s32 $0x318;
	s26 =	simm.s32 $0x128  }
0x1c: {  	[spmem:s5] =	stream.indirect_vreg.scatter.add.s32 [tilespmem:s25], [sflag:$0x1], $0x1, v0, vm0, $0x4038;
	[tilespmem:$0x408] =	vst v63  }
0x1d: {  	v0 =	vld.msk [tilespmem:s26+$0x0 ss:$0x1], $0xffff;
	_ =	sdelay $0x4  }
0x1e: {  	v0 =	vmin.u32 v0, $0x80;
	_ =	sdelay $0x3  }
0x1f: {  	s28 =	simm.s32 $0x328;
	s29 =	simm.s32 $0x138  }
0x20: {  	[spmem:s5] =	stream.indirect_vreg.scatter.add.s32 [tilespmem:s28], [sflag:$0x1], $0x1, v0, vm0, $0x4038;
	[tilespmem:$0x408] =	vst v63  }
0x21: {  	v0 =	vld.msk [tilespmem:s29+$0x0 ss:$0x1], $0xffff;
	_ =	sdelay $0x4  }
0x22: {  	v0 =	vmin.u32 v0, $0x80;
	_ =	sdelay $0x3  }
0x23: {  	s30 =	simm.s32 $0x338;
	s31 =	simm.s32 $0x148  }
0x24: {  	[spmem:s5] =	stream.indirect_vreg.scatter.add.s32 [tilespmem:s30], [sflag:$0x1], $0x1, v0, vm0, $0x4038;
	[tilespmem:$0x408] =	vst v63  }
0x25: {  	v0 =	vld.msk [tilespmem:s31+$0x0 ss:$0x1], $0xffff;
	_ =	sdelay $0x4  }
0x26: {  	v0 =	vmin.u32 v0, $0x80;
	_ =	sdelay $0x3  }
0x27: {  	s8 =	simm.s32 $0x158;
	s7 =	simm.s32 $0x348  }
0x28: {  	[spmem:s5] =	stream.indirect_vreg.scatter.add.s32 [tilespmem:s7], [sflag:$0x1], $0x1, v0, vm0, $0x4038;
	[tilespmem:$0x408] =	vst v63  }
0x29: {  	v0 =	vld.msk [tilespmem:s8+$0x0 ss:$0x1], $0xffff;
	_ =	sdelay $0x4  }
0x2a: {  	v0 =	vmin.u32 v0, $0x80;
	_ =	sdelay $0x3  }
0x2b: {  	s10 =	simm.s32 $0x168;
	s9 =	simm.s32 $0x358  }
0x2c: {  	[spmem:s5] =	stream.indirect_vreg.scatter.add.s32 [tilespmem:s9], [sflag:$0x1], $0x1, v0, vm0, $0x4038;
	[tilespmem:$0x408] =	vst v63  }
0x2d: {  	v0 =	vld.msk [tilespmem:s10+$0x0 ss:$0x1], $0xffff;
	_ =	sdelay $0x4  }
0x2e: {  	v0 =	vmin.u32 v0, $0x80;
	_ =	sdelay $0x3  }
0x2f: {  	s11 =	simm.s32 $0x368;
	s12 =	simm.s32 $0x178  }
0x30: {  	[spmem:s5] =	stream.indirect_vreg.scatter.add.s32 [tilespmem:s11], [sflag:$0x1], $0x1, v0, vm0, $0x4038;
	[tilespmem:$0x408] =	vst v63  }
0x31: {  	v0 =	vld.msk [tilespmem:s12+$0x0 ss:$0x1], $0xffff;
	_ =	sdelay $0x4  }
0x32: {  	v0 =	vmin.u32 v0, $0x80;
	_ =	sdelay $0x3  }
0x33: {  	s13 =	simm.s32 $0x378;
	s14 =	simm.s32 $0x188  }
0x34: {  	[spmem:s5] =	stream.indirect_vreg.scatter.add.s32 [tilespmem:s13], [sflag:$0x1], $0x1, v0, vm0, $0x4038;
	[tilespmem:$0x408] =	vst v63  }
0x35: {  	v0 =	vld.msk [tilespmem:s14+$0x0 ss:$0x1], $0xffff;
	_ =	sdelay $0x4  }
0x36: {  	v0 =	vmin.u32 v0, $0x80;
	_ =	sdelay $0x3  }
0x37: {  	s15 =	simm.s32 $0x388;
	s16 =	simm.s32 $0x198  }
0x38: {  	[spmem:s5] =	stream.indirect_vreg.scatter.add.s32 [tilespmem:s15], [sflag:$0x1], $0x1, v0, vm0, $0x4038;
	[tilespmem:$0x408] =	vst v63  }
0x39: {  	v0 =	vld.msk [tilespmem:s16+$0x0 ss:$0x1], $0xffff;
	_ =	sdelay $0x4  }
0x3a: {  	v0 =	vmin.u32 v0, $0x80;
	_ =	sdelay $0x3  }
0x3b: {  	s17 =	simm.s32 $0x398;
	s18 =	simm.s32 $0x1A8  }
0x3c: {  	[spmem:s5] =	stream.indirect_vreg.scatter.add.s32 [tilespmem:s17], [sflag:$0x1], $0x1, v0, vm0, $0x4038;
	[tilespmem:$0x408] =	vst v63  }
0x3d: {  	v0 =	vld.msk [tilespmem:s18+$0x0 ss:$0x1], $0xffff;
	_ =	sdelay $0x4  }
0x3e: {  	v0 =	vmin.u32 v0, $0x80;
	_ =	sdelay $0x3  }
0x3f: {  	s19 =	simm.s32 $0x3A8;
	s20 =	simm.s32 $0x1B8  }
0x40: {  	[spmem:s5] =	stream.indirect_vreg.scatter.add.s32 [tilespmem:s19], [sflag:$0x1], $0x1, v0, vm0, $0x4038;
	[tilespmem:$0x408] =	vst v63  }
0x41: {  	v0 =	vld.msk [tilespmem:s20+$0x0 ss:$0x1], $0xffff;
	_ =	sdelay $0x4  }
0x42: {  	v0 =	vmin.u32 v0, $0x80;
	_ =	sdelay $0x3  }
0x43: {  	s21 =	simm.s32 $0x3B8;
	s22 =	simm.s32 $0x1C8  }
0x44: {  	[spmem:s5] =	stream.indirect_vreg.scatter.add.s32 [tilespmem:s21], [sflag:$0x1], $0x1, v0, vm0, $0x4038;
	[tilespmem:$0x408] =	vst v63  }
0x45: {  	v0 =	vld.msk [tilespmem:s22+$0x0 ss:$0x1], $0xffff;
	_ =	sdelay $0x4  }
0x46: {  	v0 =	vmin.u32 v0, $0x80;
	_ =	sdelay $0x3  }
0x47: {  	s23 =	simm.s32 $0x3C8;
	s24 =	simm.s32 $0x1D8  }
0x48: {  	[spmem:s5] =	stream.indirect_vreg.scatter.add.s32 [tilespmem:s23], [sflag:$0x1], $0x1, v0, vm0, $0x4038;
	[tilespmem:$0x408] =	vst v63  }
0x49: {  	v0 =	vld.msk [tilespmem:s24+$0x0 ss:$0x1], $0xffff;
	_ =	sdelay $0x4  }
0x4a: {  	v0 =	vmin.u32 v0, $0x80;
	_ =	sdelay $0x3  }
0x4b: {  	s25 =	simm.s32 $0x3D8;
	s26 =	simm.s32 $0x1E8  }
0x4c: {  	[spmem:s5] =	stream.indirect_vreg.scatter.add.s32 [tilespmem:s25], [sflag:$0x1], $0x1, v0, vm0, $0x4038;
	[tilespmem:$0x408] =	vst v63  }
0x4d: {  	v0 =	vld.msk [tilespmem:s26+$0x0 ss:$0x1], $0xffff;
	_ =	sdelay $0x4  }
0x4e: {  	v0 =	vmin.u32 v0, $0x80;
	_ =	sdelay $0x3  }
0x4f: {  	s28 =	simm.s32 $0x3E8;
	s29 =	simm.s32 $0x1F8  }
0x50: {  	[spmem:s5] =	stream.indirect_vreg.scatter.add.s32 [tilespmem:s28], [sflag:$0x1], $0x1, v0, vm0, $0x4038;
	[tilespmem:$0x408] =	vst v63  }
0x51: {  	v0 =	vld.msk [tilespmem:s29+$0x0 ss:$0x1], $0xffff;
	_ =	sdelay $0x4  }
0x52: {  	v0 =	vmin.u32 v0, $0x80;
	_ =	sdelay $0x3  }
0x53: {  	s30 =	simm.s32 $0x3F8  }
0x54: {  	[spmem:s5] =	stream.indirect_vreg.scatter.add.s32 [tilespmem:s30], [sflag:$0x1], $0x1, v0, vm0, $0x4038;
	[tilespmem:$0x408] =	vst v63  }
0x55: {  	_ =	swait.ge [sflag:s3], $0x100  }
0x56: {  	[sflag:s3] =	ssyncset.done $0x0  }
0x57: {  	[sflag:s3] =	ssyncadd.s32 $0xFFFFFF00  }
0x58: {  	_ =	sfence.sel $0x180000  }
0x59: {  	[bflag:$0x0] =	sbarrier.arrive $0xFFFF  }
0x5a: {  	[sflag:s4] =	ssyncpa.u1 $0x1  }
0x5b: {  	[sflag:s3] =	ssyncpa.u1 $0x1  }
0x5c: {  	_ =	sfence.stream.spmem  }
0x5d: {  	s31 =	simm.s32 $0x3D;
	[bflag:$0x0] =	sbarrier.arrive $0xFFFF  }
0x5e: {  	s3 =	simm.s32 @p0 $0x3D;
	[sflag:s31] =	ssyncpa.u1 $0x0  }
0x5f: {  	[sflag:s3] =	ssyncpa.u1 @p0 $0x1  }
0x60: {  	[bflag:$0x0] =	sbarrier.arrive @p0 $0xFFFF  }
0x61: {  	_ =	strace @p0 $0x90000047  }
0x62: {  	s3 =	simm.s32 @!p0 $0x1C3D;
	[bflag:$0x2] =	sbarrier.arrive @p0 $0xFFFF  }
0x63: {  	[hbm:s1], [sflag:s3] =	dma.local @!p0 [spmem:s2], $0x10  }
0x64: {  	s1 =	simm.s32 @!p0 $0x3D  }
0x65: {  	_ =	swait.ge @!p0 [sflag:s1], $0x10  }
0x66: {  	[sflag:s1] =	ssyncset.done @!p0 $0x0  }
0x67: {  	[sflag:s1] =	ssyncadd.s32 @!p0 $0xFFFFFFF0  }
0x68: {  	[sflag:s1] =	ssyncpa.u1 @!p0 $0x1  }
0x69: {  	[bflag:$0x0] =	sbarrier.arrive @!p0 $0xFFFF  }
0x6a: {  	_ =	strace @!p0 $0x90000047  }
0x6b: {  	s0 =	sadd.s32 @!p0 $0x100000, s0;
	[bflag:$0x2] =	sbarrier.arrive @!p0 $0xFFFF  }
0x6c: {  	[sflag:s0] =	ssyncadd.tile.s32 @!p0 $0x1;
	_ =	shalt  }
.Lfunc_end2:
_tile_overlayer_lowered:
.L_overlay_start_2:
0x6d: {  	(tag) =	ssettag $0x2  }
0x6e: {  	s0 =	rddreg [dreg:$0x0];
	s2 =	stileid.u32  }
0x6f: {  	s1 =	rddreg [dreg:$0x1];
	p0 =	sne.s32 s2, $0x0  }
0x70: {  	s3 =	rddreg [dreg:$0x2];
	[bflag:$0x3] =	sbarrier.arrive $0xFFFF;
	s2 =	simm.s32 @!p0 $0x1C01  }
0x71: {  	[timem:s3], [sflag:s2] =	dma.local @!p0 [hbm:s0], s1  }
0x72: {  	s0 =	simm.s32 @!p0 $0x1  }
0x73: {  	_ =	swait.ge @!p0 [sflag:s0], s1  }
0x74: {  	s1 =	ssub.s32 @!p0 $0x0, s1;
	[sflag:s0] =	ssyncset.done @!p0 $0x0  }
0x75: {  	[sflag:s0] =	ssyncadd.s32 @!p0 s1  }
0x76: {  	[bflag:$0x3] =	sbarrier.arrive $0xFFFF  }
0x77: {  	_ =	shalt  }

</sc_bundles>
